<compile_context>
chip_gen: v7x
topology: tpu7x:2x2x1
jax: 0.10.2.dev20260603
libtpu: 0.0.44.dev20260713+nightly
codegen_flags: <defaults>
</compile_context>

<pallas_src>
import functools

import jax
import jax.numpy as jnp
from jax import lax
from jax.experimental import pallas as pl
from jax.experimental.pallas import tpu as pltpu
from jax.experimental.pallas import tpu_sc as plsc

N = 10000
E = 320000
D = 128
ED = 16
M = 1000
T = 20
HID = 64
TH = 32
HEADS = 2

NW = 32
EB = 64
BPW = 158
EPW = EB * BPW
E_PAD = NW * EPW
NPAD = 10240
XW = 136

_f32 = jnp.float32


def _gru_body(xs_ref, wih_ref, whh_ref, bih_ref, bhh_ref, ci_ref,
              add_ref, ht_ref):
    def step(t, h):
        xt = xs_ref[t]
        gi = jnp.dot(xt, wih_ref[...], preferred_element_type=_f32) + bih_ref[...]
        gh = jnp.dot(h, whh_ref[...], preferred_element_type=_f32) + bhh_ref[...]
        r = jax.nn.sigmoid(gi[:, 0:TH] + gh[:, 0:TH])
        z = jax.nn.sigmoid(gi[:, TH:2 * TH] + gh[:, TH:2 * TH])
        n = jnp.tanh(gi[:, 2 * TH:] + r * gh[:, 2 * TH:])
        return (1.0 - z) * n + z * h

    ht_ref[...] = lax.fori_loop(0, T, step, jnp.zeros((M, TH), _f32))
    add_ref[...] = jnp.zeros_like(add_ref)

    def scat(i, _):
        idx = ci_ref[i]
        add_ref[pl.ds(idx, 1), :] = ht_ref[pl.ds(i, 1), :]
        return 0

    lax.fori_loop(0, M, scat, 0)


def _run_gru(temp_seq_comp, comp_idx, params):
    xs = jnp.swapaxes(temp_seq_comp, 0, 1)
    return pl.pallas_call(
        _gru_body,
        out_shape=jax.ShapeDtypeStruct((N, TH), _f32),
        in_specs=[
            pl.BlockSpec(memory_space=pltpu.VMEM),
            pl.BlockSpec(memory_space=pltpu.VMEM),
            pl.BlockSpec(memory_space=pltpu.VMEM),
            pl.BlockSpec(memory_space=pltpu.VMEM),
            pl.BlockSpec(memory_space=pltpu.VMEM),
            pl.BlockSpec(memory_space=pltpu.SMEM),
        ],
        out_specs=pl.BlockSpec(memory_space=pltpu.VMEM),
        scratch_shapes=[pltpu.VMEM((M, TH), _f32)],
    )(xs, params['gru_w_ih'].T, params['gru_w_hh'].T,
      params['gru_b_ih'].reshape(1, -1), params['gru_b_hh'].reshape(1, -1),
      comp_idx)


def _eproj_body(ea_ref, w1_ref, w2_ref, e1_ref, e2_ref, asum_ref):
    i = pl.program_id(0)
    ea = ea_ref[...]
    e1_ref[...] = jnp.dot(ea, w1_ref[...], preferred_element_type=_f32)
    e2_ref[...] = jnp.dot(ea, w2_ref[...], preferred_element_type=_f32)

    @pl.when(i == 0)
    def _():
        asum_ref[...] = jnp.zeros_like(asum_ref)

    asum_ref[...] += jnp.sum(ea, axis=0, keepdims=True)


def _run_eproj(ea_pad, params):
    BE = 1024
    grid = E_PAD // BE
    return pl.pallas_call(
        _eproj_body,
        grid=(grid,),
        in_specs=[
            pl.BlockSpec((BE, ED), lambda i: (i, 0)),
            pl.BlockSpec((ED, HEADS * HID), lambda i: (0, 0)),
            pl.BlockSpec((ED, HEADS * HID), lambda i: (0, 0)),
        ],
        out_specs=[
            pl.BlockSpec((BE, HEADS * HID), lambda i: (i, 0)),
            pl.BlockSpec((BE, HEADS * HID), lambda i: (i, 0)),
            pl.BlockSpec((1, ED), lambda i: (0, 0)),
        ],
        out_shape=[
            jax.ShapeDtypeStruct((E_PAD, HEADS * HID), _f32),
            jax.ShapeDtypeStruct((E_PAD, HEADS * HID), _f32),
            jax.ShapeDtypeStruct((1, ED), _f32),
        ],
    )(ea_pad, params['g1_ew'].T, params['g2_ew'].T)


def _selfloop_alpha(x_l, x_r, eloop, attv):
    msg = x_l + x_r + eloop
    msg = jnp.where(msg > 0, msg, 0.2 * msg)
    w = msg * attv
    a0 = jnp.sum(w[:, 0:HID], axis=1, keepdims=True)
    a1 = jnp.sum(w[:, HID:], axis=1, keepdims=True)
    return a0, a1


def _store_xr_ext(xr_ref, x_r, a0, a1):
    xr_ref[:, 0:128] = x_r
    xr_ref[:, 128:129] = a0
    xr_ref[:, 129:130] = a1
    xr_ref[:, 130:XW] = jnp.zeros((x_r.shape[0], XW - 130), _f32)


def _prep1_body(x_ref, add_ref, ntf_ref, te_ref, asum_ref,
                wx_ref, wa_ref, we_ref, b_ref, lw_ref, lb_ref, rw_ref,
                rb_ref, ew_ref, att_ref, xl_ref, xr_ref):
    emb = te_ref[0:1, :] + ntf_ref[...] * (te_ref[1:2, :] - te_ref[0:1, :])
    h = jnp.dot(x_ref[...], wx_ref[...], preferred_element_type=_f32)
    h += jnp.dot(add_ref[...], wa_ref[...], preferred_element_type=_f32)
    h += jnp.dot(emb, we_ref[...], preferred_element_type=_f32)
    h = jax.nn.relu(h + b_ref[...])
    x_l = jnp.dot(h, lw_ref[...], preferred_element_type=_f32) + lb_ref[...]
    x_r = jnp.dot(h, rw_ref[...], preferred_element_type=_f32) + rb_ref[...]
    eloop = jnp.dot(asum_ref[...] * (1.0 / E), ew_ref[...],
                    preferred_element_type=_f32)
    a0, a1 = _selfloop_alpha(x_l, x_r, eloop, att_ref[...])
    xl_ref[...] = x_l
    _store_xr_ext(xr_ref, x_r, a0, a1)


def _run_prep1(x, add, ntf, asum, params):
    BN = 2000
    grid = N // BN
    full = lambda r, c: pl.BlockSpec((r, c), lambda i: (0, 0))
    return pl.pallas_call(
        _prep1_body,
        grid=(grid,),
        in_specs=[
            pl.BlockSpec((BN, D), lambda i: (i, 0)),
            pl.BlockSpec((BN, TH), lambda i: (i, 0)),
            pl.BlockSpec((BN, 1), lambda i: (i, 0)),
            full(2, 8), full(1, ED),
            full(D, HID), full(TH, HID), full(8, HID), full(1, HID),
            full(HID, 128), full(1, 128), full(HID, 128), full(1, 128),
            full(ED, 128), full(1, 128),
        ],
        out_specs=[
            pl.BlockSpec((BN, 128), lambda i: (i, 0)),
            pl.BlockSpec((BN, XW), lambda i: (i, 0)),
        ],
        out_shape=[
            jax.ShapeDtypeStruct((N, 128), _f32),
            jax.ShapeDtypeStruct((N, XW), _f32),
        ],
    )(x, add, ntf, params['type_emb'], asum,
      params['lin_in_w'][:, 0:D].T, params['lin_in_w'][:, D:D + TH].T,
      params['lin_in_w'][:, D + TH:].T, params['lin_in_b'].reshape(1, -1),
      params['g1_lw'].T, params['g1_lb'].reshape(1, -1),
      params['g1_rw'].T, params['g1_rb'].reshape(1, -1),
      params['g1_ew'].T, params['g1_att'].reshape(1, -1))


def _combine(acc_ref, xl_ref, bias_ref):
    acc = acc_ref[0] + acc_ref[1]
    outs = acc[:, 0:128] + xl_ref[...]
    d0 = acc[:, 128:129] + 1.0
    d1 = acc[:, 129:130] + 1.0
    o0 = outs[:, 0:HID] / (d0 + 1e-16)
    o1 = outs[:, HID:128] / (d1 + 1e-16)
    return 0.5 * (o0 + o1) + bias_ref[...]


def _mid_body(acc_ref, xl1_ref, b1_ref, asum_ref, lw_ref, lb_ref, rw_ref,
              rb_ref, ew_ref, att_ref, xl_ref, xr_ref):
    h = _combine(acc_ref, xl1_ref, b1_ref)
    h = jnp.where(h > 0, h, jnp.exp(h) - 1.0)
    x_l = jnp.dot(h, lw_ref[...], preferred_element_type=_f32) + lb_ref[...]
    x_r = jnp.dot(h, rw_ref[...], preferred_element_type=_f32) + rb_ref[...]
    eloop = jnp.dot(asum_ref[...] * (1.0 / E), ew_ref[...],
                    preferred_element_type=_f32)
    a0, a1 = _selfloop_alpha(x_l, x_r, eloop, att_ref[...])
    xl_ref[...] = x_l
    _store_xr_ext(xr_ref, x_r, a0, a1)


def _run_mid(acc1, xl1, asum, params):
    BN = 2000
    grid = N // BN
    full = lambda r, c: pl.BlockSpec((r, c), lambda i: (0, 0))
    return pl.pallas_call(
        _mid_body,
        grid=(grid,),
        in_specs=[
            pl.BlockSpec((2, BN, XW), lambda i: (0, i, 0)),
            pl.BlockSpec((BN, 128), lambda i: (i, 0)),
            full(1, HID), full(1, ED),
            full(HID, 128), full(1, 128), full(HID, 128), full(1, 128),
            full(ED, 128), full(1, 128),
        ],
        out_specs=[
            pl.BlockSpec((BN, 128), lambda i: (i, 0)),
            pl.BlockSpec((BN, XW), lambda i: (i, 0)),
        ],
        out_shape=[
            jax.ShapeDtypeStruct((N, 128), _f32),
            jax.ShapeDtypeStruct((N, XW), _f32),
        ],
    )(acc1, xl1, params['g1_b'].reshape(1, -1), asum,
      params['g2_lw'].T, params['g2_lb'].reshape(1, -1),
      params['g2_rw'].T, params['g2_rb'].reshape(1, -1),
      params['g2_ew'].T, params['g2_att'].reshape(1, -1))


def _fin_body(acc_ref, xl2_ref, b2_ref, mw_ref, z_ref, hsum_ref):
    i = pl.program_id(0)
    H = _combine(acc_ref, xl2_ref, b2_ref)
    z_ref[...] = jnp.dot(H, mw_ref[...], preferred_element_type=_f32)

    @pl.when(i == 0)
    def _():
        hsum_ref[...] = jnp.zeros_like(hsum_ref)

    hsum_ref[...] += jnp.sum(H, axis=0, keepdims=True)


def _run_fin(acc2, xl2, params):
    BN = 2000
    grid = N // BN
    full = lambda r, c: pl.BlockSpec((r, c), lambda i: (0, 0))
    return pl.pallas_call(
        _fin_body,
        grid=(grid,),
        in_specs=[
            pl.BlockSpec((2, BN, XW), lambda i: (0, i, 0)),
            pl.BlockSpec((BN, 128), lambda i: (i, 0)),
            full(1, HID), full(HID, HID),
        ],
        out_specs=[
            pl.BlockSpec((BN, HID), lambda i: (i, 0)),
            pl.BlockSpec((1, HID), lambda i: (0, 0)),
        ],
        out_shape=[
            jax.ShapeDtypeStruct((N, HID), _f32),
            jax.ShapeDtypeStruct((1, HID), _f32),
        ],
    )(acc2, xl2, params['g2_b'].reshape(1, -1), params['ml1_w'][:, 0:HID].T)


def _head_body(zc_ref, hsum_ref, lgw_ref, lgb_ref, mgw_ref, m1b_ref,
               m2w_ref, m2b_ref, t1w_ref, t1b_ref, t2w_ref, t2b_ref,
               mul_ref, mut_ref):
    g = jnp.tanh(jnp.dot(hsum_ref[...] * (1.0 / N), lgw_ref[...],
                         preferred_element_type=_f32) + lgb_ref[...])
    gp = jnp.dot(g, mgw_ref[...], preferred_element_type=_f32) + m1b_ref[...]
    h1 = jax.nn.relu(zc_ref[...] + gp)
    mul_ref[...] = jnp.dot(h1, m2w_ref[...],
                           preferred_element_type=_f32) + m2b_ref[...]
    h2 = jax.nn.relu(jnp.dot(g, t1w_ref[...],
                             preferred_element_type=_f32) + t1b_ref[...])
    mut_ref[...] = jnp.dot(h2, t2w_ref[...],
                           preferred_element_type=_f32) + t2b_ref[...]


def _run_head(zc, hsum, params):
    return pl.pallas_call(
        _head_body,
        out_shape=[
            jax.ShapeDtypeStruct((1024, 1), _f32),
            jax.ShapeDtypeStruct((1, 6), _f32),
        ],
    )(zc, hsum,
      params['lin_g_w'].T, params['lin_g_b'].reshape(1, -1),
      params['ml1_w'][:, HID:].T, params['ml1_b'].reshape(1, -1),
      params['ml2_w'].T, params['ml2_b'].reshape(1, 1),
      params['mt1_w'].T, params['mt1_b'].reshape(1, -1),
      params['mt2_w'].T, params['mt2_b'].reshape(1, -1))


def _sc_edge_body(srcg_hbm, dstg_hbm, dsts_hbm, e_hbm, xl_hbm, xr_hbm,
                  att_hbm, out_hbm, src_buf, dstg_buf, dsts_buf, e_buf,
                  xl_buf, xr_buf, out_buf, att_buf, acc, sem, sem2):
    c = lax.axis_index("c")
    s = lax.axis_index("s")
    w = s * 2 + c

    def zrow(i, _):
        for k in range(8):
            out_buf[i, pl.ds(k * 16, 16)] = jnp.zeros((16,), _f32)
        out_buf[i, pl.ds(XW - 16, 16)] = jnp.zeros((16,), _f32)
        return 0

    lax.fori_loop(0, EB, zrow, 0)
    row0 = s * (NPAD // 16)
    for j in range(NPAD // 16 // EB):
        pltpu.sync_copy(out_buf, acc.at[pl.ds(row0 + j * EB, EB), :])
    plsc.subcore_barrier()

    att_k = []
    pltpu.sync_copy(att_hbm, att_buf)
    for k in range(8):
        att_k.append(att_buf[pl.ds(k * 16, 16)])

    base_w = w * EPW

    def block(b, _):
        base = base_w + b * EB
        pltpu.sync_copy(srcg_hbm.at[pl.ds(base, EB)], src_buf)
        pltpu.sync_copy(dstg_hbm.at[pl.ds(base, EB)], dstg_buf)
        pltpu.sync_copy(dsts_hbm.at[pl.ds(base, EB)], dsts_buf)
        pltpu.sync_copy(e_hbm.at[pl.ds(base, EB), :], e_buf)
        cp1 = pltpu.async_copy(xl_hbm.at[src_buf], xl_buf, sem)
        cp2 = pltpu.async_copy(xr_hbm.at[dstg_buf], xr_buf, sem2)
        cp1.wait()
        cp2.wait()

        def edge(i, _):
            xls = []
            s0 = jnp.zeros((16,), _f32)
            s1 = jnp.zeros((16,), _f32)
            for k in range(8):
                xlk = xl_buf[i, pl.ds(k * 16, 16)]
                xls.append(xlk)
                m = xlk + xr_buf[i, pl.ds(k * 16, 16)] + e_buf[i, pl.ds(k * 16, 16)]
                m = jnp.where(m > 0, m, 0.2 * m)
                p = m * att_k[k]
                if k < 4:
                    s0 = s0 + p
                else:
                    s1 = s1 + p
            tv = xr_buf[i, pl.ds(120, 16)]
            a0 = jnp.sum(s0) - tv[8]
            a1 = jnp.sum(s1) - tv[9]
            ex0 = jnp.exp(jnp.full((16,), a0, _f32))
            ex1 = jnp.exp(jnp.full((16,), a1, _f32))
            lane = lax.iota(jnp.int32, 16)
            tail = jnp.where(lane == 8, ex0, jnp.where(lane == 9, ex1,
                                                       jnp.zeros((16,), _f32)))
            out_buf[i, pl.ds(120, 16)] = tail
            for k in range(4):
                out_buf[i, pl.ds(k * 16, 16)] = xls[k] * ex0
            for k in range(4, 8):
                out_buf[i, pl.ds(k * 16, 16)] = xls[k] * ex1
            return 0

        lax.fori_loop(0, EB, edge, 0)
        pltpu.sync_copy(out_buf, acc.at[dsts_buf], add=True)
        return 0

    lax.fori_loop(0, BPW, block, 0)
    plsc.subcore_barrier()

    for j in range(NPAD // 16 // EB):
        r = row0 + j * EB
        pltpu.sync_copy(acc.at[pl.ds(r, EB), :], out_buf)
        pltpu.sync_copy(out_buf, out_hbm.at[c, pl.ds(r, EB), :])


def _run_sc_edges(srcg, dstg, dsts, e, xl, xr_ext, attv):
    mesh = plsc.VectorSubcoreMesh(core_axis_name="c", subcore_axis_name="s")
    f = pl.kernel(
        _sc_edge_body,
        out_type=jax.ShapeDtypeStruct((2, NPAD, XW), _f32),
        mesh=mesh,
        scratch_types=[
            pltpu.VMEM((EB,), jnp.int32),
            pltpu.VMEM((EB,), jnp.int32),
            pltpu.VMEM((EB,), jnp.int32),
            pltpu.VMEM((EB, 128), _f32),
            pltpu.VMEM((EB, 128), _f32),
            pltpu.VMEM((EB, XW), _f32),
            pltpu.VMEM((EB, XW), _f32),
            pltpu.VMEM((128,), _f32),
            pltpu.VMEM_SHARED((NPAD, XW), _f32),
            pltpu.SemaphoreType.DMA,
            pltpu.SemaphoreType.DMA,
        ],
        compiler_params=pltpu.CompilerParams(needs_layout_passes=False, use_tc_tiling_on_sc=False),
    )
    return f(srcg, dstg, dsts, e, xl, xr_ext, attv)


def _sc_gather_body(z_hbm, idx_hbm, out_hbm, idx_buf, row_buf, sem):
    c = lax.axis_index("c")
    s = lax.axis_index("s")
    w = s * 2 + c
    base = w * 32
    pltpu.sync_copy(idx_hbm.at[pl.ds(base, 32)], idx_buf)
    pltpu.async_copy(z_hbm.at[idx_buf], row_buf, sem).wait()
    pltpu.sync_copy(row_buf, out_hbm.at[pl.ds(base, 32), :])


def _run_sc_gather(z, idx_pad):
    mesh = plsc.VectorSubcoreMesh(core_axis_name="c", subcore_axis_name="s")
    f = pl.kernel(
        _sc_gather_body,
        out_type=jax.ShapeDtypeStruct((1024, HID), _f32),
        mesh=mesh,
        scratch_types=[
            pltpu.VMEM((32,), jnp.int32),
            pltpu.VMEM((32, HID), _f32),
            pltpu.SemaphoreType.DMA,
        ],
        compiler_params=pltpu.CompilerParams(needs_layout_passes=False, use_tc_tiling_on_sc=False),
    )
    return f(z, idx_pad)


def kernel(x, node_type, comp_idx, temp_seq_comp, edge_index, edge_attr,
           params):
    comp_idx = comp_idx.astype(jnp.int32)
    src = edge_index[0].astype(jnp.int32)
    dst = edge_index[1].astype(jnp.int32)
    pad = E_PAD - E
    srcg = jnp.concatenate([src, jnp.zeros((pad,), jnp.int32)])
    dstg = jnp.concatenate([dst, jnp.zeros((pad,), jnp.int32)])
    dsts = jnp.concatenate([dst, jnp.full((pad,), N, jnp.int32)])
    ea_pad = jnp.concatenate([edge_attr, jnp.zeros((pad, ED), _f32)], axis=0)
    ntf = node_type.astype(_f32).reshape(N, 1)
    idx_pad = jnp.concatenate([comp_idx, jnp.zeros((24,), jnp.int32)])

    e1, e2, asum = _run_eproj(ea_pad, params)
    add = _run_gru(temp_seq_comp, comp_idx, params)
    xl1, xr1 = _run_prep1(x, add, ntf, asum, params)
    att1 = params['g1_att'].reshape(-1)
    att2 = params['g2_att'].reshape(-1)
    acc1 = _run_sc_edges(srcg, dstg, dsts, e1, xl1, xr1, att1)
    xl2, xr2 = _run_mid(acc1, xl1, asum, params)
    acc2 = _run_sc_edges(srcg, dstg, dsts, e2, xl2, xr2, att2)
    z, hsum = _run_fin(acc2, xl2, params)
    zc = _run_sc_gather(z, idx_pad)
    mul, mut = _run_head(zc[0:1024], hsum, params)

    mu_l = mul[0:M, 0]
    ls_l = jnp.broadcast_to(params['logstd_lambda'], (M,))
    mu_t = mut[0]
    ls_t = params['logstd_theta']
    return (mu_l, ls_l, mu_t, ls_t)

# --- scband reference (transcript-rebuilt; emitter-appended) ---
"""Pipeline reference for scband-rl2-actor-gnn-40767829574204 (READ-ONLY COPY).

The authoritative reference and input builder live on the scoring server;
editing this copy changes nothing except your own understanding.
"""

import jax, jax.numpy as jnp
import numpy as np

N = 10000
E = 320000
D = 128
ED = 16
M = 1000
T = 20
HID = 64
TH = 32
HEADS = 2


def setup_inputs(seed: int = 0):
    key = jax.random.key(seed)
    ks = jax.random.split(key, 32)

    def p(k, shape):
        return jax.random.normal(k, shape, jnp.float32) * 0.05

    x = jax.random.normal(ks[0], (N, D), jnp.float32)
    node_type = jax.random.randint(ks[1], (N,), 0, 2)
    comp_idx = jax.random.randint(ks[2], (M,), 0, N)
    temp_seq_comp = jax.random.normal(ks[3], (M, T, 2), jnp.float32)
    edge_index = jax.random.randint(ks[4], (2, E), 0, N)
    edge_attr = jax.random.normal(ks[5], (E, ED), jnp.float32)
    params = {
        'gru_w_ih': p(ks[6], (3 * TH, 2)),
        'gru_w_hh': p(ks[7], (3 * TH, TH)),
        'gru_b_ih': jnp.zeros((3 * TH,), jnp.float32),
        'gru_b_hh': jnp.zeros((3 * TH,), jnp.float32),
        'type_emb': p(ks[8], (2, 8)),
        'lin_in_w': p(ks[9], (HID, D + TH + 8)),
        'lin_in_b': jnp.zeros((HID,), jnp.float32),
        'g1_lw': p(ks[10], (HEADS * HID, HID)),
        'g1_lb': jnp.zeros((HEADS * HID,), jnp.float32),
        'g1_rw': p(ks[11], (HEADS * HID, HID)),
        'g1_rb': jnp.zeros((HEADS * HID,), jnp.float32),
        'g1_ew': p(ks[12], (HEADS * HID, ED)),
        'g1_att': p(ks[13], (HEADS, HID)),
        'g1_b': jnp.zeros((HID,), jnp.float32),
        'g2_lw': p(ks[14], (HEADS * HID, HID)),
        'g2_lb': jnp.zeros((HEADS * HID,), jnp.float32),
        'g2_rw': p(ks[15], (HEADS * HID, HID)),
        'g2_rb': jnp.zeros((HEADS * HID,), jnp.float32),
        'g2_ew': p(ks[16], (HEADS * HID, ED)),
        'g2_att': p(ks[17], (HEADS, HID)),
        'g2_b': jnp.zeros((HID,), jnp.float32),
        'lin_g_w': p(ks[18], (64, HID)),
        'lin_g_b': jnp.zeros((64,), jnp.float32),
        'ml1_w': p(ks[19], (64, 128)),
        'ml1_b': jnp.zeros((64,), jnp.float32),
        'ml2_w': p(ks[20], (1, 64)),
        'ml2_b': jnp.zeros((1,), jnp.float32),
        'mt1_w': p(ks[21], (64, 64)),
        'mt1_b': jnp.zeros((64,), jnp.float32),
        'mt2_w': p(ks[22], (6, 64)),
        'mt2_b': jnp.zeros((6,), jnp.float32),
        'logstd_lambda': jnp.full((1,), -0.2, jnp.float32),
        'logstd_theta': jnp.full((6,), -0.2, jnp.float32),
    }
    return {'x': x, 'node_type': node_type, 'comp_idx': comp_idx,
            'temp_seq_comp': temp_seq_comp, 'edge_index': edge_index,
            'edge_attr': edge_attr, 'params': params}


def _gru(seq, params):
    def step(h, xt):
        gi = xt @ params['gru_w_ih'].T + params['gru_b_ih']
        gh = h @ params['gru_w_hh'].T + params['gru_b_hh']
        i_r, i_z, i_n = jnp.split(gi, 3, axis=-1)
        h_r, h_z, h_n = jnp.split(gh, 3, axis=-1)
        r = jax.nn.sigmoid(i_r + h_r)
        z = jax.nn.sigmoid(i_z + h_z)
        n = jnp.tanh(i_n + r * h_n)
        h_new = (1.0 - z) * n + z * h
        return h_new, None
    h0 = jnp.zeros((seq.shape[0], TH), jnp.float32)
    xs = jnp.swapaxes(seq, 0, 1)
    h, _ = jax.lax.scan(step, h0, xs)
    return h


def _gatv2(x, src, dst, ea_full, lw, lb, rw, rb, ew, att, bias):
    Nn = x.shape[0]
    x_l = (x @ lw.T + lb).reshape(Nn, HEADS, HID)
    x_r = (x @ rw.T + rb).reshape(Nn, HEADS, HID)
    e = (ea_full @ ew.T).reshape(-1, HEADS, HID)
    msg = x_l[src] + x_r[dst] + e
    msg = jnp.where(msg > 0, msg, 0.2 * msg)
    alpha = (msg * att[None, :, :]).sum(-1)
    amax = jax.ops.segment_max(alpha, dst, num_segments=Nn)
    amax = jnp.where(jnp.isfinite(amax), amax, 0.0)
    ex = jnp.exp(alpha - amax[dst])
    denom = jax.ops.segment_sum(ex, dst, num_segments=Nn)
    a = ex / (denom[dst] + 1e-16)
    out = jax.ops.segment_sum(x_l[src] * a[:, :, None], dst, num_segments=Nn)
    return out.mean(axis=1) + bias


def _forward(x, temp_seq_comp, edge_attr, params, node_type, comp_idx, edge_index):
    Nn = x.shape[0]
    m = comp_idx.shape[0]
    Ht = _gru(temp_seq_comp, params)
    add = jnp.zeros((Nn, TH), jnp.float32).at[comp_idx].set(Ht)
    xin = jnp.concatenate([x, add], axis=-1)
    xin = jnp.concatenate([xin, params['type_emb'][node_type]], axis=-1)
    h = jax.nn.relu(xin @ params['lin_in_w'].T + params['lin_in_b'])
    loop = jnp.arange(Nn)
    src = jnp.concatenate([edge_index[0], loop])
    dst = jnp.concatenate([edge_index[1], loop])
    loop_attr = jnp.broadcast_to(edge_attr.mean(axis=0), (Nn, edge_attr.shape[1]))
    ea_full = jnp.concatenate([edge_attr, loop_attr], axis=0)
    h = jax.nn.elu(_gatv2(h, src, dst, ea_full, params['g1_lw'], params['g1_lb'],
                          params['g1_rw'], params['g1_rb'], params['g1_ew'],
                          params['g1_att'], params['g1_b']))
    H = _gatv2(h, src, dst, ea_full, params['g2_lw'], params['g2_lb'],
               params['g2_rw'], params['g2_rb'], params['g2_ew'],
               params['g2_att'], params['g2_b'])
    g = jnp.tanh(H.mean(axis=0) @ params['lin_g_w'].T + params['lin_g_b'])
    Hc = H[comp_idx]
    g_rep = jnp.broadcast_to(g[None, :], (m, g.shape[0]))
    cat = jnp.concatenate([Hc, g_rep], axis=-1)
    h1 = jax.nn.relu(cat @ params['ml1_w'].T + params['ml1_b'])
    mu_l = (h1 @ params['ml2_w'].T + params['ml2_b']).squeeze(-1)
    h2 = jax.nn.relu(g @ params['mt1_w'].T + params['mt1_b'])
    mu_t = h2 @ params['mt2_w'].T + params['mt2_b']
    ls_l = jnp.broadcast_to(params['logstd_lambda'], (m,))
    ls_t = params['logstd_theta']
    return (mu_l, ls_l, mu_t, ls_t)


def reference(x, node_type, comp_idx, temp_seq_comp, edge_index, edge_attr, params):
    return _forward(x, temp_seq_comp, edge_attr, params, node_type, comp_idx, edge_index)

if __name__ == "__main__":
    import jax
    _d = setup_inputs()
    print(jax.jit(kernel)(*tuple(_d.values())))

</pallas_src>

<mosaic_0001>
#map = affine_map<(d0, d1) -> (0)>
#map1 = affine_map<(d0, d1) -> (0, 0)>
#map2 = affine_map<(d0, d1) -> (0, 0, 0)>
module attributes {stable_mosaic.version = 14 : i64} {
  func.func @_sc_edge_body(%arg0: i32, %arg1: i32, %arg2: memref<323584xi32, #tpu.memory_space<hbm>>, %arg3: memref<323584xi32, #tpu.memory_space<hbm>>, %arg4: memref<323584xi32, #tpu.memory_space<hbm>>, %arg5: memref<323584x128xf32, #tpu.memory_space<hbm>>, %arg6: memref<10000x128xf32, #tpu.memory_space<hbm>>, %arg7: memref<10000x136xf32, #tpu.memory_space<hbm>>, %arg8: memref<128xf32, #tpu.memory_space<hbm>>, %arg9: memref<2x10240x136xf32, #tpu.memory_space<hbm>>, %arg10: memref<64xi32, #tpu.memory_space<vmem>>, %arg11: memref<64xi32, #tpu.memory_space<vmem>>, %arg12: memref<64xi32, #tpu.memory_space<vmem>>, %arg13: memref<64x128xf32, #tpu.memory_space<vmem>>, %arg14: memref<64x128xf32, #tpu.memory_space<vmem>>, %arg15: memref<64x136xf32, #tpu.memory_space<vmem>>, %arg16: memref<64x136xf32, #tpu.memory_space<vmem>>, %arg17: memref<128xf32, #tpu.memory_space<vmem>>, %arg18: memref<10240x136xf32, #tpu.memory_space<vmem_shared>>, %arg19: memref<!tpu.dma_semaphore, #tpu.memory_space<semaphore_mem>>, %arg20: memref<!tpu.dma_semaphore, #tpu.memory_space<semaphore_mem>>) attributes {dimension_semantics = [#tpu.dimension_semantics<core_parallel>, #tpu.dimension_semantics<subcore_parallel>], iteration_bounds = array<i64: 2, 16>, scalar_prefetch = 0 : i64, scratch_operands = 11 : i64, tpu.core_type = #tpu.core_type<sc_vector_subcore>, window_params = [{transform_indices = #map}, {transform_indices = #map}, {transform_indices = #map}, {transform_indices = #map1}, {transform_indices = #map1}, {transform_indices = #map1}, {transform_indices = #map}, {transform_indices = #map2}]} {
    %mul3A = arith.constant 2 : i32
    %mul3A_0 = arith.muli %arg1, %mul3A : i32
    %add3A = arith.addi %mul3A_0, %arg0 : i32
    %scan3A = arith.constant 0 : i32
    %scan3A_1 = arith.constant 0 : i32
    %scan3A_2 = arith.constant 64 : i32
    %scan3A_3 = arith.addi %scan3A_1, %scan3A_2 : i32
    %scan3A_4 = arith.constant 1 : i32
    %scan3A_5 = scf.for %scan3A_74 = %scan3A_1 to %scan3A_3 step %scan3A_4 iter_args(%scan3A_75 = %scan3A) -> (i32)  : i32 {
      %broadcast_in_dim3A = arith.constant 0.000000e+00 : f32
      %broadcast_in_dim3A_76 = vector.broadcast %broadcast_in_dim3A : f32 to vector<16xf32>
      %swap3A = arith.index_cast %scan3A_74 : i32 to index
      %swap3A_77 = arith.constant 0 : index
      %swap3A_78 = tpu.vector_load %arg16[%swap3A, %swap3A_77] {strides = array<i32>} : memref<64x136xf32, #tpu.memory_space<vmem>>, vector<16xf32>,
      tpu.vector_store %arg16[%swap3A, %swap3A_77], %broadcast_in_dim3A_76 {strides = array<i32>} : memref<64x136xf32, #tpu.memory_space<vmem>>, vector<16xf32>,
      %broadcast_in_dim3A_79 = arith.constant 0.000000e+00 : f32
      %broadcast_in_dim3A_80 = vector.broadcast %broadcast_in_dim3A_79 : f32 to vector<16xf32>
      %swap3A_81 = arith.index_cast %scan3A_74 : i32 to index
      %swap3A_82 = arith.constant 16 : index
      %swap3A_83 = tpu.vector_load %arg16[%swap3A_81, %swap3A_82] {strides = array<i32>} : memref<64x136xf32, #tpu.memory_space<vmem>>, vector<16xf32>,
      tpu.vector_store %arg16[%swap3A_81, %swap3A_82], %broadcast_in_dim3A_80 {strides = array<i32>} : memref<64x136xf32, #tpu.memory_space<vmem>>, vector<16xf32>,
      %broadcast_in_dim3A_84 = arith.constant 0.000000e+00 : f32
      %broadcast_in_dim3A_85 = vector.broadcast %broadcast_in_dim3A_84 : f32 to vector<16xf32>
      %swap3A_86 = arith.index_cast %scan3A_74 : i32 to index
      %swap3A_87 = arith.constant 32 : index
      %swap3A_88 = tpu.vector_load %arg16[%swap3A_86, %swap3A_87] {strides = array<i32>} : memref<64x136xf32, #tpu.memory_space<vmem>>, vector<16xf32>,
      tpu.vector_store %arg16[%swap3A_86, %swap3A_87], %broadcast_in_dim3A_85 {strides = array<i32>} : memref<64x136xf32, #tpu.memory_space<vmem>>, vector<16xf32>,
      %broadcast_in_dim3A_89 = arith.constant 0.000000e+00 : f32
      %broadcast_in_dim3A_90 = vector.broadcast %broadcast_in_dim3A_89 : f32 to vector<16xf32>
      %swap3A_91 = arith.index_cast %scan3A_74 : i32 to index
      %swap3A_92 = arith.constant 48 : index
      %swap3A_93 = tpu.vector_load %arg16[%swap3A_91, %swap3A_92] {strides = array<i32>} : memref<64x136xf32, #tpu.memory_space<vmem>>, vector<16xf32>,
      tpu.vector_store %arg16[%swap3A_91, %swap3A_92], %broadcast_in_dim3A_90 {strides = array<i32>} : memref<64x136xf32, #tpu.memory_space<vmem>>, vector<16xf32>,
      %broadcast_in_dim3A_94 = arith.constant 0.000000e+00 : f32
      %broadcast_in_dim3A_95 = vector.broadcast %broadcast_in_dim3A_94 : f32 to vector<16xf32>
      %swap3A_96 = arith.index_cast %scan3A_74 : i32 to index
      %swap3A_97 = arith.constant 64 : index
      %swap3A_98 = tpu.vector_load %arg16[%swap3A_96, %swap3A_97] {strides = array<i32>} : memref<64x136xf32, #tpu.memory_space<vmem>>, vector<16xf32>,
      tpu.vector_store %arg16[%swap3A_96, %swap3A_97], %broadcast_in_dim3A_95 {strides = array<i32>} : memref<64x136xf32, #tpu.memory_space<vmem>>, vector<16xf32>,
      %broadcast_in_dim3A_99 = arith.constant 0.000000e+00 : f32
      %broadcast_in_dim3A_100 = vector.broadcast %broadcast_in_dim3A_99 : f32 to vector<16xf32>
      %swap3A_101 = arith.index_cast %scan3A_74 : i32 to index
      %swap3A_102 = arith.constant 80 : index
      %swap3A_103 = tpu.vector_load %arg16[%swap3A_101, %swap3A_102] {strides = array<i32>} : memref<64x136xf32, #tpu.memory_space<vmem>>, vector<16xf32>,
      tpu.vector_store %arg16[%swap3A_101, %swap3A_102], %broadcast_in_dim3A_100 {strides = array<i32>} : memref<64x136xf32, #tpu.memory_space<vmem>>, vector<16xf32>,
      %broadcast_in_dim3A_104 = arith.constant 0.000000e+00 : f32
      %broadcast_in_dim3A_105 = vector.broadcast %broadcast_in_dim3A_104 : f32 to vector<16xf32>
      %swap3A_106 = arith.index_cast %scan3A_74 : i32 to index
      %swap3A_107 = arith.constant 96 : index
      %swap3A_108 = tpu.vector_load %arg16[%swap3A_106, %swap3A_107] {strides = array<i32>} : memref<64x136xf32, #tpu.memory_space<vmem>>, vector<16xf32>,
      tpu.vector_store %arg16[%swap3A_106, %swap3A_107], %broadcast_in_dim3A_105 {strides = array<i32>} : memref<64x136xf32, #tpu.memory_space<vmem>>, vector<16xf32>,
      %broadcast_in_dim3A_109 = arith.constant 0.000000e+00 : f32
      %broadcast_in_dim3A_110 = vector.broadcast %broadcast_in_dim3A_109 : f32 to vector<16xf32>
      %swap3A_111 = arith.index_cast %scan3A_74 : i32 to index
      %swap3A_112 = arith.constant 112 : index
      %swap3A_113 = tpu.vector_load %arg16[%swap3A_111, %swap3A_112] {strides = array<i32>} : memref<64x136xf32, #tpu.memory_space<vmem>>, vector<16xf32>,
      tpu.vector_store %arg16[%swap3A_111, %swap3A_112], %broadcast_in_dim3A_110 {strides = array<i32>} : memref<64x136xf32, #tpu.memory_space<vmem>>, vector<16xf32>,
      %broadcast_in_dim3A_114 = arith.constant 0.000000e+00 : f32
      %broadcast_in_dim3A_115 = vector.broadcast %broadcast_in_dim3A_114 : f32 to vector<16xf32>
      %swap3A_116 = arith.index_cast %scan3A_74 : i32 to index
      %swap3A_117 = arith.constant 120 : index
      %swap3A_118 = tpu.vector_load %arg16[%swap3A_116, %swap3A_117] {strides = array<i32>} : memref<64x136xf32, #tpu.memory_space<vmem>>, vector<16xf32>,
      tpu.vector_store %arg16[%swap3A_116, %swap3A_117], %broadcast_in_dim3A_115 {strides = array<i32>} : memref<64x136xf32, #tpu.memory_space<vmem>>, vector<16xf32>,
      %scan3A_119 = arith.constant 0 : i32
      scf.yield %scan3A_119 : i32
    }
    %scan3A_6 = arith.constant 64 : i32
    %mul3A_7 = arith.constant 640 : i32
    %mul3A_8 = arith.muli %arg1, %mul3A_7 : i32
    %add3A_9 = arith.constant 0 : i32
    %add3A_10 = arith.addi %mul3A_8, %add3A_9 : i32
    "tpu.region"() ({
      %run_scoped3A = tpu.sem_alloc : memref<!tpu.dma_semaphore, #tpu.memory_space<semaphore_mem>>
      %dma_start3A = arith.constant 0 : i32
      %dma_start3A_74 = tpu.memref_slice %arg18[%add3A_10, %dma_start3A] : memref<10240x136xf32, #tpu.memory_space<vmem_shared>> -> memref<64x136xf32, #tpu.memory_space<vmem_shared>>
      %dma_start3A_75 = arith.constant 0 : i32
      %dma_start3A_76 = tpu.memref_slice %arg18[%add3A_10, %dma_start3A_75] : memref<10240x136xf32, #tpu.memory_space<vmem_shared>> -> memref<64x136xf32, #tpu.memory_space<vmem_shared>>
      tpu.enqueue_dma source(%arg16 : memref<64x136xf32, #tpu.memory_space<vmem>>) target(%dma_start3A_76 : memref<64x136xf32, #tpu.memory_space<vmem_shared>>) target_semaphore(%run_scoped3A : memref<!tpu.dma_semaphore, #tpu.memory_space<semaphore_mem>>)
      %dma_wait3A = arith.constant 0 : i32
      %dma_wait3A_77 = tpu.memref_slice %arg18[%add3A_10, %dma_wait3A] : memref<10240x136xf32, #tpu.memory_space<vmem_shared>> -> memref<64x136xf32, #tpu.memory_space<vmem_shared>>
      %dma_wait3A_78 = arith.constant 0 : i32
      %dma_wait3A_79 = tpu.memref_slice %arg18[%add3A_10, %dma_wait3A_78] : memref<10240x136xf32, #tpu.memory_space<vmem_shared>> -> memref<64x136xf32, #tpu.memory_space<vmem_shared>>
      tpu.wait_dma2 semaphore(%run_scoped3A : memref<!tpu.dma_semaphore, #tpu.memory_space<semaphore_mem>>) src(%arg16 : memref<64x136xf32, #tpu.memory_space<vmem>>) dst(%dma_wait3A_79 : memref<64x136xf32, #tpu.memory_space<vmem_shared>>)
      tpu.yield
    }) : () -> ()
    %add3A_11 = arith.constant 64 : i32
    %add3A_12 = arith.addi %mul3A_8, %add3A_11 : i32
    "tpu.region"() ({
      %run_scoped3A = tpu.sem_alloc : memref<!tpu.dma_semaphore, #tpu.memory_space<semaphore_mem>>
      %dma_start3A = arith.constant 0 : i32
      %dma_start3A_74 = tpu.memref_slice %arg18[%add3A_12, %dma_start3A] : memref<10240x136xf32, #tpu.memory_space<vmem_shared>> -> memref<64x136xf32, #tpu.memory_space<vmem_shared>>
      %dma_start3A_75 = arith.constant 0 : i32
      %dma_start3A_76 = tpu.memref_slice %arg18[%add3A_12, %dma_start3A_75] : memref<10240x136xf32, #tpu.memory_space<vmem_shared>> -> memref<64x136xf32, #tpu.memory_space<vmem_shared>>
      tpu.enqueue_dma source(%arg16 : memref<64x136xf32, #tpu.memory_space<vmem>>) target(%dma_start3A_76 : memref<64x136xf32, #tpu.memory_space<vmem_shared>>) target_semaphore(%run_scoped3A : memref<!tpu.dma_semaphore, #tpu.memory_space<semaphore_mem>>)
      %dma_wait3A = arith.constant 0 : i32
      %dma_wait3A_77 = tpu.memref_slice %arg18[%add3A_12, %dma_wait3A] : memref<10240x136xf32, #tpu.memory_space<vmem_shared>> -> memref<64x136xf32, #tpu.memory_space<vmem_shared>>
      %dma_wait3A_78 = arith.constant 0 : i32
      %dma_wait3A_79 = tpu.memref_slice %arg18[%add3A_12, %dma_wait3A_78] : memref<10240x136xf32, #tpu.memory_space<vmem_shared>> -> memref<64x136xf32, #tpu.memory_space<vmem_shared>>
      tpu.wait_dma2 semaphore(%run_scoped3A : memref<!tpu.dma_semaphore, #tpu.memory_space<semaphore_mem>>) src(%arg16 : memref<64x136xf32, #tpu.memory_space<vmem>>) dst(%dma_wait3A_79 : memref<64x136xf32, #tpu.memory_space<vmem_shared>>)
      tpu.yield
    }) : () -> ()
    %add3A_13 = arith.constant 128 : i32
    %add3A_14 = arith.addi %mul3A_8, %add3A_13 : i32
    "tpu.region"() ({
      %run_scoped3A = tpu.sem_alloc : memref<!tpu.dma_semaphore, #tpu.memory_space<semaphore_mem>>
      %dma_start3A = arith.constant 0 : i32
      %dma_start3A_74 = tpu.memref_slice %arg18[%add3A_14, %dma_start3A] : memref<10240x136xf32, #tpu.memory_space<vmem_shared>> -> memref<64x136xf32, #tpu.memory_space<vmem_shared>>
      %dma_start3A_75 = arith.constant 0 : i32
      %dma_start3A_76 = tpu.memref_slice %arg18[%add3A_14, %dma_start3A_75] : memref<10240x136xf32, #tpu.memory_space<vmem_shared>> -> memref<64x136xf32, #tpu.memory_space<vmem_shared>>
      tpu.enqueue_dma source(%arg16 : memref<64x136xf32, #tpu.memory_space<vmem>>) target(%dma_start3A_76 : memref<64x136xf32, #tpu.memory_space<vmem_shared>>) target_semaphore(%run_scoped3A : memref<!tpu.dma_semaphore, #tpu.memory_space<semaphore_mem>>)
      %dma_wait3A = arith.constant 0 : i32
      %dma_wait3A_77 = tpu.memref_slice %arg18[%add3A_14, %dma_wait3A] : memref<10240x136xf32, #tpu.memory_space<vmem_shared>> -> memref<64x136xf32, #tpu.memory_space<vmem_shared>>
      %dma_wait3A_78 = arith.constant 0 : i32
      %dma_wait3A_79 = tpu.memref_slice %arg18[%add3A_14, %dma_wait3A_78] : memref<10240x136xf32, #tpu.memory_space<vmem_shared>> -> memref<64x136xf32, #tpu.memory_space<vmem_shared>>
      tpu.wait_dma2 semaphore(%run_scoped3A : memref<!tpu.dma_semaphore, #tpu.memory_space<semaphore_mem>>) src(%arg16 : memref<64x136xf32, #tpu.memory_space<vmem>>) dst(%dma_wait3A_79 : memref<64x136xf32, #tpu.memory_space<vmem_shared>>)
      tpu.yield
    }) : () -> ()
    %add3A_15 = arith.constant 192 : i32
    %add3A_16 = arith.addi %mul3A_8, %add3A_15 : i32
    "tpu.region"() ({
      %run_scoped3A = tpu.sem_alloc : memref<!tpu.dma_semaphore, #tpu.memory_space<semaphore_mem>>
      %dma_start3A = arith.constant 0 : i32
      %dma_start3A_74 = tpu.memref_slice %arg18[%add3A_16, %dma_start3A] : memref<10240x136xf32, #tpu.memory_space<vmem_shared>> -> memref<64x136xf32, #tpu.memory_space<vmem_shared>>
      %dma_start3A_75 = arith.constant 0 : i32
      %dma_start3A_76 = tpu.memref_slice %arg18[%add3A_16, %dma_start3A_75] : memref<10240x136xf32, #tpu.memory_space<vmem_shared>> -> memref<64x136xf32, #tpu.memory_space<vmem_shared>>
      tpu.enqueue_dma source(%arg16 : memref<64x136xf32, #tpu.memory_space<vmem>>) target(%dma_start3A_76 : memref<64x136xf32, #tpu.memory_space<vmem_shared>>) target_semaphore(%run_scoped3A : memref<!tpu.dma_semaphore, #tpu.memory_space<semaphore_mem>>)
      %dma_wait3A = arith.constant 0 : i32
      %dma_wait3A_77 = tpu.memref_slice %arg18[%add3A_16, %dma_wait3A] : memref<10240x136xf32, #tpu.memory_space<vmem_shared>> -> memref<64x136xf32, #tpu.memory_space<vmem_shared>>
      %dma_wait3A_78 = arith.constant 0 : i32
      %dma_wait3A_79 = tpu.memref_slice %arg18[%add3A_16, %dma_wait3A_78] : memref<10240x136xf32, #tpu.memory_space<vmem_shared>> -> memref<64x136xf32, #tpu.memory_space<vmem_shared>>
      tpu.wait_dma2 semaphore(%run_scoped3A : memref<!tpu.dma_semaphore, #tpu.memory_space<semaphore_mem>>) src(%arg16 : memref<64x136xf32, #tpu.memory_space<vmem>>) dst(%dma_wait3A_79 : memref<64x136xf32, #tpu.memory_space<vmem_shared>>)
      tpu.yield
    }) : () -> ()
    %add3A_17 = arith.constant 256 : i32
    %add3A_18 = arith.addi %mul3A_8, %add3A_17 : i32
    "tpu.region"() ({
      %run_scoped3A = tpu.sem_alloc : memref<!tpu.dma_semaphore, #tpu.memory_space<semaphore_mem>>
      %dma_start3A = arith.constant 0 : i32
      %dma_start3A_74 = tpu.memref_slice %arg18[%add3A_18, %dma_start3A] : memref<10240x136xf32, #tpu.memory_space<vmem_shared>> -> memref<64x136xf32, #tpu.memory_space<vmem_shared>>
      %dma_start3A_75 = arith.constant 0 : i32
      %dma_start3A_76 = tpu.memref_slice %arg18[%add3A_18, %dma_start3A_75] : memref<10240x136xf32, #tpu.memory_space<vmem_shared>> -> memref<64x136xf32, #tpu.memory_space<vmem_shared>>
      tpu.enqueue_dma source(%arg16 : memref<64x136xf32, #tpu.memory_space<vmem>>) target(%dma_start3A_76 : memref<64x136xf32, #tpu.memory_space<vmem_shared>>) target_semaphore(%run_scoped3A : memref<!tpu.dma_semaphore, #tpu.memory_space<semaphore_mem>>)
      %dma_wait3A = arith.constant 0 : i32
      %dma_wait3A_77 = tpu.memref_slice %arg18[%add3A_18, %dma_wait3A] : memref<10240x136xf32, #tpu.memory_space<vmem_shared>> -> memref<64x136xf32, #tpu.memory_space<vmem_shared>>
      %dma_wait3A_78 = arith.constant 0 : i32
      %dma_wait3A_79 = tpu.memref_slice %arg18[%add3A_18, %dma_wait3A_78] : memref<10240x136xf32, #tpu.memory_space<vmem_shared>> -> memref<64x136xf32, #tpu.memory_space<vmem_shared>>
      tpu.wait_dma2 semaphore(%run_scoped3A : memref<!tpu.dma_semaphore, #tpu.memory_space<semaphore_mem>>) src(%arg16 : memref<64x136xf32, #tpu.memory_space<vmem>>) dst(%dma_wait3A_79 : memref<64x136xf32, #tpu.memory_space<vmem_shared>>)
      tpu.yield
    }) : () -> ()
    %add3A_19 = arith.constant 320 : i32
    %add3A_20 = arith.addi %mul3A_8, %add3A_19 : i32
    "tpu.region"() ({
      %run_scoped3A = tpu.sem_alloc : memref<!tpu.dma_semaphore, #tpu.memory_space<semaphore_mem>>
      %dma_start3A = arith.constant 0 : i32
      %dma_start3A_74 = tpu.memref_slice %arg18[%add3A_20, %dma_start3A] : memref<10240x136xf32, #tpu.memory_space<vmem_shared>> -> memref<64x136xf32, #tpu.memory_space<vmem_shared>>
      %dma_start3A_75 = arith.constant 0 : i32
      %dma_start3A_76 = tpu.memref_slice %arg18[%add3A_20, %dma_start3A_75] : memref<10240x136xf32, #tpu.memory_space<vmem_shared>> -> memref<64x136xf32, #tpu.memory_space<vmem_shared>>
      tpu.enqueue_dma source(%arg16 : memref<64x136xf32, #tpu.memory_space<vmem>>) target(%dma_start3A_76 : memref<64x136xf32, #tpu.memory_space<vmem_shared>>) target_semaphore(%run_scoped3A : memref<!tpu.dma_semaphore, #tpu.memory_space<semaphore_mem>>)
      %dma_wait3A = arith.constant 0 : i32
      %dma_wait3A_77 = tpu.memref_slice %arg18[%add3A_20, %dma_wait3A] : memref<10240x136xf32, #tpu.memory_space<vmem_shared>> -> memref<64x136xf32, #tpu.memory_space<vmem_shared>>
      %dma_wait3A_78 = arith.constant 0 : i32
      %dma_wait3A_79 = tpu.memref_slice %arg18[%add3A_20, %dma_wait3A_78] : memref<10240x136xf32, #tpu.memory_space<vmem_shared>> -> memref<64x136xf32, #tpu.memory_space<vmem_shared>>
      tpu.wait_dma2 semaphore(%run_scoped3A : memref<!tpu.dma_semaphore, #tpu.memory_space<semaphore_mem>>) src(%arg16 : memref<64x136xf32, #tpu.memory_space<vmem>>) dst(%dma_wait3A_79 : memref<64x136xf32, #tpu.memory_space<vmem_shared>>)
      tpu.yield
    }) : () -> ()
    %add3A_21 = arith.constant 384 : i32
    %add3A_22 = arith.addi %mul3A_8, %add3A_21 : i32
    "tpu.region"() ({
      %run_scoped3A = tpu.sem_alloc : memref<!tpu.dma_semaphore, #tpu.memory_space<semaphore_mem>>
      %dma_start3A = arith.constant 0 : i32
      %dma_start3A_74 = tpu.memref_slice %arg18[%add3A_22, %dma_start3A] : memref<10240x136xf32, #tpu.memory_space<vmem_shared>> -> memref<64x136xf32, #tpu.memory_space<vmem_shared>>
      %dma_start3A_75 = arith.constant 0 : i32
      %dma_start3A_76 = tpu.memref_slice %arg18[%add3A_22, %dma_start3A_75] : memref<10240x136xf32, #tpu.memory_space<vmem_shared>> -> memref<64x136xf32, #tpu.memory_space<vmem_shared>>
      tpu.enqueue_dma source(%arg16 : memref<64x136xf32, #tpu.memory_space<vmem>>) target(%dma_start3A_76 : memref<64x136xf32, #tpu.memory_space<vmem_shared>>) target_semaphore(%run_scoped3A : memref<!tpu.dma_semaphore, #tpu.memory_space<semaphore_mem>>)
      %dma_wait3A = arith.constant 0 : i32
      %dma_wait3A_77 = tpu.memref_slice %arg18[%add3A_22, %dma_wait3A] : memref<10240x136xf32, #tpu.memory_space<vmem_shared>> -> memref<64x136xf32, #tpu.memory_space<vmem_shared>>
      %dma_wait3A_78 = arith.constant 0 : i32
      %dma_wait3A_79 = tpu.memref_slice %arg18[%add3A_22, %dma_wait3A_78] : memref<10240x136xf32, #tpu.memory_space<vmem_shared>> -> memref<64x136xf32, #tpu.memory_space<vmem_shared>>
      tpu.wait_dma2 semaphore(%run_scoped3A : memref<!tpu.dma_semaphore, #tpu.memory_space<semaphore_mem>>) src(%arg16 : memref<64x136xf32, #tpu.memory_space<vmem>>) dst(%dma_wait3A_79 : memref<64x136xf32, #tpu.memory_space<vmem_shared>>)
      tpu.yield
    }) : () -> ()
    %add3A_23 = arith.constant 448 : i32
    %add3A_24 = arith.addi %mul3A_8, %add3A_23 : i32
    "tpu.region"() ({
      %run_scoped3A = tpu.sem_alloc : memref<!tpu.dma_semaphore, #tpu.memory_space<semaphore_mem>>
      %dma_start3A = arith.constant 0 : i32
      %dma_start3A_74 = tpu.memref_slice %arg18[%add3A_24, %dma_start3A] : memref<10240x136xf32, #tpu.memory_space<vmem_shared>> -> memref<64x136xf32, #tpu.memory_space<vmem_shared>>
      %dma_start3A_75 = arith.constant 0 : i32
      %dma_start3A_76 = tpu.memref_slice %arg18[%add3A_24, %dma_start3A_75] : memref<10240x136xf32, #tpu.memory_space<vmem_shared>> -> memref<64x136xf32, #tpu.memory_space<vmem_shared>>
      tpu.enqueue_dma source(%arg16 : memref<64x136xf32, #tpu.memory_space<vmem>>) target(%dma_start3A_76 : memref<64x136xf32, #tpu.memory_space<vmem_shared>>) target_semaphore(%run_scoped3A : memref<!tpu.dma_semaphore, #tpu.memory_space<semaphore_mem>>)
      %dma_wait3A = arith.constant 0 : i32
      %dma_wait3A_77 = tpu.memref_slice %arg18[%add3A_24, %dma_wait3A] : memref<10240x136xf32, #tpu.memory_space<vmem_shared>> -> memref<64x136xf32, #tpu.memory_space<vmem_shared>>
      %dma_wait3A_78 = arith.constant 0 : i32
      %dma_wait3A_79 = tpu.memref_slice %arg18[%add3A_24, %dma_wait3A_78] : memref<10240x136xf32, #tpu.memory_space<vmem_shared>> -> memref<64x136xf32, #tpu.memory_space<vmem_shared>>
      tpu.wait_dma2 semaphore(%run_scoped3A : memref<!tpu.dma_semaphore, #tpu.memory_space<semaphore_mem>>) src(%arg16 : memref<64x136xf32, #tpu.memory_space<vmem>>) dst(%dma_wait3A_79 : memref<64x136xf32, #tpu.memory_space<vmem_shared>>)
      tpu.yield
    }) : () -> ()
    %add3A_25 = arith.constant 512 : i32
    %add3A_26 = arith.addi %mul3A_8, %add3A_25 : i32
    "tpu.region"() ({
      %run_scoped3A = tpu.sem_alloc : memref<!tpu.dma_semaphore, #tpu.memory_space<semaphore_mem>>
      %dma_start3A = arith.constant 0 : i32
      %dma_start3A_74 = tpu.memref_slice %arg18[%add3A_26, %dma_start3A] : memref<10240x136xf32, #tpu.memory_space<vmem_shared>> -> memref<64x136xf32, #tpu.memory_space<vmem_shared>>
      %dma_start3A_75 = arith.constant 0 : i32
      %dma_start3A_76 = tpu.memref_slice %arg18[%add3A_26, %dma_start3A_75] : memref<10240x136xf32, #tpu.memory_space<vmem_shared>> -> memref<64x136xf32, #tpu.memory_space<vmem_shared>>
      tpu.enqueue_dma source(%arg16 : memref<64x136xf32, #tpu.memory_space<vmem>>) target(%dma_start3A_76 : memref<64x136xf32, #tpu.memory_space<vmem_shared>>) target_semaphore(%run_scoped3A : memref<!tpu.dma_semaphore, #tpu.memory_space<semaphore_mem>>)
      %dma_wait3A = arith.constant 0 : i32
      %dma_wait3A_77 = tpu.memref_slice %arg18[%add3A_26, %dma_wait3A] : memref<10240x136xf32, #tpu.memory_space<vmem_shared>> -> memref<64x136xf32, #tpu.memory_space<vmem_shared>>
      %dma_wait3A_78 = arith.constant 0 : i32
      %dma_wait3A_79 = tpu.memref_slice %arg18[%add3A_26, %dma_wait3A_78] : memref<10240x136xf32, #tpu.memory_space<vmem_shared>> -> memref<64x136xf32, #tpu.memory_space<vmem_shared>>
      tpu.wait_dma2 semaphore(%run_scoped3A : memref<!tpu.dma_semaphore, #tpu.memory_space<semaphore_mem>>) src(%arg16 : memref<64x136xf32, #tpu.memory_space<vmem>>) dst(%dma_wait3A_79 : memref<64x136xf32, #tpu.memory_space<vmem_shared>>)
      tpu.yield
    }) : () -> ()
    %add3A_27 = arith.constant 576 : i32
    %add3A_28 = arith.addi %mul3A_8, %add3A_27 : i32
    "tpu.region"() ({
      %run_scoped3A = tpu.sem_alloc : memref<!tpu.dma_semaphore, #tpu.memory_space<semaphore_mem>>
      %dma_start3A = arith.constant 0 : i32
      %dma_start3A_74 = tpu.memref_slice %arg18[%add3A_28, %dma_start3A] : memref<10240x136xf32, #tpu.memory_space<vmem_shared>> -> memref<64x136xf32, #tpu.memory_space<vmem_shared>>
      %dma_start3A_75 = arith.constant 0 : i32
      %dma_start3A_76 = tpu.memref_slice %arg18[%add3A_28, %dma_start3A_75] : memref<10240x136xf32, #tpu.memory_space<vmem_shared>> -> memref<64x136xf32, #tpu.memory_space<vmem_shared>>
      tpu.enqueue_dma source(%arg16 : memref<64x136xf32, #tpu.memory_space<vmem>>) target(%dma_start3A_76 : memref<64x136xf32, #tpu.memory_space<vmem_shared>>) target_semaphore(%run_scoped3A : memref<!tpu.dma_semaphore, #tpu.memory_space<semaphore_mem>>)
      %dma_wait3A = arith.constant 0 : i32
      %dma_wait3A_77 = tpu.memref_slice %arg18[%add3A_28, %dma_wait3A] : memref<10240x136xf32, #tpu.memory_space<vmem_shared>> -> memref<64x136xf32, #tpu.memory_space<vmem_shared>>
      %dma_wait3A_78 = arith.constant 0 : i32
      %dma_wait3A_79 = tpu.memref_slice %arg18[%add3A_28, %dma_wait3A_78] : memref<10240x136xf32, #tpu.memory_space<vmem_shared>> -> memref<64x136xf32, #tpu.memory_space<vmem_shared>>
      tpu.wait_dma2 semaphore(%run_scoped3A : memref<!tpu.dma_semaphore, #tpu.memory_space<semaphore_mem>>) src(%arg16 : memref<64x136xf32, #tpu.memory_space<vmem>>) dst(%dma_wait3A_79 : memref<64x136xf32, #tpu.memory_space<vmem_shared>>)
      tpu.yield
    }) : () -> ()
    %barrier3A = arith.constant 0 : index
    tpu.barrier barrier_id(%barrier3A)
    "tpu.region"() ({
      %run_scoped3A = tpu.sem_alloc : memref<!tpu.dma_semaphore, #tpu.memory_space<semaphore_mem>>
      tpu.enqueue_dma source(%arg8 : memref<128xf32, #tpu.memory_space<hbm>>) target(%arg17 : memref<128xf32, #tpu.memory_space<vmem>>) target_semaphore(%run_scoped3A : memref<!tpu.dma_semaphore, #tpu.memory_space<semaphore_mem>>)
      tpu.wait_dma2 semaphore(%run_scoped3A : memref<!tpu.dma_semaphore, #tpu.memory_space<semaphore_mem>>) src(%arg8 : memref<128xf32, #tpu.memory_space<hbm>>) dst(%arg17 : memref<128xf32, #tpu.memory_space<vmem>>)
      tpu.yield
    }) : () -> ()
    %get3A = arith.constant 0 : index
    %get3A_29 = tpu.vector_load %arg17[%get3A] {strides = array<i32>} : memref<128xf32, #tpu.memory_space<vmem>>, vector<16xf32>,
    %get3A_30 = arith.constant 16 : index
    %get3A_31 = tpu.vector_load %arg17[%get3A_30] {strides = array<i32>} : memref<128xf32, #tpu.memory_space<vmem>>, vector<16xf32>,
    %get3A_32 = arith.constant 32 : index
    %get3A_33 = tpu.vector_load %arg17[%get3A_32] {strides = array<i32>} : memref<128xf32, #tpu.memory_space<vmem>>, vector<16xf32>,
    %get3A_34 = arith.constant 48 : index
    %get3A_35 = tpu.vector_load %arg17[%get3A_34] {strides = array<i32>} : memref<128xf32, #tpu.memory_space<vmem>>, vector<16xf32>,
    %get3A_36 = arith.constant 64 : index
    %get3A_37 = tpu.vector_load %arg17[%get3A_36] {strides = array<i32>} : memref<128xf32, #tpu.memory_space<vmem>>, vector<16xf32>,
    %get3A_38 = arith.constant 80 : index
    %get3A_39 = tpu.vector_load %arg17[%get3A_38] {strides = array<i32>} : memref<128xf32, #tpu.memory_space<vmem>>, vector<16xf32>,
    %get3A_40 = arith.constant 96 : index
    %get3A_41 = tpu.vector_load %arg17[%get3A_40] {strides = array<i32>} : memref<128xf32, #tpu.memory_space<vmem>>, vector<16xf32>,
    %get3A_42 = arith.constant 112 : index
    %get3A_43 = tpu.vector_load %arg17[%get3A_42] {strides = array<i32>} : memref<128xf32, #tpu.memory_space<vmem>>, vector<16xf32>,
    %mul3A_44 = arith.constant 10112 : i32
    %mul3A_45 = arith.muli %add3A, %mul3A_44 : i32
    %scan3A_46 = arith.constant 0 : i32
    %scan3A_47 = arith.constant 0 : i32
    %scan3A_48 = arith.constant 158 : i32
    %scan3A_49 = arith.addi %scan3A_47, %scan3A_48 : i32
    %scan3A_50 = arith.constant 1 : i32
    %scan3A_51 = scf.for %scan3A_74 = %scan3A_47 to %scan3A_49 step %scan3A_50 iter_args(%scan3A_75 = %scan3A_46) -> (i32)  : i32 {
      %mul3A_76 = arith.constant 64 : i32
      %mul3A_77 = arith.muli %scan3A_74, %mul3A_76 : i32
      %add3A_78 = arith.addi %mul3A_45, %mul3A_77 : i32
      "tpu.region"() ({
        %run_scoped3A = tpu.sem_alloc : memref<!tpu.dma_semaphore, #tpu.memory_space<semaphore_mem>>
        %dma_start3A_97 = tpu.memref_slice %arg2[%add3A_78] : memref<323584xi32, #tpu.memory_space<hbm>> -> memref<64xi32, #tpu.memory_space<hbm>>
        %dma_start3A_98 = tpu.memref_slice %arg2[%add3A_78] : memref<323584xi32, #tpu.memory_space<hbm>> -> memref<64xi32, #tpu.memory_space<hbm>>
        tpu.enqueue_dma source(%dma_start3A_98 : memref<64xi32, #tpu.memory_space<hbm>>) target(%arg10 : memref<64xi32, #tpu.memory_space<vmem>>) target_semaphore(%run_scoped3A : memref<!tpu.dma_semaphore, #tpu.memory_space<semaphore_mem>>)
        %dma_wait3A_99 = tpu.memref_slice %arg2[%add3A_78] : memref<323584xi32, #tpu.memory_space<hbm>> -> memref<64xi32, #tpu.memory_space<hbm>>
        %dma_wait3A_100 = tpu.memref_slice %arg2[%add3A_78] : memref<323584xi32, #tpu.memory_space<hbm>> -> memref<64xi32, #tpu.memory_space<hbm>>
        tpu.wait_dma2 semaphore(%run_scoped3A : memref<!tpu.dma_semaphore, #tpu.memory_space<semaphore_mem>>) src(%dma_wait3A_100 : memref<64xi32, #tpu.memory_space<hbm>>) dst(%arg10 : memref<64xi32, #tpu.memory_space<vmem>>)
        tpu.yield
      }) : () -> ()
      "tpu.region"() ({
        %run_scoped3A = tpu.sem_alloc : memref<!tpu.dma_semaphore, #tpu.memory_space<semaphore_mem>>
        %dma_start3A_97 = tpu.memref_slice %arg3[%add3A_78] : memref<323584xi32, #tpu.memory_space<hbm>> -> memref<64xi32, #tpu.memory_space<hbm>>
        %dma_start3A_98 = tpu.memref_slice %arg3[%add3A_78] : memref<323584xi32, #tpu.memory_space<hbm>> -> memref<64xi32, #tpu.memory_space<hbm>>
        tpu.enqueue_dma source(%dma_start3A_98 : memref<64xi32, #tpu.memory_space<hbm>>) target(%arg11 : memref<64xi32, #tpu.memory_space<vmem>>) target_semaphore(%run_scoped3A : memref<!tpu.dma_semaphore, #tpu.memory_space<semaphore_mem>>)
        %dma_wait3A_99 = tpu.memref_slice %arg3[%add3A_78] : memref<323584xi32, #tpu.memory_space<hbm>> -> memref<64xi32, #tpu.memory_space<hbm>>
        %dma_wait3A_100 = tpu.memref_slice %arg3[%add3A_78] : memref<323584xi32, #tpu.memory_space<hbm>> -> memref<64xi32, #tpu.memory_space<hbm>>
        tpu.wait_dma2 semaphore(%run_scoped3A : memref<!tpu.dma_semaphore, #tpu.memory_space<semaphore_mem>>) src(%dma_wait3A_100 : memref<64xi32, #tpu.memory_space<hbm>>) dst(%arg11 : memref<64xi32, #tpu.memory_space<vmem>>)
        tpu.yield
      }) : () -> ()
      "tpu.region"() ({
        %run_scoped3A = tpu.sem_alloc : memref<!tpu.dma_semaphore, #tpu.memory_space<semaphore_mem>>
        %dma_start3A_97 = tpu.memref_slice %arg4[%add3A_78] : memref<323584xi32, #tpu.memory_space<hbm>> -> memref<64xi32, #tpu.memory_space<hbm>>
        %dma_start3A_98 = tpu.memref_slice %arg4[%add3A_78] : memref<323584xi32, #tpu.memory_space<hbm>> -> memref<64xi32, #tpu.memory_space<hbm>>
        tpu.enqueue_dma source(%dma_start3A_98 : memref<64xi32, #tpu.memory_space<hbm>>) target(%arg12 : memref<64xi32, #tpu.memory_space<vmem>>) target_semaphore(%run_scoped3A : memref<!tpu.dma_semaphore, #tpu.memory_space<semaphore_mem>>)
        %dma_wait3A_99 = tpu.memref_slice %arg4[%add3A_78] : memref<323584xi32, #tpu.memory_space<hbm>> -> memref<64xi32, #tpu.memory_space<hbm>>
        %dma_wait3A_100 = tpu.memref_slice %arg4[%add3A_78] : memref<323584xi32, #tpu.memory_space<hbm>> -> memref<64xi32, #tpu.memory_space<hbm>>
        tpu.wait_dma2 semaphore(%run_scoped3A : memref<!tpu.dma_semaphore, #tpu.memory_space<semaphore_mem>>) src(%dma_wait3A_100 : memref<64xi32, #tpu.memory_space<hbm>>) dst(%arg12 : memref<64xi32, #tpu.memory_space<vmem>>)
        tpu.yield
      }) : () -> ()
      "tpu.region"() ({
        %run_scoped3A = tpu.sem_alloc : memref<!tpu.dma_semaphore, #tpu.memory_space<semaphore_mem>>
        %dma_start3A_97 = arith.constant 0 : i32
        %dma_start3A_98 = tpu.memref_slice %arg5[%add3A_78, %dma_start3A_97] : memref<323584x128xf32, #tpu.memory_space<hbm>> -> memref<64x128xf32, #tpu.memory_space<hbm>>
        %dma_start3A_99 = arith.constant 0 : i32
        %dma_start3A_100 = tpu.memref_slice %arg5[%add3A_78, %dma_start3A_99] : memref<323584x128xf32, #tpu.memory_space<hbm>> -> memref<64x128xf32, #tpu.memory_space<hbm>>
        tpu.enqueue_dma source(%dma_start3A_100 : memref<64x128xf32, #tpu.memory_space<hbm>>) target(%arg13 : memref<64x128xf32, #tpu.memory_space<vmem>>) target_semaphore(%run_scoped3A : memref<!tpu.dma_semaphore, #tpu.memory_space<semaphore_mem>>)
        %dma_wait3A_101 = arith.constant 0 : i32
        %dma_wait3A_102 = tpu.memref_slice %arg5[%add3A_78, %dma_wait3A_101] : memref<323584x128xf32, #tpu.memory_space<hbm>> -> memref<64x128xf32, #tpu.memory_space<hbm>>
        %dma_wait3A_103 = arith.constant 0 : i32
        %dma_wait3A_104 = tpu.memref_slice %arg5[%add3A_78, %dma_wait3A_103] : memref<323584x128xf32, #tpu.memory_space<hbm>> -> memref<64x128xf32, #tpu.memory_space<hbm>>
        tpu.wait_dma2 semaphore(%run_scoped3A : memref<!tpu.dma_semaphore, #tpu.memory_space<semaphore_mem>>) src(%dma_wait3A_104 : memref<64x128xf32, #tpu.memory_space<hbm>>) dst(%arg13 : memref<64x128xf32, #tpu.memory_space<vmem>>)
        tpu.yield
      }) : () -> ()
      %dma_start3A = arith.constant 0 : i32
      %dma_start3A_79 = arith.constant 0 : i32
      %dma_start3A_80 = tpu.memref_slice %arg6[%dma_start3A, %dma_start3A_79] : memref<10000x128xf32, #tpu.memory_space<hbm>> -> memref<10000x128xf32, #tpu.memory_space<hbm>>
      tpu.enqueue_indirect_dma source(%dma_start3A_80 : memref<10000x128xf32, #tpu.memory_space<hbm>>) target(%arg14 : memref<64x128xf32, #tpu.memory_space<vmem>>) offsets(%arg10 : memref<64xi32, #tpu.memory_space<vmem>>) semaphore(%arg19 : memref<!tpu.dma_semaphore, #tpu.memory_space<semaphore_mem>>)
      %dma_start3A_81 = arith.constant 0 : i32
      %dma_start3A_82 = arith.constant 0 : i32
      %dma_start3A_83 = tpu.memref_slice %arg7[%dma_start3A_81, %dma_start3A_82] : memref<10000x136xf32, #tpu.memory_space<hbm>> -> memref<10000x136xf32, #tpu.memory_space<hbm>>
      tpu.enqueue_indirect_dma source(%dma_start3A_83 : memref<10000x136xf32, #tpu.memory_space<hbm>>) target(%arg15 : memref<64x136xf32, #tpu.memory_space<vmem>>) offsets(%arg11 : memref<64xi32, #tpu.memory_space<vmem>>) semaphore(%arg20 : memref<!tpu.dma_semaphore, #tpu.memory_space<semaphore_mem>>)
      %dma_wait3A = arith.constant 0 : i32
      %dma_wait3A_84 = arith.constant 0 : i32
      %dma_wait3A_85 = tpu.memref_slice %arg6[%dma_wait3A, %dma_wait3A_84] : memref<10000x128xf32, #tpu.memory_space<hbm>> -> memref<10000x128xf32, #tpu.memory_space<hbm>>
      tpu.wait_indirect_dma semaphore(%arg19 : memref<!tpu.dma_semaphore, #tpu.memory_space<semaphore_mem>>) src(%dma_wait3A_85 : memref<10000x128xf32, #tpu.memory_space<hbm>>) dst(%arg14 : memref<64x128xf32, #tpu.memory_space<vmem>>)
      %dma_wait3A_86 = arith.constant 0 : i32
      %dma_wait3A_87 = arith.constant 0 : i32
      %dma_wait3A_88 = tpu.memref_slice %arg7[%dma_wait3A_86, %dma_wait3A_87] : memref<10000x136xf32, #tpu.memory_space<hbm>> -> memref<10000x136xf32, #tpu.memory_space<hbm>>
      tpu.wait_indirect_dma semaphore(%arg20 : memref<!tpu.dma_semaphore, #tpu.memory_space<semaphore_mem>>) src(%dma_wait3A_88 : memref<10000x136xf32, #tpu.memory_space<hbm>>) dst(%arg15 : memref<64x136xf32, #tpu.memory_space<vmem>>)
      %scan3A_89 = arith.constant 0 : i32
      %scan3A_90 = arith.constant 0 : i32
      %scan3A_91 = arith.constant 64 : i32
      %scan3A_92 = arith.addi %scan3A_90, %scan3A_91 : i32
      %scan3A_93 = arith.constant 1 : i32
      %scan3A_94 = scf.for %scan3A_97 = %scan3A_90 to %scan3A_92 step %scan3A_93 iter_args(%scan3A_98 = %scan3A_89) -> (i32)  : i32 {
        %broadcast_in_dim3A = arith.constant 0.000000e+00 : f32
        %broadcast_in_dim3A_99 = vector.broadcast %broadcast_in_dim3A : f32 to vector<16xf32>
        %broadcast_in_dim3A_100 = arith.constant 0.000000e+00 : f32
        %broadcast_in_dim3A_101 = vector.broadcast %broadcast_in_dim3A_100 : f32 to vector<16xf32>
        %get3A_102 = arith.index_cast %scan3A_97 : i32 to index
        %get3A_103 = arith.constant 0 : index
        %get3A_104 = tpu.vector_load %arg14[%get3A_102, %get3A_103] {strides = array<i32>} : memref<64x128xf32, #tpu.memory_space<vmem>>, vector<16xf32>,
        %get3A_105 = arith.index_cast %scan3A_97 : i32 to index
        %get3A_106 = arith.constant 0 : index
        %get3A_107 = tpu.vector_load %arg15[%get3A_105, %get3A_106] {strides = array<i32>} : memref<64x136xf32, #tpu.memory_space<vmem>>, vector<16xf32>,
        %add3A_108 = arith.addf %get3A_104, %get3A_107 : vector<16xf32>
        %get3A_109 = arith.index_cast %scan3A_97 : i32 to index
        %get3A_110 = arith.constant 0 : index
        %get3A_111 = tpu.vector_load %arg13[%get3A_109, %get3A_110] {strides = array<i32>} : memref<64x128xf32, #tpu.memory_space<vmem>>, vector<16xf32>,
        %add3A_112 = arith.addf %add3A_108, %get3A_111 : vector<16xf32>
        %gt3A = arith.constant 0.000000e+00 : f32
        %gt3A_113 = vector.broadcast %gt3A : f32 to vector<16xf32>
        %gt3A_114 = arith.cmpf ogt, %add3A_112, %gt3A_113 : vector<16xf32>
        %mul3A_115 = arith.constant 2.000000e-01 : f32
        %mul3A_116 = vector.broadcast %mul3A_115 : f32 to vector<16xf32>
        %mul3A_117 = arith.mulf %mul3A_116, %add3A_112 : vector<16xf32>
        %select_n3A = arith.select %gt3A_114, %add3A_112, %mul3A_117 : vector<16xi1>, vector<16xf32>
        %mul3A_118 = arith.mulf %select_n3A, %get3A_29 : vector<16xf32>
        %add3A_119 = arith.addf %broadcast_in_dim3A_99, %mul3A_118 : vector<16xf32>
        %get3A_120 = arith.index_cast %scan3A_97 : i32 to index
        %get3A_121 = arith.constant 16 : index
        %get3A_122 = tpu.vector_load %arg14[%get3A_120, %get3A_121] {strides = array<i32>} : memref<64x128xf32, #tpu.memory_space<vmem>>, vector<16xf32>,
        %get3A_123 = arith.index_cast %scan3A_97 : i32 to index
        %get3A_124 = arith.constant 16 : index
        %get3A_125 = tpu.vector_load %arg15[%get3A_123, %get3A_124] {strides = array<i32>} : memref<64x136xf32, #tpu.memory_space<vmem>>, vector<16xf32>,
        %add3A_126 = arith.addf %get3A_122, %get3A_125 : vector<16xf32>
        %get3A_127 = arith.index_cast %scan3A_97 : i32 to index
        %get3A_128 = arith.constant 16 : index
        %get3A_129 = tpu.vector_load %arg13[%get3A_127, %get3A_128] {strides = array<i32>} : memref<64x128xf32, #tpu.memory_space<vmem>>, vector<16xf32>,
        %add3A_130 = arith.addf %add3A_126, %get3A_129 : vector<16xf32>
        %gt3A_131 = arith.constant 0.000000e+00 : f32
        %gt3A_132 = vector.broadcast %gt3A_131 : f32 to vector<16xf32>
        %gt3A_133 = arith.cmpf ogt, %add3A_130, %gt3A_132 : vector<16xf32>
        %mul3A_134 = arith.constant 2.000000e-01 : f32
        %mul3A_135 = vector.broadcast %mul3A_134 : f32 to vector<16xf32>
        %mul3A_136 = arith.mulf %mul3A_135, %add3A_130 : vector<16xf32>
        %select_n3A_137 = arith.select %gt3A_133, %add3A_130, %mul3A_136 : vector<16xi1>, vector<16xf32>
        %mul3A_138 = arith.mulf %select_n3A_137, %get3A_31 : vector<16xf32>
        %add3A_139 = arith.addf %add3A_119, %mul3A_138 : vector<16xf32>
        %get3A_140 = arith.index_cast %scan3A_97 : i32 to index
        %get3A_141 = arith.constant 32 : index
        %get3A_142 = tpu.vector_load %arg14[%get3A_140, %get3A_141] {strides = array<i32>} : memref<64x128xf32, #tpu.memory_space<vmem>>, vector<16xf32>,
        %get3A_143 = arith.index_cast %scan3A_97 : i32 to index
        %get3A_144 = arith.constant 32 : index
        %get3A_145 = tpu.vector_load %arg15[%get3A_143, %get3A_144] {strides = array<i32>} : memref<64x136xf32, #tpu.memory_space<vmem>>, vector<16xf32>,
        %add3A_146 = arith.addf %get3A_142, %get3A_145 : vector<16xf32>
        %get3A_147 = arith.index_cast %scan3A_97 : i32 to index
        %get3A_148 = arith.constant 32 : index
        %get3A_149 = tpu.vector_load %arg13[%get3A_147, %get3A_148] {strides = array<i32>} : memref<64x128xf32, #tpu.memory_space<vmem>>, vector<16xf32>,
        %add3A_150 = arith.addf %add3A_146, %get3A_149 : vector<16xf32>
        %gt3A_151 = arith.constant 0.000000e+00 : f32
        %gt3A_152 = vector.broadcast %gt3A_151 : f32 to vector<16xf32>
        %gt3A_153 = arith.cmpf ogt, %add3A_150, %gt3A_152 : vector<16xf32>
        %mul3A_154 = arith.constant 2.000000e-01 : f32
        %mul3A_155 = vector.broadcast %mul3A_154 : f32 to vector<16xf32>
        %mul3A_156 = arith.mulf %mul3A_155, %add3A_150 : vector<16xf32>
        %select_n3A_157 = arith.select %gt3A_153, %add3A_150, %mul3A_156 : vector<16xi1>, vector<16xf32>
        %mul3A_158 = arith.mulf %select_n3A_157, %get3A_33 : vector<16xf32>
        %add3A_159 = arith.addf %add3A_139, %mul3A_158 : vector<16xf32>
        %get3A_160 = arith.index_cast %scan3A_97 : i32 to index
        %get3A_161 = arith.constant 48 : index
        %get3A_162 = tpu.vector_load %arg14[%get3A_160, %get3A_161] {strides = array<i32>} : memref<64x128xf32, #tpu.memory_space<vmem>>, vector<16xf32>,
        %get3A_163 = arith.index_cast %scan3A_97 : i32 to index
        %get3A_164 = arith.constant 48 : index
        %get3A_165 = tpu.vector_load %arg15[%get3A_163, %get3A_164] {strides = array<i32>} : memref<64x136xf32, #tpu.memory_space<vmem>>, vector<16xf32>,
        %add3A_166 = arith.addf %get3A_162, %get3A_165 : vector<16xf32>
        %get3A_167 = arith.index_cast %scan3A_97 : i32 to index
        %get3A_168 = arith.constant 48 : index
        %get3A_169 = tpu.vector_load %arg13[%get3A_167, %get3A_168] {strides = array<i32>} : memref<64x128xf32, #tpu.memory_space<vmem>>, vector<16xf32>,
        %add3A_170 = arith.addf %add3A_166, %get3A_169 : vector<16xf32>
        %gt3A_171 = arith.constant 0.000000e+00 : f32
        %gt3A_172 = vector.broadcast %gt3A_171 : f32 to vector<16xf32>
        %gt3A_173 = arith.cmpf ogt, %add3A_170, %gt3A_172 : vector<16xf32>
        %mul3A_174 = arith.constant 2.000000e-01 : f32
        %mul3A_175 = vector.broadcast %mul3A_174 : f32 to vector<16xf32>
        %mul3A_176 = arith.mulf %mul3A_175, %add3A_170 : vector<16xf32>
        %select_n3A_177 = arith.select %gt3A_173, %add3A_170, %mul3A_176 : vector<16xi1>, vector<16xf32>
        %mul3A_178 = arith.mulf %select_n3A_177, %get3A_35 : vector<16xf32>
        %add3A_179 = arith.addf %add3A_159, %mul3A_178 : vector<16xf32>
        %get3A_180 = arith.index_cast %scan3A_97 : i32 to index
        %get3A_181 = arith.constant 64 : index
        %get3A_182 = tpu.vector_load %arg14[%get3A_180, %get3A_181] {strides = array<i32>} : memref<64x128xf32, #tpu.memory_space<vmem>>, vector<16xf32>,
        %get3A_183 = arith.index_cast %scan3A_97 : i32 to index
        %get3A_184 = arith.constant 64 : index
        %get3A_185 = tpu.vector_load %arg15[%get3A_183, %get3A_184] {strides = array<i32>} : memref<64x136xf32, #tpu.memory_space<vmem>>, vector<16xf32>,
        %add3A_186 = arith.addf %get3A_182, %get3A_185 : vector<16xf32>
        %get3A_187 = arith.index_cast %scan3A_97 : i32 to index
        %get3A_188 = arith.constant 64 : index
        %get3A_189 = tpu.vector_load %arg13[%get3A_187, %get3A_188] {strides = array<i32>} : memref<64x128xf32, #tpu.memory_space<vmem>>, vector<16xf32>,
        %add3A_190 = arith.addf %add3A_186, %get3A_189 : vector<16xf32>
        %gt3A_191 = arith.constant 0.000000e+00 : f32
        %gt3A_192 = vector.broadcast %gt3A_191 : f32 to vector<16xf32>
        %gt3A_193 = arith.cmpf ogt, %add3A_190, %gt3A_192 : vector<16xf32>
        %mul3A_194 = arith.constant 2.000000e-01 : f32
        %mul3A_195 = vector.broadcast %mul3A_194 : f32 to vector<16xf32>
        %mul3A_196 = arith.mulf %mul3A_195, %add3A_190 : vector<16xf32>
        %select_n3A_197 = arith.select %gt3A_193, %add3A_190, %mul3A_196 : vector<16xi1>, vector<16xf32>
        %mul3A_198 = arith.mulf %select_n3A_197, %get3A_37 : vector<16xf32>
        %add3A_199 = arith.addf %broadcast_in_dim3A_101, %mul3A_198 : vector<16xf32>
        %get3A_200 = arith.index_cast %scan3A_97 : i32 to index
        %get3A_201 = arith.constant 80 : index
        %get3A_202 = tpu.vector_load %arg14[%get3A_200, %get3A_201] {strides = array<i32>} : memref<64x128xf32, #tpu.memory_space<vmem>>, vector<16xf32>,
        %get3A_203 = arith.index_cast %scan3A_97 : i32 to index
        %get3A_204 = arith.constant 80 : index
        %get3A_205 = tpu.vector_load %arg15[%get3A_203, %get3A_204] {strides = array<i32>} : memref<64x136xf32, #tpu.memory_space<vmem>>, vector<16xf32>,
        %add3A_206 = arith.addf %get3A_202, %get3A_205 : vector<16xf32>
        %get3A_207 = arith.index_cast %scan3A_97 : i32 to index
        %get3A_208 = arith.constant 80 : index
        %get3A_209 = tpu.vector_load %arg13[%get3A_207, %get3A_208] {strides = array<i32>} : memref<64x128xf32, #tpu.memory_space<vmem>>, vector<16xf32>,
        %add3A_210 = arith.addf %add3A_206, %get3A_209 : vector<16xf32>
        %gt3A_211 = arith.constant 0.000000e+00 : f32
        %gt3A_212 = vector.broadcast %gt3A_211 : f32 to vector<16xf32>
        %gt3A_213 = arith.cmpf ogt, %add3A_210, %gt3A_212 : vector<16xf32>
        %mul3A_214 = arith.constant 2.000000e-01 : f32
        %mul3A_215 = vector.broadcast %mul3A_214 : f32 to vector<16xf32>
        %mul3A_216 = arith.mulf %mul3A_215, %add3A_210 : vector<16xf32>
        %select_n3A_217 = arith.select %gt3A_213, %add3A_210, %mul3A_216 : vector<16xi1>, vector<16xf32>
        %mul3A_218 = arith.mulf %select_n3A_217, %get3A_39 : vector<16xf32>
        %add3A_219 = arith.addf %add3A_199, %mul3A_218 : vector<16xf32>
        %get3A_220 = arith.index_cast %scan3A_97 : i32 to index
        %get3A_221 = arith.constant 96 : index
        %get3A_222 = tpu.vector_load %arg14[%get3A_220, %get3A_221] {strides = array<i32>} : memref<64x128xf32, #tpu.memory_space<vmem>>, vector<16xf32>,
        %get3A_223 = arith.index_cast %scan3A_97 : i32 to index
        %get3A_224 = arith.constant 96 : index
        %get3A_225 = tpu.vector_load %arg15[%get3A_223, %get3A_224] {strides = array<i32>} : memref<64x136xf32, #tpu.memory_space<vmem>>, vector<16xf32>,
        %add3A_226 = arith.addf %get3A_222, %get3A_225 : vector<16xf32>
        %get3A_227 = arith.index_cast %scan3A_97 : i32 to index
        %get3A_228 = arith.constant 96 : index
        %get3A_229 = tpu.vector_load %arg13[%get3A_227, %get3A_228] {strides = array<i32>} : memref<64x128xf32, #tpu.memory_space<vmem>>, vector<16xf32>,
        %add3A_230 = arith.addf %add3A_226, %get3A_229 : vector<16xf32>
        %gt3A_231 = arith.constant 0.000000e+00 : f32
        %gt3A_232 = vector.broadcast %gt3A_231 : f32 to vector<16xf32>
        %gt3A_233 = arith.cmpf ogt, %add3A_230, %gt3A_232 : vector<16xf32>
        %mul3A_234 = arith.constant 2.000000e-01 : f32
        %mul3A_235 = vector.broadcast %mul3A_234 : f32 to vector<16xf32>
        %mul3A_236 = arith.mulf %mul3A_235, %add3A_230 : vector<16xf32>
        %select_n3A_237 = arith.select %gt3A_233, %add3A_230, %mul3A_236 : vector<16xi1>, vector<16xf32>
        %mul3A_238 = arith.mulf %select_n3A_237, %get3A_41 : vector<16xf32>
        %add3A_239 = arith.addf %add3A_219, %mul3A_238 : vector<16xf32>
        %get3A_240 = arith.index_cast %scan3A_97 : i32 to index
        %get3A_241 = arith.constant 112 : index
        %get3A_242 = tpu.vector_load %arg14[%get3A_240, %get3A_241] {strides = array<i32>} : memref<64x128xf32, #tpu.memory_space<vmem>>, vector<16xf32>,
        %get3A_243 = arith.index_cast %scan3A_97 : i32 to index
        %get3A_244 = arith.constant 112 : index
        %get3A_245 = tpu.vector_load %arg15[%get3A_243, %get3A_244] {strides = array<i32>} : memref<64x136xf32, #tpu.memory_space<vmem>>, vector<16xf32>,
        %add3A_246 = arith.addf %get3A_242, %get3A_245 : vector<16xf32>
        %get3A_247 = arith.index_cast %scan3A_97 : i32 to index
        %get3A_248 = arith.constant 112 : index
        %get3A_249 = tpu.vector_load %arg13[%get3A_247, %get3A_248] {strides = array<i32>} : memref<64x128xf32, #tpu.memory_space<vmem>>, vector<16xf32>,
        %add3A_250 = arith.addf %add3A_246, %get3A_249 : vector<16xf32>
        %gt3A_251 = arith.constant 0.000000e+00 : f32
        %gt3A_252 = vector.broadcast %gt3A_251 : f32 to vector<16xf32>
        %gt3A_253 = arith.cmpf ogt, %add3A_250, %gt3A_252 : vector<16xf32>
        %mul3A_254 = arith.constant 2.000000e-01 : f32
        %mul3A_255 = vector.broadcast %mul3A_254 : f32 to vector<16xf32>
        %mul3A_256 = arith.mulf %mul3A_255, %add3A_250 : vector<16xf32>
        %select_n3A_257 = arith.select %gt3A_253, %add3A_250, %mul3A_256 : vector<16xi1>, vector<16xf32>
        %mul3A_258 = arith.mulf %select_n3A_257, %get3A_43 : vector<16xf32>
        %add3A_259 = arith.addf %add3A_239, %mul3A_258 : vector<16xf32>
        %get3A_260 = arith.index_cast %scan3A_97 : i32 to index
        %get3A_261 = arith.constant 120 : index
        %get3A_262 = tpu.vector_load %arg15[%get3A_260, %get3A_261] {strides = array<i32>} : memref<64x136xf32, #tpu.memory_space<vmem>>, vector<16xf32>,
        %reduce_sum3A = arith.constant true
        %reduce_sum3A_263 = vector.broadcast %reduce_sum3A : i1 to vector<16xi1>
        %reduce_sum3A_264 = tpu.scan <sum>, %add3A_179 masked %reduce_sum3A_263 : vector<16xf32>, vector<16xi1> -> vector<16xf32>
        %reduce_sum3A_265 = vector.extract %reduce_sum3A_264[15] : f32 from vector<16xf32>
        %slice3A = vector.extract_strided_slice %get3A_262 {offsets = [8], sizes = [1], strides = [1]} : vector<16xf32> to vector<1xf32>
        %squeeze3A = vector.extract %slice3A[0] : f32 from vector<1xf32>
        %sub3A = arith.subf %reduce_sum3A_265, %squeeze3A : f32
        %reduce_sum3A_266 = arith.constant true
        %reduce_sum3A_267 = vector.broadcast %reduce_sum3A_266 : i1 to vector<16xi1>
        %reduce_sum3A_268 = tpu.scan <sum>, %add3A_259 masked %reduce_sum3A_267 : vector<16xf32>, vector<16xi1> -> vector<16xf32>
        %reduce_sum3A_269 = vector.extract %reduce_sum3A_268[15] : f32 from vector<16xf32>
        %slice3A_270 = vector.extract_strided_slice %get3A_262 {offsets = [9], sizes = [1], strides = [1]} : vector<16xf32> to vector<1xf32>
        %squeeze3A_271 = vector.extract %slice3A_270[0] : f32 from vector<1xf32>
        %sub3A_272 = arith.subf %reduce_sum3A_269, %squeeze3A_271 : f32
        %broadcast_in_dim3A_273 = vector.broadcast %sub3A : f32 to vector<16xf32>
        %exp3A = math.exp %broadcast_in_dim3A_273 : vector<16xf32>
        %broadcast_in_dim3A_274 = vector.broadcast %sub3A_272 : f32 to vector<16xf32>
        %exp3A_275 = math.exp %broadcast_in_dim3A_274 : vector<16xf32>
        %iota3A = tpu.iota {dimensions = array<i32: 0>} : vector<16xi32>
        %eq3A = arith.constant 8 : i32
        %eq3A_276 = vector.broadcast %eq3A : i32 to vector<16xi32>
        %eq3A_277 = arith.cmpi eq, %iota3A, %eq3A_276 : vector<16xi32>
        %eq3A_278 = arith.constant 9 : i32
        %eq3A_279 = vector.broadcast %eq3A_278 : i32 to vector<16xi32>
        %eq3A_280 = arith.cmpi eq, %iota3A, %eq3A_279 : vector<16xi32>
        %broadcast_in_dim3A_281 = arith.constant 0.000000e+00 : f32
        %broadcast_in_dim3A_282 = vector.broadcast %broadcast_in_dim3A_281 : f32 to vector<16xf32>
        %select_n3A_283 = arith.select %eq3A_280, %exp3A_275, %broadcast_in_dim3A_282 : vector<16xi1>, vector<16xf32>
        %select_n3A_284 = arith.select %eq3A_277, %exp3A, %select_n3A_283 : vector<16xi1>, vector<16xf32>
        %swap3A = arith.index_cast %scan3A_97 : i32 to index
        %swap3A_285 = arith.constant 120 : index
        %swap3A_286 = tpu.vector_load %arg16[%swap3A, %swap3A_285] {strides = array<i32>} : memref<64x136xf32, #tpu.memory_space<vmem>>, vector<16xf32>,
        tpu.vector_store %arg16[%swap3A, %swap3A_285], %select_n3A_284 {strides = array<i32>} : memref<64x136xf32, #tpu.memory_space<vmem>>, vector<16xf32>,
        %mul3A_287 = arith.mulf %get3A_104, %exp3A : vector<16xf32>
        %swap3A_288 = arith.index_cast %scan3A_97 : i32 to index
        %swap3A_289 = arith.constant 0 : index
        %swap3A_290 = tpu.vector_load %arg16[%swap3A_288, %swap3A_289] {strides = array<i32>} : memref<64x136xf32, #tpu.memory_space<vmem>>, vector<16xf32>,
        tpu.vector_store %arg16[%swap3A_288, %swap3A_289], %mul3A_287 {strides = array<i32>} : memref<64x136xf32, #tpu.memory_space<vmem>>, vector<16xf32>,
        %mul3A_291 = arith.mulf %get3A_122, %exp3A : vector<16xf32>
        %swap3A_292 = arith.index_cast %scan3A_97 : i32 to index
        %swap3A_293 = arith.constant 16 : index
        %swap3A_294 = tpu.vector_load %arg16[%swap3A_292, %swap3A_293] {strides = array<i32>} : memref<64x136xf32, #tpu.memory_space<vmem>>, vector<16xf32>,
        tpu.vector_store %arg16[%swap3A_292, %swap3A_293], %mul3A_291 {strides = array<i32>} : memref<64x136xf32, #tpu.memory_space<vmem>>, vector<16xf32>,
        %mul3A_295 = arith.mulf %get3A_142, %exp3A : vector<16xf32>
        %swap3A_296 = arith.index_cast %scan3A_97 : i32 to index
        %swap3A_297 = arith.constant 32 : index
        %swap3A_298 = tpu.vector_load %arg16[%swap3A_296, %swap3A_297] {strides = array<i32>} : memref<64x136xf32, #tpu.memory_space<vmem>>, vector<16xf32>,
        tpu.vector_store %arg16[%swap3A_296, %swap3A_297], %mul3A_295 {strides = array<i32>} : memref<64x136xf32, #tpu.memory_space<vmem>>, vector<16xf32>,
        %mul3A_299 = arith.mulf %get3A_162, %exp3A : vector<16xf32>
        %swap3A_300 = arith.index_cast %scan3A_97 : i32 to index
        %swap3A_301 = arith.constant 48 : index
        %swap3A_302 = tpu.vector_load %arg16[%swap3A_300, %swap3A_301] {strides = array<i32>} : memref<64x136xf32, #tpu.memory_space<vmem>>, vector<16xf32>,
        tpu.vector_store %arg16[%swap3A_300, %swap3A_301], %mul3A_299 {strides = array<i32>} : memref<64x136xf32, #tpu.memory_space<vmem>>, vector<16xf32>,
        %mul3A_303 = arith.mulf %get3A_182, %exp3A_275 : vector<16xf32>
        %swap3A_304 = arith.index_cast %scan3A_97 : i32 to index
        %swap3A_305 = arith.constant 64 : index
        %swap3A_306 = tpu.vector_load %arg16[%swap3A_304, %swap3A_305] {strides = array<i32>} : memref<64x136xf32, #tpu.memory_space<vmem>>, vector<16xf32>,
        tpu.vector_store %arg16[%swap3A_304, %swap3A_305], %mul3A_303 {strides = array<i32>} : memref<64x136xf32, #tpu.memory_space<vmem>>, vector<16xf32>,
        %mul3A_307 = arith.mulf %get3A_202, %exp3A_275 : vector<16xf32>
        %swap3A_308 = arith.index_cast %scan3A_97 : i32 to index
        %swap3A_309 = arith.constant 80 : index
        %swap3A_310 = tpu.vector_load %arg16[%swap3A_308, %swap3A_309] {strides = array<i32>} : memref<64x136xf32, #tpu.memory_space<vmem>>, vector<16xf32>,
        tpu.vector_store %arg16[%swap3A_308, %swap3A_309], %mul3A_307 {strides = array<i32>} : memref<64x136xf32, #tpu.memory_space<vmem>>, vector<16xf32>,
        %mul3A_311 = arith.mulf %get3A_222, %exp3A_275 : vector<16xf32>
        %swap3A_312 = arith.index_cast %scan3A_97 : i32 to index
        %swap3A_313 = arith.constant 96 : index
        %swap3A_314 = tpu.vector_load %arg16[%swap3A_312, %swap3A_313] {strides = array<i32>} : memref<64x136xf32, #tpu.memory_space<vmem>>, vector<16xf32>,
        tpu.vector_store %arg16[%swap3A_312, %swap3A_313], %mul3A_311 {strides = array<i32>} : memref<64x136xf32, #tpu.memory_space<vmem>>, vector<16xf32>,
        %mul3A_315 = arith.mulf %get3A_242, %exp3A_275 : vector<16xf32>
        %swap3A_316 = arith.index_cast %scan3A_97 : i32 to index
        %swap3A_317 = arith.constant 112 : index
        %swap3A_318 = tpu.vector_load %arg16[%swap3A_316, %swap3A_317] {strides = array<i32>} : memref<64x136xf32, #tpu.memory_space<vmem>>, vector<16xf32>,
        tpu.vector_store %arg16[%swap3A_316, %swap3A_317], %mul3A_315 {strides = array<i32>} : memref<64x136xf32, #tpu.memory_space<vmem>>, vector<16xf32>,
        %scan3A_319 = arith.constant 0 : i32
        scf.yield %scan3A_319 : i32
      }
      %scan3A_95 = arith.constant 64 : i32
      "tpu.region"() ({
        %run_scoped3A = tpu.sem_alloc : memref<!tpu.dma_semaphore, #tpu.memory_space<semaphore_mem>>
        %dma_start3A_97 = arith.constant 0 : i32
        %dma_start3A_98 = arith.constant 0 : i32
        %dma_start3A_99 = tpu.memref_slice %arg18[%dma_start3A_97, %dma_start3A_98] : memref<10240x136xf32, #tpu.memory_space<vmem_shared>> -> memref<10240x136xf32, #tpu.memory_space<vmem_shared>>
        tpu.enqueue_indirect_dma source(%arg16 : memref<64x136xf32, #tpu.memory_space<vmem>>) target(%dma_start3A_99 : memref<10240x136xf32, #tpu.memory_space<vmem_shared>>) offsets(%arg12 : memref<64xi32, #tpu.memory_space<vmem>>) semaphore(%run_scoped3A : memref<!tpu.dma_semaphore, #tpu.memory_space<semaphore_mem>>) {add = true}
        %dma_wait3A_100 = arith.constant 0 : i32
        %dma_wait3A_101 = arith.constant 0 : i32
        %dma_wait3A_102 = tpu.memref_slice %arg18[%dma_wait3A_100, %dma_wait3A_101] : memref<10240x136xf32, #tpu.memory_space<vmem_shared>> -> memref<10240x136xf32, #tpu.memory_space<vmem_shared>>
        tpu.wait_indirect_dma semaphore(%run_scoped3A : memref<!tpu.dma_semaphore, #tpu.memory_space<semaphore_mem>>) src(%arg16 : memref<64x136xf32, #tpu.memory_space<vmem>>) dst(%dma_wait3A_102 : memref<10240x136xf32, #tpu.memory_space<vmem_shared>>)
        tpu.yield
      }) : () -> ()
      %scan3A_96 = arith.constant 0 : i32
      scf.yield %scan3A_96 : i32
    }
    %scan3A_52 = arith.constant 158 : i32
    %barrier3A_53 = arith.constant 0 : index
    tpu.barrier barrier_id(%barrier3A_53)
    %add3A_54 = arith.constant 0 : i32
    %add3A_55 = arith.addi %mul3A_8, %add3A_54 : i32
    "tpu.region"() ({
      %run_scoped3A = tpu.sem_alloc : memref<!tpu.dma_semaphore, #tpu.memory_space<semaphore_mem>>
      %dma_start3A = arith.constant 0 : i32
      %dma_start3A_74 = tpu.memref_slice %arg18[%add3A_55, %dma_start3A] : memref<10240x136xf32, #tpu.memory_space<vmem_shared>> -> memref<64x136xf32, #tpu.memory_space<vmem_shared>>
      %dma_start3A_75 = arith.constant 0 : i32
      %dma_start3A_76 = tpu.memref_slice %arg18[%add3A_55, %dma_start3A_75] : memref<10240x136xf32, #tpu.memory_space<vmem_shared>> -> memref<64x136xf32, #tpu.memory_space<vmem_shared>>
      tpu.enqueue_dma source(%dma_start3A_76 : memref<64x136xf32, #tpu.memory_space<vmem_shared>>) target(%arg16 : memref<64x136xf32, #tpu.memory_space<vmem>>) target_semaphore(%run_scoped3A : memref<!tpu.dma_semaphore, #tpu.memory_space<semaphore_mem>>)
      %dma_wait3A = arith.constant 0 : i32
      %dma_wait3A_77 = tpu.memref_slice %arg18[%add3A_55, %dma_wait3A] : memref<10240x136xf32, #tpu.memory_space<vmem_shared>> -> memref<64x136xf32, #tpu.memory_space<vmem_shared>>
      %dma_wait3A_78 = arith.constant 0 : i32
      %dma_wait3A_79 = tpu.memref_slice %arg18[%add3A_55, %dma_wait3A_78] : memref<10240x136xf32, #tpu.memory_space<vmem_shared>> -> memref<64x136xf32, #tpu.memory_space<vmem_shared>>
      tpu.wait_dma2 semaphore(%run_scoped3A : memref<!tpu.dma_semaphore, #tpu.memory_space<semaphore_mem>>) src(%dma_wait3A_79 : memref<64x136xf32, #tpu.memory_space<vmem_shared>>) dst(%arg16 : memref<64x136xf32, #tpu.memory_space<vmem>>)
      tpu.yield
    }) : () -> ()
    "tpu.region"() ({
      %run_scoped3A = tpu.sem_alloc : memref<!tpu.dma_semaphore, #tpu.memory_space<semaphore_mem>>
      %dma_start3A = arith.constant 0 : i32
      %dma_start3A_74 = tpu.memref_slice %arg9[%arg0, %add3A_55, %dma_start3A] : memref<2x10240x136xf32, #tpu.memory_space<hbm>> -> memref<1x64x136xf32, #tpu.memory_space<hbm>>
      %dma_start3A_75 = tpu.memref_squeeze %dma_start3A_74 : memref<1x64x136xf32, #tpu.memory_space<hbm>> -> memref<64x136xf32, #tpu.memory_space<hbm>>
      %dma_start3A_76 = arith.constant 0 : i32
      %dma_start3A_77 = tpu.memref_slice %arg9[%arg0, %add3A_55, %dma_start3A_76] : memref<2x10240x136xf32, #tpu.memory_space<hbm>> -> memref<1x64x136xf32, #tpu.memory_space<hbm>>
      %dma_start3A_78 = tpu.memref_squeeze %dma_start3A_77 : memref<1x64x136xf32, #tpu.memory_space<hbm>> -> memref<64x136xf32, #tpu.memory_space<hbm>>
      tpu.enqueue_dma source(%arg16 : memref<64x136xf32, #tpu.memory_space<vmem>>) target(%dma_start3A_78 : memref<64x136xf32, #tpu.memory_space<hbm>>) target_semaphore(%run_scoped3A : memref<!tpu.dma_semaphore, #tpu.memory_space<semaphore_mem>>)
      %dma_wait3A = arith.constant 0 : i32
      %dma_wait3A_79 = tpu.memref_slice %arg9[%arg0, %add3A_55, %dma_wait3A] : memref<2x10240x136xf32, #tpu.memory_space<hbm>> -> memref<1x64x136xf32, #tpu.memory_space<hbm>>
      %dma_wait3A_80 = tpu.memref_squeeze %dma_wait3A_79 : memref<1x64x136xf32, #tpu.memory_space<hbm>> -> memref<64x136xf32, #tpu.memory_space<hbm>>
      %dma_wait3A_81 = arith.constant 0 : i32
      %dma_wait3A_82 = tpu.memref_slice %arg9[%arg0, %add3A_55, %dma_wait3A_81] : memref<2x10240x136xf32, #tpu.memory_space<hbm>> -> memref<1x64x136xf32, #tpu.memory_space<hbm>>
      %dma_wait3A_83 = tpu.memref_squeeze %dma_wait3A_82 : memref<1x64x136xf32, #tpu.memory_space<hbm>> -> memref<64x136xf32, #tpu.memory_space<hbm>>
      tpu.wait_dma2 semaphore(%run_scoped3A : memref<!tpu.dma_semaphore, #tpu.memory_space<semaphore_mem>>) src(%arg16 : memref<64x136xf32, #tpu.memory_space<vmem>>) dst(%dma_wait3A_83 : memref<64x136xf32, #tpu.memory_space<hbm>>)
      tpu.yield
    }) : () -> ()
    %add3A_56 = arith.constant 64 : i32
    %add3A_57 = arith.addi %mul3A_8, %add3A_56 : i32
    "tpu.region"() ({
      %run_scoped3A = tpu.sem_alloc : memref<!tpu.dma_semaphore, #tpu.memory_space<semaphore_mem>>
      %dma_start3A = arith.constant 0 : i32
      %dma_start3A_74 = tpu.memref_slice %arg18[%add3A_57, %dma_start3A] : memref<10240x136xf32, #tpu.memory_space<vmem_shared>> -> memref<64x136xf32, #tpu.memory_space<vmem_shared>>
      %dma_start3A_75 = arith.constant 0 : i32
      %dma_start3A_76 = tpu.memref_slice %arg18[%add3A_57, %dma_start3A_75] : memref<10240x136xf32, #tpu.memory_space<vmem_shared>> -> memref<64x136xf32, #tpu.memory_space<vmem_shared>>
      tpu.enqueue_dma source(%dma_start3A_76 : memref<64x136xf32, #tpu.memory_space<vmem_shared>>) target(%arg16 : memref<64x136xf32, #tpu.memory_space<vmem>>) target_semaphore(%run_scoped3A : memref<!tpu.dma_semaphore, #tpu.memory_space<semaphore_mem>>)
      %dma_wait3A = arith.constant 0 : i32
      %dma_wait3A_77 = tpu.memref_slice %arg18[%add3A_57, %dma_wait3A] : memref<10240x136xf32, #tpu.memory_space<vmem_shared>> -> memref<64x136xf32, #tpu.memory_space<vmem_shared>>
      %dma_wait3A_78 = arith.constant 0 : i32
      %dma_wait3A_79 = tpu.memref_slice %arg18[%add3A_57, %dma_wait3A_78] : memref<10240x136xf32, #tpu.memory_space<vmem_shared>> -> memref<64x136xf32, #tpu.memory_space<vmem_shared>>
      tpu.wait_dma2 semaphore(%run_scoped3A : memref<!tpu.dma_semaphore, #tpu.memory_space<semaphore_mem>>) src(%dma_wait3A_79 : memref<64x136xf32, #tpu.memory_space<vmem_shared>>) dst(%arg16 : memref<64x136xf32, #tpu.memory_space<vmem>>)
      tpu.yield
    }) : () -> ()
    "tpu.region"() ({
      %run_scoped3A = tpu.sem_alloc : memref<!tpu.dma_semaphore, #tpu.memory_space<semaphore_mem>>
      %dma_start3A = arith.constant 0 : i32
      %dma_start3A_74 = tpu.memref_slice %arg9[%arg0, %add3A_57, %dma_start3A] : memref<2x10240x136xf32, #tpu.memory_space<hbm>> -> memref<1x64x136xf32, #tpu.memory_space<hbm>>
      %dma_start3A_75 = tpu.memref_squeeze %dma_start3A_74 : memref<1x64x136xf32, #tpu.memory_space<hbm>> -> memref<64x136xf32, #tpu.memory_space<hbm>>
      %dma_start3A_76 = arith.constant 0 : i32
      %dma_start3A_77 = tpu.memref_slice %arg9[%arg0, %add3A_57, %dma_start3A_76] : memref<2x10240x136xf32, #tpu.memory_space<hbm>> -> memref<1x64x136xf32, #tpu.memory_space<hbm>>
      %dma_start3A_78 = tpu.memref_squeeze %dma_start3A_77 : memref<1x64x136xf32, #tpu.memory_space<hbm>> -> memref<64x136xf32, #tpu.memory_space<hbm>>
      tpu.enqueue_dma source(%arg16 : memref<64x136xf32, #tpu.memory_space<vmem>>) target(%dma_start3A_78 : memref<64x136xf32, #tpu.memory_space<hbm>>) target_semaphore(%run_scoped3A : memref<!tpu.dma_semaphore, #tpu.memory_space<semaphore_mem>>)
      %dma_wait3A = arith.constant 0 : i32
      %dma_wait3A_79 = tpu.memref_slice %arg9[%arg0, %add3A_57, %dma_wait3A] : memref<2x10240x136xf32, #tpu.memory_space<hbm>> -> memref<1x64x136xf32, #tpu.memory_space<hbm>>
      %dma_wait3A_80 = tpu.memref_squeeze %dma_wait3A_79 : memref<1x64x136xf32, #tpu.memory_space<hbm>> -> memref<64x136xf32, #tpu.memory_space<hbm>>
      %dma_wait3A_81 = arith.constant 0 : i32
      %dma_wait3A_82 = tpu.memref_slice %arg9[%arg0, %add3A_57, %dma_wait3A_81] : memref<2x10240x136xf32, #tpu.memory_space<hbm>> -> memref<1x64x136xf32, #tpu.memory_space<hbm>>
      %dma_wait3A_83 = tpu.memref_squeeze %dma_wait3A_82 : memref<1x64x136xf32, #tpu.memory_space<hbm>> -> memref<64x136xf32, #tpu.memory_space<hbm>>
      tpu.wait_dma2 semaphore(%run_scoped3A : memref<!tpu.dma_semaphore, #tpu.memory_space<semaphore_mem>>) src(%arg16 : memref<64x136xf32, #tpu.memory_space<vmem>>) dst(%dma_wait3A_83 : memref<64x136xf32, #tpu.memory_space<hbm>>)
      tpu.yield
    }) : () -> ()
    %add3A_58 = arith.constant 128 : i32
    %add3A_59 = arith.addi %mul3A_8, %add3A_58 : i32
    "tpu.region"() ({
      %run_scoped3A = tpu.sem_alloc : memref<!tpu.dma_semaphore, #tpu.memory_space<semaphore_mem>>
      %dma_start3A = arith.constant 0 : i32
      %dma_start3A_74 = tpu.memref_slice %arg18[%add3A_59, %dma_start3A] : memref<10240x136xf32, #tpu.memory_space<vmem_shared>> -> memref<64x136xf32, #tpu.memory_space<vmem_shared>>
      %dma_start3A_75 = arith.constant 0 : i32
      %dma_start3A_76 = tpu.memref_slice %arg18[%add3A_59, %dma_start3A_75] : memref<10240x136xf32, #tpu.memory_space<vmem_shared>> -> memref<64x136xf32, #tpu.memory_space<vmem_shared>>
      tpu.enqueue_dma source(%dma_start3A_76 : memref<64x136xf32, #tpu.memory_space<vmem_shared>>) target(%arg16 : memref<64x136xf32, #tpu.memory_space<vmem>>) target_semaphore(%run_scoped3A : memref<!tpu.dma_semaphore, #tpu.memory_space<semaphore_mem>>)
      %dma_wait3A = arith.constant 0 : i32
      %dma_wait3A_77 = tpu.memref_slice %arg18[%add3A_59, %dma_wait3A] : memref<10240x136xf32, #tpu.memory_space<vmem_shared>> -> memref<64x136xf32, #tpu.memory_space<vmem_shared>>
      %dma_wait3A_78 = arith.constant 0 : i32
      %dma_wait3A_79 = tpu.memref_slice %arg18[%add3A_59, %dma_wait3A_78] : memref<10240x136xf32, #tpu.memory_space<vmem_shared>> -> memref<64x136xf32, #tpu.memory_space<vmem_shared>>
      tpu.wait_dma2 semaphore(%run_scoped3A : memref<!tpu.dma_semaphore, #tpu.memory_space<semaphore_mem>>) src(%dma_wait3A_79 : memref<64x136xf32, #tpu.memory_space<vmem_shared>>) dst(%arg16 : memref<64x136xf32, #tpu.memory_space<vmem>>)
      tpu.yield
    }) : () -> ()
    "tpu.region"() ({
      %run_scoped3A = tpu.sem_alloc : memref<!tpu.dma_semaphore, #tpu.memory_space<semaphore_mem>>
      %dma_start3A = arith.constant 0 : i32
      %dma_start3A_74 = tpu.memref_slice %arg9[%arg0, %add3A_59, %dma_start3A] : memref<2x10240x136xf32, #tpu.memory_space<hbm>> -> memref<1x64x136xf32, #tpu.memory_space<hbm>>
      %dma_start3A_75 = tpu.memref_squeeze %dma_start3A_74 : memref<1x64x136xf32, #tpu.memory_space<hbm>> -> memref<64x136xf32, #tpu.memory_space<hbm>>
      %dma_start3A_76 = arith.constant 0 : i32
      %dma_start3A_77 = tpu.memref_slice %arg9[%arg0, %add3A_59, %dma_start3A_76] : memref<2x10240x136xf32, #tpu.memory_space<hbm>> -> memref<1x64x136xf32, #tpu.memory_space<hbm>>
      %dma_start3A_78 = tpu.memref_squeeze %dma_start3A_77 : memref<1x64x136xf32, #tpu.memory_space<hbm>> -> memref<64x136xf32, #tpu.memory_space<hbm>>
      tpu.enqueue_dma source(%arg16 : memref<64x136xf32, #tpu.memory_space<vmem>>) target(%dma_start3A_78 : memref<64x136xf32, #tpu.memory_space<hbm>>) target_semaphore(%run_scoped3A : memref<!tpu.dma_semaphore, #tpu.memory_space<semaphore_mem>>)
      %dma_wait3A = arith.constant 0 : i32
      %dma_wait3A_79 = tpu.memref_slice %arg9[%arg0, %add3A_59, %dma_wait3A] : memref<2x10240x136xf32, #tpu.memory_space<hbm>> -> memref<1x64x136xf32, #tpu.memory_space<hbm>>
      %dma_wait3A_80 = tpu.memref_squeeze %dma_wait3A_79 : memref<1x64x136xf32, #tpu.memory_space<hbm>> -> memref<64x136xf32, #tpu.memory_space<hbm>>
      %dma_wait3A_81 = arith.constant 0 : i32
      %dma_wait3A_82 = tpu.memref_slice %arg9[%arg0, %add3A_59, %dma_wait3A_81] : memref<2x10240x136xf32, #tpu.memory_space<hbm>> -> memref<1x64x136xf32, #tpu.memory_space<hbm>>
      %dma_wait3A_83 = tpu.memref_squeeze %dma_wait3A_82 : memref<1x64x136xf32, #tpu.memory_space<hbm>> -> memref<64x136xf32, #tpu.memory_space<hbm>>
      tpu.wait_dma2 semaphore(%run_scoped3A : memref<!tpu.dma_semaphore, #tpu.memory_space<semaphore_mem>>) src(%arg16 : memref<64x136xf32, #tpu.memory_space<vmem>>) dst(%dma_wait3A_83 : memref<64x136xf32, #tpu.memory_space<hbm>>)
      tpu.yield
    }) : () -> ()
    %add3A_60 = arith.constant 192 : i32
    %add3A_61 = arith.addi %mul3A_8, %add3A_60 : i32
    "tpu.region"() ({
      %run_scoped3A = tpu.sem_alloc : memref<!tpu.dma_semaphore, #tpu.memory_space<semaphore_mem>>
      %dma_start3A = arith.constant 0 : i32
      %dma_start3A_74 = tpu.memref_slice %arg18[%add3A_61, %dma_start3A] : memref<10240x136xf32, #tpu.memory_space<vmem_shared>> -> memref<64x136xf32, #tpu.memory_space<vmem_shared>>
      %dma_start3A_75 = arith.constant 0 : i32
      %dma_start3A_76 = tpu.memref_slice %arg18[%add3A_61, %dma_start3A_75] : memref<10240x136xf32, #tpu.memory_space<vmem_shared>> -> memref<64x136xf32, #tpu.memory_space<vmem_shared>>
      tpu.enqueue_dma source(%dma_start3A_76 : memref<64x136xf32, #tpu.memory_space<vmem_shared>>) target(%arg16 : memref<64x136xf32, #tpu.memory_space<vmem>>) target_semaphore(%run_scoped3A : memref<!tpu.dma_semaphore, #tpu.memory_space<semaphore_mem>>)
      %dma_wait3A = arith.constant 0 : i32
      %dma_wait3A_77 = tpu.memref_slice %arg18[%add3A_61, %dma_wait3A] : memref<10240x136xf32, #tpu.memory_space<vmem_shared>> -> memref<64x136xf32, #tpu.memory_space<vmem_shared>>
      %dma_wait3A_78 = arith.constant 0 : i32
      %dma_wait3A_79 = tpu.memref_slice %arg18[%add3A_61, %dma_wait3A_78] : memref<10240x136xf32, #tpu.memory_space<vmem_shared>> -> memref<64x136xf32, #tpu.memory_space<vmem_shared>>
      tpu.wait_dma2 semaphore(%run_scoped3A : memref<!tpu.dma_semaphore, #tpu.memory_space<semaphore_mem>>) src(%dma_wait3A_79 : memref<64x136xf32, #tpu.memory_space<vmem_shared>>) dst(%arg16 : memref<64x136xf32, #tpu.memory_space<vmem>>)
      tpu.yield
    }) : () -> ()
    "tpu.region"() ({
      %run_scoped3A = tpu.sem_alloc : memref<!tpu.dma_semaphore, #tpu.memory_space<semaphore_mem>>
      %dma_start3A = arith.constant 0 : i32
      %dma_start3A_74 = tpu.memref_slice %arg9[%arg0, %add3A_61, %dma_start3A] : memref<2x10240x136xf32, #tpu.memory_space<hbm>> -> memref<1x64x136xf32, #tpu.memory_space<hbm>>
      %dma_start3A_75 = tpu.memref_squeeze %dma_start3A_74 : memref<1x64x136xf32, #tpu.memory_space<hbm>> -> memref<64x136xf32, #tpu.memory_space<hbm>>
      %dma_start3A_76 = arith.constant 0 : i32
      %dma_start3A_77 = tpu.memref_slice %arg9[%arg0, %add3A_61, %dma_start3A_76] : memref<2x10240x136xf32, #tpu.memory_space<hbm>> -> memref<1x64x136xf32, #tpu.memory_space<hbm>>
      %dma_start3A_78 = tpu.memref_squeeze %dma_start3A_77 : memref<1x64x136xf32, #tpu.memory_space<hbm>> -> memref<64x136xf32, #tpu.memory_space<hbm>>
      tpu.enqueue_dma source(%arg16 : memref<64x136xf32, #tpu.memory_space<vmem>>) target(%dma_start3A_78 : memref<64x136xf32, #tpu.memory_space<hbm>>) target_semaphore(%run_scoped3A : memref<!tpu.dma_semaphore, #tpu.memory_space<semaphore_mem>>)
      %dma_wait3A = arith.constant 0 : i32
      %dma_wait3A_79 = tpu.memref_slice %arg9[%arg0, %add3A_61, %dma_wait3A] : memref<2x10240x136xf32, #tpu.memory_space<hbm>> -> memref<1x64x136xf32, #tpu.memory_space<hbm>>
      %dma_wait3A_80 = tpu.memref_squeeze %dma_wait3A_79 : memref<1x64x136xf32, #tpu.memory_space<hbm>> -> memref<64x136xf32, #tpu.memory_space<hbm>>
      %dma_wait3A_81 = arith.constant 0 : i32
      %dma_wait3A_82 = tpu.memref_slice %arg9[%arg0, %add3A_61, %dma_wait3A_81] : memref<2x10240x136xf32, #tpu.memory_space<hbm>> -> memref<1x64x136xf32, #tpu.memory_space<hbm>>
      %dma_wait3A_83 = tpu.memref_squeeze %dma_wait3A_82 : memref<1x64x136xf32, #tpu.memory_space<hbm>> -> memref<64x136xf32, #tpu.memory_space<hbm>>
      tpu.wait_dma2 semaphore(%run_scoped3A : memref<!tpu.dma_semaphore, #tpu.memory_space<semaphore_mem>>) src(%arg16 : memref<64x136xf32, #tpu.memory_space<vmem>>) dst(%dma_wait3A_83 : memref<64x136xf32, #tpu.memory_space<hbm>>)
      tpu.yield
    }) : () -> ()
    %add3A_62 = arith.constant 256 : i32
    %add3A_63 = arith.addi %mul3A_8, %add3A_62 : i32
    "tpu.region"() ({
      %run_scoped3A = tpu.sem_alloc : memref<!tpu.dma_semaphore, #tpu.memory_space<semaphore_mem>>
      %dma_start3A = arith.constant 0 : i32
      %dma_start3A_74 = tpu.memref_slice %arg18[%add3A_63, %dma_start3A] : memref<10240x136xf32, #tpu.memory_space<vmem_shared>> -> memref<64x136xf32, #tpu.memory_space<vmem_shared>>
      %dma_start3A_75 = arith.constant 0 : i32
      %dma_start3A_76 = tpu.memref_slice %arg18[%add3A_63, %dma_start3A_75] : memref<10240x136xf32, #tpu.memory_space<vmem_shared>> -> memref<64x136xf32, #tpu.memory_space<vmem_shared>>
      tpu.enqueue_dma source(%dma_start3A_76 : memref<64x136xf32, #tpu.memory_space<vmem_shared>>) target(%arg16 : memref<64x136xf32, #tpu.memory_space<vmem>>) target_semaphore(%run_scoped3A : memref<!tpu.dma_semaphore, #tpu.memory_space<semaphore_mem>>)
      %dma_wait3A = arith.constant 0 : i32
      %dma_wait3A_77 = tpu.memref_slice %arg18[%add3A_63, %dma_wait3A] : memref<10240x136xf32, #tpu.memory_space<vmem_shared>> -> memref<64x136xf32, #tpu.memory_space<vmem_shared>>
      %dma_wait3A_78 = arith.constant 0 : i32
      %dma_wait3A_79 = tpu.memref_slice %arg18[%add3A_63, %dma_wait3A_78] : memref<10240x136xf32, #tpu.memory_space<vmem_shared>> -> memref<64x136xf32, #tpu.memory_space<vmem_shared>>
      tpu.wait_dma2 semaphore(%run_scoped3A : memref<!tpu.dma_semaphore, #tpu.memory_space<semaphore_mem>>) src(%dma_wait3A_79 : memref<64x136xf32, #tpu.memory_space<vmem_shared>>) dst(%arg16 : memref<64x136xf32, #tpu.memory_space<vmem>>)
      tpu.yield
    }) : () -> ()
    "tpu.region"() ({
      %run_scoped3A = tpu.sem_alloc : memref<!tpu.dma_semaphore, #tpu.memory_space<semaphore_mem>>
      %dma_start3A = arith.constant 0 : i32
      %dma_start3A_74 = tpu.memref_slice %arg9[%arg0, %add3A_63, %dma_start3A] : memref<2x10240x136xf32, #tpu.memory_space<hbm>> -> memref<1x64x136xf32, #tpu.memory_space<hbm>>
      %dma_start3A_75 = tpu.memref_squeeze %dma_start3A_74 : memref<1x64x136xf32, #tpu.memory_space<hbm>> -> memref<64x136xf32, #tpu.memory_space<hbm>>
      %dma_start3A_76 = arith.constant 0 : i32
      %dma_start3A_77 = tpu.memref_slice %arg9[%arg0, %add3A_63, %dma_start3A_76] : memref<2x10240x136xf32, #tpu.memory_space<hbm>> -> memref<1x64x136xf32, #tpu.memory_space<hbm>>
      %dma_start3A_78 = tpu.memref_squeeze %dma_start3A_77 : memref<1x64x136xf32, #tpu.memory_space<hbm>> -> memref<64x136xf32, #tpu.memory_space<hbm>>
      tpu.enqueue_dma source(%arg16 : memref<64x136xf32, #tpu.memory_space<vmem>>) target(%dma_start3A_78 : memref<64x136xf32, #tpu.memory_space<hbm>>) target_semaphore(%run_scoped3A : memref<!tpu.dma_semaphore, #tpu.memory_space<semaphore_mem>>)
      %dma_wait3A = arith.constant 0 : i32
      %dma_wait3A_79 = tpu.memref_slice %arg9[%arg0, %add3A_63, %dma_wait3A] : memref<2x10240x136xf32, #tpu.memory_space<hbm>> -> memref<1x64x136xf32, #tpu.memory_space<hbm>>
      %dma_wait3A_80 = tpu.memref_squeeze %dma_wait3A_79 : memref<1x64x136xf32, #tpu.memory_space<hbm>> -> memref<64x136xf32, #tpu.memory_space<hbm>>
      %dma_wait3A_81 = arith.constant 0 : i32
      %dma_wait3A_82 = tpu.memref_slice %arg9[%arg0, %add3A_63, %dma_wait3A_81] : memref<2x10240x136xf32, #tpu.memory_space<hbm>> -> memref<1x64x136xf32, #tpu.memory_space<hbm>>
      %dma_wait3A_83 = tpu.memref_squeeze %dma_wait3A_82 : memref<1x64x136xf32, #tpu.memory_space<hbm>> -> memref<64x136xf32, #tpu.memory_space<hbm>>
      tpu.wait_dma2 semaphore(%run_scoped3A : memref<!tpu.dma_semaphore, #tpu.memory_space<semaphore_mem>>) src(%arg16 : memref<64x136xf32, #tpu.memory_space<vmem>>) dst(%dma_wait3A_83 : memref<64x136xf32, #tpu.memory_space<hbm>>)
      tpu.yield
    }) : () -> ()
    %add3A_64 = arith.constant 320 : i32
    %add3A_65 = arith.addi %mul3A_8, %add3A_64 : i32
    "tpu.region"() ({
      %run_scoped3A = tpu.sem_alloc : memref<!tpu.dma_semaphore, #tpu.memory_space<semaphore_mem>>
      %dma_start3A = arith.constant 0 : i32
      %dma_start3A_74 = tpu.memref_slice %arg18[%add3A_65, %dma_start3A] : memref<10240x136xf32, #tpu.memory_space<vmem_shared>> -> memref<64x136xf32, #tpu.memory_space<vmem_shared>>
      %dma_start3A_75 = arith.constant 0 : i32
      %dma_start3A_76 = tpu.memref_slice %arg18[%add3A_65, %dma_start3A_75] : memref<10240x136xf32, #tpu.memory_space<vmem_shared>> -> memref<64x136xf32, #tpu.memory_space<vmem_shared>>
      tpu.enqueue_dma source(%dma_start3A_76 : memref<64x136xf32, #tpu.memory_space<vmem_shared>>) target(%arg16 : memref<64x136xf32, #tpu.memory_space<vmem>>) target_semaphore(%run_scoped3A : memref<!tpu.dma_semaphore, #tpu.memory_space<semaphore_mem>>)
      %dma_wait3A = arith.constant 0 : i32
      %dma_wait3A_77 = tpu.memref_slice %arg18[%add3A_65, %dma_wait3A] : memref<10240x136xf32, #tpu.memory_space<vmem_shared>> -> memref<64x136xf32, #tpu.memory_space<vmem_shared>>
      %dma_wait3A_78 = arith.constant 0 : i32
      %dma_wait3A_79 = tpu.memref_slice %arg18[%add3A_65, %dma_wait3A_78] : memref<10240x136xf32, #tpu.memory_space<vmem_shared>> -> memref<64x136xf32, #tpu.memory_space<vmem_shared>>
      tpu.wait_dma2 semaphore(%run_scoped3A : memref<!tpu.dma_semaphore, #tpu.memory_space<semaphore_mem>>) src(%dma_wait3A_79 : memref<64x136xf32, #tpu.memory_space<vmem_shared>>) dst(%arg16 : memref<64x136xf32, #tpu.memory_space<vmem>>)
      tpu.yield
    }) : () -> ()
    "tpu.region"() ({
      %run_scoped3A = tpu.sem_alloc : memref<!tpu.dma_semaphore, #tpu.memory_space<semaphore_mem>>
      %dma_start3A = arith.constant 0 : i32
      %dma_start3A_74 = tpu.memref_slice %arg9[%arg0, %add3A_65, %dma_start3A] : memref<2x10240x136xf32, #tpu.memory_space<hbm>> -> memref<1x64x136xf32, #tpu.memory_space<hbm>>
      %dma_start3A_75 = tpu.memref_squeeze %dma_start3A_74 : memref<1x64x136xf32, #tpu.memory_space<hbm>> -> memref<64x136xf32, #tpu.memory_space<hbm>>
      %dma_start3A_76 = arith.constant 0 : i32
      %dma_start3A_77 = tpu.memref_slice %arg9[%arg0, %add3A_65, %dma_start3A_76] : memref<2x10240x136xf32, #tpu.memory_space<hbm>> -> memref<1x64x136xf32, #tpu.memory_space<hbm>>
      %dma_start3A_78 = tpu.memref_squeeze %dma_start3A_77 : memref<1x64x136xf32, #tpu.memory_space<hbm>> -> memref<64x136xf32, #tpu.memory_space<hbm>>
      tpu.enqueue_dma source(%arg16 : memref<64x136xf32, #tpu.memory_space<vmem>>) target(%dma_start3A_78 : memref<64x136xf32, #tpu.memory_space<hbm>>) target_semaphore(%run_scoped3A : memref<!tpu.dma_semaphore, #tpu.memory_space<semaphore_mem>>)
      %dma_wait3A = arith.constant 0 : i32
      %dma_wait3A_79 = tpu.memref_slice %arg9[%arg0, %add3A_65, %dma_wait3A] : memref<2x10240x136xf32, #tpu.memory_space<hbm>> -> memref<1x64x136xf32, #tpu.memory_space<hbm>>
      %dma_wait3A_80 = tpu.memref_squeeze %dma_wait3A_79 : memref<1x64x136xf32, #tpu.memory_space<hbm>> -> memref<64x136xf32, #tpu.memory_space<hbm>>
      %dma_wait3A_81 = arith.constant 0 : i32
      %dma_wait3A_82 = tpu.memref_slice %arg9[%arg0, %add3A_65, %dma_wait3A_81] : memref<2x10240x136xf32, #tpu.memory_space<hbm>> -> memref<1x64x136xf32, #tpu.memory_space<hbm>>
      %dma_wait3A_83 = tpu.memref_squeeze %dma_wait3A_82 : memref<1x64x136xf32, #tpu.memory_space<hbm>> -> memref<64x136xf32, #tpu.memory_space<hbm>>
      tpu.wait_dma2 semaphore(%run_scoped3A : memref<!tpu.dma_semaphore, #tpu.memory_space<semaphore_mem>>) src(%arg16 : memref<64x136xf32, #tpu.memory_space<vmem>>) dst(%dma_wait3A_83 : memref<64x136xf32, #tpu.memory_space<hbm>>)
      tpu.yield
    }) : () -> ()
    %add3A_66 = arith.constant 384 : i32
    %add3A_67 = arith.addi %mul3A_8, %add3A_66 : i32
    "tpu.region"() ({
      %run_scoped3A = tpu.sem_alloc : memref<!tpu.dma_semaphore, #tpu.memory_space<semaphore_mem>>
      %dma_start3A = arith.constant 0 : i32
      %dma_start3A_74 = tpu.memref_slice %arg18[%add3A_67, %dma_start3A] : memref<10240x136xf32, #tpu.memory_space<vmem_shared>> -> memref<64x136xf32, #tpu.memory_space<vmem_shared>>
      %dma_start3A_75 = arith.constant 0 : i32
      %dma_start3A_76 = tpu.memref_slice %arg18[%add3A_67, %dma_start3A_75] : memref<10240x136xf32, #tpu.memory_space<vmem_shared>> -> memref<64x136xf32, #tpu.memory_space<vmem_shared>>
      tpu.enqueue_dma source(%dma_start3A_76 : memref<64x136xf32, #tpu.memory_space<vmem_shared>>) target(%arg16 : memref<64x136xf32, #tpu.memory_space<vmem>>) target_semaphore(%run_scoped3A : memref<!tpu.dma_semaphore, #tpu.memory_space<semaphore_mem>>)
      %dma_wait3A = arith.constant 0 : i32
      %dma_wait3A_77 = tpu.memref_slice %arg18[%add3A_67, %dma_wait3A] : memref<10240x136xf32, #tpu.memory_space<vmem_shared>> -> memref<64x136xf32, #tpu.memory_space<vmem_shared>>
      %dma_wait3A_78 = arith.constant 0 : i32
      %dma_wait3A_79 = tpu.memref_slice %arg18[%add3A_67, %dma_wait3A_78] : memref<10240x136xf32, #tpu.memory_space<vmem_shared>> -> memref<64x136xf32, #tpu.memory_space<vmem_shared>>
      tpu.wait_dma2 semaphore(%run_scoped3A : memref<!tpu.dma_semaphore, #tpu.memory_space<semaphore_mem>>) src(%dma_wait3A_79 : memref<64x136xf32, #tpu.memory_space<vmem_shared>>) dst(%arg16 : memref<64x136xf32, #tpu.memory_space<vmem>>)
      tpu.yield
    }) : () -> ()
    "tpu.region"() ({
      %run_scoped3A = tpu.sem_alloc : memref<!tpu.dma_semaphore, #tpu.memory_space<semaphore_mem>>
      %dma_start3A = arith.constant 0 : i32
      %dma_start3A_74 = tpu.memref_slice %arg9[%arg0, %add3A_67, %dma_start3A] : memref<2x10240x136xf32, #tpu.memory_space<hbm>> -> memref<1x64x136xf32, #tpu.memory_space<hbm>>
      %dma_start3A_75 = tpu.memref_squeeze %dma_start3A_74 : memref<1x64x136xf32, #tpu.memory_space<hbm>> -> memref<64x136xf32, #tpu.memory_space<hbm>>
      %dma_start3A_76 = arith.constant 0 : i32
      %dma_start3A_77 = tpu.memref_slice %arg9[%arg0, %add3A_67, %dma_start3A_76] : memref<2x10240x136xf32, #tpu.memory_space<hbm>> -> memref<1x64x136xf32, #tpu.memory_space<hbm>>
      %dma_start3A_78 = tpu.memref_squeeze %dma_start3A_77 : memref<1x64x136xf32, #tpu.memory_space<hbm>> -> memref<64x136xf32, #tpu.memory_space<hbm>>
      tpu.enqueue_dma source(%arg16 : memref<64x136xf32, #tpu.memory_space<vmem>>) target(%dma_start3A_78 : memref<64x136xf32, #tpu.memory_space<hbm>>) target_semaphore(%run_scoped3A : memref<!tpu.dma_semaphore, #tpu.memory_space<semaphore_mem>>)
      %dma_wait3A = arith.constant 0 : i32
      %dma_wait3A_79 = tpu.memref_slice %arg9[%arg0, %add3A_67, %dma_wait3A] : memref<2x10240x136xf32, #tpu.memory_space<hbm>> -> memref<1x64x136xf32, #tpu.memory_space<hbm>>
      %dma_wait3A_80 = tpu.memref_squeeze %dma_wait3A_79 : memref<1x64x136xf32, #tpu.memory_space<hbm>> -> memref<64x136xf32, #tpu.memory_space<hbm>>
      %dma_wait3A_81 = arith.constant 0 : i32
      %dma_wait3A_82 = tpu.memref_slice %arg9[%arg0, %add3A_67, %dma_wait3A_81] : memref<2x10240x136xf32, #tpu.memory_space<hbm>> -> memref<1x64x136xf32, #tpu.memory_space<hbm>>
      %dma_wait3A_83 = tpu.memref_squeeze %dma_wait3A_82 : memref<1x64x136xf32, #tpu.memory_space<hbm>> -> memref<64x136xf32, #tpu.memory_space<hbm>>
      tpu.wait_dma2 semaphore(%run_scoped3A : memref<!tpu.dma_semaphore, #tpu.memory_space<semaphore_mem>>) src(%arg16 : memref<64x136xf32, #tpu.memory_space<vmem>>) dst(%dma_wait3A_83 : memref<64x136xf32, #tpu.memory_space<hbm>>)
      tpu.yield
    }) : () -> ()
    %add3A_68 = arith.constant 448 : i32
    %add3A_69 = arith.addi %mul3A_8, %add3A_68 : i32
    "tpu.region"() ({
      %run_scoped3A = tpu.sem_alloc : memref<!tpu.dma_semaphore, #tpu.memory_space<semaphore_mem>>
      %dma_start3A = arith.constant 0 : i32
      %dma_start3A_74 = tpu.memref_slice %arg18[%add3A_69, %dma_start3A] : memref<10240x136xf32, #tpu.memory_space<vmem_shared>> -> memref<64x136xf32, #tpu.memory_space<vmem_shared>>
      %dma_start3A_75 = arith.constant 0 : i32
      %dma_start3A_76 = tpu.memref_slice %arg18[%add3A_69, %dma_start3A_75] : memref<10240x136xf32, #tpu.memory_space<vmem_shared>> -> memref<64x136xf32, #tpu.memory_space<vmem_shared>>
      tpu.enqueue_dma source(%dma_start3A_76 : memref<64x136xf32, #tpu.memory_space<vmem_shared>>) target(%arg16 : memref<64x136xf32, #tpu.memory_space<vmem>>) target_semaphore(%run_scoped3A : memref<!tpu.dma_semaphore, #tpu.memory_space<semaphore_mem>>)
      %dma_wait3A = arith.constant 0 : i32
      %dma_wait3A_77 = tpu.memref_slice %arg18[%add3A_69, %dma_wait3A] : memref<10240x136xf32, #tpu.memory_space<vmem_shared>> -> memref<64x136xf32, #tpu.memory_space<vmem_shared>>
      %dma_wait3A_78 = arith.constant 0 : i32
      %dma_wait3A_79 = tpu.memref_slice %arg18[%add3A_69, %dma_wait3A_78] : memref<10240x136xf32, #tpu.memory_space<vmem_shared>> -> memref<64x136xf32, #tpu.memory_space<vmem_shared>>
      tpu.wait_dma2 semaphore(%run_scoped3A : memref<!tpu.dma_semaphore, #tpu.memory_space<semaphore_mem>>) src(%dma_wait3A_79 : memref<64x136xf32, #tpu.memory_space<vmem_shared>>) dst(%arg16 : memref<64x136xf32, #tpu.memory_space<vmem>>)
      tpu.yield
    }) : () -> ()
    "tpu.region"() ({
      %run_scoped3A = tpu.sem_alloc : memref<!tpu.dma_semaphore, #tpu.memory_space<semaphore_mem>>
      %dma_start3A = arith.constant 0 : i32
      %dma_start3A_74 = tpu.memref_slice %arg9[%arg0, %add3A_69, %dma_start3A] : memref<2x10240x136xf32, #tpu.memory_space<hbm>> -> memref<1x64x136xf32, #tpu.memory_space<hbm>>
      %dma_start3A_75 = tpu.memref_squeeze %dma_start3A_74 : memref<1x64x136xf32, #tpu.memory_space<hbm>> -> memref<64x136xf32, #tpu.memory_space<hbm>>
      %dma_start3A_76 = arith.constant 0 : i32
      %dma_start3A_77 = tpu.memref_slice %arg9[%arg0, %add3A_69, %dma_start3A_76] : memref<2x10240x136xf32, #tpu.memory_space<hbm>> -> memref<1x64x136xf32, #tpu.memory_space<hbm>>
      %dma_start3A_78 = tpu.memref_squeeze %dma_start3A_77 : memref<1x64x136xf32, #tpu.memory_space<hbm>> -> memref<64x136xf32, #tpu.memory_space<hbm>>
      tpu.enqueue_dma source(%arg16 : memref<64x136xf32, #tpu.memory_space<vmem>>) target(%dma_start3A_78 : memref<64x136xf32, #tpu.memory_space<hbm>>) target_semaphore(%run_scoped3A : memref<!tpu.dma_semaphore, #tpu.memory_space<semaphore_mem>>)
      %dma_wait3A = arith.constant 0 : i32
      %dma_wait3A_79 = tpu.memref_slice %arg9[%arg0, %add3A_69, %dma_wait3A] : memref<2x10240x136xf32, #tpu.memory_space<hbm>> -> memref<1x64x136xf32, #tpu.memory_space<hbm>>
      %dma_wait3A_80 = tpu.memref_squeeze %dma_wait3A_79 : memref<1x64x136xf32, #tpu.memory_space<hbm>> -> memref<64x136xf32, #tpu.memory_space<hbm>>
      %dma_wait3A_81 = arith.constant 0 : i32
      %dma_wait3A_82 = tpu.memref_slice %arg9[%arg0, %add3A_69, %dma_wait3A_81] : memref<2x10240x136xf32, #tpu.memory_space<hbm>> -> memref<1x64x136xf32, #tpu.memory_space<hbm>>
      %dma_wait3A_83 = tpu.memref_squeeze %dma_wait3A_82 : memref<1x64x136xf32, #tpu.memory_space<hbm>> -> memref<64x136xf32, #tpu.memory_space<hbm>>
      tpu.wait_dma2 semaphore(%run_scoped3A : memref<!tpu.dma_semaphore, #tpu.memory_space<semaphore_mem>>) src(%arg16 : memref<64x136xf32, #tpu.memory_space<vmem>>) dst(%dma_wait3A_83 : memref<64x136xf32, #tpu.memory_space<hbm>>)
      tpu.yield
    }) : () -> ()
    %add3A_70 = arith.constant 512 : i32
    %add3A_71 = arith.addi %mul3A_8, %add3A_70 : i32
    "tpu.region"() ({
      %run_scoped3A = tpu.sem_alloc : memref<!tpu.dma_semaphore, #tpu.memory_space<semaphore_mem>>
      %dma_start3A = arith.constant 0 : i32
      %dma_start3A_74 = tpu.memref_slice %arg18[%add3A_71, %dma_start3A] : memref<10240x136xf32, #tpu.memory_space<vmem_shared>> -> memref<64x136xf32, #tpu.memory_space<vmem_shared>>
      %dma_start3A_75 = arith.constant 0 : i32
      %dma_start3A_76 = tpu.memref_slice %arg18[%add3A_71, %dma_start3A_75] : memref<10240x136xf32, #tpu.memory_space<vmem_shared>> -> memref<64x136xf32, #tpu.memory_space<vmem_shared>>
      tpu.enqueue_dma source(%dma_start3A_76 : memref<64x136xf32, #tpu.memory_space<vmem_shared>>) target(%arg16 : memref<64x136xf32, #tpu.memory_space<vmem>>) target_semaphore(%run_scoped3A : memref<!tpu.dma_semaphore, #tpu.memory_space<semaphore_mem>>)
      %dma_wait3A = arith.constant 0 : i32
      %dma_wait3A_77 = tpu.memref_slice %arg18[%add3A_71, %dma_wait3A] : memref<10240x136xf32, #tpu.memory_space<vmem_shared>> -> memref<64x136xf32, #tpu.memory_space<vmem_shared>>
      %dma_wait3A_78 = arith.constant 0 : i32
      %dma_wait3A_79 = tpu.memref_slice %arg18[%add3A_71, %dma_wait3A_78] : memref<10240x136xf32, #tpu.memory_space<vmem_shared>> -> memref<64x136xf32, #tpu.memory_space<vmem_shared>>
      tpu.wait_dma2 semaphore(%run_scoped3A : memref<!tpu.dma_semaphore, #tpu.memory_space<semaphore_mem>>) src(%dma_wait3A_79 : memref<64x136xf32, #tpu.memory_space<vmem_shared>>) dst(%arg16 : memref<64x136xf32, #tpu.memory_space<vmem>>)
      tpu.yield
    }) : () -> ()
    "tpu.region"() ({
      %run_scoped3A = tpu.sem_alloc : memref<!tpu.dma_semaphore, #tpu.memory_space<semaphore_mem>>
      %dma_start3A = arith.constant 0 : i32
      %dma_start3A_74 = tpu.memref_slice %arg9[%arg0, %add3A_71, %dma_start3A] : memref<2x10240x136xf32, #tpu.memory_space<hbm>> -> memref<1x64x136xf32, #tpu.memory_space<hbm>>
      %dma_start3A_75 = tpu.memref_squeeze %dma_start3A_74 : memref<1x64x136xf32, #tpu.memory_space<hbm>> -> memref<64x136xf32, #tpu.memory_space<hbm>>
      %dma_start3A_76 = arith.constant 0 : i32
      %dma_start3A_77 = tpu.memref_slice %arg9[%arg0, %add3A_71, %dma_start3A_76] : memref<2x10240x136xf32, #tpu.memory_space<hbm>> -> memref<1x64x136xf32, #tpu.memory_space<hbm>>
      %dma_start3A_78 = tpu.memref_squeeze %dma_start3A_77 : memref<1x64x136xf32, #tpu.memory_space<hbm>> -> memref<64x136xf32, #tpu.memory_space<hbm>>
      tpu.enqueue_dma source(%arg16 : memref<64x136xf32, #tpu.memory_space<vmem>>) target(%dma_start3A_78 : memref<64x136xf32, #tpu.memory_space<hbm>>) target_semaphore(%run_scoped3A : memref<!tpu.dma_semaphore, #tpu.memory_space<semaphore_mem>>)
      %dma_wait3A = arith.constant 0 : i32
      %dma_wait3A_79 = tpu.memref_slice %arg9[%arg0, %add3A_71, %dma_wait3A] : memref<2x10240x136xf32, #tpu.memory_space<hbm>> -> memref<1x64x136xf32, #tpu.memory_space<hbm>>
      %dma_wait3A_80 = tpu.memref_squeeze %dma_wait3A_79 : memref<1x64x136xf32, #tpu.memory_space<hbm>> -> memref<64x136xf32, #tpu.memory_space<hbm>>
      %dma_wait3A_81 = arith.constant 0 : i32
      %dma_wait3A_82 = tpu.memref_slice %arg9[%arg0, %add3A_71, %dma_wait3A_81] : memref<2x10240x136xf32, #tpu.memory_space<hbm>> -> memref<1x64x136xf32, #tpu.memory_space<hbm>>
      %dma_wait3A_83 = tpu.memref_squeeze %dma_wait3A_82 : memref<1x64x136xf32, #tpu.memory_space<hbm>> -> memref<64x136xf32, #tpu.memory_space<hbm>>
      tpu.wait_dma2 semaphore(%run_scoped3A : memref<!tpu.dma_semaphore, #tpu.memory_space<semaphore_mem>>) src(%arg16 : memref<64x136xf32, #tpu.memory_space<vmem>>) dst(%dma_wait3A_83 : memref<64x136xf32, #tpu.memory_space<hbm>>)
      tpu.yield
    }) : () -> ()
    %add3A_72 = arith.constant 576 : i32
    %add3A_73 = arith.addi %mul3A_8, %add3A_72 : i32
    "tpu.region"() ({
      %run_scoped3A = tpu.sem_alloc : memref<!tpu.dma_semaphore, #tpu.memory_space<semaphore_mem>>
      %dma_start3A = arith.constant 0 : i32
      %dma_start3A_74 = tpu.memref_slice %arg18[%add3A_73, %dma_start3A] : memref<10240x136xf32, #tpu.memory_space<vmem_shared>> -> memref<64x136xf32, #tpu.memory_space<vmem_shared>>
      %dma_start3A_75 = arith.constant 0 : i32
      %dma_start3A_76 = tpu.memref_slice %arg18[%add3A_73, %dma_start3A_75] : memref<10240x136xf32, #tpu.memory_space<vmem_shared>> -> memref<64x136xf32, #tpu.memory_space<vmem_shared>>
      tpu.enqueue_dma source(%dma_start3A_76 : memref<64x136xf32, #tpu.memory_space<vmem_shared>>) target(%arg16 : memref<64x136xf32, #tpu.memory_space<vmem>>) target_semaphore(%run_scoped3A : memref<!tpu.dma_semaphore, #tpu.memory_space<semaphore_mem>>)
      %dma_wait3A = arith.constant 0 : i32
      %dma_wait3A_77 = tpu.memref_slice %arg18[%add3A_73, %dma_wait3A] : memref<10240x136xf32, #tpu.memory_space<vmem_shared>> -> memref<64x136xf32, #tpu.memory_space<vmem_shared>>
      %dma_wait3A_78 = arith.constant 0 : i32
      %dma_wait3A_79 = tpu.memref_slice %arg18[%add3A_73, %dma_wait3A_78] : memref<10240x136xf32, #tpu.memory_space<vmem_shared>> -> memref<64x136xf32, #tpu.memory_space<vmem_shared>>
      tpu.wait_dma2 semaphore(%run_scoped3A : memref<!tpu.dma_semaphore, #tpu.memory_space<semaphore_mem>>) src(%dma_wait3A_79 : memref<64x136xf32, #tpu.memory_space<vmem_shared>>) dst(%arg16 : memref<64x136xf32, #tpu.memory_space<vmem>>)
      tpu.yield
    }) : () -> ()
    "tpu.region"() ({
      %run_scoped3A = tpu.sem_alloc : memref<!tpu.dma_semaphore, #tpu.memory_space<semaphore_mem>>
      %dma_start3A = arith.constant 0 : i32
      %dma_start3A_74 = tpu.memref_slice %arg9[%arg0, %add3A_73, %dma_start3A] : memref<2x10240x136xf32, #tpu.memory_space<hbm>> -> memref<1x64x136xf32, #tpu.memory_space<hbm>>
      %dma_start3A_75 = tpu.memref_squeeze %dma_start3A_74 : memref<1x64x136xf32, #tpu.memory_space<hbm>> -> memref<64x136xf32, #tpu.memory_space<hbm>>
      %dma_start3A_76 = arith.constant 0 : i32
      %dma_start3A_77 = tpu.memref_slice %arg9[%arg0, %add3A_73, %dma_start3A_76] : memref<2x10240x136xf32, #tpu.memory_space<hbm>> -> memref<1x64x136xf32, #tpu.memory_space<hbm>>
      %dma_start3A_78 = tpu.memref_squeeze %dma_start3A_77 : memref<1x64x136xf32, #tpu.memory_space<hbm>> -> memref<64x136xf32, #tpu.memory_space<hbm>>
      tpu.enqueue_dma source(%arg16 : memref<64x136xf32, #tpu.memory_space<vmem>>) target(%dma_start3A_78 : memref<64x136xf32, #tpu.memory_space<hbm>>) target_semaphore(%run_scoped3A : memref<!tpu.dma_semaphore, #tpu.memory_space<semaphore_mem>>)
      %dma_wait3A = arith.constant 0 : i32
      %dma_wait3A_79 = tpu.memref_slice %arg9[%arg0, %add3A_73, %dma_wait3A] : memref<2x10240x136xf32, #tpu.memory_space<hbm>> -> memref<1x64x136xf32, #tpu.memory_space<hbm>>
      %dma_wait3A_80 = tpu.memref_squeeze %dma_wait3A_79 : memref<1x64x136xf32, #tpu.memory_space<hbm>> -> memref<64x136xf32, #tpu.memory_space<hbm>>
      %dma_wait3A_81 = arith.constant 0 : i32
      %dma_wait3A_82 = tpu.memref_slice %arg9[%arg0, %add3A_73, %dma_wait3A_81] : memref<2x10240x136xf32, #tpu.memory_space<hbm>> -> memref<1x64x136xf32, #tpu.memory_space<hbm>>
      %dma_wait3A_83 = tpu.memref_squeeze %dma_wait3A_82 : memref<1x64x136xf32, #tpu.memory_space<hbm>> -> memref<64x136xf32, #tpu.memory_space<hbm>>
      tpu.wait_dma2 semaphore(%run_scoped3A : memref<!tpu.dma_semaphore, #tpu.memory_space<semaphore_mem>>) src(%arg16 : memref<64x136xf32, #tpu.memory_space<vmem>>) dst(%dma_wait3A_83 : memref<64x136xf32, #tpu.memory_space<hbm>>)
      tpu.yield
    }) : () -> ()
    return
  }
}

#map = affine_map<(d0, d1) -> (0)>
#map1 = affine_map<(d0, d1) -> (0, 0)>
#map2 = affine_map<(d0, d1) -> (0, 0, 0)>
module attributes {stable_mosaic.version = 14 : i64} {
  func.func @_sc_edge_body(%arg0: i32, %arg1: i32, %arg2: memref<323584xi32, #tpu.memory_space<hbm>>, %arg3: memref<323584xi32, #tpu.memory_space<hbm>>, %arg4: memref<323584xi32, #tpu.memory_space<hbm>>, %arg5: memref<323584x128xf32, #tpu.memory_space<hbm>>, %arg6: memref<10000x128xf32, #tpu.memory_space<hbm>>, %arg7: memref<10000x136xf32, #tpu.memory_space<hbm>>, %arg8: memref<128xf32, #tpu.memory_space<hbm>>, %arg9: memref<2x10240x136xf32, #tpu.memory_space<hbm>>, %arg10: memref<64xi32, #tpu.memory_space<vmem>>, %arg11: memref<64xi32, #tpu.memory_space<vmem>>, %arg12: memref<64xi32, #tpu.memory_space<vmem>>, %arg13: memref<64x128xf32, #tpu.memory_space<vmem>>, %arg14: memref<64x128xf32, #tpu.memory_space<vmem>>, %arg15: memref<64x136xf32, #tpu.memory_space<vmem>>, %arg16: memref<64x136xf32, #tpu.memory_space<vmem>>, %arg17: memref<128xf32, #tpu.memory_space<vmem>>, %arg18: memref<10240x136xf32, #tpu.memory_space<vmem_shared>>, %arg19: memref<!tpu.dma_semaphore, #tpu.memory_space<semaphore_mem>>, %arg20: memref<!tpu.dma_semaphore, #tpu.memory_space<semaphore_mem>>) attributes {dimension_semantics = [#tpu.dimension_semantics<core_parallel>, #tpu.dimension_semantics<subcore_parallel>], iteration_bounds = array<i64: 2, 16>, scalar_prefetch = 0 : i64, scratch_operands = 11 : i64, tpu.core_type = #tpu.core_type<sc_vector_subcore>, window_params = [{transform_indices = #map}, {transform_indices = #map}, {transform_indices = #map}, {transform_indices = #map1}, {transform_indices = #map1}, {transform_indices = #map1}, {transform_indices = #map}, {transform_indices = #map2}]} {
    %mul3A = arith.constant 2 : i32
    %mul3A_0 = arith.muli %arg1, %mul3A : i32
    %add3A = arith.addi %mul3A_0, %arg0 : i32
    %scan3A = arith.constant 0 : i32
    %scan3A_1 = arith.constant 0 : i32
    %scan3A_2 = arith.constant 64 : i32
    %scan3A_3 = arith.addi %scan3A_1, %scan3A_2 : i32
    %scan3A_4 = arith.constant 1 : i32
    %scan3A_5 = scf.for %scan3A_74 = %scan3A_1 to %scan3A_3 step %scan3A_4 iter_args(%scan3A_75 = %scan3A) -> (i32)  : i32 {
      %broadcast_in_dim3A = arith.constant 0.000000e+00 : f32
      %broadcast_in_dim3A_76 = vector.broadcast %broadcast_in_dim3A : f32 to vector<16xf32>
      %swap3A = arith.index_cast %scan3A_74 : i32 to index
      %swap3A_77 = arith.constant 0 : index
      %swap3A_78 = tpu.vector_load %arg16[%swap3A, %swap3A_77] {strides = array<i32>} : memref<64x136xf32, #tpu.memory_space<vmem>>, vector<16xf32>,
      tpu.vector_store %arg16[%swap3A, %swap3A_77], %broadcast_in_dim3A_76 {strides = array<i32>} : memref<64x136xf32, #tpu.memory_space<vmem>>, vector<16xf32>,
      %broadcast_in_dim3A_79 = arith.constant 0.000000e+00 : f32
      %broadcast_in_dim3A_80 = vector.broadcast %broadcast_in_dim3A_79 : f32 to vector<16xf32>
      %swap3A_81 = arith.index_cast %scan3A_74 : i32 to index
      %swap3A_82 = arith.constant 16 : index
      %swap3A_83 = tpu.vector_load %arg16[%swap3A_81, %swap3A_82] {strides = array<i32>} : memref<64x136xf32, #tpu.memory_space<vmem>>, vector<16xf32>,
      tpu.vector_store %arg16[%swap3A_81, %swap3A_82], %broadcast_in_dim3A_80 {strides = array<i32>} : memref<64x136xf32, #tpu.memory_space<vmem>>, vector<16xf32>,
      %broadcast_in_dim3A_84 = arith.constant 0.000000e+00 : f32
      %broadcast_in_dim3A_85 = vector.broadcast %broadcast_in_dim3A_84 : f32 to vector<16xf32>
      %swap3A_86 = arith.index_cast %scan3A_74 : i32 to index
      %swap3A_87 = arith.constant 32 : index
      %swap3A_88 = tpu.vector_load %arg16[%swap3A_86, %swap3A_87] {strides = array<i32>} : memref<64x136xf32, #tpu.memory_space<vmem>>, vector<16xf32>,
      tpu.vector_store %arg16[%swap3A_86, %swap3A_87], %broadcast_in_dim3A_85 {strides = array<i32>} : memref<64x136xf32, #tpu.memory_space<vmem>>, vector<16xf32>,
      %broadcast_in_dim3A_89 = arith.constant 0.000000e+00 : f32
      %broadcast_in_dim3A_90 = vector.broadcast %broadcast_in_dim3A_89 : f32 to vector<16xf32>
      %swap3A_91 = arith.index_cast %scan3A_74 : i32 to index
      %swap3A_92 = arith.constant 48 : index
      %swap3A_93 = tpu.vector_load %arg16[%swap3A_91, %swap3A_92] {strides = array<i32>} : memref<64x136xf32, #tpu.memory_space<vmem>>, vector<16xf32>,
      tpu.vector_store %arg16[%swap3A_91, %swap3A_92], %broadcast_in_dim3A_90 {strides = array<i32>} : memref<64x136xf32, #tpu.memory_space<vmem>>, vector<16xf32>,
      %broadcast_in_dim3A_94 = arith.constant 0.000000e+00 : f32
      %broadcast_in_dim3A_95 = vector.broadcast %broadcast_in_dim3A_94 : f32 to vector<16xf32>
      %swap3A_96 = arith.index_cast %scan3A_74 : i32 to index
      %swap3A_97 = arith.constant 64 : index
      %swap3A_98 = tpu.vector_load %arg16[%swap3A_96, %swap3A_97] {strides = array<i32>} : memref<64x136xf32, #tpu.memory_space<vmem>>, vector<16xf32>,
      tpu.vector_store %arg16[%swap3A_96, %swap3A_97], %broadcast_in_dim3A_95 {strides = array<i32>} : memref<64x136xf32, #tpu.memory_space<vmem>>, vector<16xf32>,
      %broadcast_in_dim3A_99 = arith.constant 0.000000e+00 : f32
      %broadcast_in_dim3A_100 = vector.broadcast %broadcast_in_dim3A_99 : f32 to vector<16xf32>
      %swap3A_101 = arith.index_cast %scan3A_74 : i32 to index
      %swap3A_102 = arith.constant 80 : index
      %swap3A_103 = tpu.vector_load %arg16[%swap3A_101, %swap3A_102] {strides = array<i32>} : memref<64x136xf32, #tpu.memory_space<vmem>>, vector<16xf32>,
      tpu.vector_store %arg16[%swap3A_101, %swap3A_102], %broadcast_in_dim3A_100 {strides = array<i32>} : memref<64x136xf32, #tpu.memory_space<vmem>>, vector<16xf32>,
      %broadcast_in_dim3A_104 = arith.constant 0.000000e+00 : f32
      %broadcast_in_dim3A_105 = vector.broadcast %broadcast_in_dim3A_104 : f32 to vector<16xf32>
      %swap3A_106 = arith.index_cast %scan3A_74 : i32 to index
      %swap3A_107 = arith.constant 96 : index
      %swap3A_108 = tpu.vector_load %arg16[%swap3A_106, %swap3A_107] {strides = array<i32>} : memref<64x136xf32, #tpu.memory_space<vmem>>, vector<16xf32>,
      tpu.vector_store %arg16[%swap3A_106, %swap3A_107], %broadcast_in_dim3A_105 {strides = array<i32>} : memref<64x136xf32, #tpu.memory_space<vmem>>, vector<16xf32>,
      %broadcast_in_dim3A_109 = arith.constant 0.000000e+00 : f32
      %broadcast_in_dim3A_110 = vector.broadcast %broadcast_in_dim3A_109 : f32 to vector<16xf32>
      %swap3A_111 = arith.index_cast %scan3A_74 : i32 to index
      %swap3A_112 = arith.constant 112 : index
      %swap3A_113 = tpu.vector_load %arg16[%swap3A_111, %swap3A_112] {strides = array<i32>} : memref<64x136xf32, #tpu.memory_space<vmem>>, vector<16xf32>,
      tpu.vector_store %arg16[%swap3A_111, %swap3A_112], %broadcast_in_dim3A_110 {strides = array<i32>} : memref<64x136xf32, #tpu.memory_space<vmem>>, vector<16xf32>,
      %broadcast_in_dim3A_114 = arith.constant 0.000000e+00 : f32
      %broadcast_in_dim3A_115 = vector.broadcast %broadcast_in_dim3A_114 : f32 to vector<16xf32>
      %swap3A_116 = arith.index_cast %scan3A_74 : i32 to index
      %swap3A_117 = arith.constant 120 : index
      %swap3A_118 = tpu.vector_load %arg16[%swap3A_116, %swap3A_117] {strides = array<i32>} : memref<64x136xf32, #tpu.memory_space<vmem>>, vector<16xf32>,
      tpu.vector_store %arg16[%swap3A_116, %swap3A_117], %broadcast_in_dim3A_115 {strides = array<i32>} : memref<64x136xf32, #tpu.memory_space<vmem>>, vector<16xf32>,
      %scan3A_119 = arith.constant 0 : i32
      scf.yield %scan3A_119 : i32
    }
    %scan3A_6 = arith.constant 64 : i32
    %mul3A_7 = arith.constant 640 : i32
    %mul3A_8 = arith.muli %arg1, %mul3A_7 : i32
    %add3A_9 = arith.constant 0 : i32
    %add3A_10 = arith.addi %mul3A_8, %add3A_9 : i32
    "tpu.region"() ({
      %run_scoped3A = tpu.sem_alloc : memref<!tpu.dma_semaphore, #tpu.memory_space<semaphore_mem>>
      %dma_start3A = arith.constant 0 : i32
      %dma_start3A_74 = tpu.memref_slice %arg18[%add3A_10, %dma_start3A] : memref<10240x136xf32, #tpu.memory_space<vmem_shared>> -> memref<64x136xf32, #tpu.memory_space<vmem_shared>>
      %dma_start3A_75 = arith.constant 0 : i32
      %dma_start3A_76 = tpu.memref_slice %arg18[%add3A_10, %dma_start3A_75] : memref<10240x136xf32, #tpu.memory_space<vmem_shared>> -> memref<64x136xf32, #tpu.memory_space<vmem_shared>>
      tpu.enqueue_dma source(%arg16 : memref<64x136xf32, #tpu.memory_space<vmem>>) target(%dma_start3A_76 : memref<64x136xf32, #tpu.memory_space<vmem_shared>>) target_semaphore(%run_scoped3A : memref<!tpu.dma_semaphore, #tpu.memory_space<semaphore_mem>>)
      %dma_wait3A = arith.constant 0 : i32
      %dma_wait3A_77 = tpu.memref_slice %arg18[%add3A_10, %dma_wait3A] : memref<10240x136xf32, #tpu.memory_space<vmem_shared>> -> memref<64x136xf32, #tpu.memory_space<vmem_shared>>
      %dma_wait3A_78 = arith.constant 0 : i32
      %dma_wait3A_79 = tpu.memref_slice %arg18[%add3A_10, %dma_wait3A_78] : memref<10240x136xf32, #tpu.memory_space<vmem_shared>> -> memref<64x136xf32, #tpu.memory_space<vmem_shared>>
      tpu.wait_dma2 semaphore(%run_scoped3A : memref<!tpu.dma_semaphore, #tpu.memory_space<semaphore_mem>>) src(%arg16 : memref<64x136xf32, #tpu.memory_space<vmem>>) dst(%dma_wait3A_79 : memref<64x136xf32, #tpu.memory_space<vmem_shared>>)
      tpu.yield
    }) : () -> ()
    %add3A_11 = arith.constant 64 : i32
    %add3A_12 = arith.addi %mul3A_8, %add3A_11 : i32
    "tpu.region"() ({
      %run_scoped3A = tpu.sem_alloc : memref<!tpu.dma_semaphore, #tpu.memory_space<semaphore_mem>>
      %dma_start3A = arith.constant 0 : i32
      %dma_start3A_74 = tpu.memref_slice %arg18[%add3A_12, %dma_start3A] : memref<10240x136xf32, #tpu.memory_space<vmem_shared>> -> memref<64x136xf32, #tpu.memory_space<vmem_shared>>
      %dma_start3A_75 = arith.constant 0 : i32
      %dma_start3A_76 = tpu.memref_slice %arg18[%add3A_12, %dma_start3A_75] : memref<10240x136xf32, #tpu.memory_space<vmem_shared>> -> memref<64x136xf32, #tpu.memory_space<vmem_shared>>
      tpu.enqueue_dma source(%arg16 : memref<64x136xf32, #tpu.memory_space<vmem>>) target(%dma_start3A_76 : memref<64x136xf32, #tpu.memory_space<vmem_shared>>) target_semaphore(%run_scoped3A : memref<!tpu.dma_semaphore, #tpu.memory_space<semaphore_mem>>)
      %dma_wait3A = arith.constant 0 : i32
      %dma_wait3A_77 = tpu.memref_slice %arg18[%add3A_12, %dma_wait3A] : memref<10240x136xf32, #tpu.memory_space<vmem_shared>> -> memref<64x136xf32, #tpu.memory_space<vmem_shared>>
      %dma_wait3A_78 = arith.constant 0 : i32
      %dma_wait3A_79 = tpu.memref_slice %arg18[%add3A_12, %dma_wait3A_78] : memref<10240x136xf32, #tpu.memory_space<vmem_shared>> -> memref<64x136xf32, #tpu.memory_space<vmem_shared>>
      tpu.wait_dma2 semaphore(%run_scoped3A : memref<!tpu.dma_semaphore, #tpu.memory_space<semaphore_mem>>) src(%arg16 : memref<64x136xf32, #tpu.memory_space<vmem>>) dst(%dma_wait3A_79 : memref<64x136xf32, #tpu.memory_space<vmem_shared>>)
      tpu.yield
    }) : () -> ()
    %add3A_13 = arith.constant 128 : i32
    %add3A_14 = arith.addi %mul3A_8, %add3A_13 : i32
    "tpu.region"() ({
      %run_scoped3A = tpu.sem_alloc : memref<!tpu.dma_semaphore, #tpu.memory_space<semaphore_mem>>
      %dma_start3A = arith.constant 0 : i32
      %dma_start3A_74 = tpu.memref_slice %arg18[%add3A_14, %dma_start3A] : memref<10240x136xf32, #tpu.memory_space<vmem_shared>> -> memref<64x136xf32, #tpu.memory_space<vmem_shared>>
      %dma_start3A_75 = arith.constant 0 : i32
      %dma_start3A_76 = tpu.memref_slice %arg18[%add3A_14, %dma_start3A_75] : memref<10240x136xf32, #tpu.memory_space<vmem_shared>> -> memref<64x136xf32, #tpu.memory_space<vmem_shared>>
      tpu.enqueue_dma source(%arg16 : memref<64x136xf32, #tpu.memory_space<vmem>>) target(%dma_start3A_76 : memref<64x136xf32, #tpu.memory_space<vmem_shared>>) target_semaphore(%run_scoped3A : memref<!tpu.dma_semaphore, #tpu.memory_space<semaphore_mem>>)
      %dma_wait3A = arith.constant 0 : i32
      %dma_wait3A_77 = tpu.memref_slice %arg18[%add3A_14, %dma_wait3A] : memref<10240x136xf32, #tpu.memory_space<vmem_shared>> -> memref<64x136xf32, #tpu.memory_space<vmem_shared>>
      %dma_wait3A_78 = arith.constant 0 : i32
      %dma_wait3A_79 = tpu.memref_slice %arg18[%add3A_14, %dma_wait3A_78] : memref<10240x136xf32, #tpu.memory_space<vmem_shared>> -> memref<64x136xf32, #tpu.memory_space<vmem_shared>>
      tpu.wait_dma2 semaphore(%run_scoped3A : memref<!tpu.dma_semaphore, #tpu.memory_space<semaphore_mem>>) src(%arg16 : memref<64x136xf32, #tpu.memory_space<vmem>>) dst(%dma_wait3A_79 : memref<64x136xf32, #tpu.memory_space<vmem_shared>>)
      tpu.yield
    }) : () -> ()
    %add3A_15 = arith.constant 192 : i32
    %add3A_16 = arith.addi %mul3A_8, %add3A_15 : i32
    "tpu.region"() ({
      %run_scoped3A = tpu.sem_alloc : memref<!tpu.dma_semaphore, #tpu.memory_space<semaphore_mem>>
      %dma_start3A = arith.constant 0 : i32
      %dma_start3A_74 = tpu.memref_slice %arg18[%add3A_16, %dma_start3A] : memref<10240x136xf32, #tpu.memory_space<vmem_shared>> -> memref<64x136xf32, #tpu.memory_space<vmem_shared>>
      %dma_start3A_75 = arith.constant 0 : i32
      %dma_start3A_76 = tpu.memref_slice %arg18[%add3A_16, %dma_start3A_75] : memref<10240x136xf32, #tpu.memory_space<vmem_shared>> -> memref<64x136xf32, #tpu.memory_space<vmem_shared>>
      tpu.enqueue_dma source(%arg16 : memref<64x136xf32, #tpu.memory_space<vmem>>) target(%dma_start3A_76 : memref<64x136xf32, #tpu.memory_space<vmem_shared>>) target_semaphore(%run_scoped3A : memref<!tpu.dma_semaphore, #tpu.memory_space<semaphore_mem>>)
      %dma_wait3A = arith.constant 0 : i32
      %dma_wait3A_77 = tpu.memref_slice %arg18[%add3A_16, %dma_wait3A] : memref<10240x136xf32, #tpu.memory_space<vmem_shared>> -> memref<64x136xf32, #tpu.memory_space<vmem_shared>>
      %dma_wait3A_78 = arith.constant 0 : i32
      %dma_wait3A_79 = tpu.memref_slice %arg18[%add3A_16, %dma_wait3A_78] : memref<10240x136xf32, #tpu.memory_space<vmem_shared>> -> memref<64x136xf32, #tpu.memory_space<vmem_shared>>
      tpu.wait_dma2 semaphore(%run_scoped3A : memref<!tpu.dma_semaphore, #tpu.memory_space<semaphore_mem>>) src(%arg16 : memref<64x136xf32, #tpu.memory_space<vmem>>) dst(%dma_wait3A_79 : memref<64x136xf32, #tpu.memory_space<vmem_shared>>)
      tpu.yield
    }) : () -> ()
    %add3A_17 = arith.constant 256 : i32
    %add3A_18 = arith.addi %mul3A_8, %add3A_17 : i32
    "tpu.region"() ({
      %run_scoped3A = tpu.sem_alloc : memref<!tpu.dma_semaphore, #tpu.memory_space<semaphore_mem>>
      %dma_start3A = arith.constant 0 : i32
      %dma_start3A_74 = tpu.memref_slice %arg18[%add3A_18, %dma_start3A] : memref<10240x136xf32, #tpu.memory_space<vmem_shared>> -> memref<64x136xf32, #tpu.memory_space<vmem_shared>>
      %dma_start3A_75 = arith.constant 0 : i32
      %dma_start3A_76 = tpu.memref_slice %arg18[%add3A_18, %dma_start3A_75] : memref<10240x136xf32, #tpu.memory_space<vmem_shared>> -> memref<64x136xf32, #tpu.memory_space<vmem_shared>>
      tpu.enqueue_dma source(%arg16 : memref<64x136xf32, #tpu.memory_space<vmem>>) target(%dma_start3A_76 : memref<64x136xf32, #tpu.memory_space<vmem_shared>>) target_semaphore(%run_scoped3A : memref<!tpu.dma_semaphore, #tpu.memory_space<semaphore_mem>>)
      %dma_wait3A = arith.constant 0 : i32
      %dma_wait3A_77 = tpu.memref_slice %arg18[%add3A_18, %dma_wait3A] : memref<10240x136xf32, #tpu.memory_space<vmem_shared>> -> memref<64x136xf32, #tpu.memory_space<vmem_shared>>
      %dma_wait3A_78 = arith.constant 0 : i32
      %dma_wait3A_79 = tpu.memref_slice %arg18[%add3A_18, %dma_wait3A_78] : memref<10240x136xf32, #tpu.memory_space<vmem_shared>> -> memref<64x136xf32, #tpu.memory_space<vmem_shared>>
      tpu.wait_dma2 semaphore(%run_scoped3A : memref<!tpu.dma_semaphore, #tpu.memory_space<semaphore_mem>>) src(%arg16 : memref<64x136xf32, #tpu.memory_space<vmem>>) dst(%dma_wait3A_79 : memref<64x136xf32, #tpu.memory_space<vmem_shared>>)
      tpu.yield
    }) : () -> ()
    %add3A_19 = arith.constant 320 : i32
    %add3A_20 = arith.addi %mul3A_8, %add3A_19 : i32
    "tpu.region"() ({
      %run_scoped3A = tpu.sem_alloc : memref<!tpu.dma_semaphore, #tpu.memory_space<semaphore_mem>>
      %dma_start3A = arith.constant 0 : i32
      %dma_start3A_74 = tpu.memref_slice %arg18[%add3A_20, %dma_start3A] : memref<10240x136xf32, #tpu.memory_space<vmem_shared>> -> memref<64x136xf32, #tpu.memory_space<vmem_shared>>
      %dma_start3A_75 = arith.constant 0 : i32
      %dma_start3A_76 = tpu.memref_slice %arg18[%add3A_20, %dma_start3A_75] : memref<10240x136xf32, #tpu.memory_space<vmem_shared>> -> memref<64x136xf32, #tpu.memory_space<vmem_shared>>
      tpu.enqueue_dma source(%arg16 : memref<64x136xf32, #tpu.memory_space<vmem>>) target(%dma_start3A_76 : memref<64x136xf32, #tpu.memory_space<vmem_shared>>) target_semaphore(%run_scoped3A : memref<!tpu.dma_semaphore, #tpu.memory_space<semaphore_mem>>)
      %dma_wait3A = arith.constant 0 : i32
      %dma_wait3A_77 = tpu.memref_slice %arg18[%add3A_20, %dma_wait3A] : memref<10240x136xf32, #tpu.memory_space<vmem_shared>> -> memref<64x136xf32, #tpu.memory_space<vmem_shared>>
      %dma_wait3A_78 = arith.constant 0 : i32
      %dma_wait3A_79 = tpu.memref_slice %arg18[%add3A_20, %dma_wait3A_78] : memref<10240x136xf32, #tpu.memory_space<vmem_shared>> -> memref<64x136xf32, #tpu.memory_space<vmem_shared>>
      tpu.wait_dma2 semaphore(%run_scoped3A : memref<!tpu.dma_semaphore, #tpu.memory_space<semaphore_mem>>) src(%arg16 : memref<64x136xf32, #tpu.memory_space<vmem>>) dst(%dma_wait3A_79 : memref<64x136xf32, #tpu.memory_space<vmem_shared>>)
      tpu.yield
    }) : () -> ()
    %add3A_21 = arith.constant 384 : i32
    %add3A_22 = arith.addi %mul3A_8, %add3A_21 : i32
    "tpu.region"() ({
      %run_scoped3A = tpu.sem_alloc : memref<!tpu.dma_semaphore, #tpu.memory_space<semaphore_mem>>
      %dma_start3A = arith.constant 0 : i32
      %dma_start3A_74 = tpu.memref_slice %arg18[%add3A_22, %dma_start3A] : memref<10240x136xf32, #tpu.memory_space<vmem_shared>> -> memref<64x136xf32, #tpu.memory_space<vmem_shared>>
      %dma_start3A_75 = arith.constant 0 : i32
      %dma_start3A_76 = tpu.memref_slice %arg18[%add3A_22, %dma_start3A_75] : memref<10240x136xf32, #tpu.memory_space<vmem_shared>> -> memref<64x136xf32, #tpu.memory_space<vmem_shared>>
      tpu.enqueue_dma source(%arg16 : memref<64x136xf32, #tpu.memory_space<vmem>>) target(%dma_start3A_76 : memref<64x136xf32, #tpu.memory_space<vmem_shared>>) target_semaphore(%run_scoped3A : memref<!tpu.dma_semaphore, #tpu.memory_space<semaphore_mem>>)
      %dma_wait3A = arith.constant 0 : i32
      %dma_wait3A_77 = tpu.memref_slice %arg18[%add3A_22, %dma_wait3A] : memref<10240x136xf32, #tpu.memory_space<vmem_shared>> -> memref<64x136xf32, #tpu.memory_space<vmem_shared>>
      %dma_wait3A_78 = arith.constant 0 : i32
      %dma_wait3A_79 = tpu.memref_slice %arg18[%add3A_22, %dma_wait3A_78] : memref<10240x136xf32, #tpu.memory_space<vmem_shared>> -> memref<64x136xf32, #tpu.memory_space<vmem_shared>>
      tpu.wait_dma2 semaphore(%run_scoped3A : memref<!tpu.dma_semaphore, #tpu.memory_space<semaphore_mem>>) src(%arg16 : memref<64x136xf32, #tpu.memory_space<vmem>>) dst(%dma_wait3A_79 : memref<64x136xf32, #tpu.memory_space<vmem_shared>>)
      tpu.yield
    }) : () -> ()
    %add3A_23 = arith.constant 448 : i32
    %add3A_24 = arith.addi %mul3A_8, %add3A_23 : i32
    "tpu.region"() ({
      %run_scoped3A = tpu.sem_alloc : memref<!tpu.dma_semaphore, #tpu.memory_space<semaphore_mem>>
      %dma_start3A = arith.constant 0 : i32
      %dma_start3A_74 = tpu.memref_slice %arg18[%add3A_24, %dma_start3A] : memref<10240x136xf32, #tpu.memory_space<vmem_shared>> -> memref<64x136xf32, #tpu.memory_space<vmem_shared>>
      %dma_start3A_75 = arith.constant 0 : i32
      %dma_start3A_76 = tpu.memref_slice %arg18[%add3A_24, %dma_start3A_75] : memref<10240x136xf32, #tpu.memory_space<vmem_shared>> -> memref<64x136xf32, #tpu.memory_space<vmem_shared>>
      tpu.enqueue_dma source(%arg16 : memref<64x136xf32, #tpu.memory_space<vmem>>) target(%dma_start3A_76 : memref<64x136xf32, #tpu.memory_space<vmem_shared>>) target_semaphore(%run_scoped3A : memref<!tpu.dma_semaphore, #tpu.memory_space<semaphore_mem>>)
      %dma_wait3A = arith.constant 0 : i32
      %dma_wait3A_77 = tpu.memref_slice %arg18[%add3A_24, %dma_wait3A] : memref<10240x136xf32, #tpu.memory_space<vmem_shared>> -> memref<64x136xf32, #tpu.memory_space<vmem_shared>>
      %dma_wait3A_78 = arith.constant 0 : i32
      %dma_wait3A_79 = tpu.memref_slice %arg18[%add3A_24, %dma_wait3A_78] : memref<10240x136xf32, #tpu.memory_space<vmem_shared>> -> memref<64x136xf32, #tpu.memory_space<vmem_shared>>
      tpu.wait_dma2 semaphore(%run_scoped3A : memref<!tpu.dma_semaphore, #tpu.memory_space<semaphore_mem>>) src(%arg16 : memref<64x136xf32, #tpu.memory_space<vmem>>) dst(%dma_wait3A_79 : memref<64x136xf32, #tpu.memory_space<vmem_shared>>)
      tpu.yield
    }) : () -> ()
    %add3A_25 = arith.constant 512 : i32
    %add3A_26 = arith.addi %mul3A_8, %add3A_25 : i32
    "tpu.region"() ({
      %run_scoped3A = tpu.sem_alloc : memref<!tpu.dma_semaphore, #tpu.memory_space<semaphore_mem>>
      %dma_start3A = arith.constant 0 : i32
      %dma_start3A_74 = tpu.memref_slice %arg18[%add3A_26, %dma_start3A] : memref<10240x136xf32, #tpu.memory_space<vmem_shared>> -> memref<64x136xf32, #tpu.memory_space<vmem_shared>>
      %dma_start3A_75 = arith.constant 0 : i32
      %dma_start3A_76 = tpu.memref_slice %arg18[%add3A_26, %dma_start3A_75] : memref<10240x136xf32, #tpu.memory_space<vmem_shared>> -> memref<64x136xf32, #tpu.memory_space<vmem_shared>>
      tpu.enqueue_dma source(%arg16 : memref<64x136xf32, #tpu.memory_space<vmem>>) target(%dma_start3A_76 : memref<64x136xf32, #tpu.memory_space<vmem_shared>>) target_semaphore(%run_scoped3A : memref<!tpu.dma_semaphore, #tpu.memory_space<semaphore_mem>>)
      %dma_wait3A = arith.constant 0 : i32
      %dma_wait3A_77 = tpu.memref_slice %arg18[%add3A_26, %dma_wait3A] : memref<10240x136xf32, #tpu.memory_space<vmem_shared>> -> memref<64x136xf32, #tpu.memory_space<vmem_shared>>
      %dma_wait3A_78 = arith.constant 0 : i32
      %dma_wait3A_79 = tpu.memref_slice %arg18[%add3A_26, %dma_wait3A_78] : memref<10240x136xf32, #tpu.memory_space<vmem_shared>> -> memref<64x136xf32, #tpu.memory_space<vmem_shared>>
      tpu.wait_dma2 semaphore(%run_scoped3A : memref<!tpu.dma_semaphore, #tpu.memory_space<semaphore_mem>>) src(%arg16 : memref<64x136xf32, #tpu.memory_space<vmem>>) dst(%dma_wait3A_79 : memref<64x136xf32, #tpu.memory_space<vmem_shared>>)
      tpu.yield
    }) : () -> ()
    %add3A_27 = arith.constant 576 : i32
    %add3A_28 = arith.addi %mul3A_8, %add3A_27 : i32
    "tpu.region"() ({
      %run_scoped3A = tpu.sem_alloc : memref<!tpu.dma_semaphore, #tpu.memory_space<semaphore_mem>>
      %dma_start3A = arith.constant 0 : i32
      %dma_start3A_74 = tpu.memref_slice %arg18[%add3A_28, %dma_start3A] : memref<10240x136xf32, #tpu.memory_space<vmem_shared>> -> memref<64x136xf32, #tpu.memory_space<vmem_shared>>
      %dma_start3A_75 = arith.constant 0 : i32
      %dma_start3A_76 = tpu.memref_slice %arg18[%add3A_28, %dma_start3A_75] : memref<10240x136xf32, #tpu.memory_space<vmem_shared>> -> memref<64x136xf32, #tpu.memory_space<vmem_shared>>
      tpu.enqueue_dma source(%arg16 : memref<64x136xf32, #tpu.memory_space<vmem>>) target(%dma_start3A_76 : memref<64x136xf32, #tpu.memory_space<vmem_shared>>) target_semaphore(%run_scoped3A : memref<!tpu.dma_semaphore, #tpu.memory_space<semaphore_mem>>)
      %dma_wait3A = arith.constant 0 : i32
      %dma_wait3A_77 = tpu.memref_slice %arg18[%add3A_28, %dma_wait3A] : memref<10240x136xf32, #tpu.memory_space<vmem_shared>> -> memref<64x136xf32, #tpu.memory_space<vmem_shared>>
      %dma_wait3A_78 = arith.constant 0 : i32
      %dma_wait3A_79 = tpu.memref_slice %arg18[%add3A_28, %dma_wait3A_78] : memref<10240x136xf32, #tpu.memory_space<vmem_shared>> -> memref<64x136xf32, #tpu.memory_space<vmem_shared>>
      tpu.wait_dma2 semaphore(%run_scoped3A : memref<!tpu.dma_semaphore, #tpu.memory_space<semaphore_mem>>) src(%arg16 : memref<64x136xf32, #tpu.memory_space<vmem>>) dst(%dma_wait3A_79 : memref<64x136xf32, #tpu.memory_space<vmem_shared>>)
      tpu.yield
    }) : () -> ()
    %barrier3A = arith.constant 0 : index
    tpu.barrier barrier_id(%barrier3A)
    "tpu.region"() ({
      %run_scoped3A = tpu.sem_alloc : memref<!tpu.dma_semaphore, #tpu.memory_space<semaphore_mem>>
      tpu.enqueue_dma source(%arg8 : memref<128xf32, #tpu.memory_space<hbm>>) target(%arg17 : memref<128xf32, #tpu.memory_space<vmem>>) target_semaphore(%run_scoped3A : memref<!tpu.dma_semaphore, #tpu.memory_space<semaphore_mem>>)
      tpu.wait_dma2 semaphore(%run_scoped3A : memref<!tpu.dma_semaphore, #tpu.memory_space<semaphore_mem>>) src(%arg8 : memref<128xf32, #tpu.memory_space<hbm>>) dst(%arg17 : memref<128xf32, #tpu.memory_space<vmem>>)
      tpu.yield
    }) : () -> ()
    %get3A = arith.constant 0 : index
    %get3A_29 = tpu.vector_load %arg17[%get3A] {strides = array<i32>} : memref<128xf32, #tpu.memory_space<vmem>>, vector<16xf32>,
    %get3A_30 = arith.constant 16 : index
    %get3A_31 = tpu.vector_load %arg17[%get3A_30] {strides = array<i32>} : memref<128xf32, #tpu.memory_space<vmem>>, vector<16xf32>,
    %get3A_32 = arith.constant 32 : index
    %get3A_33 = tpu.vector_load %arg17[%get3A_32] {strides = array<i32>} : memref<128xf32, #tpu.memory_space<vmem>>, vector<16xf32>,
    %get3A_34 = arith.constant 48 : index
    %get3A_35 = tpu.vector_load %arg17[%get3A_34] {strides = array<i32>} : memref<128xf32, #tpu.memory_space<vmem>>, vector<16xf32>,
    %get3A_36 = arith.constant 64 : index
    %get3A_37 = tpu.vector_load %arg17[%get3A_36] {strides = array<i32>} : memref<128xf32, #tpu.memory_space<vmem>>, vector<16xf32>,
    %get3A_38 = arith.constant 80 : index
    %get3A_39 = tpu.vector_load %arg17[%get3A_38] {strides = array<i32>} : memref<128xf32, #tpu.memory_space<vmem>>, vector<16xf32>,
    %get3A_40 = arith.constant 96 : index
    %get3A_41 = tpu.vector_load %arg17[%get3A_40] {strides = array<i32>} : memref<128xf32, #tpu.memory_space<vmem>>, vector<16xf32>,
    %get3A_42 = arith.constant 112 : index
    %get3A_43 = tpu.vector_load %arg17[%get3A_42] {strides = array<i32>} : memref<128xf32, #tpu.memory_space<vmem>>, vector<16xf32>,
    %mul3A_44 = arith.constant 10112 : i32
    %mul3A_45 = arith.muli %add3A, %mul3A_44 : i32
    %scan3A_46 = arith.constant 0 : i32
    %scan3A_47 = arith.constant 0 : i32
    %scan3A_48 = arith.constant 158 : i32
    %scan3A_49 = arith.addi %scan3A_47, %scan3A_48 : i32
    %scan3A_50 = arith.constant 1 : i32
    %scan3A_51 = scf.for %scan3A_74 = %scan3A_47 to %scan3A_49 step %scan3A_50 iter_args(%scan3A_75 = %scan3A_46) -> (i32)  : i32 {
      %mul3A_76 = arith.constant 64 : i32
      %mul3A_77 = arith.muli %scan3A_74, %mul3A_76 : i32
      %add3A_78 = arith.addi %mul3A_45, %mul3A_77 : i32
      "tpu.region"() ({
        %run_scoped3A = tpu.sem_alloc : memref<!tpu.dma_semaphore, #tpu.memory_space<semaphore_mem>>
        %dma_start3A_97 = tpu.memref_slice %arg2[%add3A_78] : memref<323584xi32, #tpu.memory_space<hbm>> -> memref<64xi32, #tpu.memory_space<hbm>>
        %dma_start3A_98 = tpu.memref_slice %arg2[%add3A_78] : memref<323584xi32, #tpu.memory_space<hbm>> -> memref<64xi32, #tpu.memory_space<hbm>>
        tpu.enqueue_dma source(%dma_start3A_98 : memref<64xi32, #tpu.memory_space<hbm>>) target(%arg10 : memref<64xi32, #tpu.memory_space<vmem>>) target_semaphore(%run_scoped3A : memref<!tpu.dma_semaphore, #tpu.memory_space<semaphore_mem>>)
        %dma_wait3A_99 = tpu.memref_slice %arg2[%add3A_78] : memref<323584xi32, #tpu.memory_space<hbm>> -> memref<64xi32, #tpu.memory_space<hbm>>
        %dma_wait3A_100 = tpu.memref_slice %arg2[%add3A_78] : memref<323584xi32, #tpu.memory_space<hbm>> -> memref<64xi32, #tpu.memory_space<hbm>>
        tpu.wait_dma2 semaphore(%run_scoped3A : memref<!tpu.dma_semaphore, #tpu.memory_space<semaphore_mem>>) src(%dma_wait3A_100 : memref<64xi32, #tpu.memory_space<hbm>>) dst(%arg10 : memref<64xi32, #tpu.memory_space<vmem>>)
        tpu.yield
      }) : () -> ()
      "tpu.region"() ({
        %run_scoped3A = tpu.sem_alloc : memref<!tpu.dma_semaphore, #tpu.memory_space<semaphore_mem>>
        %dma_start3A_97 = tpu.memref_slice %arg3[%add3A_78] : memref<323584xi32, #tpu.memory_space<hbm>> -> memref<64xi32, #tpu.memory_space<hbm>>
        %dma_start3A_98 = tpu.memref_slice %arg3[%add3A_78] : memref<323584xi32, #tpu.memory_space<hbm>> -> memref<64xi32, #tpu.memory_space<hbm>>
        tpu.enqueue_dma source(%dma_start3A_98 : memref<64xi32, #tpu.memory_space<hbm>>) target(%arg11 : memref<64xi32, #tpu.memory_space<vmem>>) target_semaphore(%run_scoped3A : memref<!tpu.dma_semaphore, #tpu.memory_space<semaphore_mem>>)
        %dma_wait3A_99 = tpu.memref_slice %arg3[%add3A_78] : memref<323584xi32, #tpu.memory_space<hbm>> -> memref<64xi32, #tpu.memory_space<hbm>>
        %dma_wait3A_100 = tpu.memref_slice %arg3[%add3A_78] : memref<323584xi32, #tpu.memory_space<hbm>> -> memref<64xi32, #tpu.memory_space<hbm>>
        tpu.wait_dma2 semaphore(%run_scoped3A : memref<!tpu.dma_semaphore, #tpu.memory_space<semaphore_mem>>) src(%dma_wait3A_100 : memref<64xi32, #tpu.memory_space<hbm>>) dst(%arg11 : memref<64xi32, #tpu.memory_space<vmem>>)
        tpu.yield
      }) : () -> ()
      "tpu.region"() ({
        %run_scoped3A = tpu.sem_alloc : memref<!tpu.dma_semaphore, #tpu.memory_space<semaphore_mem>>
        %dma_start3A_97 = tpu.memref_slice %arg4[%add3A_78] : memref<323584xi32, #tpu.memory_space<hbm>> -> memref<64xi32, #tpu.memory_space<hbm>>
        %dma_start3A_98 = tpu.memref_slice %arg4[%add3A_78] : memref<323584xi32, #tpu.memory_space<hbm>> -> memref<64xi32, #tpu.memory_space<hbm>>
        tpu.enqueue_dma source(%dma_start3A_98 : memref<64xi32, #tpu.memory_space<hbm>>) target(%arg12 : memref<64xi32, #tpu.memory_space<vmem>>) target_semaphore(%run_scoped3A : memref<!tpu.dma_semaphore, #tpu.memory_space<semaphore_mem>>)
        %dma_wait3A_99 = tpu.memref_slice %arg4[%add3A_78] : memref<323584xi32, #tpu.memory_space<hbm>> -> memref<64xi32, #tpu.memory_space<hbm>>
        %dma_wait3A_100 = tpu.memref_slice %arg4[%add3A_78] : memref<323584xi32, #tpu.memory_space<hbm>> -> memref<64xi32, #tpu.memory_space<hbm>>
        tpu.wait_dma2 semaphore(%run_scoped3A : memref<!tpu.dma_semaphore, #tpu.memory_space<semaphore_mem>>) src(%dma_wait3A_100 : memref<64xi32, #tpu.memory_space<hbm>>) dst(%arg12 : memref<64xi32, #tpu.memory_space<vmem>>)
        tpu.yield
      }) : () -> ()
      "tpu.region"() ({
        %run_scoped3A = tpu.sem_alloc : memref<!tpu.dma_semaphore, #tpu.memory_space<semaphore_mem>>
        %dma_start3A_97 = arith.constant 0 : i32
        %dma_start3A_98 = tpu.memref_slice %arg5[%add3A_78, %dma_start3A_97] : memref<323584x128xf32, #tpu.memory_space<hbm>> -> memref<64x128xf32, #tpu.memory_space<hbm>>
        %dma_start3A_99 = arith.constant 0 : i32
        %dma_start3A_100 = tpu.memref_slice %arg5[%add3A_78, %dma_start3A_99] : memref<323584x128xf32, #tpu.memory_space<hbm>> -> memref<64x128xf32, #tpu.memory_space<hbm>>
        tpu.enqueue_dma source(%dma_start3A_100 : memref<64x128xf32, #tpu.memory_space<hbm>>) target(%arg13 : memref<64x128xf32, #tpu.memory_space<vmem>>) target_semaphore(%run_scoped3A : memref<!tpu.dma_semaphore, #tpu.memory_space<semaphore_mem>>)
        %dma_wait3A_101 = arith.constant 0 : i32
        %dma_wait3A_102 = tpu.memref_slice %arg5[%add3A_78, %dma_wait3A_101] : memref<323584x128xf32, #tpu.memory_space<hbm>> -> memref<64x128xf32, #tpu.memory_space<hbm>>
        %dma_wait3A_103 = arith.constant 0 : i32
        %dma_wait3A_104 = tpu.memref_slice %arg5[%add3A_78, %dma_wait3A_103] : memref<323584x128xf32, #tpu.memory_space<hbm>> -> memref<64x128xf32, #tpu.memory_space<hbm>>
        tpu.wait_dma2 semaphore(%run_scoped3A : memref<!tpu.dma_semaphore, #tpu.memory_space<semaphore_mem>>) src(%dma_wait3A_104 : memref<64x128xf32, #tpu.memory_space<hbm>>) dst(%arg13 : memref<64x128xf32, #tpu.memory_space<vmem>>)
        tpu.yield
      }) : () -> ()
      %dma_start3A = arith.constant 0 : i32
      %dma_start3A_79 = arith.constant 0 : i32
      %dma_start3A_80 = tpu.memref_slice %arg6[%dma_start3A, %dma_start3A_79] : memref<10000x128xf32, #tpu.memory_space<hbm>> -> memref<10000x128xf32, #tpu.memory_space<hbm>>
      tpu.enqueue_indirect_dma source(%dma_start3A_80 : memref<10000x128xf32, #tpu.memory_space<hbm>>) target(%arg14 : memref<64x128xf32, #tpu.memory_space<vmem>>) offsets(%arg10 : memref<64xi32, #tpu.memory_space<vmem>>) semaphore(%arg19 : memref<!tpu.dma_semaphore, #tpu.memory_space<semaphore_mem>>)
      %dma_start3A_81 = arith.constant 0 : i32
      %dma_start3A_82 = arith.constant 0 : i32
      %dma_start3A_83 = tpu.memref_slice %arg7[%dma_start3A_81, %dma_start3A_82] : memref<10000x136xf32, #tpu.memory_space<hbm>> -> memref<10000x136xf32, #tpu.memory_space<hbm>>
      tpu.enqueue_indirect_dma source(%dma_start3A_83 : memref<10000x136xf32, #tpu.memory_space<hbm>>) target(%arg15 : memref<64x136xf32, #tpu.memory_space<vmem>>) offsets(%arg11 : memref<64xi32, #tpu.memory_space<vmem>>) semaphore(%arg20 : memref<!tpu.dma_semaphore, #tpu.memory_space<semaphore_mem>>)
      %dma_wait3A = arith.constant 0 : i32
      %dma_wait3A_84 = arith.constant 0 : i32
      %dma_wait3A_85 = tpu.memref_slice %arg6[%dma_wait3A, %dma_wait3A_84] : memref<10000x128xf32, #tpu.memory_space<hbm>> -> memref<10000x128xf32, #tpu.memory_space<hbm>>
      tpu.wait_indirect_dma semaphore(%arg19 : memref<!tpu.dma_semaphore, #tpu.memory_space<semaphore_mem>>) src(%dma_wait3A_85 : memref<10000x128xf32, #tpu.memory_space<hbm>>) dst(%arg14 : memref<64x128xf32, #tpu.memory_space<vmem>>)
      %dma_wait3A_86 = arith.constant 0 : i32
      %dma_wait3A_87 = arith.constant 0 : i32
      %dma_wait3A_88 = tpu.memref_slice %arg7[%dma_wait3A_86, %dma_wait3A_87] : memref<10000x136xf32, #tpu.memory_space<hbm>> -> memref<10000x136xf32, #tpu.memory_space<hbm>>
      tpu.wait_indirect_dma semaphore(%arg20 : memref<!tpu.dma_semaphore, #tpu.memory_space<semaphore_mem>>) src(%dma_wait3A_88 : memref<10000x136xf32, #tpu.memory_space<hbm>>) dst(%arg15 : memref<64x136xf32, #tpu.memory_space<vmem>>)
      %scan3A_89 = arith.constant 0 : i32
      %scan3A_90 = arith.constant 0 : i32
      %scan3A_91 = arith.constant 64 : i32
      %scan3A_92 = arith.addi %scan3A_90, %scan3A_91 : i32
      %scan3A_93 = arith.constant 1 : i32
      %scan3A_94 = scf.for %scan3A_97 = %scan3A_90 to %scan3A_92 step %scan3A_93 iter_args(%scan3A_98 = %scan3A_89) -> (i32)  : i32 {
        %broadcast_in_dim3A = arith.constant 0.000000e+00 : f32
        %broadcast_in_dim3A_99 = vector.broadcast %broadcast_in_dim3A : f32 to vector<16xf32>
        %broadcast_in_dim3A_100 = arith.constant 0.000000e+00 : f32
        %broadcast_in_dim3A_101 = vector.broadcast %broadcast_in_dim3A_100 : f32 to vector<16xf32>
        %get3A_102 = arith.index_cast %scan3A_97 : i32 to index
        %get3A_103 = arith.constant 0 : index
        %get3A_104 = tpu.vector_load %arg14[%get3A_102, %get3A_103] {strides = array<i32>} : memref<64x128xf32, #tpu.memory_space<vmem>>, vector<16xf32>,
        %get3A_105 = arith.index_cast %scan3A_97 : i32 to index
        %get3A_106 = arith.constant 0 : index
        %get3A_107 = tpu.vector_load %arg15[%get3A_105, %get3A_106] {strides = array<i32>} : memref<64x136xf32, #tpu.memory_space<vmem>>, vector<16xf32>,
        %add3A_108 = arith.addf %get3A_104, %get3A_107 : vector<16xf32>
        %get3A_109 = arith.index_cast %scan3A_97 : i32 to index
        %get3A_110 = arith.constant 0 : index
        %get3A_111 = tpu.vector_load %arg13[%get3A_109, %get3A_110] {strides = array<i32>} : memref<64x128xf32, #tpu.memory_space<vmem>>, vector<16xf32>,
        %add3A_112 = arith.addf %add3A_108, %get3A_111 : vector<16xf32>
        %gt3A = arith.constant 0.000000e+00 : f32
        %gt3A_113 = vector.broadcast %gt3A : f32 to vector<16xf32>
        %gt3A_114 = arith.cmpf ogt, %add3A_112, %gt3A_113 : vector<16xf32>
        %mul3A_115 = arith.constant 2.000000e-01 : f32
        %mul3A_116 = vector.broadcast %mul3A_115 : f32 to vector<16xf32>
        %mul3A_117 = arith.mulf %mul3A_116, %add3A_112 : vector<16xf32>
        %select_n3A = arith.select %gt3A_114, %add3A_112, %mul3A_117 : vector<16xi1>, vector<16xf32>
        %mul3A_118 = arith.mulf %select_n3A, %get3A_29 : vector<16xf32>
        %add3A_119 = arith.addf %broadcast_in_dim3A_99, %mul3A_118 : vector<16xf32>
        %get3A_120 = arith.index_cast %scan3A_97 : i32 to index
        %get3A_121 = arith.constant 16 : index
        %get3A_122 = tpu.vector_load %arg14[%get3A_120, %get3A_121] {strides = array<i32>} : memref<64x128xf32, #tpu.memory_space<vmem>>, vector<16xf32>,
        %get3A_123 = arith.index_cast %scan3A_97 : i32 to index
        %get3A_124 = arith.constant 16 : index
        %get3A_125 = tpu.vector_load %arg15[%get3A_123, %get3A_124] {strides = array<i32>} : memref<64x136xf32, #tpu.memory_space<vmem>>, vector<16xf32>,
        %add3A_126 = arith.addf %get3A_122, %get3A_125 : vector<16xf32>
        %get3A_127 = arith.index_cast %scan3A_97 : i32 to index
        %get3A_128 = arith.constant 16 : index
        %get3A_129 = tpu.vector_load %arg13[%get3A_127, %get3A_128] {strides = array<i32>} : memref<64x128xf32, #tpu.memory_space<vmem>>, vector<16xf32>,
        %add3A_130 = arith.addf %add3A_126, %get3A_129 : vector<16xf32>
        %gt3A_131 = arith.constant 0.000000e+00 : f32
        %gt3A_132 = vector.broadcast %gt3A_131 : f32 to vector<16xf32>
        %gt3A_133 = arith.cmpf ogt, %add3A_130, %gt3A_132 : vector<16xf32>
        %mul3A_134 = arith.constant 2.000000e-01 : f32
        %mul3A_135 = vector.broadcast %mul3A_134 : f32 to vector<16xf32>
        %mul3A_136 = arith.mulf %mul3A_135, %add3A_130 : vector<16xf32>
        %select_n3A_137 = arith.select %gt3A_133, %add3A_130, %mul3A_136 : vector<16xi1>, vector<16xf32>
        %mul3A_138 = arith.mulf %select_n3A_137, %get3A_31 : vector<16xf32>
        %add3A_139 = arith.addf %add3A_119, %mul3A_138 : vector<16xf32>
        %get3A_140 = arith.index_cast %scan3A_97 : i32 to index
        %get3A_141 = arith.constant 32 : index
        %get3A_142 = tpu.vector_load %arg14[%get3A_140, %get3A_141] {strides = array<i32>} : memref<64x128xf32, #tpu.memory_space<vmem>>, vector<16xf32>,
        %get3A_143 = arith.index_cast %scan3A_97 : i32 to index
        %get3A_144 = arith.constant 32 : index
        %get3A_145 = tpu.vector_load %arg15[%get3A_143, %get3A_144] {strides = array<i32>} : memref<64x136xf32, #tpu.memory_space<vmem>>, vector<16xf32>,
        %add3A_146 = arith.addf %get3A_142, %get3A_145 : vector<16xf32>
        %get3A_147 = arith.index_cast %scan3A_97 : i32 to index
        %get3A_148 = arith.constant 32 : index
        %get3A_149 = tpu.vector_load %arg13[%get3A_147, %get3A_148] {strides = array<i32>} : memref<64x128xf32, #tpu.memory_space<vmem>>, vector<16xf32>,
        %add3A_150 = arith.addf %add3A_146, %get3A_149 : vector<16xf32>
        %gt3A_151 = arith.constant 0.000000e+00 : f32
        %gt3A_152 = vector.broadcast %gt3A_151 : f32 to vector<16xf32>
        %gt3A_153 = arith.cmpf ogt, %add3A_150, %gt3A_152 : vector<16xf32>
        %mul3A_154 = arith.constant 2.000000e-01 : f32
        %mul3A_155 = vector.broadcast %mul3A_154 : f32 to vector<16xf32>
        %mul3A_156 = arith.mulf %mul3A_155, %add3A_150 : vector<16xf32>
        %select_n3A_157 = arith.select %gt3A_153, %add3A_150, %mul3A_156 : vector<16xi1>, vector<16xf32>
        %mul3A_158 = arith.mulf %select_n3A_157, %get3A_33 : vector<16xf32>
        %add3A_159 = arith.addf %add3A_139, %mul3A_158 : vector<16xf32>
        %get3A_160 = arith.index_cast %scan3A_97 : i32 to index
        %get3A_161 = arith.constant 48 : index
        %get3A_162 = tpu.vector_load %arg14[%get3A_160, %get3A_161] {strides = array<i32>} : memref<64x128xf32, #tpu.memory_space<vmem>>, vector<16xf32>,
        %get3A_163 = arith.index_cast %scan3A_97 : i32 to index
        %get3A_164 = arith.constant 48 : index
        %get3A_165 = tpu.vector_load %arg15[%get3A_163, %get3A_164] {strides = array<i32>} : memref<64x136xf32, #tpu.memory_space<vmem>>, vector<16xf32>,
        %add3A_166 = arith.addf %get3A_162, %get3A_165 : vector<16xf32>
        %get3A_167 = arith.index_cast %scan3A_97 : i32 to index
        %get3A_168 = arith.constant 48 : index
        %get3A_169 = tpu.vector_load %arg13[%get3A_167, %get3A_168] {strides = array<i32>} : memref<64x128xf32, #tpu.memory_space<vmem>>, vector<16xf32>,
        %add3A_170 = arith.addf %add3A_166, %get3A_169 : vector<16xf32>
        %gt3A_171 = arith.constant 0.000000e+00 : f32
        %gt3A_172 = vector.broadcast %gt3A_171 : f32 to vector<16xf32>
        %gt3A_173 = arith.cmpf ogt, %add3A_170, %gt3A_172 : vector<16xf32>
        %mul3A_174 = arith.constant 2.000000e-01 : f32
        %mul3A_175 = vector.broadcast %mul3A_174 : f32 to vector<16xf32>
        %mul3A_176 = arith.mulf %mul3A_175, %add3A_170 : vector<16xf32>
        %select_n3A_177 = arith.select %gt3A_173, %add3A_170, %mul3A_176 : vector<16xi1>, vector<16xf32>
        %mul3A_178 = arith.mulf %select_n3A_177, %get3A_35 : vector<16xf32>
        %add3A_179 = arith.addf %add3A_159, %mul3A_178 : vector<16xf32>
        %get3A_180 = arith.index_cast %scan3A_97 : i32 to index
        %get3A_181 = arith.constant 64 : index
        %get3A_182 = tpu.vector_load %arg14[%get3A_180, %get3A_181] {strides = array<i32>} : memref<64x128xf32, #tpu.memory_space<vmem>>, vector<16xf32>,
        %get3A_183 = arith.index_cast %scan3A_97 : i32 to index
        %get3A_184 = arith.constant 64 : index
        %get3A_185 = tpu.vector_load %arg15[%get3A_183, %get3A_184] {strides = array<i32>} : memref<64x136xf32, #tpu.memory_space<vmem>>, vector<16xf32>,
        %add3A_186 = arith.addf %get3A_182, %get3A_185 : vector<16xf32>
        %get3A_187 = arith.index_cast %scan3A_97 : i32 to index
        %get3A_188 = arith.constant 64 : index
        %get3A_189 = tpu.vector_load %arg13[%get3A_187, %get3A_188] {strides = array<i32>} : memref<64x128xf32, #tpu.memory_space<vmem>>, vector<16xf32>,
        %add3A_190 = arith.addf %add3A_186, %get3A_189 : vector<16xf32>
        %gt3A_191 = arith.constant 0.000000e+00 : f32
        %gt3A_192 = vector.broadcast %gt3A_191 : f32 to vector<16xf32>
        %gt3A_193 = arith.cmpf ogt, %add3A_190, %gt3A_192 : vector<16xf32>
        %mul3A_194 = arith.constant 2.000000e-01 : f32
        %mul3A_195 = vector.broadcast %mul3A_194 : f32 to vector<16xf32>
        %mul3A_196 = arith.mulf %mul3A_195, %add3A_190 : vector<16xf32>
        %select_n3A_197 = arith.select %gt3A_193, %add3A_190, %mul3A_196 : vector<16xi1>, vector<16xf32>
        %mul3A_198 = arith.mulf %select_n3A_197, %get3A_37 : vector<16xf32>
        %add3A_199 = arith.addf %broadcast_in_dim3A_101, %mul3A_198 : vector<16xf32>
        %get3A_200 = arith.index_cast %scan3A_97 : i32 to index
        %get3A_201 = arith.constant 80 : index
        %get3A_202 = tpu.vector_load %arg14[%get3A_200, %get3A_201] {strides = array<i32>} : memref<64x128xf32, #tpu.memory_space<vmem>>, vector<16xf32>,
        %get3A_203 = arith.index_cast %scan3A_97 : i32 to index
        %get3A_204 = arith.constant 80 : index
        %get3A_205 = tpu.vector_load %arg15[%get3A_203, %get3A_204] {strides = array<i32>} : memref<64x136xf32, #tpu.memory_space<vmem>>, vector<16xf32>,
        %add3A_206 = arith.addf %get3A_202, %get3A_205 : vector<16xf32>
        %get3A_207 = arith.index_cast %scan3A_97 : i32 to index
        %get3A_208 = arith.constant 80 : index
        %get3A_209 = tpu.vector_load %arg13[%get3A_207, %get3A_208] {strides = array<i32>} : memref<64x128xf32, #tpu.memory_space<vmem>>, vector<16xf32>,
        %add3A_210 = arith.addf %add3A_206, %get3A_209 : vector<16xf32>
        %gt3A_211 = arith.constant 0.000000e+00 : f32
        %gt3A_212 = vector.broadcast %gt3A_211 : f32 to vector<16xf32>
        %gt3A_213 = arith.cmpf ogt, %add3A_210, %gt3A_212 : vector<16xf32>
        %mul3A_214 = arith.constant 2.000000e-01 : f32
        %mul3A_215 = vector.broadcast %mul3A_214 : f32 to vector<16xf32>
        %mul3A_216 = arith.mulf %mul3A_215, %add3A_210 : vector<16xf32>
        %select_n3A_217 = arith.select %gt3A_213, %add3A_210, %mul3A_216 : vector<16xi1>, vector<16xf32>
        %mul3A_218 = arith.mulf %select_n3A_217, %get3A_39 : vector<16xf32>
        %add3A_219 = arith.addf %add3A_199, %mul3A_218 : vector<16xf32>
        %get3A_220 = arith.index_cast %scan3A_97 : i32 to index
        %get3A_221 = arith.constant 96 : index
        %get3A_222 = tpu.vector_load %arg14[%get3A_220, %get3A_221] {strides = array<i32>} : memref<64x128xf32, #tpu.memory_space<vmem>>, vector<16xf32>,
        %get3A_223 = arith.index_cast %scan3A_97 : i32 to index
        %get3A_224 = arith.constant 96 : index
        %get3A_225 = tpu.vector_load %arg15[%get3A_223, %get3A_224] {strides = array<i32>} : memref<64x136xf32, #tpu.memory_space<vmem>>, vector<16xf32>,
        %add3A_226 = arith.addf %get3A_222, %get3A_225 : vector<16xf32>
        %get3A_227 = arith.index_cast %scan3A_97 : i32 to index
        %get3A_228 = arith.constant 96 : index
        %get3A_229 = tpu.vector_load %arg13[%get3A_227, %get3A_228] {strides = array<i32>} : memref<64x128xf32, #tpu.memory_space<vmem>>, vector<16xf32>,
        %add3A_230 = arith.addf %add3A_226, %get3A_229 : vector<16xf32>
        %gt3A_231 = arith.constant 0.000000e+00 : f32
        %gt3A_232 = vector.broadcast %gt3A_231 : f32 to vector<16xf32>
        %gt3A_233 = arith.cmpf ogt, %add3A_230, %gt3A_232 : vector<16xf32>
        %mul3A_234 = arith.constant 2.000000e-01 : f32
        %mul3A_235 = vector.broadcast %mul3A_234 : f32 to vector<16xf32>
        %mul3A_236 = arith.mulf %mul3A_235, %add3A_230 : vector<16xf32>
        %select_n3A_237 = arith.select %gt3A_233, %add3A_230, %mul3A_236 : vector<16xi1>, vector<16xf32>
        %mul3A_238 = arith.mulf %select_n3A_237, %get3A_41 : vector<16xf32>
        %add3A_239 = arith.addf %add3A_219, %mul3A_238 : vector<16xf32>
        %get3A_240 = arith.index_cast %scan3A_97 : i32 to index
        %get3A_241 = arith.constant 112 : index
        %get3A_242 = tpu.vector_load %arg14[%get3A_240, %get3A_241] {strides = array<i32>} : memref<64x128xf32, #tpu.memory_space<vmem>>, vector<16xf32>,
        %get3A_243 = arith.index_cast %scan3A_97 : i32 to index
        %get3A_244 = arith.constant 112 : index
        %get3A_245 = tpu.vector_load %arg15[%get3A_243, %get3A_244] {strides = array<i32>} : memref<64x136xf32, #tpu.memory_space<vmem>>, vector<16xf32>,
        %add3A_246 = arith.addf %get3A_242, %get3A_245 : vector<16xf32>
        %get3A_247 = arith.index_cast %scan3A_97 : i32 to index
        %get3A_248 = arith.constant 112 : index
        %get3A_249 = tpu.vector_load %arg13[%get3A_247, %get3A_248] {strides = array<i32>} : memref<64x128xf32, #tpu.memory_space<vmem>>, vector<16xf32>,
        %add3A_250 = arith.addf %add3A_246, %get3A_249 : vector<16xf32>
        %gt3A_251 = arith.constant 0.000000e+00 : f32
        %gt3A_252 = vector.broadcast %gt3A_251 : f32 to vector<16xf32>
        %gt3A_253 = arith.cmpf ogt, %add3A_250, %gt3A_252 : vector<16xf32>
        %mul3A_254 = arith.constant 2.000000e-01 : f32
        %mul3A_255 = vector.broadcast %mul3A_254 : f32 to vector<16xf32>
        %mul3A_256 = arith.mulf %mul3A_255, %add3A_250 : vector<16xf32>
        %select_n3A_257 = arith.select %gt3A_253, %add3A_250, %mul3A_256 : vector<16xi1>, vector<16xf32>
        %mul3A_258 = arith.mulf %select_n3A_257, %get3A_43 : vector<16xf32>
        %add3A_259 = arith.addf %add3A_239, %mul3A_258 : vector<16xf32>
        %get3A_260 = arith.index_cast %scan3A_97 : i32 to index
        %get3A_261 = arith.constant 120 : index
        %get3A_262 = tpu.vector_load %arg15[%get3A_260, %get3A_261] {strides = array<i32>} : memref<64x136xf32, #tpu.memory_space<vmem>>, vector<16xf32>,
        %reduce_sum3A = arith.constant true
        %reduce_sum3A_263 = vector.broadcast %reduce_sum3A : i1 to vector<16xi1>
        %reduce_sum3A_264 = tpu.scan <sum>, %add3A_179 masked %reduce_sum3A_263 : vector<16xf32>, vector<16xi1> -> vector<16xf32>
        %reduce_sum3A_265 = vector.extract %reduce_sum3A_264[15] : f32 from vector<16xf32>
        %slice3A = vector.extract_strided_slice %get3A_262 {offsets = [8], sizes = [1], strides = [1]} : vector<16xf32> to vector<1xf32>
        %squeeze3A = vector.extract %slice3A[0] : f32 from vector<1xf32>
        %sub3A = arith.subf %reduce_sum3A_265, %squeeze3A : f32
        %reduce_sum3A_266 = arith.constant true
        %reduce_sum3A_267 = vector.broadcast %reduce_sum3A_266 : i1 to vector<16xi1>
        %reduce_sum3A_268 = tpu.scan <sum>, %add3A_259 masked %reduce_sum3A_267 : vector<16xf32>, vector<16xi1> -> vector<16xf32>
        %reduce_sum3A_269 = vector.extract %reduce_sum3A_268[15] : f32 from vector<16xf32>
        %slice3A_270 = vector.extract_strided_slice %get3A_262 {offsets = [9], sizes = [1], strides = [1]} : vector<16xf32> to vector<1xf32>
        %squeeze3A_271 = vector.extract %slice3A_270[0] : f32 from vector<1xf32>
        %sub3A_272 = arith.subf %reduce_sum3A_269, %squeeze3A_271 : f32
        %broadcast_in_dim3A_273 = vector.broadcast %sub3A : f32 to vector<16xf32>
        %exp3A = math.exp %broadcast_in_dim3A_273 : vector<16xf32>
        %broadcast_in_dim3A_274 = vector.broadcast %sub3A_272 : f32 to vector<16xf32>
        %exp3A_275 = math.exp %broadcast_in_dim3A_274 : vector<16xf32>
        %iota3A = tpu.iota {dimensions = array<i32: 0>} : vector<16xi32>
        %eq3A = arith.constant 8 : i32
        %eq3A_276 = vector.broadcast %eq3A : i32 to vector<16xi32>
        %eq3A_277 = arith.cmpi eq, %iota3A, %eq3A_276 : vector<16xi32>
        %eq3A_278 = arith.constant 9 : i32
        %eq3A_279 = vector.broadcast %eq3A_278 : i32 to vector<16xi32>
        %eq3A_280 = arith.cmpi eq, %iota3A, %eq3A_279 : vector<16xi32>
        %broadcast_in_dim3A_281 = arith.constant 0.000000e+00 : f32
        %broadcast_in_dim3A_282 = vector.broadcast %broadcast_in_dim3A_281 : f32 to vector<16xf32>
        %select_n3A_283 = arith.select %eq3A_280, %exp3A_275, %broadcast_in_dim3A_282 : vector<16xi1>, vector<16xf32>
        %select_n3A_284 = arith.select %eq3A_277, %exp3A, %select_n3A_283 : vector<16xi1>, vector<16xf32>
        %swap3A = arith.index_cast %scan3A_97 : i32 to index
        %swap3A_285 = arith.constant 120 : index
        %swap3A_286 = tpu.vector_load %arg16[%swap3A, %swap3A_285] {strides = array<i32>} : memref<64x136xf32, #tpu.memory_space<vmem>>, vector<16xf32>,
        tpu.vector_store %arg16[%swap3A, %swap3A_285], %select_n3A_284 {strides = array<i32>} : memref<64x136xf32, #tpu.memory_space<vmem>>, vector<16xf32>,
        %mul3A_287 = arith.mulf %get3A_104, %exp3A : vector<16xf32>
        %swap3A_288 = arith.index_cast %scan3A_97 : i32 to index
        %swap3A_289 = arith.constant 0 : index
        %swap3A_290 = tpu.vector_load %arg16[%swap3A_288, %swap3A_289] {strides = array<i32>} : memref<64x136xf32, #tpu.memory_space<vmem>>, vector<16xf32>,
        tpu.vector_store %arg16[%swap3A_288, %swap3A_289], %mul3A_287 {strides = array<i32>} : memref<64x136xf32, #tpu.memory_space<vmem>>, vector<16xf32>,
        %mul3A_291 = arith.mulf %get3A_122, %exp3A : vector<16xf32>
        %swap3A_292 = arith.index_cast %scan3A_97 : i32 to index
        %swap3A_293 = arith.constant 16 : index
        %swap3A_294 = tpu.vector_load %arg16[%swap3A_292, %swap3A_293] {strides = array<i32>} : memref<64x136xf32, #tpu.memory_space<vmem>>, vector<16xf32>,
        tpu.vector_store %arg16[%swap3A_292, %swap3A_293], %mul3A_291 {strides = array<i32>} : memref<64x136xf32, #tpu.memory_space<vmem>>, vector<16xf32>,
        %mul3A_295 = arith.mulf %get3A_142, %exp3A : vector<16xf32>
        %swap3A_296 = arith.index_cast %scan3A_97 : i32 to index
        %swap3A_297 = arith.constant 32 : index
        %swap3A_298 = tpu.vector_load %arg16[%swap3A_296, %swap3A_297] {strides = array<i32>} : memref<64x136xf32, #tpu.memory_space<vmem>>, vector<16xf32>,
        tpu.vector_store %arg16[%swap3A_296, %swap3A_297], %mul3A_295 {strides = array<i32>} : memref<64x136xf32, #tpu.memory_space<vmem>>, vector<16xf32>,
        %mul3A_299 = arith.mulf %get3A_162, %exp3A : vector<16xf32>
        %swap3A_300 = arith.index_cast %scan3A_97 : i32 to index
        %swap3A_301 = arith.constant 48 : index
        %swap3A_302 = tpu.vector_load %arg16[%swap3A_300, %swap3A_301] {strides = array<i32>} : memref<64x136xf32, #tpu.memory_space<vmem>>, vector<16xf32>,
        tpu.vector_store %arg16[%swap3A_300, %swap3A_301], %mul3A_299 {strides = array<i32>} : memref<64x136xf32, #tpu.memory_space<vmem>>, vector<16xf32>,
        %mul3A_303 = arith.mulf %get3A_182, %exp3A_275 : vector<16xf32>
        %swap3A_304 = arith.index_cast %scan3A_97 : i32 to index
        %swap3A_305 = arith.constant 64 : index
        %swap3A_306 = tpu.vector_load %arg16[%swap3A_304, %swap3A_305] {strides = array<i32>} : memref<64x136xf32, #tpu.memory_space<vmem>>, vector<16xf32>,
        tpu.vector_store %arg16[%swap3A_304, %swap3A_305], %mul3A_303 {strides = array<i32>} : memref<64x136xf32, #tpu.memory_space<vmem>>, vector<16xf32>,
        %mul3A_307 = arith.mulf %get3A_202, %exp3A_275 : vector<16xf32>
        %swap3A_308 = arith.index_cast %scan3A_97 : i32 to index
        %swap3A_309 = arith.constant 80 : index
        %swap3A_310 = tpu.vector_load %arg16[%swap3A_308, %swap3A_309] {strides = array<i32>} : memref<64x136xf32, #tpu.memory_space<vmem>>, vector<16xf32>,
        tpu.vector_store %arg16[%swap3A_308, %swap3A_309], %mul3A_307 {strides = array<i32>} : memref<64x136xf32, #tpu.memory_space<vmem>>, vector<16xf32>,
        %mul3A_311 = arith.mulf %get3A_222, %exp3A_275 : vector<16xf32>
        %swap3A_312 = arith.index_cast %scan3A_97 : i32 to index
        %swap3A_313 = arith.constant 96 : index
        %swap3A_314 = tpu.vector_load %arg16[%swap3A_312, %swap3A_313] {strides = array<i32>} : memref<64x136xf32, #tpu.memory_space<vmem>>, vector<16xf32>,
        tpu.vector_store %arg16[%swap3A_312, %swap3A_313], %mul3A_311 {strides = array<i32>} : memref<64x136xf32, #tpu.memory_space<vmem>>, vector<16xf32>,
        %mul3A_315 = arith.mulf %get3A_242, %exp3A_275 : vector<16xf32>
        %swap3A_316 = arith.index_cast %scan3A_97 : i32 to index
        %swap3A_317 = arith.constant 112 : index
        %swap3A_318 = tpu.vector_load %arg16[%swap3A_316, %swap3A_317] {strides = array<i32>} : memref<64x136xf32, #tpu.memory_space<vmem>>, vector<16xf32>,
        tpu.vector_store %arg16[%swap3A_316, %swap3A_317], %mul3A_315 {strides = array<i32>} : memref<64x136xf32, #tpu.memory_space<vmem>>, vector<16xf32>,
        %scan3A_319 = arith.constant 0 : i32
        scf.yield %scan3A_319 : i32
      }
      %scan3A_95 = arith.constant 64 : i32
      "tpu.region"() ({
        %run_scoped3A = tpu.sem_alloc : memref<!tpu.dma_semaphore, #tpu.memory_space<semaphore_mem>>
        %dma_start3A_97 = arith.constant 0 : i32
        %dma_start3A_98 = arith.constant 0 : i32
        %dma_start3A_99 = tpu.memref_slice %arg18[%dma_start3A_97, %dma_start3A_98] : memref<10240x136xf32, #tpu.memory_space<vmem_shared>> -> memref<10240x136xf32, #tpu.memory_space<vmem_shared>>
        tpu.enqueue_indirect_dma source(%arg16 : memref<64x136xf32, #tpu.memory_space<vmem>>) target(%dma_start3A_99 : memref<10240x136xf32, #tpu.memory_space<vmem_shared>>) offsets(%arg12 : memref<64xi32, #tpu.memory_space<vmem>>) semaphore(%run_scoped3A : memref<!tpu.dma_semaphore, #tpu.memory_space<semaphore_mem>>) {add = true}
        %dma_wait3A_100 = arith.constant 0 : i32
        %dma_wait3A_101 = arith.constant 0 : i32
        %dma_wait3A_102 = tpu.memref_slice %arg18[%dma_wait3A_100, %dma_wait3A_101] : memref<10240x136xf32, #tpu.memory_space<vmem_shared>> -> memref<10240x136xf32, #tpu.memory_space<vmem_shared>>
        tpu.wait_indirect_dma semaphore(%run_scoped3A : memref<!tpu.dma_semaphore, #tpu.memory_space<semaphore_mem>>) src(%arg16 : memref<64x136xf32, #tpu.memory_space<vmem>>) dst(%dma_wait3A_102 : memref<10240x136xf32, #tpu.memory_space<vmem_shared>>)
        tpu.yield
      }) : () -> ()
      %scan3A_96 = arith.constant 0 : i32
      scf.yield %scan3A_96 : i32
    }
    %scan3A_52 = arith.constant 158 : i32
    %barrier3A_53 = arith.constant 0 : index
    tpu.barrier barrier_id(%barrier3A_53)
    %add3A_54 = arith.constant 0 : i32
    %add3A_55 = arith.addi %mul3A_8, %add3A_54 : i32
    "tpu.region"() ({
      %run_scoped3A = tpu.sem_alloc : memref<!tpu.dma_semaphore, #tpu.memory_space<semaphore_mem>>
      %dma_start3A = arith.constant 0 : i32
      %dma_start3A_74 = tpu.memref_slice %arg18[%add3A_55, %dma_start3A] : memref<10240x136xf32, #tpu.memory_space<vmem_shared>> -> memref<64x136xf32, #tpu.memory_space<vmem_shared>>
      %dma_start3A_75 = arith.constant 0 : i32
      %dma_start3A_76 = tpu.memref_slice %arg18[%add3A_55, %dma_start3A_75] : memref<10240x136xf32, #tpu.memory_space<vmem_shared>> -> memref<64x136xf32, #tpu.memory_space<vmem_shared>>
      tpu.enqueue_dma source(%dma_start3A_76 : memref<64x136xf32, #tpu.memory_space<vmem_shared>>) target(%arg16 : memref<64x136xf32, #tpu.memory_space<vmem>>) target_semaphore(%run_scoped3A : memref<!tpu.dma_semaphore, #tpu.memory_space<semaphore_mem>>)
      %dma_wait3A = arith.constant 0 : i32
      %dma_wait3A_77 = tpu.memref_slice %arg18[%add3A_55, %dma_wait3A] : memref<10240x136xf32, #tpu.memory_space<vmem_shared>> -> memref<64x136xf32, #tpu.memory_space<vmem_shared>>
      %dma_wait3A_78 = arith.constant 0 : i32
      %dma_wait3A_79 = tpu.memref_slice %arg18[%add3A_55, %dma_wait3A_78] : memref<10240x136xf32, #tpu.memory_space<vmem_shared>> -> memref<64x136xf32, #tpu.memory_space<vmem_shared>>
      tpu.wait_dma2 semaphore(%run_scoped3A : memref<!tpu.dma_semaphore, #tpu.memory_space<semaphore_mem>>) src(%dma_wait3A_79 : memref<64x136xf32, #tpu.memory_space<vmem_shared>>) dst(%arg16 : memref<64x136xf32, #tpu.memory_space<vmem>>)
      tpu.yield
    }) : () -> ()
    "tpu.region"() ({
      %run_scoped3A = tpu.sem_alloc : memref<!tpu.dma_semaphore, #tpu.memory_space<semaphore_mem>>
      %dma_start3A = arith.constant 0 : i32
      %dma_start3A_74 = tpu.memref_slice %arg9[%arg0, %add3A_55, %dma_start3A] : memref<2x10240x136xf32, #tpu.memory_space<hbm>> -> memref<1x64x136xf32, #tpu.memory_space<hbm>>
      %dma_start3A_75 = tpu.memref_squeeze %dma_start3A_74 : memref<1x64x136xf32, #tpu.memory_space<hbm>> -> memref<64x136xf32, #tpu.memory_space<hbm>>
      %dma_start3A_76 = arith.constant 0 : i32
      %dma_start3A_77 = tpu.memref_slice %arg9[%arg0, %add3A_55, %dma_start3A_76] : memref<2x10240x136xf32, #tpu.memory_space<hbm>> -> memref<1x64x136xf32, #tpu.memory_space<hbm>>
      %dma_start3A_78 = tpu.memref_squeeze %dma_start3A_77 : memref<1x64x136xf32, #tpu.memory_space<hbm>> -> memref<64x136xf32, #tpu.memory_space<hbm>>
      tpu.enqueue_dma source(%arg16 : memref<64x136xf32, #tpu.memory_space<vmem>>) target(%dma_start3A_78 : memref<64x136xf32, #tpu.memory_space<hbm>>) target_semaphore(%run_scoped3A : memref<!tpu.dma_semaphore, #tpu.memory_space<semaphore_mem>>)
      %dma_wait3A = arith.constant 0 : i32
      %dma_wait3A_79 = tpu.memref_slice %arg9[%arg0, %add3A_55, %dma_wait3A] : memref<2x10240x136xf32, #tpu.memory_space<hbm>> -> memref<1x64x136xf32, #tpu.memory_space<hbm>>
      %dma_wait3A_80 = tpu.memref_squeeze %dma_wait3A_79 : memref<1x64x136xf32, #tpu.memory_space<hbm>> -> memref<64x136xf32, #tpu.memory_space<hbm>>
      %dma_wait3A_81 = arith.constant 0 : i32
      %dma_wait3A_82 = tpu.memref_slice %arg9[%arg0, %add3A_55, %dma_wait3A_81] : memref<2x10240x136xf32, #tpu.memory_space<hbm>> -> memref<1x64x136xf32, #tpu.memory_space<hbm>>
      %dma_wait3A_83 = tpu.memref_squeeze %dma_wait3A_82 : memref<1x64x136xf32, #tpu.memory_space<hbm>> -> memref<64x136xf32, #tpu.memory_space<hbm>>
      tpu.wait_dma2 semaphore(%run_scoped3A : memref<!tpu.dma_semaphore, #tpu.memory_space<semaphore_mem>>) src(%arg16 : memref<64x136xf32, #tpu.memory_space<vmem>>) dst(%dma_wait3A_83 : memref<64x136xf32, #tpu.memory_space<hbm>>)
      tpu.yield
    }) : () -> ()
    %add3A_56 = arith.constant 64 : i32
    %add3A_57 = arith.addi %mul3A_8, %add3A_56 : i32
    "tpu.region"() ({
      %run_scoped3A = tpu.sem_alloc : memref<!tpu.dma_semaphore, #tpu.memory_space<semaphore_mem>>
      %dma_start3A = arith.constant 0 : i32
      %dma_start3A_74 = tpu.memref_slice %arg18[%add3A_57, %dma_start3A] : memref<10240x136xf32, #tpu.memory_space<vmem_shared>> -> memref<64x136xf32, #tpu.memory_space<vmem_shared>>
      %dma_start3A_75 = arith.constant 0 : i32
      %dma_start3A_76 = tpu.memref_slice %arg18[%add3A_57, %dma_start3A_75] : memref<10240x136xf32, #tpu.memory_space<vmem_shared>> -> memref<64x136xf32, #tpu.memory_space<vmem_shared>>
      tpu.enqueue_dma source(%dma_start3A_76 : memref<64x136xf32, #tpu.memory_space<vmem_shared>>) target(%arg16 : memref<64x136xf32, #tpu.memory_space<vmem>>) target_semaphore(%run_scoped3A : memref<!tpu.dma_semaphore, #tpu.memory_space<semaphore_mem>>)
      %dma_wait3A = arith.constant 0 : i32
      %dma_wait3A_77 = tpu.memref_slice %arg18[%add3A_57, %dma_wait3A] : memref<10240x136xf32, #tpu.memory_space<vmem_shared>> -> memref<64x136xf32, #tpu.memory_space<vmem_shared>>
      %dma_wait3A_78 = arith.constant 0 : i32
      %dma_wait3A_79 = tpu.memref_slice %arg18[%add3A_57, %dma_wait3A_78] : memref<10240x136xf32, #tpu.memory_space<vmem_shared>> -> memref<64x136xf32, #tpu.memory_space<vmem_shared>>
      tpu.wait_dma2 semaphore(%run_scoped3A : memref<!tpu.dma_semaphore, #tpu.memory_space<semaphore_mem>>) src(%dma_wait3A_79 : memref<64x136xf32, #tpu.memory_space<vmem_shared>>) dst(%arg16 : memref<64x136xf32, #tpu.memory_space<vmem>>)
      tpu.yield
    }) : () -> ()
    "tpu.region"() ({
      %run_scoped3A = tpu.sem_alloc : memref<!tpu.dma_semaphore, #tpu.memory_space<semaphore_mem>>
      %dma_start3A = arith.constant 0 : i32
      %dma_start3A_74 = tpu.memref_slice %arg9[%arg0, %add3A_57, %dma_start3A] : memref<2x10240x136xf32, #tpu.memory_space<hbm>> -> memref<1x64x136xf32, #tpu.memory_space<hbm>>
      %dma_start3A_75 = tpu.memref_squeeze %dma_start3A_74 : memref<1x64x136xf32, #tpu.memory_space<hbm>> -> memref<64x136xf32, #tpu.memory_space<hbm>>
      %dma_start3A_76 = arith.constant 0 : i32
      %dma_start3A_77 = tpu.memref_slice %arg9[%arg0, %add3A_57, %dma_start3A_76] : memref<2x10240x136xf32, #tpu.memory_space<hbm>> -> memref<1x64x136xf32, #tpu.memory_space<hbm>>
      %dma_start3A_78 = tpu.memref_squeeze %dma_start3A_77 : memref<1x64x136xf32, #tpu.memory_space<hbm>> -> memref<64x136xf32, #tpu.memory_space<hbm>>
      tpu.enqueue_dma source(%arg16 : memref<64x136xf32, #tpu.memory_space<vmem>>) target(%dma_start3A_78 : memref<64x136xf32, #tpu.memory_space<hbm>>) target_semaphore(%run_scoped3A : memref<!tpu.dma_semaphore, #tpu.memory_space<semaphore_mem>>)
      %dma_wait3A = arith.constant 0 : i32
      %dma_wait3A_79 = tpu.memref_slice %arg9[%arg0, %add3A_57, %dma_wait3A] : memref<2x10240x136xf32, #tpu.memory_space<hbm>> -> memref<1x64x136xf32, #tpu.memory_space<hbm>>
      %dma_wait3A_80 = tpu.memref_squeeze %dma_wait3A_79 : memref<1x64x136xf32, #tpu.memory_space<hbm>> -> memref<64x136xf32, #tpu.memory_space<hbm>>
      %dma_wait3A_81 = arith.constant 0 : i32
      %dma_wait3A_82 = tpu.memref_slice %arg9[%arg0, %add3A_57, %dma_wait3A_81] : memref<2x10240x136xf32, #tpu.memory_space<hbm>> -> memref<1x64x136xf32, #tpu.memory_space<hbm>>
      %dma_wait3A_83 = tpu.memref_squeeze %dma_wait3A_82 : memref<1x64x136xf32, #tpu.memory_space<hbm>> -> memref<64x136xf32, #tpu.memory_space<hbm>>
      tpu.wait_dma2 semaphore(%run_scoped3A : memref<!tpu.dma_semaphore, #tpu.memory_space<semaphore_mem>>) src(%arg16 : memref<64x136xf32, #tpu.memory_space<vmem>>) dst(%dma_wait3A_83 : memref<64x136xf32, #tpu.memory_space<hbm>>)
      tpu.yield
    }) : () -> ()
    %add3A_58 = arith.constant 128 : i32
    %add3A_59 = arith.addi %mul3A_8, %add3A_58 : i32
    "tpu.region"() ({
      %run_scoped3A = tpu.sem_alloc : memref<!tpu.dma_semaphore, #tpu.memory_space<semaphore_mem>>
      %dma_start3A = arith.constant 0 : i32
      %dma_start3A_74 = tpu.memref_slice %arg18[%add3A_59, %dma_start3A] : memref<10240x136xf32, #tpu.memory_space<vmem_shared>> -> memref<64x136xf32, #tpu.memory_space<vmem_shared>>
      %dma_start3A_75 = arith.constant 0 : i32
      %dma_start3A_76 = tpu.memref_slice %arg18[%add3A_59, %dma_start3A_75] : memref<10240x136xf32, #tpu.memory_space<vmem_shared>> -> memref<64x136xf32, #tpu.memory_space<vmem_shared>>
      tpu.enqueue_dma source(%dma_start3A_76 : memref<64x136xf32, #tpu.memory_space<vmem_shared>>) target(%arg16 : memref<64x136xf32, #tpu.memory_space<vmem>>) target_semaphore(%run_scoped3A : memref<!tpu.dma_semaphore, #tpu.memory_space<semaphore_mem>>)
      %dma_wait3A = arith.constant 0 : i32
      %dma_wait3A_77 = tpu.memref_slice %arg18[%add3A_59, %dma_wait3A] : memref<10240x136xf32, #tpu.memory_space<vmem_shared>> -> memref<64x136xf32, #tpu.memory_space<vmem_shared>>
      %dma_wait3A_78 = arith.constant 0 : i32
      %dma_wait3A_79 = tpu.memref_slice %arg18[%add3A_59, %dma_wait3A_78] : memref<10240x136xf32, #tpu.memory_space<vmem_shared>> -> memref<64x136xf32, #tpu.memory_space<vmem_shared>>
      tpu.wait_dma2 semaphore(%run_scoped3A : memref<!tpu.dma_semaphore, #tpu.memory_space<semaphore_mem>>) src(%dma_wait3A_79 : memref<64x136xf32, #tpu.memory_space<vmem_shared>>) dst(%arg16 : memref<64x136xf32, #tpu.memory_space<vmem>>)
      tpu.yield
    }) : () -> ()
    "tpu.region"() ({
      %run_scoped3A = tpu.sem_alloc : memref<!tpu.dma_semaphore, #tpu.memory_space<semaphore_mem>>
      %dma_start3A = arith.constant 0 : i32
      %dma_start3A_74 = tpu.memref_slice %arg9[%arg0, %add3A_59, %dma_start3A] : memref<2x10240x136xf32, #tpu.memory_space<hbm>> -> memref<1x64x136xf32, #tpu.memory_space<hbm>>
      %dma_start3A_75 = tpu.memref_squeeze %dma_start3A_74 : memref<1x64x136xf32, #tpu.memory_space<hbm>> -> memref<64x136xf32, #tpu.memory_space<hbm>>
      %dma_start3A_76 = arith.constant 0 : i32
      %dma_start3A_77 = tpu.memref_slice %arg9[%arg0, %add3A_59, %dma_start3A_76] : memref<2x10240x136xf32, #tpu.memory_space<hbm>> -> memref<1x64x136xf32, #tpu.memory_space<hbm>>
      %dma_start3A_78 = tpu.memref_squeeze %dma_start3A_77 : memref<1x64x136xf32, #tpu.memory_space<hbm>> -> memref<64x136xf32, #tpu.memory_space<hbm>>
      tpu.enqueue_dma source(%arg16 : memref<64x136xf32, #tpu.memory_space<vmem>>) target(%dma_start3A_78 : memref<64x136xf32, #tpu.memory_space<hbm>>) target_semaphore(%run_scoped3A : memref<!tpu.dma_semaphore, #tpu.memory_space<semaphore_mem>>)
      %dma_wait3A = arith.constant 0 : i32
      %dma_wait3A_79 = tpu.memref_slice %arg9[%arg0, %add3A_59, %dma_wait3A] : memref<2x10240x136xf32, #tpu.memory_space<hbm>> -> memref<1x64x136xf32, #tpu.memory_space<hbm>>
      %dma_wait3A_80 = tpu.memref_squeeze %dma_wait3A_79 : memref<1x64x136xf32, #tpu.memory_space<hbm>> -> memref<64x136xf32, #tpu.memory_space<hbm>>
      %dma_wait3A_81 = arith.constant 0 : i32
      %dma_wait3A_82 = tpu.memref_slice %arg9[%arg0, %add3A_59, %dma_wait3A_81] : memref<2x10240x136xf32, #tpu.memory_space<hbm>> -> memref<1x64x136xf32, #tpu.memory_space<hbm>>
      %dma_wait3A_83 = tpu.memref_squeeze %dma_wait3A_82 : memref<1x64x136xf32, #tpu.memory_space<hbm>> -> memref<64x136xf32, #tpu.memory_space<hbm>>
      tpu.wait_dma2 semaphore(%run_scoped3A : memref<!tpu.dma_semaphore, #tpu.memory_space<semaphore_mem>>) src(%arg16 : memref<64x136xf32, #tpu.memory_space<vmem>>) dst(%dma_wait3A_83 : memref<64x136xf32, #tpu.memory_space<hbm>>)
      tpu.yield
    }) : () -> ()
    %add3A_60 = arith.constant 192 : i32
    %add3A_61 = arith.addi %mul3A_8, %add3A_60 : i32
    "tpu.region"() ({
      %run_scoped3A = tpu.sem_alloc : memref<!tpu.dma_semaphore, #tpu.memory_space<semaphore_mem>>
      %dma_start3A = arith.constant 0 : i32
      %dma_start3A_74 = tpu.memref_slice %arg18[%add3A_61, %dma_start3A] : memref<10240x136xf32, #tpu.memory_space<vmem_shared>> -> memref<64x136xf32, #tpu.memory_space<vmem_shared>>
      %dma_start3A_75 = arith.constant 0 : i32
      %dma_start3A_76 = tpu.memref_slice %arg18[%add3A_61, %dma_start3A_75] : memref<10240x136xf32, #tpu.memory_space<vmem_shared>> -> memref<64x136xf32, #tpu.memory_space<vmem_shared>>
      tpu.enqueue_dma source(%dma_start3A_76 : memref<64x136xf32, #tpu.memory_space<vmem_shared>>) target(%arg16 : memref<64x136xf32, #tpu.memory_space<vmem>>) target_semaphore(%run_scoped3A : memref<!tpu.dma_semaphore, #tpu.memory_space<semaphore_mem>>)
      %dma_wait3A = arith.constant 0 : i32
      %dma_wait3A_77 = tpu.memref_slice %arg18[%add3A_61, %dma_wait3A] : memref<10240x136xf32, #tpu.memory_space<vmem_shared>> -> memref<64x136xf32, #tpu.memory_space<vmem_shared>>
      %dma_wait3A_78 = arith.constant 0 : i32
      %dma_wait3A_79 = tpu.memref_slice %arg18[%add3A_61, %dma_wait3A_78] : memref<10240x136xf32, #tpu.memory_space<vmem_shared>> -> memref<64x136xf32, #tpu.memory_space<vmem_shared>>
      tpu.wait_dma2 semaphore(%run_scoped3A : memref<!tpu.dma_semaphore, #tpu.memory_space<semaphore_mem>>) src(%dma_wait3A_79 : memref<64x136xf32, #tpu.memory_space<vmem_shared>>) dst(%arg16 : memref<64x136xf32, #tpu.memory_space<vmem>>)
      tpu.yield
    }) : () -> ()
    "tpu.region"() ({
      %run_scoped3A = tpu.sem_alloc : memref<!tpu.dma_semaphore, #tpu.memory_space<semaphore_mem>>
      %dma_start3A = arith.constant 0 : i32
      %dma_start3A_74 = tpu.memref_slice %arg9[%arg0, %add3A_61, %dma_start3A] : memref<2x10240x136xf32, #tpu.memory_space<hbm>> -> memref<1x64x136xf32, #tpu.memory_space<hbm>>
      %dma_start3A_75 = tpu.memref_squeeze %dma_start3A_74 : memref<1x64x136xf32, #tpu.memory_space<hbm>> -> memref<64x136xf32, #tpu.memory_space<hbm>>
      %dma_start3A_76 = arith.constant 0 : i32
      %dma_start3A_77 = tpu.memref_slice %arg9[%arg0, %add3A_61, %dma_start3A_76] : memref<2x10240x136xf32, #tpu.memory_space<hbm>> -> memref<1x64x136xf32, #tpu.memory_space<hbm>>
      %dma_start3A_78 = tpu.memref_squeeze %dma_start3A_77 : memref<1x64x136xf32, #tpu.memory_space<hbm>> -> memref<64x136xf32, #tpu.memory_space<hbm>>
      tpu.enqueue_dma source(%arg16 : memref<64x136xf32, #tpu.memory_space<vmem>>) target(%dma_start3A_78 : memref<64x136xf32, #tpu.memory_space<hbm>>) target_semaphore(%run_scoped3A : memref<!tpu.dma_semaphore, #tpu.memory_space<semaphore_mem>>)
      %dma_wait3A = arith.constant 0 : i32
      %dma_wait3A_79 = tpu.memref_slice %arg9[%arg0, %add3A_61, %dma_wait3A] : memref<2x10240x136xf32, #tpu.memory_space<hbm>> -> memref<1x64x136xf32, #tpu.memory_space<hbm>>
      %dma_wait3A_80 = tpu.memref_squeeze %dma_wait3A_79 : memref<1x64x136xf32, #tpu.memory_space<hbm>> -> memref<64x136xf32, #tpu.memory_space<hbm>>
      %dma_wait3A_81 = arith.constant 0 : i32
      %dma_wait3A_82 = tpu.memref_slice %arg9[%arg0, %add3A_61, %dma_wait3A_81] : memref<2x10240x136xf32, #tpu.memory_space<hbm>> -> memref<1x64x136xf32, #tpu.memory_space<hbm>>
      %dma_wait3A_83 = tpu.memref_squeeze %dma_wait3A_82 : memref<1x64x136xf32, #tpu.memory_space<hbm>> -> memref<64x136xf32, #tpu.memory_space<hbm>>
      tpu.wait_dma2 semaphore(%run_scoped3A : memref<!tpu.dma_semaphore, #tpu.memory_space<semaphore_mem>>) src(%arg16 : memref<64x136xf32, #tpu.memory_space<vmem>>) dst(%dma_wait3A_83 : memref<64x136xf32, #tpu.memory_space<hbm>>)
      tpu.yield
    }) : () -> ()
    %add3A_62 = arith.constant 256 : i32
    %add3A_63 = arith.addi %mul3A_8, %add3A_62 : i32
    "tpu.region"() ({
      %run_scoped3A = tpu.sem_alloc : memref<!tpu.dma_semaphore, #tpu.memory_space<semaphore_mem>>
      %dma_start3A = arith.constant 0 : i32
      %dma_start3A_74 = tpu.memref_slice %arg18[%add3A_63, %dma_start3A] : memref<10240x136xf32, #tpu.memory_space<vmem_shared>> -> memref<64x136xf32, #tpu.memory_space<vmem_shared>>
      %dma_start3A_75 = arith.constant 0 : i32
      %dma_start3A_76 = tpu.memref_slice %arg18[%add3A_63, %dma_start3A_75] : memref<10240x136xf32, #tpu.memory_space<vmem_shared>> -> memref<64x136xf32, #tpu.memory_space<vmem_shared>>
      tpu.enqueue_dma source(%dma_start3A_76 : memref<64x136xf32, #tpu.memory_space<vmem_shared>>) target(%arg16 : memref<64x136xf32, #tpu.memory_space<vmem>>) target_semaphore(%run_scoped3A : memref<!tpu.dma_semaphore, #tpu.memory_space<semaphore_mem>>)
      %dma_wait3A = arith.constant 0 : i32
      %dma_wait3A_77 = tpu.memref_slice %arg18[%add3A_63, %dma_wait3A] : memref<10240x136xf32, #tpu.memory_space<vmem_shared>> -> memref<64x136xf32, #tpu.memory_space<vmem_shared>>
      %dma_wait3A_78 = arith.constant 0 : i32
      %dma_wait3A_79 = tpu.memref_slice %arg18[%add3A_63, %dma_wait3A_78] : memref<10240x136xf32, #tpu.memory_space<vmem_shared>> -> memref<64x136xf32, #tpu.memory_space<vmem_shared>>
      tpu.wait_dma2 semaphore(%run_scoped3A : memref<!tpu.dma_semaphore, #tpu.memory_space<semaphore_mem>>) src(%dma_wait3A_79 : memref<64x136xf32, #tpu.memory_space<vmem_shared>>) dst(%arg16 : memref<64x136xf32, #tpu.memory_space<vmem>>)
      tpu.yield
    }) : () -> ()
    "tpu.region"() ({
      %run_scoped3A = tpu.sem_alloc : memref<!tpu.dma_semaphore, #tpu.memory_space<semaphore_mem>>
      %dma_start3A = arith.constant 0 : i32
      %dma_start3A_74 = tpu.memref_slice %arg9[%arg0, %add3A_63, %dma_start3A] : memref<2x10240x136xf32, #tpu.memory_space<hbm>> -> memref<1x64x136xf32, #tpu.memory_space<hbm>>
      %dma_start3A_75 = tpu.memref_squeeze %dma_start3A_74 : memref<1x64x136xf32, #tpu.memory_space<hbm>> -> memref<64x136xf32, #tpu.memory_space<hbm>>
      %dma_start3A_76 = arith.constant 0 : i32
      %dma_start3A_77 = tpu.memref_slice %arg9[%arg0, %add3A_63, %dma_start3A_76] : memref<2x10240x136xf32, #tpu.memory_space<hbm>> -> memref<1x64x136xf32, #tpu.memory_space<hbm>>
      %dma_start3A_78 = tpu.memref_squeeze %dma_start3A_77 : memref<1x64x136xf32, #tpu.memory_space<hbm>> -> memref<64x136xf32, #tpu.memory_space<hbm>>
      tpu.enqueue_dma source(%arg16 : memref<64x136xf32, #tpu.memory_space<vmem>>) target(%dma_start3A_78 : memref<64x136xf32, #tpu.memory_space<hbm>>) target_semaphore(%run_scoped3A : memref<!tpu.dma_semaphore, #tpu.memory_space<semaphore_mem>>)
      %dma_wait3A = arith.constant 0 : i32
      %dma_wait3A_79 = tpu.memref_slice %arg9[%arg0, %add3A_63, %dma_wait3A] : memref<2x10240x136xf32, #tpu.memory_space<hbm>> -> memref<1x64x136xf32, #tpu.memory_space<hbm>>
      %dma_wait3A_80 = tpu.memref_squeeze %dma_wait3A_79 : memref<1x64x136xf32, #tpu.memory_space<hbm>> -> memref<64x136xf32, #tpu.memory_space<hbm>>
      %dma_wait3A_81 = arith.constant 0 : i32
      %dma_wait3A_82 = tpu.memref_slice %arg9[%arg0, %add3A_63, %dma_wait3A_81] : memref<2x10240x136xf32, #tpu.memory_space<hbm>> -> memref<1x64x136xf32, #tpu.memory_space<hbm>>
      %dma_wait3A_83 = tpu.memref_squeeze %dma_wait3A_82 : memref<1x64x136xf32, #tpu.memory_space<hbm>> -> memref<64x136xf32, #tpu.memory_space<hbm>>
      tpu.wait_dma2 semaphore(%run_scoped3A : memref<!tpu.dma_semaphore, #tpu.memory_space<semaphore_mem>>) src(%arg16 : memref<64x136xf32, #tpu.memory_space<vmem>>) dst(%dma_wait3A_83 : memref<64x136xf32, #tpu.memory_space<hbm>>)
      tpu.yield
    }) : () -> ()
    %add3A_64 = arith.constant 320 : i32
    %add3A_65 = arith.addi %mul3A_8, %add3A_64 : i32
    "tpu.region"() ({
      %run_scoped3A = tpu.sem_alloc : memref<!tpu.dma_semaphore, #tpu.memory_space<semaphore_mem>>
      %dma_start3A = arith.constant 0 : i32
      %dma_start3A_74 = tpu.memref_slice %arg18[%add3A_65, %dma_start3A] : memref<10240x136xf32, #tpu.memory_space<vmem_shared>> -> memref<64x136xf32, #tpu.memory_space<vmem_shared>>
      %dma_start3A_75 = arith.constant 0 : i32
      %dma_start3A_76 = tpu.memref_slice %arg18[%add3A_65, %dma_start3A_75] : memref<10240x136xf32, #tpu.memory_space<vmem_shared>> -> memref<64x136xf32, #tpu.memory_space<vmem_shared>>
      tpu.enqueue_dma source(%dma_start3A_76 : memref<64x136xf32, #tpu.memory_space<vmem_shared>>) target(%arg16 : memref<64x136xf32, #tpu.memory_space<vmem>>) target_semaphore(%run_scoped3A : memref<!tpu.dma_semaphore, #tpu.memory_space<semaphore_mem>>)
      %dma_wait3A = arith.constant 0 : i32
      %dma_wait3A_77 = tpu.memref_slice %arg18[%add3A_65, %dma_wait3A] : memref<10240x136xf32, #tpu.memory_space<vmem_shared>> -> memref<64x136xf32, #tpu.memory_space<vmem_shared>>
      %dma_wait3A_78 = arith.constant 0 : i32
      %dma_wait3A_79 = tpu.memref_slice %arg18[%add3A_65, %dma_wait3A_78] : memref<10240x136xf32, #tpu.memory_space<vmem_shared>> -> memref<64x136xf32, #tpu.memory_space<vmem_shared>>
      tpu.wait_dma2 semaphore(%run_scoped3A : memref<!tpu.dma_semaphore, #tpu.memory_space<semaphore_mem>>) src(%dma_wait3A_79 : memref<64x136xf32, #tpu.memory_space<vmem_shared>>) dst(%arg16 : memref<64x136xf32, #tpu.memory_space<vmem>>)
      tpu.yield
    }) : () -> ()
    "tpu.region"() ({
      %run_scoped3A = tpu.sem_alloc : memref<!tpu.dma_semaphore, #tpu.memory_space<semaphore_mem>>
      %dma_start3A = arith.constant 0 : i32
      %dma_start3A_74 = tpu.memref_slice %arg9[%arg0, %add3A_65, %dma_start3A] : memref<2x10240x136xf32, #tpu.memory_space<hbm>> -> memref<1x64x136xf32, #tpu.memory_space<hbm>>
      %dma_start3A_75 = tpu.memref_squeeze %dma_start3A_74 : memref<1x64x136xf32, #tpu.memory_space<hbm>> -> memref<64x136xf32, #tpu.memory_space<hbm>>
      %dma_start3A_76 = arith.constant 0 : i32
      %dma_start3A_77 = tpu.memref_slice %arg9[%arg0, %add3A_65, %dma_start3A_76] : memref<2x10240x136xf32, #tpu.memory_space<hbm>> -> memref<1x64x136xf32, #tpu.memory_space<hbm>>
      %dma_start3A_78 = tpu.memref_squeeze %dma_start3A_77 : memref<1x64x136xf32, #tpu.memory_space<hbm>> -> memref<64x136xf32, #tpu.memory_space<hbm>>
      tpu.enqueue_dma source(%arg16 : memref<64x136xf32, #tpu.memory_space<vmem>>) target(%dma_start3A_78 : memref<64x136xf32, #tpu.memory_space<hbm>>) target_semaphore(%run_scoped3A : memref<!tpu.dma_semaphore, #tpu.memory_space<semaphore_mem>>)
      %dma_wait3A = arith.constant 0 : i32
      %dma_wait3A_79 = tpu.memref_slice %arg9[%arg0, %add3A_65, %dma_wait3A] : memref<2x10240x136xf32, #tpu.memory_space<hbm>> -> memref<1x64x136xf32, #tpu.memory_space<hbm>>
      %dma_wait3A_80 = tpu.memref_squeeze %dma_wait3A_79 : memref<1x64x136xf32, #tpu.memory_space<hbm>> -> memref<64x136xf32, #tpu.memory_space<hbm>>
      %dma_wait3A_81 = arith.constant 0 : i32
      %dma_wait3A_82 = tpu.memref_slice %arg9[%arg0, %add3A_65, %dma_wait3A_81] : memref<2x10240x136xf32, #tpu.memory_space<hbm>> -> memref<1x64x136xf32, #tpu.memory_space<hbm>>
      %dma_wait3A_83 = tpu.memref_squeeze %dma_wait3A_82 : memref<1x64x136xf32, #tpu.memory_space<hbm>> -> memref<64x136xf32, #tpu.memory_space<hbm>>
      tpu.wait_dma2 semaphore(%run_scoped3A : memref<!tpu.dma_semaphore, #tpu.memory_space<semaphore_mem>>) src(%arg16 : memref<64x136xf32, #tpu.memory_space<vmem>>) dst(%dma_wait3A_83 : memref<64x136xf32, #tpu.memory_space<hbm>>)
      tpu.yield
    }) : () -> ()
    %add3A_66 = arith.constant 384 : i32
    %add3A_67 = arith.addi %mul3A_8, %add3A_66 : i32
    "tpu.region"() ({
      %run_scoped3A = tpu.sem_alloc : memref<!tpu.dma_semaphore, #tpu.memory_space<semaphore_mem>>
      %dma_start3A = arith.constant 0 : i32
      %dma_start3A_74 = tpu.memref_slice %arg18[%add3A_67, %dma_start3A] : memref<10240x136xf32, #tpu.memory_space<vmem_shared>> -> memref<64x136xf32, #tpu.memory_space<vmem_shared>>
      %dma_start3A_75 = arith.constant 0 : i32
      %dma_start3A_76 = tpu.memref_slice %arg18[%add3A_67, %dma_start3A_75] : memref<10240x136xf32, #tpu.memory_space<vmem_shared>> -> memref<64x136xf32, #tpu.memory_space<vmem_shared>>
      tpu.enqueue_dma source(%dma_start3A_76 : memref<64x136xf32, #tpu.memory_space<vmem_shared>>) target(%arg16 : memref<64x136xf32, #tpu.memory_space<vmem>>) target_semaphore(%run_scoped3A : memref<!tpu.dma_semaphore, #tpu.memory_space<semaphore_mem>>)
      %dma_wait3A = arith.constant 0 : i32
      %dma_wait3A_77 = tpu.memref_slice %arg18[%add3A_67, %dma_wait3A] : memref<10240x136xf32, #tpu.memory_space<vmem_shared>> -> memref<64x136xf32, #tpu.memory_space<vmem_shared>>
      %dma_wait3A_78 = arith.constant 0 : i32
      %dma_wait3A_79 = tpu.memref_slice %arg18[%add3A_67, %dma_wait3A_78] : memref<10240x136xf32, #tpu.memory_space<vmem_shared>> -> memref<64x136xf32, #tpu.memory_space<vmem_shared>>
      tpu.wait_dma2 semaphore(%run_scoped3A : memref<!tpu.dma_semaphore, #tpu.memory_space<semaphore_mem>>) src(%dma_wait3A_79 : memref<64x136xf32, #tpu.memory_space<vmem_shared>>) dst(%arg16 : memref<64x136xf32, #tpu.memory_space<vmem>>)
      tpu.yield
    }) : () -> ()
    "tpu.region"() ({
      %run_scoped3A = tpu.sem_alloc : memref<!tpu.dma_semaphore, #tpu.memory_space<semaphore_mem>>
      %dma_start3A = arith.constant 0 : i32
      %dma_start3A_74 = tpu.memref_slice %arg9[%arg0, %add3A_67, %dma_start3A] : memref<2x10240x136xf32, #tpu.memory_space<hbm>> -> memref<1x64x136xf32, #tpu.memory_space<hbm>>
      %dma_start3A_75 = tpu.memref_squeeze %dma_start3A_74 : memref<1x64x136xf32, #tpu.memory_space<hbm>> -> memref<64x136xf32, #tpu.memory_space<hbm>>
      %dma_start3A_76 = arith.constant 0 : i32
      %dma_start3A_77 = tpu.memref_slice %arg9[%arg0, %add3A_67, %dma_start3A_76] : memref<2x10240x136xf32, #tpu.memory_space<hbm>> -> memref<1x64x136xf32, #tpu.memory_space<hbm>>
      %dma_start3A_78 = tpu.memref_squeeze %dma_start3A_77 : memref<1x64x136xf32, #tpu.memory_space<hbm>> -> memref<64x136xf32, #tpu.memory_space<hbm>>
      tpu.enqueue_dma source(%arg16 : memref<64x136xf32, #tpu.memory_space<vmem>>) target(%dma_start3A_78 : memref<64x136xf32, #tpu.memory_space<hbm>>) target_semaphore(%run_scoped3A : memref<!tpu.dma_semaphore, #tpu.memory_space<semaphore_mem>>)
      %dma_wait3A = arith.constant 0 : i32
      %dma_wait3A_79 = tpu.memref_slice %arg9[%arg0, %add3A_67, %dma_wait3A] : memref<2x10240x136xf32, #tpu.memory_space<hbm>> -> memref<1x64x136xf32, #tpu.memory_space<hbm>>
      %dma_wait3A_80 = tpu.memref_squeeze %dma_wait3A_79 : memref<1x64x136xf32, #tpu.memory_space<hbm>> -> memref<64x136xf32, #tpu.memory_space<hbm>>
      %dma_wait3A_81 = arith.constant 0 : i32
      %dma_wait3A_82 = tpu.memref_slice %arg9[%arg0, %add3A_67, %dma_wait3A_81] : memref<2x10240x136xf32, #tpu.memory_space<hbm>> -> memref<1x64x136xf32, #tpu.memory_space<hbm>>
      %dma_wait3A_83 = tpu.memref_squeeze %dma_wait3A_82 : memref<1x64x136xf32, #tpu.memory_space<hbm>> -> memref<64x136xf32, #tpu.memory_space<hbm>>
      tpu.wait_dma2 semaphore(%run_scoped3A : memref<!tpu.dma_semaphore, #tpu.memory_space<semaphore_mem>>) src(%arg16 : memref<64x136xf32, #tpu.memory_space<vmem>>) dst(%dma_wait3A_83 : memref<64x136xf32, #tpu.memory_space<hbm>>)
      tpu.yield
    }) : () -> ()
    %add3A_68 = arith.constant 448 : i32
    %add3A_69 = arith.addi %mul3A_8, %add3A_68 : i32
    "tpu.region"() ({
      %run_scoped3A = tpu.sem_alloc : memref<!tpu.dma_semaphore, #tpu.memory_space<semaphore_mem>>
      %dma_start3A = arith.constant 0 : i32
      %dma_start3A_74 = tpu.memref_slice %arg18[%add3A_69, %dma_start3A] : memref<10240x136xf32, #tpu.memory_space<vmem_shared>> -> memref<64x136xf32, #tpu.memory_space<vmem_shared>>
      %dma_start3A_75 = arith.constant 0 : i32
      %dma_start3A_76 = tpu.memref_slice %arg18[%add3A_69, %dma_start3A_75] : memref<10240x136xf32, #tpu.memory_space<vmem_shared>> -> memref<64x136xf32, #tpu.memory_space<vmem_shared>>
      tpu.enqueue_dma source(%dma_start3A_76 : memref<64x136xf32, #tpu.memory_space<vmem_shared>>) target(%arg16 : memref<64x136xf32, #tpu.memory_space<vmem>>) target_semaphore(%run_scoped3A : memref<!tpu.dma_semaphore, #tpu.memory_space<semaphore_mem>>)
      %dma_wait3A = arith.constant 0 : i32
      %dma_wait3A_77 = tpu.memref_slice %arg18[%add3A_69, %dma_wait3A] : memref<10240x136xf32, #tpu.memory_space<vmem_shared>> -> memref<64x136xf32, #tpu.memory_space<vmem_shared>>
      %dma_wait3A_78 = arith.constant 0 : i32
      %dma_wait3A_79 = tpu.memref_slice %arg18[%add3A_69, %dma_wait3A_78] : memref<10240x136xf32, #tpu.memory_space<vmem_shared>> -> memref<64x136xf32, #tpu.memory_space<vmem_shared>>
      tpu.wait_dma2 semaphore(%run_scoped3A : memref<!tpu.dma_semaphore, #tpu.memory_space<semaphore_mem>>) src(%dma_wait3A_79 : memref<64x136xf32, #tpu.memory_space<vmem_shared>>) dst(%arg16 : memref<64x136xf32, #tpu.memory_space<vmem>>)
      tpu.yield
    }) : () -> ()
    "tpu.region"() ({
      %run_scoped3A = tpu.sem_alloc : memref<!tpu.dma_semaphore, #tpu.memory_space<semaphore_mem>>
      %dma_start3A = arith.constant 0 : i32
      %dma_start3A_74 = tpu.memref_slice %arg9[%arg0, %add3A_69, %dma_start3A] : memref<2x10240x136xf32, #tpu.memory_space<hbm>> -> memref<1x64x136xf32, #tpu.memory_space<hbm>>
      %dma_start3A_75 = tpu.memref_squeeze %dma_start3A_74 : memref<1x64x136xf32, #tpu.memory_space<hbm>> -> memref<64x136xf32, #tpu.memory_space<hbm>>
      %dma_start3A_76 = arith.constant 0 : i32
      %dma_start3A_77 = tpu.memref_slice %arg9[%arg0, %add3A_69, %dma_start3A_76] : memref<2x10240x136xf32, #tpu.memory_space<hbm>> -> memref<1x64x136xf32, #tpu.memory_space<hbm>>
      %dma_start3A_78 = tpu.memref_squeeze %dma_start3A_77 : memref<1x64x136xf32, #tpu.memory_space<hbm>> -> memref<64x136xf32, #tpu.memory_space<hbm>>
      tpu.enqueue_dma source(%arg16 : memref<64x136xf32, #tpu.memory_space<vmem>>) target(%dma_start3A_78 : memref<64x136xf32, #tpu.memory_space<hbm>>) target_semaphore(%run_scoped3A : memref<!tpu.dma_semaphore, #tpu.memory_space<semaphore_mem>>)
      %dma_wait3A = arith.constant 0 : i32
      %dma_wait3A_79 = tpu.memref_slice %arg9[%arg0, %add3A_69, %dma_wait3A] : memref<2x10240x136xf32, #tpu.memory_space<hbm>> -> memref<1x64x136xf32, #tpu.memory_space<hbm>>
      %dma_wait3A_80 = tpu.memref_squeeze %dma_wait3A_79 : memref<1x64x136xf32, #tpu.memory_space<hbm>> -> memref<64x136xf32, #tpu.memory_space<hbm>>
      %dma_wait3A_81 = arith.constant 0 : i32
      %dma_wait3A_82 = tpu.memref_slice %arg9[%arg0, %add3A_69, %dma_wait3A_81] : memref<2x10240x136xf32, #tpu.memory_space<hbm>> -> memref<1x64x136xf32, #tpu.memory_space<hbm>>
      %dma_wait3A_83 = tpu.memref_squeeze %dma_wait3A_82 : memref<1x64x136xf32, #tpu.memory_space<hbm>> -> memref<64x136xf32, #tpu.memory_space<hbm>>
      tpu.wait_dma2 semaphore(%run_scoped3A : memref<!tpu.dma_semaphore, #tpu.memory_space<semaphore_mem>>) src(%arg16 : memref<64x136xf32, #tpu.memory_space<vmem>>) dst(%dma_wait3A_83 : memref<64x136xf32, #tpu.memory_space<hbm>>)
      tpu.yield
    }) : () -> ()
    %add3A_70 = arith.constant 512 : i32
    %add3A_71 = arith.addi %mul3A_8, %add3A_70 : i32
    "tpu.region"() ({
      %run_scoped3A = tpu.sem_alloc : memref<!tpu.dma_semaphore, #tpu.memory_space<semaphore_mem>>
      %dma_start3A = arith.constant 0 : i32
      %dma_start3A_74 = tpu.memref_slice %arg18[%add3A_71, %dma_start3A] : memref<10240x136xf32, #tpu.memory_space<vmem_shared>> -> memref<64x136xf32, #tpu.memory_space<vmem_shared>>
      %dma_start3A_75 = arith.constant 0 : i32
      %dma_start3A_76 = tpu.memref_slice %arg18[%add3A_71, %dma_start3A_75] : memref<10240x136xf32, #tpu.memory_space<vmem_shared>> -> memref<64x136xf32, #tpu.memory_space<vmem_shared>>
      tpu.enqueue_dma source(%dma_start3A_76 : memref<64x136xf32, #tpu.memory_space<vmem_shared>>) target(%arg16 : memref<64x136xf32, #tpu.memory_space<vmem>>) target_semaphore(%run_scoped3A : memref<!tpu.dma_semaphore, #tpu.memory_space<semaphore_mem>>)
      %dma_wait3A = arith.constant 0 : i32
      %dma_wait3A_77 = tpu.memref_slice %arg18[%add3A_71, %dma_wait3A] : memref<10240x136xf32, #tpu.memory_space<vmem_shared>> -> memref<64x136xf32, #tpu.memory_space<vmem_shared>>
      %dma_wait3A_78 = arith.constant 0 : i32
      %dma_wait3A_79 = tpu.memref_slice %arg18[%add3A_71, %dma_wait3A_78] : memref<10240x136xf32, #tpu.memory_space<vmem_shared>> -> memref<64x136xf32, #tpu.memory_space<vmem_shared>>
      tpu.wait_dma2 semaphore(%run_scoped3A : memref<!tpu.dma_semaphore, #tpu.memory_space<semaphore_mem>>) src(%dma_wait3A_79 : memref<64x136xf32, #tpu.memory_space<vmem_shared>>) dst(%arg16 : memref<64x136xf32, #tpu.memory_space<vmem>>)
      tpu.yield
    }) : () -> ()
    "tpu.region"() ({
      %run_scoped3A = tpu.sem_alloc : memref<!tpu.dma_semaphore, #tpu.memory_space<semaphore_mem>>
      %dma_start3A = arith.constant 0 : i32
      %dma_start3A_74 = tpu.memref_slice %arg9[%arg0, %add3A_71, %dma_start3A] : memref<2x10240x136xf32, #tpu.memory_space<hbm>> -> memref<1x64x136xf32, #tpu.memory_space<hbm>>
      %dma_start3A_75 = tpu.memref_squeeze %dma_start3A_74 : memref<1x64x136xf32, #tpu.memory_space<hbm>> -> memref<64x136xf32, #tpu.memory_space<hbm>>
      %dma_start3A_76 = arith.constant 0 : i32
      %dma_start3A_77 = tpu.memref_slice %arg9[%arg0, %add3A_71, %dma_start3A_76] : memref<2x10240x136xf32, #tpu.memory_space<hbm>> -> memref<1x64x136xf32, #tpu.memory_space<hbm>>
      %dma_start3A_78 = tpu.memref_squeeze %dma_start3A_77 : memref<1x64x136xf32, #tpu.memory_space<hbm>> -> memref<64x136xf32, #tpu.memory_space<hbm>>
      tpu.enqueue_dma source(%arg16 : memref<64x136xf32, #tpu.memory_space<vmem>>) target(%dma_start3A_78 : memref<64x136xf32, #tpu.memory_space<hbm>>) target_semaphore(%run_scoped3A : memref<!tpu.dma_semaphore, #tpu.memory_space<semaphore_mem>>)
      %dma_wait3A = arith.constant 0 : i32
      %dma_wait3A_79 = tpu.memref_slice %arg9[%arg0, %add3A_71, %dma_wait3A] : memref<2x10240x136xf32, #tpu.memory_space<hbm>> -> memref<1x64x136xf32, #tpu.memory_space<hbm>>
      %dma_wait3A_80 = tpu.memref_squeeze %dma_wait3A_79 : memref<1x64x136xf32, #tpu.memory_space<hbm>> -> memref<64x136xf32, #tpu.memory_space<hbm>>
      %dma_wait3A_81 = arith.constant 0 : i32
      %dma_wait3A_82 = tpu.memref_slice %arg9[%arg0, %add3A_71, %dma_wait3A_81] : memref<2x10240x136xf32, #tpu.memory_space<hbm>> -> memref<1x64x136xf32, #tpu.memory_space<hbm>>
      %dma_wait3A_83 = tpu.memref_squeeze %dma_wait3A_82 : memref<1x64x136xf32, #tpu.memory_space<hbm>> -> memref<64x136xf32, #tpu.memory_space<hbm>>
      tpu.wait_dma2 semaphore(%run_scoped3A : memref<!tpu.dma_semaphore, #tpu.memory_space<semaphore_mem>>) src(%arg16 : memref<64x136xf32, #tpu.memory_space<vmem>>) dst(%dma_wait3A_83 : memref<64x136xf32, #tpu.memory_space<hbm>>)
      tpu.yield
    }) : () -> ()
    %add3A_72 = arith.constant 576 : i32
    %add3A_73 = arith.addi %mul3A_8, %add3A_72 : i32
    "tpu.region"() ({
      %run_scoped3A = tpu.sem_alloc : memref<!tpu.dma_semaphore, #tpu.memory_space<semaphore_mem>>
      %dma_start3A = arith.constant 0 : i32
      %dma_start3A_74 = tpu.memref_slice %arg18[%add3A_73, %dma_start3A] : memref<10240x136xf32, #tpu.memory_space<vmem_shared>> -> memref<64x136xf32, #tpu.memory_space<vmem_shared>>
      %dma_start3A_75 = arith.constant 0 : i32
      %dma_start3A_76 = tpu.memref_slice %arg18[%add3A_73, %dma_start3A_75] : memref<10240x136xf32, #tpu.memory_space<vmem_shared>> -> memref<64x136xf32, #tpu.memory_space<vmem_shared>>
      tpu.enqueue_dma source(%dma_start3A_76 : memref<64x136xf32, #tpu.memory_space<vmem_shared>>) target(%arg16 : memref<64x136xf32, #tpu.memory_space<vmem>>) target_semaphore(%run_scoped3A : memref<!tpu.dma_semaphore, #tpu.memory_space<semaphore_mem>>)
      %dma_wait3A = arith.constant 0 : i32
      %dma_wait3A_77 = tpu.memref_slice %arg18[%add3A_73, %dma_wait3A] : memref<10240x136xf32, #tpu.memory_space<vmem_shared>> -> memref<64x136xf32, #tpu.memory_space<vmem_shared>>
      %dma_wait3A_78 = arith.constant 0 : i32
      %dma_wait3A_79 = tpu.memref_slice %arg18[%add3A_73, %dma_wait3A_78] : memref<10240x136xf32, #tpu.memory_space<vmem_shared>> -> memref<64x136xf32, #tpu.memory_space<vmem_shared>>
      tpu.wait_dma2 semaphore(%run_scoped3A : memref<!tpu.dma_semaphore, #tpu.memory_space<semaphore_mem>>) src(%dma_wait3A_79 : memref<64x136xf32, #tpu.memory_space<vmem_shared>>) dst(%arg16 : memref<64x136xf32, #tpu.memory_space<vmem>>)
      tpu.yield
    }) : () -> ()
    "tpu.region"() ({
      %run_scoped3A = tpu.sem_alloc : memref<!tpu.dma_semaphore, #tpu.memory_space<semaphore_mem>>
      %dma_start3A = arith.constant 0 : i32
      %dma_start3A_74 = tpu.memref_slice %arg9[%arg0, %add3A_73, %dma_start3A] : memref<2x10240x136xf32, #tpu.memory_space<hbm>> -> memref<1x64x136xf32, #tpu.memory_space<hbm>>
      %dma_start3A_75 = tpu.memref_squeeze %dma_start3A_74 : memref<1x64x136xf32, #tpu.memory_space<hbm>> -> memref<64x136xf32, #tpu.memory_space<hbm>>
      %dma_start3A_76 = arith.constant 0 : i32
      %dma_start3A_77 = tpu.memref_slice %arg9[%arg0, %add3A_73, %dma_start3A_76] : memref<2x10240x136xf32, #tpu.memory_space<hbm>> -> memref<1x64x136xf32, #tpu.memory_space<hbm>>
      %dma_start3A_78 = tpu.memref_squeeze %dma_start3A_77 : memref<1x64x136xf32, #tpu.memory_space<hbm>> -> memref<64x136xf32, #tpu.memory_space<hbm>>
      tpu.enqueue_dma source(%arg16 : memref<64x136xf32, #tpu.memory_space<vmem>>) target(%dma_start3A_78 : memref<64x136xf32, #tpu.memory_space<hbm>>) target_semaphore(%run_scoped3A : memref<!tpu.dma_semaphore, #tpu.memory_space<semaphore_mem>>)
      %dma_wait3A = arith.constant 0 : i32
      %dma_wait3A_79 = tpu.memref_slice %arg9[%arg0, %add3A_73, %dma_wait3A] : memref<2x10240x136xf32, #tpu.memory_space<hbm>> -> memref<1x64x136xf32, #tpu.memory_space<hbm>>
      %dma_wait3A_80 = tpu.memref_squeeze %dma_wait3A_79 : memref<1x64x136xf32, #tpu.memory_space<hbm>> -> memref<64x136xf32, #tpu.memory_space<hbm>>
      %dma_wait3A_81 = arith.constant 0 : i32
      %dma_wait3A_82 = tpu.memref_slice %arg9[%arg0, %add3A_73, %dma_wait3A_81] : memref<2x10240x136xf32, #tpu.memory_space<hbm>> -> memref<1x64x136xf32, #tpu.memory_space<hbm>>
      %dma_wait3A_83 = tpu.memref_squeeze %dma_wait3A_82 : memref<1x64x136xf32, #tpu.memory_space<hbm>> -> memref<64x136xf32, #tpu.memory_space<hbm>>
      tpu.wait_dma2 semaphore(%run_scoped3A : memref<!tpu.dma_semaphore, #tpu.memory_space<semaphore_mem>>) src(%arg16 : memref<64x136xf32, #tpu.memory_space<vmem>>) dst(%dma_wait3A_83 : memref<64x136xf32, #tpu.memory_space<hbm>>)
      tpu.yield
    }) : () -> ()
    return
  }
}

#map = affine_map<(d0, d1) -> (0, 0)>
#map1 = affine_map<(d0, d1) -> (0)>
module attributes {stable_mosaic.version = 14 : i64} {
  func.func @_sc_gather_body(%arg0: i32, %arg1: i32, %arg2: memref<10000x64xf32, #tpu.memory_space<hbm>>, %arg3: memref<1024xi32, #tpu.memory_space<hbm>>, %arg4: memref<1024x64xf32, #tpu.memory_space<hbm>>, %arg5: memref<32xi32, #tpu.memory_space<vmem>>, %arg6: memref<32x64xf32, #tpu.memory_space<vmem>>, %arg7: memref<!tpu.dma_semaphore, #tpu.memory_space<semaphore_mem>>) attributes {dimension_semantics = [#tpu.dimension_semantics<core_parallel>, #tpu.dimension_semantics<subcore_parallel>], iteration_bounds = array<i64: 2, 16>, scalar_prefetch = 0 : i64, scratch_operands = 3 : i64, tpu.core_type = #tpu.core_type<sc_vector_subcore>, window_params = [{transform_indices = #map}, {transform_indices = #map1}, {transform_indices = #map}]} {
    %mul3A = arith.constant 2 : i32
    %mul3A_0 = arith.muli %arg1, %mul3A : i32
    %add3A = arith.addi %mul3A_0, %arg0 : i32
    %mul3A_1 = arith.constant 32 : i32
    %mul3A_2 = arith.muli %add3A, %mul3A_1 : i32
    "tpu.region"() ({
      %run_scoped3A = tpu.sem_alloc : memref<!tpu.dma_semaphore, #tpu.memory_space<semaphore_mem>>
      %dma_start3A_7 = tpu.memref_slice %arg3[%mul3A_2] : memref<1024xi32, #tpu.memory_space<hbm>> -> memref<32xi32, #tpu.memory_space<hbm>>
      %dma_start3A_8 = tpu.memref_slice %arg3[%mul3A_2] : memref<1024xi32, #tpu.memory_space<hbm>> -> memref<32xi32, #tpu.memory_space<hbm>>
      tpu.enqueue_dma source(%dma_start3A_8 : memref<32xi32, #tpu.memory_space<hbm>>) target(%arg5 : memref<32xi32, #tpu.memory_space<vmem>>) target_semaphore(%run_scoped3A : memref<!tpu.dma_semaphore, #tpu.memory_space<semaphore_mem>>)
      %dma_wait3A_9 = tpu.memref_slice %arg3[%mul3A_2] : memref<1024xi32, #tpu.memory_space<hbm>> -> memref<32xi32, #tpu.memory_space<hbm>>
      %dma_wait3A_10 = tpu.memref_slice %arg3[%mul3A_2] : memref<1024xi32, #tpu.memory_space<hbm>> -> memref<32xi32, #tpu.memory_space<hbm>>
      tpu.wait_dma2 semaphore(%run_scoped3A : memref<!tpu.dma_semaphore, #tpu.memory_space<semaphore_mem>>) src(%dma_wait3A_10 : memref<32xi32, #tpu.memory_space<hbm>>) dst(%arg5 : memref<32xi32, #tpu.memory_space<vmem>>)
      tpu.yield
    }) : () -> ()
    %dma_start3A = arith.constant 0 : i32
    %dma_start3A_3 = arith.constant 0 : i32
    %dma_start3A_4 = tpu.memref_slice %arg2[%dma_start3A, %dma_start3A_3] : memref<10000x64xf32, #tpu.memory_space<hbm>> -> memref<10000x64xf32, #tpu.memory_space<hbm>>
    tpu.enqueue_indirect_dma source(%dma_start3A_4 : memref<10000x64xf32, #tpu.memory_space<hbm>>) target(%arg6 : memref<32x64xf32, #tpu.memory_space<vmem>>) offsets(%arg5 : memref<32xi32, #tpu.memory_space<vmem>>) semaphore(%arg7 : memref<!tpu.dma_semaphore, #tpu.memory_space<semaphore_mem>>)
    %dma_wait3A = arith.constant 0 : i32
    %dma_wait3A_5 = arith.constant 0 : i32
    %dma_wait3A_6 = tpu.memref_slice %arg2[%dma_wait3A, %dma_wait3A_5] : memref<10000x64xf32, #tpu.memory_space<hbm>> -> memref<10000x64xf32, #tpu.memory_space<hbm>>
    tpu.wait_indirect_dma semaphore(%arg7 : memref<!tpu.dma_semaphore, #tpu.memory_space<semaphore_mem>>) src(%dma_wait3A_6 : memref<10000x64xf32, #tpu.memory_space<hbm>>) dst(%arg6 : memref<32x64xf32, #tpu.memory_space<vmem>>)
    "tpu.region"() ({
      %run_scoped3A = tpu.sem_alloc : memref<!tpu.dma_semaphore, #tpu.memory_space<semaphore_mem>>
      %dma_start3A_7 = arith.constant 0 : i32
      %dma_start3A_8 = tpu.memref_slice %arg4[%mul3A_2, %dma_start3A_7] : memref<1024x64xf32, #tpu.memory_space<hbm>> -> memref<32x64xf32, #tpu.memory_space<hbm>>
      %dma_start3A_9 = arith.constant 0 : i32
      %dma_start3A_10 = tpu.memref_slice %arg4[%mul3A_2, %dma_start3A_9] : memref<1024x64xf32, #tpu.memory_space<hbm>> -> memref<32x64xf32, #tpu.memory_space<hbm>>
      tpu.enqueue_dma source(%arg6 : memref<32x64xf32, #tpu.memory_space<vmem>>) target(%dma_start3A_10 : memref<32x64xf32, #tpu.memory_space<hbm>>) target_semaphore(%run_scoped3A : memref<!tpu.dma_semaphore, #tpu.memory_space<semaphore_mem>>)
      %dma_wait3A_11 = arith.constant 0 : i32
      %dma_wait3A_12 = tpu.memref_slice %arg4[%mul3A_2, %dma_wait3A_11] : memref<1024x64xf32, #tpu.memory_space<hbm>> -> memref<32x64xf32, #tpu.memory_space<hbm>>
      %dma_wait3A_13 = arith.constant 0 : i32
      %dma_wait3A_14 = tpu.memref_slice %arg4[%mul3A_2, %dma_wait3A_13] : memref<1024x64xf32, #tpu.memory_space<hbm>> -> memref<32x64xf32, #tpu.memory_space<hbm>>
      tpu.wait_dma2 semaphore(%run_scoped3A : memref<!tpu.dma_semaphore, #tpu.memory_space<semaphore_mem>>) src(%arg6 : memref<32x64xf32, #tpu.memory_space<vmem>>) dst(%dma_wait3A_14 : memref<32x64xf32, #tpu.memory_space<hbm>>)
      tpu.yield
    }) : () -> ()
    return
  }
}

module attributes {stable_mosaic.version = 14 : i64} {
  func.func @_eproj_body(%arg0: i32, %arg1: memref<1024x16xf32, #tpu.memory_space<vmem>>, %arg2: memref<16x128xf32, #tpu.memory_space<vmem>>, %arg3: memref<16x128xf32, #tpu.memory_space<vmem>>, %arg4: memref<1024x128xf32, #tpu.memory_space<vmem>>, %arg5: memref<1024x128xf32, #tpu.memory_space<vmem>>, %arg6: memref<1x16xf32, #tpu.memory_space<vmem>>) attributes {dimension_semantics = [#tpu.dimension_semantics<arbitrary>], iteration_bounds = array<i64: 316>, scalar_prefetch = 0 : i64, scratch_operands = 0 : i64, tpu.core_type = #tpu.core_type<tc>, window_params = [{transform_indices = @transform_0, window_bounds = array<i64: 1024, 16>}, {pipeline_mode = #tpu.pipeline_mode<synchronous>, transform_indices = @transform_1, window_bounds = array<i64: 16, 128>}, {pipeline_mode = #tpu.pipeline_mode<synchronous>, transform_indices = @transform_2, window_bounds = array<i64: 16, 128>}, {transform_indices = @transform_3, window_bounds = array<i64: 1024, 128>}, {transform_indices = @transform_4, window_bounds = array<i64: 1024, 128>}, {pipeline_mode = #tpu.pipeline_mode<synchronous>, transform_indices = @transform_5, window_bounds = array<i64: 1, 16>}]} {
    %get3A = arith.constant 0 : index
    %get3A_0 = arith.constant 0 : index
    %get3A_1 = vector.load %arg1[%get3A, %get3A_0] : memref<1024x16xf32, #tpu.memory_space<vmem>>, vector<1024x16xf32>
    %get3A_2 = arith.constant 0 : index
    %get3A_3 = arith.constant 0 : index
    %get3A_4 = vector.load %arg2[%get3A_2, %get3A_3] : memref<16x128xf32, #tpu.memory_space<vmem>>, vector<16x128xf32>
    %dot_general3A = arith.constant dense<0.000000e+00> : vector<1024x128xf32>
    %dot_general3A_5 = tpu.matmul %get3A_1, %get3A_4, %dot_general3A {dimension_numbers = #tpu.dot_dimension_numbers<[1], [0], [0], [1], [0, 0, 1, 1], [], []>, transpose_lhs_hint = false} : vector<1024x16xf32>, vector<16x128xf32>, vector<1024x128xf32> -> vector<1024x128xf32>
    %swap3A = arith.constant 0 : index
    %swap3A_6 = arith.constant 0 : index
    %swap3A_7 = vector.load %arg4[%swap3A, %swap3A_6] : memref<1024x128xf32, #tpu.memory_space<vmem>>, vector<1024x128xf32>
    tpu.vector_store %arg4[%swap3A, %swap3A_6], %dot_general3A_5 {strides = array<i32>} : memref<1024x128xf32, #tpu.memory_space<vmem>>, vector<1024x128xf32>,
    %get3A_8 = arith.constant 0 : index
    %get3A_9 = arith.constant 0 : index
    %get3A_10 = vector.load %arg3[%get3A_8, %get3A_9] : memref<16x128xf32, #tpu.memory_space<vmem>>, vector<16x128xf32>
    %dot_general3A_11 = arith.constant dense<0.000000e+00> : vector<1024x128xf32>
    %dot_general3A_12 = tpu.matmul %get3A_1, %get3A_10, %dot_general3A_11 {dimension_numbers = #tpu.dot_dimension_numbers<[1], [0], [0], [1], [0, 0, 1, 1], [], []>, transpose_lhs_hint = false} : vector<1024x16xf32>, vector<16x128xf32>, vector<1024x128xf32> -> vector<1024x128xf32>
    %swap3A_13 = arith.constant 0 : index
    %swap3A_14 = arith.constant 0 : index
    %swap3A_15 = vector.load %arg5[%swap3A_13, %swap3A_14] : memref<1024x128xf32, #tpu.memory_space<vmem>>, vector<1024x128xf32>
    tpu.vector_store %arg5[%swap3A_13, %swap3A_14], %dot_general3A_12 {strides = array<i32>} : memref<1024x128xf32, #tpu.memory_space<vmem>>, vector<1024x128xf32>,
    %eq3A = arith.constant 0 : i32
    %eq3A_16 = arith.cmpi eq, %arg0, %eq3A : i32
    %convert_element_type3A = arith.extui %eq3A_16 : i1 to i32
    %cond3A = arith.constant 0 : i32
    %cond3A_17 = arith.cmpi ne, %convert_element_type3A, %cond3A : i32
    scf.if %cond3A_17 {
      %broadcast_in_dim3A_25 = arith.constant 0.000000e+00 : f32
      %broadcast_in_dim3A_26 = vector.broadcast %broadcast_in_dim3A_25 : f32 to vector<1x16xf32>
      %swap3A_27 = arith.constant 0 : index
      %swap3A_28 = arith.constant 0 : index
      %swap3A_29 = vector.load %arg6[%swap3A_27, %swap3A_28] : memref<1x16xf32, #tpu.memory_space<vmem>>, vector<1x16xf32>
      tpu.vector_store %arg6[%swap3A_27, %swap3A_28], %broadcast_in_dim3A_26 {strides = array<i32>} : memref<1x16xf32, #tpu.memory_space<vmem>>, vector<1x16xf32>,
    } else {
    }
    %get3A_18 = arith.constant 0 : index
    %get3A_19 = arith.constant 0 : index
    %get3A_20 = vector.load %arg6[%get3A_18, %get3A_19] : memref<1x16xf32, #tpu.memory_space<vmem>>, vector<1x16xf32>
    %reduce_sum3A = arith.constant dense<0.000000e+00> : vector<16xf32>
    %reduce_sum3A_21 = vector.multi_reduction <add>, %get3A_1, %reduce_sum3A [0] : vector<1024x16xf32> to vector<16xf32>
    %broadcast_in_dim3A = vector.shape_cast %reduce_sum3A_21 : vector<16xf32> to vector<1x16xf32>
    %add3A = arith.addf %get3A_20, %broadcast_in_dim3A : vector<1x16xf32>
    %swap3A_22 = arith.constant 0 : index
    %swap3A_23 = arith.constant 0 : index
    %swap3A_24 = vector.load %arg6[%swap3A_22, %swap3A_23] : memref<1x16xf32, #tpu.memory_space<vmem>>, vector<1x16xf32>
    tpu.vector_store %arg6[%swap3A_22, %swap3A_23], %add3A {strides = array<i32>} : memref<1x16xf32, #tpu.memory_space<vmem>>, vector<1x16xf32>,
    return
  }
  func.func @transform_0(%arg0: i32) -> (i32, i32) {
    %c0_i32 = arith.constant 0 : i32
    %c0_i32_0 = arith.constant 0 : i32
    return %arg0, %c0_i32 : i32, i32
  }
  func.func @transform_1(%arg0: i32) -> (i32, i32) {
    %c0_i32 = arith.constant 0 : i32
    %c0_i32_0 = arith.constant 0 : i32
    %c0_i32_1 = arith.constant 0 : i32
    return %c0_i32, %c0_i32_0 : i32, i32
  }
  func.func @transform_2(%arg0: i32) -> (i32, i32) {
    %c0_i32 = arith.constant 0 : i32
    %c0_i32_0 = arith.constant 0 : i32
    %c0_i32_1 = arith.constant 0 : i32
    return %c0_i32, %c0_i32_0 : i32, i32
  }
  func.func @transform_3(%arg0: i32) -> (i32, i32) {
    %c0_i32 = arith.constant 0 : i32
    %c0_i32_0 = arith.constant 0 : i32
    return %arg0, %c0_i32 : i32, i32
  }
  func.func @transform_4(%arg0: i32) -> (i32, i32) {
    %c0_i32 = arith.constant 0 : i32
    %c0_i32_0 = arith.constant 0 : i32
    return %arg0, %c0_i32 : i32, i32
  }
  func.func @transform_5(%arg0: i32) -> (i32, i32) {
    %c0_i32 = arith.constant 0 : i32
    %c0_i32_0 = arith.constant 0 : i32
    %c0_i32_1 = arith.constant 0 : i32
    return %c0_i32, %c0_i32_0 : i32, i32
  }
}

module attributes {stable_mosaic.version = 14 : i64} {
  func.func @_gru_body(%arg0: memref<20x1000x2xf32, #tpu.memory_space<vmem>>, %arg1: memref<2x96xf32, #tpu.memory_space<vmem>>, %arg2: memref<32x96xf32, #tpu.memory_space<vmem>>, %arg3: memref<1x96xf32, #tpu.memory_space<vmem>>, %arg4: memref<1x96xf32, #tpu.memory_space<vmem>>, %arg5: memref<1000xi32, #tpu.memory_space<smem>>, %arg6: memref<10000x32xf32, #tpu.memory_space<vmem>>, %arg7: memref<1000x32xf32, #tpu.memory_space<vmem>>) attributes {dimension_semantics = [], scalar_prefetch = 0 : i64, scratch_operands = 1 : i64, tpu.core_type = #tpu.core_type<tc>} {
    %broadcast_in_dim3A = arith.constant 0.000000e+00 : f32
    %broadcast_in_dim3A_0 = vector.broadcast %broadcast_in_dim3A : f32 to vector<1000x32xf32>
    %scan3A = arith.constant 0 : i32
    %scan3A_1 = arith.constant 20 : i32
    %scan3A_2 = arith.addi %scan3A, %scan3A_1 : i32
    %scan3A_3 = arith.constant 1 : i32
    %scan3A_4 = scf.for %scan3A_18 = %scan3A to %scan3A_2 step %scan3A_3 iter_args(%scan3A_19 = %broadcast_in_dim3A_0) -> (vector<1000x32xf32>)  : i32 {
      %get3A = arith.index_cast %scan3A_18 : i32 to index
      %get3A_20 = arith.constant 0 : index
      %get3A_21 = arith.constant 0 : index
      %get3A_22 = vector.load %arg0[%get3A, %get3A_20, %get3A_21] : memref<20x1000x2xf32, #tpu.memory_space<vmem>>, vector<1x1000x2xf32>
      %get3A_23 = vector.shape_cast %get3A_22 : vector<1x1000x2xf32> to vector<1000x2xf32>
      %get3A_24 = arith.constant 0 : index
      %get3A_25 = arith.constant 0 : index
      %get3A_26 = vector.load %arg1[%get3A_24, %get3A_25] : memref<2x96xf32, #tpu.memory_space<vmem>>, vector<2x96xf32>
      %dot_general3A = arith.constant dense<0.000000e+00> : vector<1000x96xf32>
      %dot_general3A_27 = tpu.matmul %get3A_23, %get3A_26, %dot_general3A {dimension_numbers = #tpu.dot_dimension_numbers<[1], [0], [0], [1], [0, 0, 1, 1], [], []>, transpose_lhs_hint = false} : vector<1000x2xf32>, vector<2x96xf32>, vector<1000x96xf32> -> vector<1000x96xf32>
      %get3A_28 = arith.constant 0 : index
      %get3A_29 = arith.constant 0 : index
      %get3A_30 = vector.load %arg3[%get3A_28, %get3A_29] : memref<1x96xf32, #tpu.memory_space<vmem>>, vector<1x96xf32>
      %add3A = vector.broadcast %get3A_30 : vector<1x96xf32> to vector<1000x96xf32>
      %add3A_31 = arith.addf %dot_general3A_27, %add3A : vector<1000x96xf32>
      %get3A_32 = arith.constant 0 : index
      %get3A_33 = arith.constant 0 : index
      %get3A_34 = vector.load %arg2[%get3A_32, %get3A_33] : memref<32x96xf32, #tpu.memory_space<vmem>>, vector<32x96xf32>
      %dot_general3A_35 = arith.constant dense<0.000000e+00> : vector<1000x96xf32>
      %dot_general3A_36 = tpu.matmul %scan3A_19, %get3A_34, %dot_general3A_35 {dimension_numbers = #tpu.dot_dimension_numbers<[1], [0], [0], [1], [0, 0, 1, 1], [], []>, transpose_lhs_hint = false} : vector<1000x32xf32>, vector<32x96xf32>, vector<1000x96xf32> -> vector<1000x96xf32>
      %get3A_37 = arith.constant 0 : index
      %get3A_38 = arith.constant 0 : index
      %get3A_39 = vector.load %arg4[%get3A_37, %get3A_38] : memref<1x96xf32, #tpu.memory_space<vmem>>, vector<1x96xf32>
      %add3A_40 = vector.broadcast %get3A_39 : vector<1x96xf32> to vector<1000x96xf32>
      %add3A_41 = arith.addf %dot_general3A_36, %add3A_40 : vector<1000x96xf32>
      %slice3A = vector.extract_strided_slice %add3A_31 {offsets = [0, 0], sizes = [1000, 32], strides = [1, 1]} : vector<1000x96xf32> to vector<1000x32xf32>
      %slice3A_42 = vector.extract_strided_slice %add3A_41 {offsets = [0, 0], sizes = [1000, 32], strides = [1, 1]} : vector<1000x96xf32> to vector<1000x32xf32>
      %add3A_43 = arith.addf %slice3A, %slice3A_42 : vector<1000x32xf32>
      %logistic3A = arith.negf %add3A_43 : vector<1000x32xf32>
      %logistic3A_44 = math.exp %logistic3A : vector<1000x32xf32>
      %logistic3A_45 = arith.constant 1.000000e+00 : f32
      %logistic3A_46 = vector.broadcast %logistic3A_45 : f32 to vector<1000x32xf32>
      %logistic3A_47 = arith.addf %logistic3A_46, %logistic3A_44 : vector<1000x32xf32>
      %logistic3A_48 = arith.divf %logistic3A_46, %logistic3A_47 : vector<1000x32xf32>
      %slice3A_49 = vector.extract_strided_slice %add3A_31 {offsets = [0, 32], sizes = [1000, 32], strides = [1, 1]} : vector<1000x96xf32> to vector<1000x32xf32>
      %slice3A_50 = vector.extract_strided_slice %add3A_41 {offsets = [0, 32], sizes = [1000, 32], strides = [1, 1]} : vector<1000x96xf32> to vector<1000x32xf32>
      %add3A_51 = arith.addf %slice3A_49, %slice3A_50 : vector<1000x32xf32>
      %logistic3A_52 = arith.negf %add3A_51 : vector<1000x32xf32>
      %logistic3A_53 = math.exp %logistic3A_52 : vector<1000x32xf32>
      %logistic3A_54 = arith.constant 1.000000e+00 : f32
      %logistic3A_55 = vector.broadcast %logistic3A_54 : f32 to vector<1000x32xf32>
      %logistic3A_56 = arith.addf %logistic3A_55, %logistic3A_53 : vector<1000x32xf32>
      %logistic3A_57 = arith.divf %logistic3A_55, %logistic3A_56 : vector<1000x32xf32>
      %slice3A_58 = vector.extract_strided_slice %add3A_31 {offsets = [0, 64], sizes = [1000, 32], strides = [1, 1]} : vector<1000x96xf32> to vector<1000x32xf32>
      %slice3A_59 = vector.extract_strided_slice %add3A_41 {offsets = [0, 64], sizes = [1000, 32], strides = [1, 1]} : vector<1000x96xf32> to vector<1000x32xf32>
      %mul3A = arith.mulf %logistic3A_48, %slice3A_59 : vector<1000x32xf32>
      %add3A_60 = arith.addf %slice3A_58, %mul3A : vector<1000x32xf32>
      %tanh3A = math.tanh %add3A_60 : vector<1000x32xf32>
      %sub3A = arith.constant 1.000000e+00 : f32
      %sub3A_61 = vector.broadcast %sub3A : f32 to vector<1000x32xf32>
      %sub3A_62 = arith.subf %sub3A_61, %logistic3A_57 : vector<1000x32xf32>
      %mul3A_63 = arith.mulf %sub3A_62, %tanh3A : vector<1000x32xf32>
      %mul3A_64 = arith.mulf %logistic3A_57, %scan3A_19 : vector<1000x32xf32>
      %add3A_65 = arith.addf %mul3A_63, %mul3A_64 : vector<1000x32xf32>
      scf.yield %add3A_65 : vector<1000x32xf32>
    }
    %scan3A_5 = arith.constant 20 : i32
    %swap3A = arith.constant 0 : index
    %swap3A_6 = arith.constant 0 : index
    %swap3A_7 = vector.load %arg7[%swap3A, %swap3A_6] : memref<1000x32xf32, #tpu.memory_space<vmem>>, vector<1000x32xf32>
    tpu.vector_store %arg7[%swap3A, %swap3A_6], %scan3A_4 {strides = array<i32>} : memref<1000x32xf32, #tpu.memory_space<vmem>>, vector<1000x32xf32>,
    %broadcast_in_dim3A_8 = arith.constant 0.000000e+00 : f32
    %broadcast_in_dim3A_9 = vector.broadcast %broadcast_in_dim3A_8 : f32 to vector<10000x32xf32>
    %swap3A_10 = arith.constant 0 : index
    %swap3A_11 = arith.constant 0 : index
    %swap3A_12 = vector.load %arg6[%swap3A_10, %swap3A_11] : memref<10000x32xf32, #tpu.memory_space<vmem>>, vector<10000x32xf32>
    tpu.vector_store %arg6[%swap3A_10, %swap3A_11], %broadcast_in_dim3A_9 {strides = array<i32>} : memref<10000x32xf32, #tpu.memory_space<vmem>>, vector<10000x32xf32>,
    %scan3A_13 = arith.constant 0 : i32
    %scan3A_14 = arith.constant 1000 : i32
    %scan3A_15 = arith.addi %scan3A_13, %scan3A_14 : i32
    %scan3A_16 = arith.constant 1 : i32
    scf.for %scan3A_18 = %scan3A_13 to %scan3A_15 step %scan3A_16  : i32 {
      %get3A = arith.index_cast %scan3A_18 : i32 to index
      %get3A_19 = memref.load %arg5[%get3A] : memref<1000xi32, #tpu.memory_space<smem>>
      %get3A_20 = arith.index_cast %scan3A_18 : i32 to index
      %get3A_21 = arith.constant 0 : index
      %get3A_22 = vector.load %arg7[%get3A_20, %get3A_21] : memref<1000x32xf32, #tpu.memory_space<vmem>>, vector<1x32xf32>
      %swap3A_23 = arith.index_cast %get3A_19 : i32 to index
      %swap3A_24 = arith.constant 0 : index
      %swap3A_25 = vector.load %arg6[%swap3A_23, %swap3A_24] : memref<10000x32xf32, #tpu.memory_space<vmem>>, vector<1x32xf32>
      tpu.vector_store %arg6[%swap3A_23, %swap3A_24], %get3A_22 {strides = array<i32>} : memref<10000x32xf32, #tpu.memory_space<vmem>>, vector<1x32xf32>,
    }
    %scan3A_17 = arith.constant 1000 : i32
    return
  }
}

module attributes {stable_mosaic.version = 14 : i64} {
  func.func @_prep1_body(%arg0: i32, %arg1: memref<2000x128xf32, #tpu.memory_space<vmem>>, %arg2: memref<2000x32xf32, #tpu.memory_space<vmem>>, %arg3: memref<2000x1xf32, #tpu.memory_space<vmem>>, %arg4: memref<2x8xf32, #tpu.memory_space<vmem>>, %arg5: memref<1x16xf32, #tpu.memory_space<vmem>>, %arg6: memref<128x64xf32, #tpu.memory_space<vmem>>, %arg7: memref<32x64xf32, #tpu.memory_space<vmem>>, %arg8: memref<8x64xf32, #tpu.memory_space<vmem>>, %arg9: memref<1x64xf32, #tpu.memory_space<vmem>>, %arg10: memref<64x128xf32, #tpu.memory_space<vmem>>, %arg11: memref<1x128xf32, #tpu.memory_space<vmem>>, %arg12: memref<64x128xf32, #tpu.memory_space<vmem>>, %arg13: memref<1x128xf32, #tpu.memory_space<vmem>>, %arg14: memref<16x128xf32, #tpu.memory_space<vmem>>, %arg15: memref<1x128xf32, #tpu.memory_space<vmem>>, %arg16: memref<2000x128xf32, #tpu.memory_space<vmem>>, %arg17: memref<2000x136xf32, #tpu.memory_space<vmem>>) attributes {dimension_semantics = [#tpu.dimension_semantics<arbitrary>], iteration_bounds = array<i64: 5>, scalar_prefetch = 0 : i64, scratch_operands = 0 : i64, tpu.core_type = #tpu.core_type<tc>, window_params = [{transform_indices = @transform_0, window_bounds = array<i64: 2000, 128>}, {transform_indices = @transform_1, window_bounds = array<i64: 2000, 32>}, {transform_indices = @transform_2, window_bounds = array<i64: 2000, 1>}, {pipeline_mode = #tpu.pipeline_mode<synchronous>, transform_indices = @transform_3, window_bounds = array<i64: 2, 8>}, {pipeline_mode = #tpu.pipeline_mode<synchronous>, transform_indices = @transform_4, window_bounds = array<i64: 1, 16>}, {pipeline_mode = #tpu.pipeline_mode<synchronous>, transform_indices = @transform_5, window_bounds = array<i64: 128, 64>}, {pipeline_mode = #tpu.pipeline_mode<synchronous>, transform_indices = @transform_6, window_bounds = array<i64: 32, 64>}, {pipeline_mode = #tpu.pipeline_mode<synchronous>, transform_indices = @transform_7, window_bounds = array<i64: 8, 64>}, {pipeline_mode = #tpu.pipeline_mode<synchronous>, transform_indices = @transform_8, window_bounds = array<i64: 1, 64>}, {pipeline_mode = #tpu.pipeline_mode<synchronous>, transform_indices = @transform_9, window_bounds = array<i64: 64, 128>}, {pipeline_mode = #tpu.pipeline_mode<synchronous>, transform_indices = @transform_10, window_bounds = array<i64: 1, 128>}, {pipeline_mode = #tpu.pipeline_mode<synchronous>, transform_indices = @transform_11, window_bounds = array<i64: 64, 128>}, {pipeline_mode = #tpu.pipeline_mode<synchronous>, transform_indices = @transform_12, window_bounds = array<i64: 1, 128>}, {pipeline_mode = #tpu.pipeline_mode<synchronous>, transform_indices = @transform_13, window_bounds = array<i64: 16, 128>}, {pipeline_mode = #tpu.pipeline_mode<synchronous>, transform_indices = @transform_14, window_bounds = array<i64: 1, 128>}, {transform_indices = @transform_15, window_bounds = array<i64: 2000, 128>}, {transform_indices = @transform_16, window_bounds = array<i64: 2000, 136>}]} {
    %get3A = arith.constant 0 : index
    %get3A_0 = arith.constant 0 : index
    %get3A_1 = vector.load %arg4[%get3A, %get3A_0] : memref<2x8xf32, #tpu.memory_space<vmem>>, vector<1x8xf32>
    %get3A_2 = arith.constant 0 : index
    %get3A_3 = arith.constant 0 : index
    %get3A_4 = vector.load %arg3[%get3A_2, %get3A_3] : memref<2000x1xf32, #tpu.memory_space<vmem>>, vector<2000x1xf32>
    %get3A_5 = arith.constant 1 : index
    %get3A_6 = arith.constant 0 : index
    %get3A_7 = vector.load %arg4[%get3A_5, %get3A_6] : memref<2x8xf32, #tpu.memory_space<vmem>>, vector<1x8xf32>
    %get3A_8 = arith.constant 0 : index
    %get3A_9 = arith.constant 0 : index
    %get3A_10 = vector.load %arg4[%get3A_8, %get3A_9] : memref<2x8xf32, #tpu.memory_space<vmem>>, vector<1x8xf32>
    %sub3A = arith.subf %get3A_7, %get3A_10 : vector<1x8xf32>
    %mul3A = vector.broadcast %get3A_4 : vector<2000x1xf32> to vector<2000x8xf32>
    %mul3A_11 = vector.broadcast %sub3A : vector<1x8xf32> to vector<2000x8xf32>
    %mul3A_12 = arith.mulf %mul3A, %mul3A_11 : vector<2000x8xf32>
    %add3A = vector.broadcast %get3A_1 : vector<1x8xf32> to vector<2000x8xf32>
    %add3A_13 = arith.addf %add3A, %mul3A_12 : vector<2000x8xf32>
    %get3A_14 = arith.constant 0 : index
    %get3A_15 = arith.constant 0 : index
    %get3A_16 = vector.load %arg1[%get3A_14, %get3A_15] : memref<2000x128xf32, #tpu.memory_space<vmem>>, vector<2000x128xf32>
    %get3A_17 = arith.constant 0 : index
    %get3A_18 = arith.constant 0 : index
    %get3A_19 = vector.load %arg6[%get3A_17, %get3A_18] : memref<128x64xf32, #tpu.memory_space<vmem>>, vector<128x64xf32>
    %dot_general3A = arith.constant dense<0.000000e+00> : vector<2000x64xf32>
    %dot_general3A_20 = tpu.matmul %get3A_16, %get3A_19, %dot_general3A {dimension_numbers = #tpu.dot_dimension_numbers<[1], [0], [0], [1], [0, 0, 1, 1], [], []>, transpose_lhs_hint = false} : vector<2000x128xf32>, vector<128x64xf32>, vector<2000x64xf32> -> vector<2000x64xf32>
    %get3A_21 = arith.constant 0 : index
    %get3A_22 = arith.constant 0 : index
    %get3A_23 = vector.load %arg2[%get3A_21, %get3A_22] : memref<2000x32xf32, #tpu.memory_space<vmem>>, vector<2000x32xf32>
    %get3A_24 = arith.constant 0 : index
    %get3A_25 = arith.constant 0 : index
    %get3A_26 = vector.load %arg7[%get3A_24, %get3A_25] : memref<32x64xf32, #tpu.memory_space<vmem>>, vector<32x64xf32>
    %dot_general3A_27 = arith.constant dense<0.000000e+00> : vector<2000x64xf32>
    %dot_general3A_28 = tpu.matmul %get3A_23, %get3A_26, %dot_general3A_27 {dimension_numbers = #tpu.dot_dimension_numbers<[1], [0], [0], [1], [0, 0, 1, 1], [], []>, transpose_lhs_hint = false} : vector<2000x32xf32>, vector<32x64xf32>, vector<2000x64xf32> -> vector<2000x64xf32>
    %add3A_29 = arith.addf %dot_general3A_20, %dot_general3A_28 : vector<2000x64xf32>
    %get3A_30 = arith.constant 0 : index
    %get3A_31 = arith.constant 0 : index
    %get3A_32 = vector.load %arg8[%get3A_30, %get3A_31] : memref<8x64xf32, #tpu.memory_space<vmem>>, vector<8x64xf32>
    %dot_general3A_33 = arith.constant dense<0.000000e+00> : vector<2000x64xf32>
    %dot_general3A_34 = tpu.matmul %add3A_13, %get3A_32, %dot_general3A_33 {dimension_numbers = #tpu.dot_dimension_numbers<[1], [0], [0], [1], [0, 0, 1, 1], [], []>, transpose_lhs_hint = false} : vector<2000x8xf32>, vector<8x64xf32>, vector<2000x64xf32> -> vector<2000x64xf32>
    %add3A_35 = arith.addf %add3A_29, %dot_general3A_34 : vector<2000x64xf32>
    %get3A_36 = arith.constant 0 : index
    %get3A_37 = arith.constant 0 : index
    %get3A_38 = vector.load %arg9[%get3A_36, %get3A_37] : memref<1x64xf32, #tpu.memory_space<vmem>>, vector<1x64xf32>
    %add3A_39 = vector.broadcast %get3A_38 : vector<1x64xf32> to vector<2000x64xf32>
    %add3A_40 = arith.addf %add3A_35, %add3A_39 : vector<2000x64xf32>
    %max3A = arith.constant 0.000000e+00 : f32
    %max3A_41 = vector.broadcast %max3A : f32 to vector<2000x64xf32>
    %max3A_42 = arith.maximumf %add3A_40, %max3A_41 : vector<2000x64xf32>
    %get3A_43 = arith.constant 0 : index
    %get3A_44 = arith.constant 0 : index
    %get3A_45 = vector.load %arg10[%get3A_43, %get3A_44] : memref<64x128xf32, #tpu.memory_space<vmem>>, vector<64x128xf32>
    %dot_general3A_46 = arith.constant dense<0.000000e+00> : vector<2000x128xf32>
    %dot_general3A_47 = tpu.matmul %max3A_42, %get3A_45, %dot_general3A_46 {dimension_numbers = #tpu.dot_dimension_numbers<[1], [0], [0], [1], [0, 0, 1, 1], [], []>, transpose_lhs_hint = false} : vector<2000x64xf32>, vector<64x128xf32>, vector<2000x128xf32> -> vector<2000x128xf32>
    %get3A_48 = arith.constant 0 : index
    %get3A_49 = arith.constant 0 : index
    %get3A_50 = vector.load %arg11[%get3A_48, %get3A_49] : memref<1x128xf32, #tpu.memory_space<vmem>>, vector<1x128xf32>
    %add3A_51 = vector.broadcast %get3A_50 : vector<1x128xf32> to vector<2000x128xf32>
    %add3A_52 = arith.addf %dot_general3A_47, %add3A_51 : vector<2000x128xf32>
    %get3A_53 = arith.constant 0 : index
    %get3A_54 = arith.constant 0 : index
    %get3A_55 = vector.load %arg12[%get3A_53, %get3A_54] : memref<64x128xf32, #tpu.memory_space<vmem>>, vector<64x128xf32>
    %dot_general3A_56 = arith.constant dense<0.000000e+00> : vector<2000x128xf32>
    %dot_general3A_57 = tpu.matmul %max3A_42, %get3A_55, %dot_general3A_56 {dimension_numbers = #tpu.dot_dimension_numbers<[1], [0], [0], [1], [0, 0, 1, 1], [], []>, transpose_lhs_hint = false} : vector<2000x64xf32>, vector<64x128xf32>, vector<2000x128xf32> -> vector<2000x128xf32>
    %get3A_58 = arith.constant 0 : index
    %get3A_59 = arith.constant 0 : index
    %get3A_60 = vector.load %arg13[%get3A_58, %get3A_59] : memref<1x128xf32, #tpu.memory_space<vmem>>, vector<1x128xf32>
    %add3A_61 = vector.broadcast %get3A_60 : vector<1x128xf32> to vector<2000x128xf32>
    %add3A_62 = arith.addf %dot_general3A_57, %add3A_61 : vector<2000x128xf32>
    %get3A_63 = arith.constant 0 : index
    %get3A_64 = arith.constant 0 : index
    %get3A_65 = vector.load %arg5[%get3A_63, %get3A_64] : memref<1x16xf32, #tpu.memory_space<vmem>>, vector<1x16xf32>
    %mul3A_66 = arith.constant 3.125000e-06 : f32
    %mul3A_67 = vector.broadcast %mul3A_66 : f32 to vector<1x16xf32>
    %mul3A_68 = arith.mulf %get3A_65, %mul3A_67 : vector<1x16xf32>
    %get3A_69 = arith.constant 0 : index
    %get3A_70 = arith.constant 0 : index
    %get3A_71 = vector.load %arg14[%get3A_69, %get3A_70] : memref<16x128xf32, #tpu.memory_space<vmem>>, vector<16x128xf32>
    %dot_general3A_72 = arith.constant dense<0.000000e+00> : vector<1x128xf32>
    %dot_general3A_73 = tpu.matmul %mul3A_68, %get3A_71, %dot_general3A_72 {dimension_numbers = #tpu.dot_dimension_numbers<[1], [0], [0], [1], [0, 0, 1, 1], [], []>, transpose_lhs_hint = false} : vector<1x16xf32>, vector<16x128xf32>, vector<1x128xf32> -> vector<1x128xf32>
    %get3A_74 = arith.constant 0 : index
    %get3A_75 = arith.constant 0 : index
    %get3A_76 = vector.load %arg15[%get3A_74, %get3A_75] : memref<1x128xf32, #tpu.memory_space<vmem>>, vector<1x128xf32>
    %add3A_77 = arith.addf %add3A_52, %add3A_62 : vector<2000x128xf32>
    %add3A_78 = vector.broadcast %dot_general3A_73 : vector<1x128xf32> to vector<2000x128xf32>
    %add3A_79 = arith.addf %add3A_77, %add3A_78 : vector<2000x128xf32>
    %gt3A = arith.constant 0.000000e+00 : f32
    %gt3A_80 = vector.broadcast %gt3A : f32 to vector<2000x128xf32>
    %gt3A_81 = arith.cmpf ogt, %add3A_79, %gt3A_80 : vector<2000x128xf32>
    %mul3A_82 = arith.constant 2.000000e-01 : f32
    %mul3A_83 = vector.broadcast %mul3A_82 : f32 to vector<2000x128xf32>
    %mul3A_84 = arith.mulf %mul3A_83, %add3A_79 : vector<2000x128xf32>
    %select_n3A = arith.select %gt3A_81, %add3A_79, %mul3A_84 : vector<2000x128xi1>, vector<2000x128xf32>
    %mul3A_85 = vector.broadcast %get3A_76 : vector<1x128xf32> to vector<2000x128xf32>
    %mul3A_86 = arith.mulf %select_n3A, %mul3A_85 : vector<2000x128xf32>
    %slice3A = vector.extract_strided_slice %mul3A_86 {offsets = [0, 0], sizes = [2000, 64], strides = [1, 1]} : vector<2000x128xf32> to vector<2000x64xf32>
    %reduce_sum3A = arith.constant dense<0.000000e+00> : vector<2000xf32>
    %reduce_sum3A_87 = vector.multi_reduction <add>, %slice3A, %reduce_sum3A [1] : vector<2000x64xf32> to vector<2000xf32>
    %broadcast_in_dim3A = vector.shape_cast %reduce_sum3A_87 : vector<2000xf32> to vector<2000x1xf32>
    %slice3A_88 = vector.extract_strided_slice %mul3A_86 {offsets = [0, 64], sizes = [2000, 64], strides = [1, 1]} : vector<2000x128xf32> to vector<2000x64xf32>
    %reduce_sum3A_89 = arith.constant dense<0.000000e+00> : vector<2000xf32>
    %reduce_sum3A_90 = vector.multi_reduction <add>, %slice3A_88, %reduce_sum3A_89 [1] : vector<2000x64xf32> to vector<2000xf32>
    %broadcast_in_dim3A_91 = vector.shape_cast %reduce_sum3A_90 : vector<2000xf32> to vector<2000x1xf32>
    %swap3A = arith.constant 0 : index
    %swap3A_92 = arith.constant 0 : index
    %swap3A_93 = vector.load %arg16[%swap3A, %swap3A_92] : memref<2000x128xf32, #tpu.memory_space<vmem>>, vector<2000x128xf32>
    tpu.vector_store %arg16[%swap3A, %swap3A_92], %add3A_52 {strides = array<i32>} : memref<2000x128xf32, #tpu.memory_space<vmem>>, vector<2000x128xf32>,
    %swap3A_94 = arith.constant 0 : index
    %swap3A_95 = arith.constant 0 : index
    %swap3A_96 = vector.load %arg17[%swap3A_94, %swap3A_95] : memref<2000x136xf32, #tpu.memory_space<vmem>>, vector<2000x128xf32>
    tpu.vector_store %arg17[%swap3A_94, %swap3A_95], %add3A_62 {strides = array<i32>} : memref<2000x136xf32, #tpu.memory_space<vmem>>, vector<2000x128xf32>,
    %swap3A_97 = arith.constant 0 : index
    %swap3A_98 = arith.constant 128 : index
    %swap3A_99 = vector.load %arg17[%swap3A_97, %swap3A_98] : memref<2000x136xf32, #tpu.memory_space<vmem>>, vector<2000x1xf32>
    tpu.vector_store %arg17[%swap3A_97, %swap3A_98], %broadcast_in_dim3A {strides = array<i32>} : memref<2000x136xf32, #tpu.memory_space<vmem>>, vector<2000x1xf32>,
    %swap3A_100 = arith.constant 0 : index
    %swap3A_101 = arith.constant 129 : index
    %swap3A_102 = vector.load %arg17[%swap3A_100, %swap3A_101] : memref<2000x136xf32, #tpu.memory_space<vmem>>, vector<2000x1xf32>
    tpu.vector_store %arg17[%swap3A_100, %swap3A_101], %broadcast_in_dim3A_91 {strides = array<i32>} : memref<2000x136xf32, #tpu.memory_space<vmem>>, vector<2000x1xf32>,
    %broadcast_in_dim3A_103 = arith.constant 0.000000e+00 : f32
    %broadcast_in_dim3A_104 = vector.broadcast %broadcast_in_dim3A_103 : f32 to vector<2000x6xf32>
    %swap3A_105 = arith.constant 0 : index
    %swap3A_106 = arith.constant 130 : index
    %swap3A_107 = vector.load %arg17[%swap3A_105, %swap3A_106] : memref<2000x136xf32, #tpu.memory_space<vmem>>, vector<2000x6xf32>
    tpu.vector_store %arg17[%swap3A_105, %swap3A_106], %broadcast_in_dim3A_104 {strides = array<i32>} : memref<2000x136xf32, #tpu.memory_space<vmem>>, vector<2000x6xf32>,
    return
  }
  func.func @transform_0(%arg0: i32) -> (i32, i32) {
    %c0_i32 = arith.constant 0 : i32
    %c0_i32_0 = arith.constant 0 : i32
    return %arg0, %c0_i32 : i32, i32
  }
  func.func @transform_1(%arg0: i32) -> (i32, i32) {
    %c0_i32 = arith.constant 0 : i32
    %c0_i32_0 = arith.constant 0 : i32
    return %arg0, %c0_i32 : i32, i32
  }
  func.func @transform_2(%arg0: i32) -> (i32, i32) {
    %c0_i32 = arith.constant 0 : i32
    %c0_i32_0 = arith.constant 0 : i32
    return %arg0, %c0_i32 : i32, i32
  }
  func.func @transform_3(%arg0: i32) -> (i32, i32) {
    %c0_i32 = arith.constant 0 : i32
    %c0_i32_0 = arith.constant 0 : i32
    %c0_i32_1 = arith.constant 0 : i32
    return %c0_i32, %c0_i32_0 : i32, i32
  }
  func.func @transform_4(%arg0: i32) -> (i32, i32) {
    %c0_i32 = arith.constant 0 : i32
    %c0_i32_0 = arith.constant 0 : i32
    %c0_i32_1 = arith.constant 0 : i32
    return %c0_i32, %c0_i32_0 : i32, i32
  }
  func.func @transform_5(%arg0: i32) -> (i32, i32) {
    %c0_i32 = arith.constant 0 : i32
    %c0_i32_0 = arith.constant 0 : i32
    %c0_i32_1 = arith.constant 0 : i32
    return %c0_i32, %c0_i32_0 : i32, i32
  }
  func.func @transform_6(%arg0: i32) -> (i32, i32) {
    %c0_i32 = arith.constant 0 : i32
    %c0_i32_0 = arith.constant 0 : i32
    %c0_i32_1 = arith.constant 0 : i32
    return %c0_i32, %c0_i32_0 : i32, i32
  }
  func.func @transform_7(%arg0: i32) -> (i32, i32) {
    %c0_i32 = arith.constant 0 : i32
    %c0_i32_0 = arith.constant 0 : i32
    %c0_i32_1 = arith.constant 0 : i32
    return %c0_i32, %c0_i32_0 : i32, i32
  }
  func.func @transform_8(%arg0: i32) -> (i32, i32) {
    %c0_i32 = arith.constant 0 : i32
    %c0_i32_0 = arith.constant 0 : i32
    %c0_i32_1 = arith.constant 0 : i32
    return %c0_i32, %c0_i32_0 : i32, i32
  }
  func.func @transform_9(%arg0: i32) -> (i32, i32) {
    %c0_i32 = arith.constant 0 : i32
    %c0_i32_0 = arith.constant 0 : i32
    %c0_i32_1 = arith.constant 0 : i32
    return %c0_i32, %c0_i32_0 : i32, i32
  }
  func.func @transform_10(%arg0: i32) -> (i32, i32) {
    %c0_i32 = arith.constant 0 : i32
    %c0_i32_0 = arith.constant 0 : i32
    %c0_i32_1 = arith.constant 0 : i32
    return %c0_i32, %c0_i32_0 : i32, i32
  }
  func.func @transform_11(%arg0: i32) -> (i32, i32) {
    %c0_i32 = arith.constant 0 : i32
    %c0_i32_0 = arith.constant 0 : i32
    %c0_i32_1 = arith.constant 0 : i32
    return %c0_i32, %c0_i32_0 : i32, i32
  }
  func.func @transform_12(%arg0: i32) -> (i32, i32) {
    %c0_i32 = arith.constant 0 : i32
    %c0_i32_0 = arith.constant 0 : i32
    %c0_i32_1 = arith.constant 0 : i32
    return %c0_i32, %c0_i32_0 : i32, i32
  }
  func.func @transform_13(%arg0: i32) -> (i32, i32) {
    %c0_i32 = arith.constant 0 : i32
    %c0_i32_0 = arith.constant 0 : i32
    %c0_i32_1 = arith.constant 0 : i32
    return %c0_i32, %c0_i32_0 : i32, i32
  }
  func.func @transform_14(%arg0: i32) -> (i32, i32) {
    %c0_i32 = arith.constant 0 : i32
    %c0_i32_0 = arith.constant 0 : i32
    %c0_i32_1 = arith.constant 0 : i32
    return %c0_i32, %c0_i32_0 : i32, i32
  }
  func.func @transform_15(%arg0: i32) -> (i32, i32) {
    %c0_i32 = arith.constant 0 : i32
    %c0_i32_0 = arith.constant 0 : i32
    return %arg0, %c0_i32 : i32, i32
  }
  func.func @transform_16(%arg0: i32) -> (i32, i32) {
    %c0_i32 = arith.constant 0 : i32
    %c0_i32_0 = arith.constant 0 : i32
    return %arg0, %c0_i32 : i32, i32
  }
}

module attributes {stable_mosaic.version = 14 : i64} {
  func.func @_mid_body(%arg0: i32, %arg1: memref<2x2000x136xf32, #tpu.memory_space<vmem>>, %arg2: memref<2000x128xf32, #tpu.memory_space<vmem>>, %arg3: memref<1x64xf32, #tpu.memory_space<vmem>>, %arg4: memref<1x16xf32, #tpu.memory_space<vmem>>, %arg5: memref<64x128xf32, #tpu.memory_space<vmem>>, %arg6: memref<1x128xf32, #tpu.memory_space<vmem>>, %arg7: memref<64x128xf32, #tpu.memory_space<vmem>>, %arg8: memref<1x128xf32, #tpu.memory_space<vmem>>, %arg9: memref<16x128xf32, #tpu.memory_space<vmem>>, %arg10: memref<1x128xf32, #tpu.memory_space<vmem>>, %arg11: memref<2000x128xf32, #tpu.memory_space<vmem>>, %arg12: memref<2000x136xf32, #tpu.memory_space<vmem>>) attributes {dimension_semantics = [#tpu.dimension_semantics<arbitrary>], iteration_bounds = array<i64: 5>, scalar_prefetch = 0 : i64, scratch_operands = 0 : i64, tpu.core_type = #tpu.core_type<tc>, window_params = [{transform_indices = @transform_0, window_bounds = array<i64: 2, 2000, 136>}, {transform_indices = @transform_1, window_bounds = array<i64: 2000, 128>}, {pipeline_mode = #tpu.pipeline_mode<synchronous>, transform_indices = @transform_2, window_bounds = array<i64: 1, 64>}, {pipeline_mode = #tpu.pipeline_mode<synchronous>, transform_indices = @transform_3, window_bounds = array<i64: 1, 16>}, {pipeline_mode = #tpu.pipeline_mode<synchronous>, transform_indices = @transform_4, window_bounds = array<i64: 64, 128>}, {pipeline_mode = #tpu.pipeline_mode<synchronous>, transform_indices = @transform_5, window_bounds = array<i64: 1, 128>}, {pipeline_mode = #tpu.pipeline_mode<synchronous>, transform_indices = @transform_6, window_bounds = array<i64: 64, 128>}, {pipeline_mode = #tpu.pipeline_mode<synchronous>, transform_indices = @transform_7, window_bounds = array<i64: 1, 128>}, {pipeline_mode = #tpu.pipeline_mode<synchronous>, transform_indices = @transform_8, window_bounds = array<i64: 16, 128>}, {pipeline_mode = #tpu.pipeline_mode<synchronous>, transform_indices = @transform_9, window_bounds = array<i64: 1, 128>}, {transform_indices = @transform_10, window_bounds = array<i64: 2000, 128>}, {transform_indices = @transform_11, window_bounds = array<i64: 2000, 136>}]} {
    %get3A = arith.constant 0 : index
    %get3A_0 = arith.constant 0 : index
    %get3A_1 = arith.constant 0 : index
    %get3A_2 = vector.load %arg1[%get3A, %get3A_0, %get3A_1] : memref<2x2000x136xf32, #tpu.memory_space<vmem>>, vector<1x2000x136xf32>
    %get3A_3 = vector.shape_cast %get3A_2 : vector<1x2000x136xf32> to vector<2000x136xf32>
    %get3A_4 = arith.constant 1 : index
    %get3A_5 = arith.constant 0 : index
    %get3A_6 = arith.constant 0 : index
    %get3A_7 = vector.load %arg1[%get3A_4, %get3A_5, %get3A_6] : memref<2x2000x136xf32, #tpu.memory_space<vmem>>, vector<1x2000x136xf32>
    %get3A_8 = vector.shape_cast %get3A_7 : vector<1x2000x136xf32> to vector<2000x136xf32>
    %add3A = arith.addf %get3A_3, %get3A_8 : vector<2000x136xf32>
    %slice3A = vector.extract_strided_slice %add3A {offsets = [0, 0], sizes = [2000, 128], strides = [1, 1]} : vector<2000x136xf32> to vector<2000x128xf32>
    %get3A_9 = arith.constant 0 : index
    %get3A_10 = arith.constant 0 : index
    %get3A_11 = vector.load %arg2[%get3A_9, %get3A_10] : memref<2000x128xf32, #tpu.memory_space<vmem>>, vector<2000x128xf32>
    %add3A_12 = arith.addf %slice3A, %get3A_11 : vector<2000x128xf32>
    %slice3A_13 = vector.extract_strided_slice %add3A {offsets = [0, 128], sizes = [2000, 1], strides = [1, 1]} : vector<2000x136xf32> to vector<2000x1xf32>
    %add3A_14 = arith.constant 1.000000e+00 : f32
    %add3A_15 = vector.broadcast %add3A_14 : f32 to vector<2000x1xf32>
    %add3A_16 = arith.addf %slice3A_13, %add3A_15 : vector<2000x1xf32>
    %slice3A_17 = vector.extract_strided_slice %add3A {offsets = [0, 129], sizes = [2000, 1], strides = [1, 1]} : vector<2000x136xf32> to vector<2000x1xf32>
    %add3A_18 = arith.constant 1.000000e+00 : f32
    %add3A_19 = vector.broadcast %add3A_18 : f32 to vector<2000x1xf32>
    %add3A_20 = arith.addf %slice3A_17, %add3A_19 : vector<2000x1xf32>
    %slice3A_21 = vector.extract_strided_slice %add3A_12 {offsets = [0, 0], sizes = [2000, 64], strides = [1, 1]} : vector<2000x128xf32> to vector<2000x64xf32>
    %add3A_22 = arith.constant 1.000000e-16 : f32
    %add3A_23 = vector.broadcast %add3A_22 : f32 to vector<2000x1xf32>
    %add3A_24 = arith.addf %add3A_16, %add3A_23 : vector<2000x1xf32>
    %div3A = vector.broadcast %add3A_24 : vector<2000x1xf32> to vector<2000x64xf32>
    %div3A_25 = arith.divf %slice3A_21, %div3A : vector<2000x64xf32>
    %slice3A_26 = vector.extract_strided_slice %add3A_12 {offsets = [0, 64], sizes = [2000, 64], strides = [1, 1]} : vector<2000x128xf32> to vector<2000x64xf32>
    %add3A_27 = arith.constant 1.000000e-16 : f32
    %add3A_28 = vector.broadcast %add3A_27 : f32 to vector<2000x1xf32>
    %add3A_29 = arith.addf %add3A_20, %add3A_28 : vector<2000x1xf32>
    %div3A_30 = vector.broadcast %add3A_29 : vector<2000x1xf32> to vector<2000x64xf32>
    %div3A_31 = arith.divf %slice3A_26, %div3A_30 : vector<2000x64xf32>
    %add3A_32 = arith.addf %div3A_25, %div3A_31 : vector<2000x64xf32>
    %mul3A = arith.constant 5.000000e-01 : f32
    %mul3A_33 = vector.broadcast %mul3A : f32 to vector<2000x64xf32>
    %mul3A_34 = arith.mulf %mul3A_33, %add3A_32 : vector<2000x64xf32>
    %get3A_35 = arith.constant 0 : index
    %get3A_36 = arith.constant 0 : index
    %get3A_37 = vector.load %arg3[%get3A_35, %get3A_36] : memref<1x64xf32, #tpu.memory_space<vmem>>, vector<1x64xf32>
    %add3A_38 = vector.broadcast %get3A_37 : vector<1x64xf32> to vector<2000x64xf32>
    %add3A_39 = arith.addf %mul3A_34, %add3A_38 : vector<2000x64xf32>
    %gt3A = arith.constant 0.000000e+00 : f32
    %gt3A_40 = vector.broadcast %gt3A : f32 to vector<2000x64xf32>
    %gt3A_41 = arith.cmpf ogt, %add3A_39, %gt3A_40 : vector<2000x64xf32>
    %exp3A = math.exp %add3A_39 : vector<2000x64xf32>
    %sub3A = arith.constant 1.000000e+00 : f32
    %sub3A_42 = vector.broadcast %sub3A : f32 to vector<2000x64xf32>
    %sub3A_43 = arith.subf %exp3A, %sub3A_42 : vector<2000x64xf32>
    %select_n3A = arith.select %gt3A_41, %add3A_39, %sub3A_43 : vector<2000x64xi1>, vector<2000x64xf32>
    %get3A_44 = arith.constant 0 : index
    %get3A_45 = arith.constant 0 : index
    %get3A_46 = vector.load %arg5[%get3A_44, %get3A_45] : memref<64x128xf32, #tpu.memory_space<vmem>>, vector<64x128xf32>
    %dot_general3A = arith.constant dense<0.000000e+00> : vector<2000x128xf32>
    %dot_general3A_47 = tpu.matmul %select_n3A, %get3A_46, %dot_general3A {dimension_numbers = #tpu.dot_dimension_numbers<[1], [0], [0], [1], [0, 0, 1, 1], [], []>, transpose_lhs_hint = false} : vector<2000x64xf32>, vector<64x128xf32>, vector<2000x128xf32> -> vector<2000x128xf32>
    %get3A_48 = arith.constant 0 : index
    %get3A_49 = arith.constant 0 : index
    %get3A_50 = vector.load %arg6[%get3A_48, %get3A_49] : memref<1x128xf32, #tpu.memory_space<vmem>>, vector<1x128xf32>
    %add3A_51 = vector.broadcast %get3A_50 : vector<1x128xf32> to vector<2000x128xf32>
    %add3A_52 = arith.addf %dot_general3A_47, %add3A_51 : vector<2000x128xf32>
    %get3A_53 = arith.constant 0 : index
    %get3A_54 = arith.constant 0 : index
    %get3A_55 = vector.load %arg7[%get3A_53, %get3A_54] : memref<64x128xf32, #tpu.memory_space<vmem>>, vector<64x128xf32>
    %dot_general3A_56 = arith.constant dense<0.000000e+00> : vector<2000x128xf32>
    %dot_general3A_57 = tpu.matmul %select_n3A, %get3A_55, %dot_general3A_56 {dimension_numbers = #tpu.dot_dimension_numbers<[1], [0], [0], [1], [0, 0, 1, 1], [], []>, transpose_lhs_hint = false} : vector<2000x64xf32>, vector<64x128xf32>, vector<2000x128xf32> -> vector<2000x128xf32>
    %get3A_58 = arith.constant 0 : index
    %get3A_59 = arith.constant 0 : index
    %get3A_60 = vector.load %arg8[%get3A_58, %get3A_59] : memref<1x128xf32, #tpu.memory_space<vmem>>, vector<1x128xf32>
    %add3A_61 = vector.broadcast %get3A_60 : vector<1x128xf32> to vector<2000x128xf32>
    %add3A_62 = arith.addf %dot_general3A_57, %add3A_61 : vector<2000x128xf32>
    %get3A_63 = arith.constant 0 : index
    %get3A_64 = arith.constant 0 : index
    %get3A_65 = vector.load %arg4[%get3A_63, %get3A_64] : memref<1x16xf32, #tpu.memory_space<vmem>>, vector<1x16xf32>
    %mul3A_66 = arith.constant 3.125000e-06 : f32
    %mul3A_67 = vector.broadcast %mul3A_66 : f32 to vector<1x16xf32>
    %mul3A_68 = arith.mulf %get3A_65, %mul3A_67 : vector<1x16xf32>
    %get3A_69 = arith.constant 0 : index
    %get3A_70 = arith.constant 0 : index
    %get3A_71 = vector.load %arg9[%get3A_69, %get3A_70] : memref<16x128xf32, #tpu.memory_space<vmem>>, vector<16x128xf32>
    %dot_general3A_72 = arith.constant dense<0.000000e+00> : vector<1x128xf32>
    %dot_general3A_73 = tpu.matmul %mul3A_68, %get3A_71, %dot_general3A_72 {dimension_numbers = #tpu.dot_dimension_numbers<[1], [0], [0], [1], [0, 0, 1, 1], [], []>, transpose_lhs_hint = false} : vector<1x16xf32>, vector<16x128xf32>, vector<1x128xf32> -> vector<1x128xf32>
    %get3A_74 = arith.constant 0 : index
    %get3A_75 = arith.constant 0 : index
    %get3A_76 = vector.load %arg10[%get3A_74, %get3A_75] : memref<1x128xf32, #tpu.memory_space<vmem>>, vector<1x128xf32>
    %add3A_77 = arith.addf %add3A_52, %add3A_62 : vector<2000x128xf32>
    %add3A_78 = vector.broadcast %dot_general3A_73 : vector<1x128xf32> to vector<2000x128xf32>
    %add3A_79 = arith.addf %add3A_77, %add3A_78 : vector<2000x128xf32>
    %gt3A_80 = arith.constant 0.000000e+00 : f32
    %gt3A_81 = vector.broadcast %gt3A_80 : f32 to vector<2000x128xf32>
    %gt3A_82 = arith.cmpf ogt, %add3A_79, %gt3A_81 : vector<2000x128xf32>
    %mul3A_83 = arith.constant 2.000000e-01 : f32
    %mul3A_84 = vector.broadcast %mul3A_83 : f32 to vector<2000x128xf32>
    %mul3A_85 = arith.mulf %mul3A_84, %add3A_79 : vector<2000x128xf32>
    %select_n3A_86 = arith.select %gt3A_82, %add3A_79, %mul3A_85 : vector<2000x128xi1>, vector<2000x128xf32>
    %mul3A_87 = vector.broadcast %get3A_76 : vector<1x128xf32> to vector<2000x128xf32>
    %mul3A_88 = arith.mulf %select_n3A_86, %mul3A_87 : vector<2000x128xf32>
    %slice3A_89 = vector.extract_strided_slice %mul3A_88 {offsets = [0, 0], sizes = [2000, 64], strides = [1, 1]} : vector<2000x128xf32> to vector<2000x64xf32>
    %reduce_sum3A = arith.constant dense<0.000000e+00> : vector<2000xf32>
    %reduce_sum3A_90 = vector.multi_reduction <add>, %slice3A_89, %reduce_sum3A [1] : vector<2000x64xf32> to vector<2000xf32>
    %broadcast_in_dim3A = vector.shape_cast %reduce_sum3A_90 : vector<2000xf32> to vector<2000x1xf32>
    %slice3A_91 = vector.extract_strided_slice %mul3A_88 {offsets = [0, 64], sizes = [2000, 64], strides = [1, 1]} : vector<2000x128xf32> to vector<2000x64xf32>
    %reduce_sum3A_92 = arith.constant dense<0.000000e+00> : vector<2000xf32>
    %reduce_sum3A_93 = vector.multi_reduction <add>, %slice3A_91, %reduce_sum3A_92 [1] : vector<2000x64xf32> to vector<2000xf32>
    %broadcast_in_dim3A_94 = vector.shape_cast %reduce_sum3A_93 : vector<2000xf32> to vector<2000x1xf32>
    %swap3A = arith.constant 0 : index
    %swap3A_95 = arith.constant 0 : index
    %swap3A_96 = vector.load %arg11[%swap3A, %swap3A_95] : memref<2000x128xf32, #tpu.memory_space<vmem>>, vector<2000x128xf32>
    tpu.vector_store %arg11[%swap3A, %swap3A_95], %add3A_52 {strides = array<i32>} : memref<2000x128xf32, #tpu.memory_space<vmem>>, vector<2000x128xf32>,
    %swap3A_97 = arith.constant 0 : index
    %swap3A_98 = arith.constant 0 : index
    %swap3A_99 = vector.load %arg12[%swap3A_97, %swap3A_98] : memref<2000x136xf32, #tpu.memory_space<vmem>>, vector<2000x128xf32>
    tpu.vector_store %arg12[%swap3A_97, %swap3A_98], %add3A_62 {strides = array<i32>} : memref<2000x136xf32, #tpu.memory_space<vmem>>, vector<2000x128xf32>,
    %swap3A_100 = arith.constant 0 : index
    %swap3A_101 = arith.constant 128 : index
    %swap3A_102 = vector.load %arg12[%swap3A_100, %swap3A_101] : memref<2000x136xf32, #tpu.memory_space<vmem>>, vector<2000x1xf32>
    tpu.vector_store %arg12[%swap3A_100, %swap3A_101], %broadcast_in_dim3A {strides = array<i32>} : memref<2000x136xf32, #tpu.memory_space<vmem>>, vector<2000x1xf32>,
    %swap3A_103 = arith.constant 0 : index
    %swap3A_104 = arith.constant 129 : index
    %swap3A_105 = vector.load %arg12[%swap3A_103, %swap3A_104] : memref<2000x136xf32, #tpu.memory_space<vmem>>, vector<2000x1xf32>
    tpu.vector_store %arg12[%swap3A_103, %swap3A_104], %broadcast_in_dim3A_94 {strides = array<i32>} : memref<2000x136xf32, #tpu.memory_space<vmem>>, vector<2000x1xf32>,
    %broadcast_in_dim3A_106 = arith.constant 0.000000e+00 : f32
    %broadcast_in_dim3A_107 = vector.broadcast %broadcast_in_dim3A_106 : f32 to vector<2000x6xf32>
    %swap3A_108 = arith.constant 0 : index
    %swap3A_109 = arith.constant 130 : index
    %swap3A_110 = vector.load %arg12[%swap3A_108, %swap3A_109] : memref<2000x136xf32, #tpu.memory_space<vmem>>, vector<2000x6xf32>
    tpu.vector_store %arg12[%swap3A_108, %swap3A_109], %broadcast_in_dim3A_107 {strides = array<i32>} : memref<2000x136xf32, #tpu.memory_space<vmem>>, vector<2000x6xf32>,
    return
  }
  func.func @transform_0(%arg0: i32) -> (i32, i32, i32) {
    %c0_i32 = arith.constant 0 : i32
    %c0_i32_0 = arith.constant 0 : i32
    %c0_i32_1 = arith.constant 0 : i32
    return %c0_i32, %arg0, %c0_i32_0 : i32, i32, i32
  }
  func.func @transform_1(%arg0: i32) -> (i32, i32) {
    %c0_i32 = arith.constant 0 : i32
    %c0_i32_0 = arith.constant 0 : i32
    return %arg0, %c0_i32 : i32, i32
  }
  func.func @transform_2(%arg0: i32) -> (i32, i32) {
    %c0_i32 = arith.constant 0 : i32
    %c0_i32_0 = arith.constant 0 : i32
    %c0_i32_1 = arith.constant 0 : i32
    return %c0_i32, %c0_i32_0 : i32, i32
  }
  func.func @transform_3(%arg0: i32) -> (i32, i32) {
    %c0_i32 = arith.constant 0 : i32
    %c0_i32_0 = arith.constant 0 : i32
    %c0_i32_1 = arith.constant 0 : i32
    return %c0_i32, %c0_i32_0 : i32, i32
  }
  func.func @transform_4(%arg0: i32) -> (i32, i32) {
    %c0_i32 = arith.constant 0 : i32
    %c0_i32_0 = arith.constant 0 : i32
    %c0_i32_1 = arith.constant 0 : i32
    return %c0_i32, %c0_i32_0 : i32, i32
  }
  func.func @transform_5(%arg0: i32) -> (i32, i32) {
    %c0_i32 = arith.constant 0 : i32
    %c0_i32_0 = arith.constant 0 : i32
    %c0_i32_1 = arith.constant 0 : i32
    return %c0_i32, %c0_i32_0 : i32, i32
  }
  func.func @transform_6(%arg0: i32) -> (i32, i32) {
    %c0_i32 = arith.constant 0 : i32
    %c0_i32_0 = arith.constant 0 : i32
    %c0_i32_1 = arith.constant 0 : i32
    return %c0_i32, %c0_i32_0 : i32, i32
  }
  func.func @transform_7(%arg0: i32) -> (i32, i32) {
    %c0_i32 = arith.constant 0 : i32
    %c0_i32_0 = arith.constant 0 : i32
    %c0_i32_1 = arith.constant 0 : i32
    return %c0_i32, %c0_i32_0 : i32, i32
  }
  func.func @transform_8(%arg0: i32) -> (i32, i32) {
    %c0_i32 = arith.constant 0 : i32
    %c0_i32_0 = arith.constant 0 : i32
    %c0_i32_1 = arith.constant 0 : i32
    return %c0_i32, %c0_i32_0 : i32, i32
  }
  func.func @transform_9(%arg0: i32) -> (i32, i32) {
    %c0_i32 = arith.constant 0 : i32
    %c0_i32_0 = arith.constant 0 : i32
    %c0_i32_1 = arith.constant 0 : i32
    return %c0_i32, %c0_i32_0 : i32, i32
  }
  func.func @transform_10(%arg0: i32) -> (i32, i32) {
    %c0_i32 = arith.constant 0 : i32
    %c0_i32_0 = arith.constant 0 : i32
    return %arg0, %c0_i32 : i32, i32
  }
  func.func @transform_11(%arg0: i32) -> (i32, i32) {
    %c0_i32 = arith.constant 0 : i32
    %c0_i32_0 = arith.constant 0 : i32
    return %arg0, %c0_i32 : i32, i32
  }
}

module attributes {stable_mosaic.version = 14 : i64} {
  func.func @_fin_body(%arg0: i32, %arg1: memref<2x2000x136xf32, #tpu.memory_space<vmem>>, %arg2: memref<2000x128xf32, #tpu.memory_space<vmem>>, %arg3: memref<1x64xf32, #tpu.memory_space<vmem>>, %arg4: memref<64x64xf32, #tpu.memory_space<vmem>>, %arg5: memref<2000x64xf32, #tpu.memory_space<vmem>>, %arg6: memref<1x64xf32, #tpu.memory_space<vmem>>) attributes {dimension_semantics = [#tpu.dimension_semantics<arbitrary>], iteration_bounds = array<i64: 5>, scalar_prefetch = 0 : i64, scratch_operands = 0 : i64, tpu.core_type = #tpu.core_type<tc>, window_params = [{transform_indices = @transform_0, window_bounds = array<i64: 2, 2000, 136>}, {transform_indices = @transform_1, window_bounds = array<i64: 2000, 128>}, {pipeline_mode = #tpu.pipeline_mode<synchronous>, transform_indices = @transform_2, window_bounds = array<i64: 1, 64>}, {pipeline_mode = #tpu.pipeline_mode<synchronous>, transform_indices = @transform_3, window_bounds = array<i64: 64, 64>}, {transform_indices = @transform_4, window_bounds = array<i64: 2000, 64>}, {pipeline_mode = #tpu.pipeline_mode<synchronous>, transform_indices = @transform_5, window_bounds = array<i64: 1, 64>}]} {
    %get3A = arith.constant 0 : index
    %get3A_0 = arith.constant 0 : index
    %get3A_1 = arith.constant 0 : index
    %get3A_2 = vector.load %arg1[%get3A, %get3A_0, %get3A_1] : memref<2x2000x136xf32, #tpu.memory_space<vmem>>, vector<1x2000x136xf32>
    %get3A_3 = vector.shape_cast %get3A_2 : vector<1x2000x136xf32> to vector<2000x136xf32>
    %get3A_4 = arith.constant 1 : index
    %get3A_5 = arith.constant 0 : index
    %get3A_6 = arith.constant 0 : index
    %get3A_7 = vector.load %arg1[%get3A_4, %get3A_5, %get3A_6] : memref<2x2000x136xf32, #tpu.memory_space<vmem>>, vector<1x2000x136xf32>
    %get3A_8 = vector.shape_cast %get3A_7 : vector<1x2000x136xf32> to vector<2000x136xf32>
    %add3A = arith.addf %get3A_3, %get3A_8 : vector<2000x136xf32>
    %slice3A = vector.extract_strided_slice %add3A {offsets = [0, 0], sizes = [2000, 128], strides = [1, 1]} : vector<2000x136xf32> to vector<2000x128xf32>
    %get3A_9 = arith.constant 0 : index
    %get3A_10 = arith.constant 0 : index
    %get3A_11 = vector.load %arg2[%get3A_9, %get3A_10] : memref<2000x128xf32, #tpu.memory_space<vmem>>, vector<2000x128xf32>
    %add3A_12 = arith.addf %slice3A, %get3A_11 : vector<2000x128xf32>
    %slice3A_13 = vector.extract_strided_slice %add3A {offsets = [0, 128], sizes = [2000, 1], strides = [1, 1]} : vector<2000x136xf32> to vector<2000x1xf32>
    %add3A_14 = arith.constant 1.000000e+00 : f32
    %add3A_15 = vector.broadcast %add3A_14 : f32 to vector<2000x1xf32>
    %add3A_16 = arith.addf %slice3A_13, %add3A_15 : vector<2000x1xf32>
    %slice3A_17 = vector.extract_strided_slice %add3A {offsets = [0, 129], sizes = [2000, 1], strides = [1, 1]} : vector<2000x136xf32> to vector<2000x1xf32>
    %add3A_18 = arith.constant 1.000000e+00 : f32
    %add3A_19 = vector.broadcast %add3A_18 : f32 to vector<2000x1xf32>
    %add3A_20 = arith.addf %slice3A_17, %add3A_19 : vector<2000x1xf32>
    %slice3A_21 = vector.extract_strided_slice %add3A_12 {offsets = [0, 0], sizes = [2000, 64], strides = [1, 1]} : vector<2000x128xf32> to vector<2000x64xf32>
    %add3A_22 = arith.constant 1.000000e-16 : f32
    %add3A_23 = vector.broadcast %add3A_22 : f32 to vector<2000x1xf32>
    %add3A_24 = arith.addf %add3A_16, %add3A_23 : vector<2000x1xf32>
    %div3A = vector.broadcast %add3A_24 : vector<2000x1xf32> to vector<2000x64xf32>
    %div3A_25 = arith.divf %slice3A_21, %div3A : vector<2000x64xf32>
    %slice3A_26 = vector.extract_strided_slice %add3A_12 {offsets = [0, 64], sizes = [2000, 64], strides = [1, 1]} : vector<2000x128xf32> to vector<2000x64xf32>
    %add3A_27 = arith.constant 1.000000e-16 : f32
    %add3A_28 = vector.broadcast %add3A_27 : f32 to vector<2000x1xf32>
    %add3A_29 = arith.addf %add3A_20, %add3A_28 : vector<2000x1xf32>
    %div3A_30 = vector.broadcast %add3A_29 : vector<2000x1xf32> to vector<2000x64xf32>
    %div3A_31 = arith.divf %slice3A_26, %div3A_30 : vector<2000x64xf32>
    %add3A_32 = arith.addf %div3A_25, %div3A_31 : vector<2000x64xf32>
    %mul3A = arith.constant 5.000000e-01 : f32
    %mul3A_33 = vector.broadcast %mul3A : f32 to vector<2000x64xf32>
    %mul3A_34 = arith.mulf %mul3A_33, %add3A_32 : vector<2000x64xf32>
    %get3A_35 = arith.constant 0 : index
    %get3A_36 = arith.constant 0 : index
    %get3A_37 = vector.load %arg3[%get3A_35, %get3A_36] : memref<1x64xf32, #tpu.memory_space<vmem>>, vector<1x64xf32>
    %add3A_38 = vector.broadcast %get3A_37 : vector<1x64xf32> to vector<2000x64xf32>
    %add3A_39 = arith.addf %mul3A_34, %add3A_38 : vector<2000x64xf32>
    %get3A_40 = arith.constant 0 : index
    %get3A_41 = arith.constant 0 : index
    %get3A_42 = vector.load %arg4[%get3A_40, %get3A_41] : memref<64x64xf32, #tpu.memory_space<vmem>>, vector<64x64xf32>
    %dot_general3A = arith.constant dense<0.000000e+00> : vector<2000x64xf32>
    %dot_general3A_43 = tpu.matmul %add3A_39, %get3A_42, %dot_general3A {dimension_numbers = #tpu.dot_dimension_numbers<[1], [0], [0], [1], [0, 0, 1, 1], [], []>, transpose_lhs_hint = false} : vector<2000x64xf32>, vector<64x64xf32>, vector<2000x64xf32> -> vector<2000x64xf32>
    %swap3A = arith.constant 0 : index
    %swap3A_44 = arith.constant 0 : index
    %swap3A_45 = vector.load %arg5[%swap3A, %swap3A_44] : memref<2000x64xf32, #tpu.memory_space<vmem>>, vector<2000x64xf32>
    tpu.vector_store %arg5[%swap3A, %swap3A_44], %dot_general3A_43 {strides = array<i32>} : memref<2000x64xf32, #tpu.memory_space<vmem>>, vector<2000x64xf32>,
    %eq3A = arith.constant 0 : i32
    %eq3A_46 = arith.cmpi eq, %arg0, %eq3A : i32
    %convert_element_type3A = arith.extui %eq3A_46 : i1 to i32
    %cond3A = arith.constant 0 : i32
    %cond3A_47 = arith.cmpi ne, %convert_element_type3A, %cond3A : i32
    scf.if %cond3A_47 {
      %broadcast_in_dim3A_56 = arith.constant 0.000000e+00 : f32
      %broadcast_in_dim3A_57 = vector.broadcast %broadcast_in_dim3A_56 : f32 to vector<1x64xf32>
      %swap3A_58 = arith.constant 0 : index
      %swap3A_59 = arith.constant 0 : index
      %swap3A_60 = vector.load %arg6[%swap3A_58, %swap3A_59] : memref<1x64xf32, #tpu.memory_space<vmem>>, vector<1x64xf32>
      tpu.vector_store %arg6[%swap3A_58, %swap3A_59], %broadcast_in_dim3A_57 {strides = array<i32>} : memref<1x64xf32, #tpu.memory_space<vmem>>, vector<1x64xf32>,
    } else {
    }
    %get3A_48 = arith.constant 0 : index
    %get3A_49 = arith.constant 0 : index
    %get3A_50 = vector.load %arg6[%get3A_48, %get3A_49] : memref<1x64xf32, #tpu.memory_space<vmem>>, vector<1x64xf32>
    %reduce_sum3A = arith.constant dense<0.000000e+00> : vector<64xf32>
    %reduce_sum3A_51 = vector.multi_reduction <add>, %add3A_39, %reduce_sum3A [0] : vector<2000x64xf32> to vector<64xf32>
    %broadcast_in_dim3A = vector.shape_cast %reduce_sum3A_51 : vector<64xf32> to vector<1x64xf32>
    %add3A_52 = arith.addf %get3A_50, %broadcast_in_dim3A : vector<1x64xf32>
    %swap3A_53 = arith.constant 0 : index
    %swap3A_54 = arith.constant 0 : index
    %swap3A_55 = vector.load %arg6[%swap3A_53, %swap3A_54] : memref<1x64xf32, #tpu.memory_space<vmem>>, vector<1x64xf32>
    tpu.vector_store %arg6[%swap3A_53, %swap3A_54], %add3A_52 {strides = array<i32>} : memref<1x64xf32, #tpu.memory_space<vmem>>, vector<1x64xf32>,
    return
  }
  func.func @transform_0(%arg0: i32) -> (i32, i32, i32) {
    %c0_i32 = arith.constant 0 : i32
    %c0_i32_0 = arith.constant 0 : i32
    %c0_i32_1 = arith.constant 0 : i32
    return %c0_i32, %arg0, %c0_i32_0 : i32, i32, i32
  }
  func.func @transform_1(%arg0: i32) -> (i32, i32) {
    %c0_i32 = arith.constant 0 : i32
    %c0_i32_0 = arith.constant 0 : i32
    return %arg0, %c0_i32 : i32, i32
  }
  func.func @transform_2(%arg0: i32) -> (i32, i32) {
    %c0_i32 = arith.constant 0 : i32
    %c0_i32_0 = arith.constant 0 : i32
    %c0_i32_1 = arith.constant 0 : i32
    return %c0_i32, %c0_i32_0 : i32, i32
  }
  func.func @transform_3(%arg0: i32) -> (i32, i32) {
    %c0_i32 = arith.constant 0 : i32
    %c0_i32_0 = arith.constant 0 : i32
    %c0_i32_1 = arith.constant 0 : i32
    return %c0_i32, %c0_i32_0 : i32, i32
  }
  func.func @transform_4(%arg0: i32) -> (i32, i32) {
    %c0_i32 = arith.constant 0 : i32
    %c0_i32_0 = arith.constant 0 : i32
    return %arg0, %c0_i32 : i32, i32
  }
  func.func @transform_5(%arg0: i32) -> (i32, i32) {
    %c0_i32 = arith.constant 0 : i32
    %c0_i32_0 = arith.constant 0 : i32
    %c0_i32_1 = arith.constant 0 : i32
    return %c0_i32, %c0_i32_0 : i32, i32
  }
}

module attributes {stable_mosaic.version = 14 : i64} {
  func.func @_head_body(%arg0: memref<1024x64xf32, #tpu.memory_space<vmem>>, %arg1: memref<1x64xf32, #tpu.memory_space<vmem>>, %arg2: memref<64x64xf32, #tpu.memory_space<vmem>>, %arg3: memref<1x64xf32, #tpu.memory_space<vmem>>, %arg4: memref<64x64xf32, #tpu.memory_space<vmem>>, %arg5: memref<1x64xf32, #tpu.memory_space<vmem>>, %arg6: memref<64x1xf32, #tpu.memory_space<vmem>>, %arg7: memref<1x1xf32, #tpu.memory_space<vmem>>, %arg8: memref<64x64xf32, #tpu.memory_space<vmem>>, %arg9: memref<1x64xf32, #tpu.memory_space<vmem>>, %arg10: memref<64x6xf32, #tpu.memory_space<vmem>>, %arg11: memref<1x6xf32, #tpu.memory_space<vmem>>, %arg12: memref<1024x1xf32, #tpu.memory_space<vmem>>, %arg13: memref<1x6xf32, #tpu.memory_space<vmem>>) attributes {dimension_semantics = [], scalar_prefetch = 0 : i64, scratch_operands = 0 : i64, tpu.core_type = #tpu.core_type<tc>} {
    %get3A = arith.constant 0 : index
    %get3A_0 = arith.constant 0 : index
    %get3A_1 = vector.load %arg1[%get3A, %get3A_0] : memref<1x64xf32, #tpu.memory_space<vmem>>, vector<1x64xf32>
    %mul3A = arith.constant 9.99999974E-5 : f32
    %mul3A_2 = vector.broadcast %mul3A : f32 to vector<1x64xf32>
    %mul3A_3 = arith.mulf %get3A_1, %mul3A_2 : vector<1x64xf32>
    %get3A_4 = arith.constant 0 : index
    %get3A_5 = arith.constant 0 : index
    %get3A_6 = vector.load %arg2[%get3A_4, %get3A_5] : memref<64x64xf32, #tpu.memory_space<vmem>>, vector<64x64xf32>
    %dot_general3A = arith.constant dense<0.000000e+00> : vector<1x64xf32>
    %dot_general3A_7 = tpu.matmul %mul3A_3, %get3A_6, %dot_general3A {dimension_numbers = #tpu.dot_dimension_numbers<[1], [0], [0], [1], [0, 0, 1, 1], [], []>, transpose_lhs_hint = false} : vector<1x64xf32>, vector<64x64xf32>, vector<1x64xf32> -> vector<1x64xf32>
    %get3A_8 = arith.constant 0 : index
    %get3A_9 = arith.constant 0 : index
    %get3A_10 = vector.load %arg3[%get3A_8, %get3A_9] : memref<1x64xf32, #tpu.memory_space<vmem>>, vector<1x64xf32>
    %add3A = arith.addf %dot_general3A_7, %get3A_10 : vector<1x64xf32>
    %tanh3A = math.tanh %add3A : vector<1x64xf32>
    %get3A_11 = arith.constant 0 : index
    %get3A_12 = arith.constant 0 : index
    %get3A_13 = vector.load %arg4[%get3A_11, %get3A_12] : memref<64x64xf32, #tpu.memory_space<vmem>>, vector<64x64xf32>
    %dot_general3A_14 = arith.constant dense<0.000000e+00> : vector<1x64xf32>
    %dot_general3A_15 = tpu.matmul %tanh3A, %get3A_13, %dot_general3A_14 {dimension_numbers = #tpu.dot_dimension_numbers<[1], [0], [0], [1], [0, 0, 1, 1], [], []>, transpose_lhs_hint = false} : vector<1x64xf32>, vector<64x64xf32>, vector<1x64xf32> -> vector<1x64xf32>
    %get3A_16 = arith.constant 0 : index
    %get3A_17 = arith.constant 0 : index
    %get3A_18 = vector.load %arg5[%get3A_16, %get3A_17] : memref<1x64xf32, #tpu.memory_space<vmem>>, vector<1x64xf32>
    %add3A_19 = arith.addf %dot_general3A_15, %get3A_18 : vector<1x64xf32>
    %get3A_20 = arith.constant 0 : index
    %get3A_21 = arith.constant 0 : index
    %get3A_22 = vector.load %arg0[%get3A_20, %get3A_21] : memref<1024x64xf32, #tpu.memory_space<vmem>>, vector<1024x64xf32>
    %add3A_23 = vector.broadcast %add3A_19 : vector<1x64xf32> to vector<1024x64xf32>
    %add3A_24 = arith.addf %get3A_22, %add3A_23 : vector<1024x64xf32>
    %max3A = arith.constant 0.000000e+00 : f32
    %max3A_25 = vector.broadcast %max3A : f32 to vector<1024x64xf32>
    %max3A_26 = arith.maximumf %add3A_24, %max3A_25 : vector<1024x64xf32>
    %get3A_27 = arith.constant 0 : index
    %get3A_28 = arith.constant 0 : index
    %get3A_29 = vector.load %arg6[%get3A_27, %get3A_28] : memref<64x1xf32, #tpu.memory_space<vmem>>, vector<64x1xf32>
    %dot_general3A_30 = arith.constant dense<0.000000e+00> : vector<1024x1xf32>
    %dot_general3A_31 = tpu.matmul %max3A_26, %get3A_29, %dot_general3A_30 {dimension_numbers = #tpu.dot_dimension_numbers<[1], [0], [0], [1], [0, 0, 1, 1], [], []>, transpose_lhs_hint = false} : vector<1024x64xf32>, vector<64x1xf32>, vector<1024x1xf32> -> vector<1024x1xf32>
    %get3A_32 = arith.constant 0 : index
    %get3A_33 = arith.constant 0 : index
    %get3A_34 = vector.load %arg7[%get3A_32, %get3A_33] : memref<1x1xf32, #tpu.memory_space<vmem>>, vector<1x1xf32>
    %add3A_35 = vector.broadcast %get3A_34 : vector<1x1xf32> to vector<1024x1xf32>
    %add3A_36 = arith.addf %dot_general3A_31, %add3A_35 : vector<1024x1xf32>
    %swap3A = arith.constant 0 : index
    %swap3A_37 = arith.constant 0 : index
    %swap3A_38 = vector.load %arg12[%swap3A, %swap3A_37] : memref<1024x1xf32, #tpu.memory_space<vmem>>, vector<1024x1xf32>
    tpu.vector_store %arg12[%swap3A, %swap3A_37], %add3A_36 {strides = array<i32>} : memref<1024x1xf32, #tpu.memory_space<vmem>>, vector<1024x1xf32>,
    %get3A_39 = arith.constant 0 : index
    %get3A_40 = arith.constant 0 : index
    %get3A_41 = vector.load %arg8[%get3A_39, %get3A_40] : memref<64x64xf32, #tpu.memory_space<vmem>>, vector<64x64xf32>
    %dot_general3A_42 = arith.constant dense<0.000000e+00> : vector<1x64xf32>
    %dot_general3A_43 = tpu.matmul %tanh3A, %get3A_41, %dot_general3A_42 {dimension_numbers = #tpu.dot_dimension_numbers<[1], [0], [0], [1], [0, 0, 1, 1], [], []>, transpose_lhs_hint = false} : vector<1x64xf32>, vector<64x64xf32>, vector<1x64xf32> -> vector<1x64xf32>
    %get3A_44 = arith.constant 0 : index
    %get3A_45 = arith.constant 0 : index
    %get3A_46 = vector.load %arg9[%get3A_44, %get3A_45] : memref<1x64xf32, #tpu.memory_space<vmem>>, vector<1x64xf32>
    %add3A_47 = arith.addf %dot_general3A_43, %get3A_46 : vector<1x64xf32>
    %max3A_48 = arith.constant 0.000000e+00 : f32
    %max3A_49 = vector.broadcast %max3A_48 : f32 to vector<1x64xf32>
    %max3A_50 = arith.maximumf %add3A_47, %max3A_49 : vector<1x64xf32>
    %get3A_51 = arith.constant 0 : index
    %get3A_52 = arith.constant 0 : index
    %get3A_53 = vector.load %arg10[%get3A_51, %get3A_52] : memref<64x6xf32, #tpu.memory_space<vmem>>, vector<64x6xf32>
    %dot_general3A_54 = arith.constant dense<0.000000e+00> : vector<1x6xf32>
    %dot_general3A_55 = tpu.matmul %max3A_50, %get3A_53, %dot_general3A_54 {dimension_numbers = #tpu.dot_dimension_numbers<[1], [0], [0], [1], [0, 0, 1, 1], [], []>, transpose_lhs_hint = false} : vector<1x64xf32>, vector<64x6xf32>, vector<1x6xf32> -> vector<1x6xf32>
    %get3A_56 = arith.constant 0 : index
    %get3A_57 = arith.constant 0 : index
    %get3A_58 = vector.load %arg11[%get3A_56, %get3A_57] : memref<1x6xf32, #tpu.memory_space<vmem>>, vector<1x6xf32>
    %add3A_59 = arith.addf %dot_general3A_55, %get3A_58 : vector<1x6xf32>
    %swap3A_60 = arith.constant 0 : index
    %swap3A_61 = arith.constant 0 : index
    %swap3A_62 = vector.load %arg13[%swap3A_60, %swap3A_61] : memref<1x6xf32, #tpu.memory_space<vmem>>, vector<1x6xf32>
    tpu.vector_store %arg13[%swap3A_60, %swap3A_61], %add3A_59 {strides = array<i32>} : memref<1x6xf32, #tpu.memory_space<vmem>>, vector<1x6xf32>,
    return
  }
}

</mosaic_0001>

<sc_bundles>
// kernel: kernel.11.cloned.1.call-start
scs
__scs_entry_jumppad:
0x0: {  	(pc) =	sbr.rel $0x88, $3  }
0x1: {  	(tag) =	ssettag $0x0;
	lr =	simm.s32 $0x1  }
0x2: {  	[smem:$0x3F7A] =	sst lr;
	_ =	strace $0xD0000000  }
0x3: {  	_ = 	snop  }
0x4: {  	_ = 	snop  }
0x5: {  	_ = 	snop  }
0x6: {  	_ = 	snop  }
0x7: {  	_ = 	snop  }
__scs_overlays_trampoline_lowered:
0x8: {  	[smem:$0x3F89] =	sst s0  }
0x9: {  	[smem:$0x3F8A] =	sst s1  }
0xa: {  	[smem:$0x3F8B] =	sst s2  }
0xb: {  	[smem:$0x3F8C] =	sst s3  }
0xc: {  	[smem:$0x3F8D] =	sst s4  }
0xd: {  	[smem:$0x3F8E] =	sst s5  }
0xe: {  	[smem:$0x3F8F] =	sst s6  }
0xf: {  	[smem:$0x3F90] =	sst s7  }
0x10: {  	[smem:$0x3F91] =	sst s8  }
0x11: {  	[smem:$0x3F92] =	sst s9;
	s0 =	simm.s32 @!p0 $0x0  }
0x12: {  	s1 =	sld [smem:$0x3F78];
	s0 =	simm.s32 @p0 $0x1  }
0x13: {  	[smem:$0x3F93] =	sst s0;
	s0 =	simm.s32 @!p1 $0x0  }
0x14: {  	s2 =	sld [smem:$0x3F77];
	s0 =	simm.s32 @p1 $0x1  }
0x15: {  	[smem:$0x3F94] =	sst s0;
	s0 =	simm.s32 @!p2 $0x0  }
0x16: {  	s3 =	sld [smem:$0x3FDB];
	s0 =	simm.s32 @p2 $0x1  }
0x17: {  	s4 =	simm.s32 $0x1BF5;
	[smem:$0x3F96] =	sst s0  }
0x18: {  	s0 =	sld [smem:$0x3F79];
	_ =	swait.ge [sflag:s4], $0x0  }
0x19: {  	s7 =	sld [smem:$0x3F7A]  }
0x1a: {  	s8 =	sadd.s32 $0xFFFFE003, lr  }
0x1b: {  	s9 =	sadd.s32 $0xFFFFFEF7, lr;
	s5 =	simm.s32 $0xFFFFFFFF;
	p2 =	slt.u32 s8, $0xFFFFF086  }
0x1c: {  	p1 =	slt.u32 s9, $0xF7A;
	s5 =	simm.s32 @!p2 $0x0  }
0x1d: {  	s5 =	simm.s32 @p1 $0x1;
	p0 =	seq.s32 s7, s2  }
0x1e: {  	s7 =	smul.u32 @!p0 $0xF7A, s2;
	p2 =	seq.s32 @!p0 s5, $0x0  }
0x1f: {  	s9 =	smul.u32 $0xF7A, s1;
	s8 =	simm.s32 @!p0 $0x1BF5;
	p2 =	por !p2, p0  }
0x20: {  	[sflag:s8] =	ssyncset.s32 @!p0 $0xFFFFF086;
	s6 =	sadd.s32 @!p0 s3, s7;
	s7 =	simm.s32 @!p0 $0x108  }
0x21: {  	s3 =	sadd.s32 s3, s9;
	s6 =	sadd.s32 @!p0 $0x88, s6;
	s7 =	simm.s32 @p2 $0x1082  }
0x22: {  	[simem:s7], [sflag:s8] =	dma.local @!p0 [hbm:s6], $0xF7A  }
0x23: {  	s9 =	sor.u32 $0xD0000000, s2;
	s6 =	simm.s32 $0x108;
	_ =	swait.ge @!p0 [sflag:s8], $0x0  }
0x24: {  	s3 =	sadd.s32 $0x88, s3;
	s6 =	simm.s32 @!p1 $0x1082;
	[sflag:s4] =	ssyncset.s32 $0xFFFFF086  }
0x25: {  	[simem:s6], [sflag:s4] =	dma.local [hbm:s3], $0xF7A  }
0x26: {  	[smem:$0x3F7A] =	sst s1;
	(tag) =	ssettag s2;
	_ =	strace s9  }
0x27: {  	s1 =	sld [smem:$0x3F8A]  }
0x28: {  	s2 =	sld [smem:$0x3F8B]  }
0x29: {  	s4 =	sld [smem:$0x3F8D]  }
0x2a: {  	p0 =	seq.s32 s5, $0x0;
	s5 =	sld [smem:$0x3F8E]  }
0x2b: {  	s6 =	sld [smem:$0x3F8F]  }
0x2c: {  	s7 =	sld [smem:$0x3F90]  }
0x2d: {  	s3 =	simm.s32 $0x108;
	s8 =	sld [smem:$0x3F91]  }
0x2e: {  	s3 =	simm.s32 @!p0 $0x1082;
	s9 =	sld [smem:$0x3F92]  }
0x2f: {  	lr =	sadd.s32 s0, s3;
	s0 =	sld [smem:$0x3F89]  }
0x30: {  	s3 =	sld [smem:$0x3F8C]  }
0x31: {  	[smem:$0x3F95] =	sst s10  }
0x32: {  	s10 =	sld [smem:$0x3F93];
	_ =	sdelay $0x3  }
0x33: {  	p0 =	seq.s32 s10, $0x1;
	s10 =	sld [smem:$0x3F95];
	_ =	sdelay $0x3  }
0x34: {  	[smem:$0x3F95] =	sst s10  }
0x35: {  	s10 =	sld [smem:$0x3F94];
	_ =	sdelay $0x3  }
0x36: {  	p1 =	seq.s32 s10, $0x1;
	s10 =	sld [smem:$0x3F95];
	_ =	sdelay $0x3  }
0x37: {  	[smem:$0x3F95] =	sst s10  }
0x38: {  	s10 =	sld [smem:$0x3F96]  }
0x39: {  	_ = 	snop;
	(pc) =	sbr.ind lr, $3  }
0x3a: {  	_ = 	snop  }
0x3b: {  	_ = 	snop  }
0x3c: {  	p2 =	seq.s32 s10, $0x1;
	s10 =	sld [smem:$0x3F95]  }
0x3d: {  	_ =	shalt  }
0x3e: {  	_ =	shalt  }
0x3f: {  	_ =	shalt  }
0x40: {  	_ =	shalt  }
0x41: {  	_ =	shalt  }
0x42: {  	_ =	shalt  }
0x43: {  	_ =	shalt  }
0x44: {  	_ =	shalt  }
0x45: {  	_ =	shalt  }
0x46: {  	_ =	shalt  }
0x47: {  	_ =	shalt  }
0x48: {  	_ =	shalt  }
0x49: {  	_ =	shalt  }
0x4a: {  	_ =	shalt  }
0x4b: {  	_ =	shalt  }
0x4c: {  	_ =	shalt  }
0x4d: {  	_ =	shalt  }
0x4e: {  	_ =	shalt  }
0x4f: {  	_ =	shalt  }
0x50: {  	_ =	shalt  }
0x51: {  	_ =	shalt  }
0x52: {  	_ =	shalt  }
0x53: {  	_ =	shalt  }
0x54: {  	_ =	shalt  }
0x55: {  	_ =	shalt  }
0x56: {  	_ =	shalt  }
0x57: {  	_ =	shalt  }
0x58: {  	_ =	shalt  }
0x59: {  	_ =	shalt  }
0x5a: {  	_ =	shalt  }
0x5b: {  	_ =	shalt  }
0x5c: {  	_ =	shalt  }
0x5d: {  	_ =	shalt  }
0x5e: {  	_ =	shalt  }
0x5f: {  	_ =	shalt  }
0x60: {  	_ =	shalt  }
0x61: {  	_ =	shalt  }
0x62: {  	_ =	shalt  }
0x63: {  	_ =	shalt  }
0x64: {  	_ =	shalt  }
0x65: {  	_ =	shalt  }
0x66: {  	_ =	shalt  }
0x67: {  	_ =	shalt  }
0x68: {  	_ =	shalt  }
0x69: {  	_ =	shalt  }
0x6a: {  	_ =	shalt  }
0x6b: {  	_ =	shalt  }
0x6c: {  	_ =	shalt  }
0x6d: {  	_ =	shalt  }
0x6e: {  	_ =	shalt  }
0x6f: {  	_ =	shalt  }
0x70: {  	_ =	shalt  }
0x71: {  	_ =	shalt  }
0x72: {  	_ =	shalt  }
0x73: {  	_ =	shalt  }
0x74: {  	_ =	shalt  }
0x75: {  	_ =	shalt  }
0x76: {  	_ =	shalt  }
0x77: {  	_ =	shalt  }
0x78: {  	_ =	shalt  }
0x79: {  	_ =	shalt  }
0x7a: {  	_ =	shalt  }
0x7b: {  	_ =	shalt  }
0x7c: {  	_ =	shalt  }
0x7d: {  	_ =	shalt  }
0x7e: {  	_ =	shalt  }
0x7f: {  	_ =	shalt  }
0x80: {  	_ =	shalt  }
0x81: {  	_ =	shalt  }
0x82: {  	_ =	shalt  }
0x83: {  	_ =	shalt  }
0x84: {  	_ =	shalt  }
0x85: {  	_ =	shalt  }
0x86: {  	_ =	shalt  }
0x87: {  	_ =	shalt  }
.Lfunc_end0:
.L_simem_size_0:
called_computation_lowered:
.L_overlay_start_0:
0x88: {  	s2 =	sld [smem:$0x3FD9]  }
0x89: {  	s3 =	sld [smem:$0x3FFE];
	_ =	sdelay $0x1  }
0x8a: {  	s1 =	srdreg.scid  }
0x8b: {  	s0 =	sand.u32 $0x1, s1  }
0x8c: {  	s14 =	sshll.u32 s0, $0xA;
	s2 =	sadd.s32 s3, s2  }
0x8d: {  	s2 =	sadd.s32 s2, s14  }
0x8e: {  	[smem:$0x3FA1] =	sst s2  }
0x8f: {  	_ = 	snop  }
0x90: {  	s2 =	sld [smem:$0x3FD0];
	_ =	sdelay $0x2  }
0x91: {  	s15 =	simm.s32 $0xA;
	s4 =	simm.s32 $0x10  }
0x92: {  	[smem:s4], [sflag:s15] =	dma.local [hbm:s2], $0x1  }
0x93: {  	_ =	swait.eq [sflag:s15], $0x1  }
0x94: {  	[sflag:s15] =	ssyncset.done $0x0  }
0x95: {  	[sflag:s15] =	ssyncadd.s32 $0xFFFFFFFF  }
0x96: {  	s16 =	sld [smem:$0x12];
	(tm) =	ssettm $0x1  }
0x97: {  	s17 =	sld [smem:$0x3FFB];
	_ =	sdelay $0x3  }
0x98: {  	_ =	strace s17  }
0x99: {  	s3 =	sld [smem:$0x3FFC];
	_ =	sdelay $0x3  }
0x9a: {  	_ =	strace s3  }
0x9b: {  	s3 =	sld [smem:$0x3FFD];
	_ =	sdelay $0x3  }
0x9c: {  	_ =	strace s3  }
0x9d: {  	_ =	strace $0x8FFFFFFF  }
0x9e: {  	s18 =	sld [smem:$0x3FDB];
	_ =	sdelay $0x1  }
0x9f: {  	s19 =	simm.s32 $_scs_section_size  }
0xa0: {  	s5 =	simm.s32 $_size__tile_overlayer_lowered;
	s6 =	simm.s32 $_tile_overlayer_lowered  }
0xa1: {  	s22 =	simm.s32 $0x1BFF;
	s21 =	sshll.u32 s6, $0x1;
	s3 =	sadd.s32 s19, s18  }
0xa2: {  	s7 =	simm.s32 $0x0;
	s20 =	sshll.u32 s5, $0x1;
	s5 =	sadd.s32 s21, s3  }
0xa3: {  	[timem:s7], [sflag:s22] =	dma.local [hbm:s5], s20  }
0xa4: {  	_ =	swait.ge [sflag:s22], s20  }
0xa5: {  	s4 =	ssub.s32 $0x0, s20;
	[sflag:s22] =	ssyncset.done $0x0  }
0xa6: {  	[sflag:s22] =	ssyncadd.s32 s4;
	_ =	sdelay $0x1  }
0xa7: {  	s23 =	simm.s32 $0x1B8B  }
0xa8: {  	_ =	swait.ge [sflag:s23], $0x1  }
0xa9: {  	[sflag:s23] =	ssyncset.done $0x0  }
0xaa: {  	s25 =	simm.s32 $0x1B8E;
	s24 =	sld [smem:$0x3FFE];
	[sflag:s23] =	ssyncadd.s32 $0xFFFFFFFF  }
0xab: {  	s26 =	simm.s32 $execute0_lowered;
	[smem:$0x3FD2] =	sst s25  }
0xac: {  	s5 =	sshll.u32 s26, $0x1;
	_ =	strace $0x80000046;
	[dreg:$0x1] =	wrdreg $0xFFFFFFFF  }
0xad: {  	s28 =	simm.s32 $_size_execute0_lowered;
	s3 =	sadd.s32 s3, s5;
	[dreg:$0x0] =	wrdreg $0x0  }
0xae: {  	s5 =	sshll.u32 s28, $0x1;
	[dreg:$0x2] =	wrdreg s3  }
0xaf: {  	[dreg:$0x3] =	wrdreg s5  }
0xb0: {  	[dreg:$0x4] =	wrdreg $0xC0  }
0xb1: {  	_ =	task [dreg:s7], $0x5FFFF  }
0xb2: {  	[dreg:$0x1] =	wrdreg $0xFFFFFFFF  }
0xb3: {  	[dreg:$0x0] =	wrdreg $0x60  }
0xb4: {  	[dreg:$0x2] =	wrdreg s24  }
0xb5: {  	[dreg:$0x3] =	wrdreg s16  }
0xb6: {  	[dreg:$0x4] =	wrdreg $0x85400  }
0xb7: {  	[dreg:$0x5] =	wrdreg $0x9  }
0xb8: {  	_ =	task.clear_ibuf [dreg:s7], $0x6FFFF;
	_ =	strace $0x90000046  }
0xb9: {  	s29 =	simm.s32 $0x9;
	_ =	strace $0x80000048  }
0xba: {  	_ =	swait.ge [sflag:s29], $0x1  }
0xbb: {  	[sflag:s29] =	ssyncadd.s32 $0xFFFFFFFF  }
0xbc: {  	_ =	strace $0x90000048  }
0xbd: {  	_ =	sfence  }
0xbe: {  	s30 =	sld [smem:$0x0];
	_ =	sdelay $0x2  }
0xbf: {  	s31 =	sshll.u32 s1, $0xD;
	s1 =	sshrl.u32 s1, $0x2  }
0xc0: {  	s3 =	sand.u32 $0x4000, s31;
	s1 =	sadd.s32 s1, s30  }
0xc1: {  	s0 =	sor.u32 s3, s0;
	s1 =	sshll.u32 s1, $0x11  }
0xc2: {  	s0 =	sor.u32 s1, s0  }
0xc3: {  	s0 =	sadd.s32 $0x8F2B, s0  }
0xc4: {  	[sflag:s0] =	ssyncadd.remote.s32 $0x1  }
0xc5: {  	_ =	sfence.sel $0xFFFF  }
0xc6: {  	[dreg:$0x0] =	wrdreg $0xFFFFFFFF;
	(pc) =	sbr.abs _section_cstart, $3  }
0xc7: {  	[dreg:$0x1] =	wrdreg $0xFFFFFFFF  }
0xc8: {  	_ =	task.clear_ibuf [dreg:s7], $0x2FFFF;
	_ =	strace $0x9FFFFFFF  }
0xc9: {  	(tm) =	ssettm $0x7FFFFFFF  }
tec
execute0_lowered:
.L_overlay_start_1:
0x0: {  	(tag) =	ssettag $0x1  }
0x1: {  	s2 =	rddreg [dreg:$0x0]  }
0x2: {  	s0 =	srdreg.scid;
	s1 =	simm.s32 $0x0;
	s7 =	stileid.u32  }
0x3: {  	s3 =	sand.u32 $0x1, s0;
	[smem:$0x7FF] =	sst s1;
	s4 =	smul.u32 $0x15400, s7  }
0x4: {  	s5 =	sadd.s32 $0xA5C00, s2;
	s7 =	sshll.u32 s7, $0x1;
	s0 =	ssub.s32 $0x2, s3  }
0x5: {  	s6 =	sshrl.u32 s0, $0x1;
	s28 =	sadd.s32 $0x2200, s4;
	s8 =	sadd.s32 $0x4400, s4  }
0x6: {  	s9 =	sadd.s32 $0x6600, s4;
	s10 =	sadd.s32 $0x8800, s4;
	s11 =	sadd.s32 $0xAA00, s4  }
0x7: {  	s13 =	sadd.s32 $0xCC00, s4;
	s14 =	sadd.s32 $0xEE00, s4;
	s21 =	sadd.s32 $0x11000, s4  }
0x8: {  	s0 =	ssub.s32 s0, s6;
	s6 =	sor.u32 s3, s7;
	s3 =	smul.u32 $0x154000, s3  }
0x9: {  	s22 =	sadd.s32 $0x13200, s4;
	s7 =	simm.s32 $0x40C0;
	s0 =	smax.u32 s0, $0x1  }
0xa: {  	s12 =	sadd.s32 s4, s3;
	s15 =	sadd.s32 s3, s28;
	s30 =	sadd.s32 s3, s8  }
0xb: {  	s31 =	sadd.s32 s3, s9;
	s16 =	sadd.s32 s3, s10;
	s18 =	sadd.s32 s3, s11  }
0xc: {  	s19 =	sadd.s32 s3, s13;
	s20 =	sadd.s32 s3, s14;
	s25 =	sadd.s32 s3, s21  }
0xd: {  	s3 =	sadd.s32 s3, s22;
	s12 =	sshrl.u32 s12, $0x3;
	s15 =	sshrl.u32 s15, $0x3  }
0xe: {  	s16 =	sshrl.u32 s16, $0x3;
	s26 =	sshrl.u32 s25, $0x3;
	s3 =	sshrl.u32 s3, $0x3  }
0xf: {  	s12 =	sadd.s32 s5, s12;
	s29 =	sadd.s32 s5, s15;
	s15 =	sshrl.u32 s31, $0x3  }
0x10: {  	s17 =	sadd.s32 s5, s16;
	s16 =	sshrl.u32 s20, $0x3;
	[dreg:$0x4] =	wrdreg s12  }
0x11: {  	s3 =	sadd.s32 s5, s3;
	s20 =	sadd.s32 $0x7C200, s2;
	[dreg:$0x5] =	wrdreg s29  }
0x12: {  	s12 =	sshrl.u32 s30, $0x3;
	s15 =	sadd.s32 s5, s15;
	[dreg:$0x8] =	wrdreg s17  }
0x13: {  	s24 =	sadd.s32 s5, s16;
	[dreg:$0xd] =	wrdreg s3;
	s16 =	sadd.s32 $0x10C00, s2  }
0x14: {  	s17 =	sadd.s32 $0x6E00, s2;
	s3 =	simm.s32 $0x40;
	[dreg:$0x7] =	wrdreg s15  }
0x15: {  	s12 =	sadd.s32 s5, s12;
	s15 =	sshrl.u32 s19, $0x3;
	[dreg:$0xb] =	wrdreg s24  }
0x16: {  	s19 =	sadd.s32 $0x55000, s2;
	[dreg:$0x6] =	wrdreg s12;
	s23 =	sadd.s32 s5, s15  }
0x17: {  	s12 =	sshrl.u32 s18, $0x3;
	s15 =	sadd.s32 s5, s26;
	[dreg:$0xa] =	wrdreg s23  }
0x18: {  	s18 =	sadd.s32 $0x9D8E00, s2;
	s12 =	sadd.s32 s5, s12;
	[dreg:$0xc] =	wrdreg s15  }
0x19: {  	s15 =	sadd.s32 $0x1AA00, s2;
	s2 =	simm.s32 $0x3;
	[dreg:$0x9] =	wrdreg s12  }
0x1a: {  	s5 =	simm.s32 $0xC0;
	s12 =	rddreg [dreg:$0x2];
	_ =	strace $0x80000047  }
0x1b: {  	s23 =	sadd.s32 s4, s12;
	s24 =	sadd.s32 s28, s12;
	s25 =	sadd.s32 s8, s12  }
0x1c: {  	s26 =	sadd.s32 s9, s12;
	s28 =	sadd.s32 s10, s12;
	[dreg:$0x14] =	wrdreg s0  }
0x1d: {  	s29 =	sadd.s32 s11, s12;
	s30 =	sadd.s32 s13, s12;
	[dreg:$0xe] =	wrdreg s28  }
0x1e: {  	s31 =	sadd.s32 s14, s12;
	s21 =	sadd.s32 s21, s12;
	[dreg:$0xf] =	wrdreg s29  }
0x1f: {  	s22 =	sadd.s32 s22, s12;
	s10 =	smul.u32 $0x2780, s6;
	[dreg:$0x10] =	wrdreg s30  }
0x20: {  	s11 =	simm.s32 $0x62C0;
	s4 =	simm.s32 $0x80;
	[dreg:$0x11] =	wrdreg s31  }
0x21: {  	s6 =	simm.s32 $0x20C0;
	s8 =	simm.s32 $0x1;
	[dreg:$0x12] =	wrdreg s21  }
0x22: {  	v0 =	vimm.f32 $0.0e+00;
	vm0 =	vcmask $0x1F28;
	vm1 =	vcmask $0x1F24;
	s9 =	simm.s32 $0x2;
	s13 =	simm.s32 $0x0;
	[dreg:$0x13] =	wrdreg s22  }
.LBB2_1:
0x23: {  	s0 =	simm.s32 $0x0  }
0x24: {  	s14 =	simm.s32 $0x220;
	[tilespmem:s0+$0x6330] =	vst v0  }
.LBB2_2:
0x25: {  	p0 =	sne.s32 s14, $0x85E0;
	[tilespmem:s0+$0x6338] =	vst v0  }
0x26: {  	[tilespmem:s0+$0x62C0] =	vst v0  }
0x27: {  	[tilespmem:s0+$0x62D0] =	vst v0  }
0x28: {  	[tilespmem:s0+$0x62E0] =	vst v0  }
.Ltmp0:
0x29: {  	[tilespmem:s0+$0x62F0] =	vst v0;
	(pc) =	sbr.rel @p0 .LBB2_2-.Ltmp0, $4  }
0x2a: {  	[tilespmem:s0+$0x6300] =	vst v0  }
0x2b: {  	[tilespmem:s0+$0x6310] =	vst v0  }
0x2c: {  	[tilespmem:s0+$0x6320] =	vst v0;
	s0 =	sshra.s32 s14, $0x2  }
0x2d: {  	s14 =	sadd.s32 $0x220, s14;
	[tilespmem:s0+$0x6330] =	vst v0  }
0x2e: {  	[tilespmem:s0+$0x6338] =	vst v0  }
0x2f: {  	[tilespmem:s0+$0x62C0] =	vst v0  }
0x30: {  	[tilespmem:s0+$0x62D0] =	vst v0  }
0x31: {  	[tilespmem:s0+$0x62E0] =	vst v0  }
0x32: {  	[tilespmem:s0+$0x62F0] =	vst v0  }
0x33: {  	[tilespmem:s0+$0x6300] =	vst v0  }
0x34: {  	[tilespmem:s0+$0x6310] =	vst v0  }
0x35: {  	[tilespmem:s0+$0x6320] =	vst v0  }
0x36: {  	[spmem:s23] =	stream.linear.scatter [tilespmem:s11], [sflag:$0x3], $0x2200, $0x38;
	[tilespmem:$0x1D940] =	vst v63  }
0x37: {  	_ =	swait.ge [sflag:s2], $0x2200  }
0x38: {  	[sflag:s2] =	ssyncset.done $0x0  }
0x39: {  	[sflag:s2] =	ssyncadd.s32 $0xFFFFDE00  }
0x3a: {  	[spmem:s24] =	stream.linear.scatter [tilespmem:s11], [sflag:$0x3], $0x2200, $0x38;
	[tilespmem:$0x1D940] =	vst v63  }
0x3b: {  	_ =	swait.ge [sflag:s2], $0x2200  }
0x3c: {  	[sflag:s2] =	ssyncset.done $0x0  }
0x3d: {  	[sflag:s2] =	ssyncadd.s32 $0xFFFFDE00  }
0x3e: {  	[spmem:s25] =	stream.linear.scatter [tilespmem:s11], [sflag:$0x3], $0x2200, $0x38;
	[tilespmem:$0x1D940] =	vst v63  }
0x3f: {  	_ =	swait.ge [sflag:s2], $0x2200  }
0x40: {  	[sflag:s2] =	ssyncset.done $0x0  }
0x41: {  	[sflag:s2] =	ssyncadd.s32 $0xFFFFDE00  }
0x42: {  	[spmem:s26] =	stream.linear.scatter [tilespmem:s11], [sflag:$0x3], $0x2200, $0x38;
	[tilespmem:$0x1D940] =	vst v63  }
0x43: {  	_ =	swait.ge [sflag:s2], $0x2200  }
0x44: {  	[sflag:s2] =	ssyncset.done $0x0  }
0x45: {  	s31 =	smov.u32 s26;
	s26 =	rddreg [dreg:$0xe];
	[sflag:s2] =	ssyncadd.s32 $0xFFFFDE00  }
0x46: {  	[spmem:s26] =	stream.linear.scatter [tilespmem:s11], [sflag:$0x3], $0x2200, $0x38;
	[tilespmem:$0x1D940] =	vst v63  }
0x47: {  	_ =	swait.ge [sflag:s2], $0x2200  }
0x48: {  	[sflag:s2] =	ssyncset.done $0x0  }
0x49: {  	s14 =	rddreg [dreg:$0xf];
	[sflag:s2] =	ssyncadd.s32 $0xFFFFDE00  }
0x4a: {  	[spmem:s14] =	stream.linear.scatter [tilespmem:s11], [sflag:$0x3], $0x2200, $0x38;
	[tilespmem:$0x1D940] =	vst v63  }
0x4b: {  	_ =	swait.ge [sflag:s2], $0x2200  }
0x4c: {  	[sflag:s2] =	ssyncset.done $0x0  }
0x4d: {  	s28 =	smov.u32 s23;
	s23 =	rddreg [dreg:$0x10];
	[sflag:s2] =	ssyncadd.s32 $0xFFFFDE00  }
0x4e: {  	[spmem:s23] =	stream.linear.scatter [tilespmem:s11], [sflag:$0x3], $0x2200, $0x38;
	[tilespmem:$0x1D940] =	vst v63  }
0x4f: {  	_ =	swait.ge [sflag:s2], $0x2200  }
0x50: {  	[sflag:s2] =	ssyncset.done $0x0  }
0x51: {  	s29 =	smov.u32 s24;
	s24 =	rddreg [dreg:$0x11];
	[sflag:s2] =	ssyncadd.s32 $0xFFFFDE00  }
0x52: {  	[spmem:s24] =	stream.linear.scatter [tilespmem:s11], [sflag:$0x3], $0x2200, $0x38;
	[tilespmem:$0x1D940] =	vst v63  }
0x53: {  	_ =	swait.ge [sflag:s2], $0x2200  }
0x54: {  	[sflag:s2] =	ssyncset.done $0x0  }
0x55: {  	[sflag:s2] =	ssyncadd.s32 $0xFFFFDE00  }
0x56: {  	[spmem:s21] =	stream.linear.scatter [tilespmem:s11], [sflag:$0x3], $0x2200, $0x38;
	[tilespmem:$0x1D940] =	vst v63  }
0x57: {  	_ =	swait.ge [sflag:s2], $0x2200  }
0x58: {  	[sflag:s2] =	ssyncset.done $0x0  }
0x59: {  	[sflag:s2] =	ssyncadd.s32 $0xFFFFDE00  }
0x5a: {  	[spmem:s22] =	stream.linear.scatter [tilespmem:s11], [sflag:$0x3], $0x2200, $0x38;
	[tilespmem:$0x1D940] =	vst v63  }
0x5b: {  	_ =	swait.ge [sflag:s2], $0x2200  }
0x5c: {  	[sflag:s2] =	ssyncset.done $0x0  }
0x5d: {  	[sflag:s2] =	ssyncadd.s32 $0xFFFFDE00  }
0x5e: {  	s30 =	smov.u32 s25;
	[bflag:$0x0] =	sbarrier.arrive $0xFFFF  }
0x5f: {  	s26 =	simm.s32 $0x84C0;
	s14 =	simm.s32 $0x0;
	s25 =	rddreg [dreg:$0x1]  }
0x60: {  	[tilespmem:s26], [sflag:$0x3] =	stream.linear.gather [hbm4b:s25+s14], $0x80, $0x38;
	[tilespmem:$0x1D940] =	vst v63  }
0x61: {  	_ =	swait.ge [sflag:s2], $0x80  }
0x62: {  	[sflag:s2] =	ssyncset.done $0x0  }
0x63: {  	[sflag:s2] =	ssyncadd.s32 $0xFFFFFF80  }
0x64: {  	v1 =	vld [tilespmem:$0x84C0]  }
0x65: {  	v2 =	vld [tilespmem:$0x84D0]  }
0x66: {  	v3 =	vld [tilespmem:$0x84E0]  }
0x67: {  	v4 =	vld [tilespmem:$0x84F0]  }
0x68: {  	v5 =	vld [tilespmem:$0x8500]  }
0x69: {  	v6 =	vld [tilespmem:$0x8510]  }
0x6a: {  	v7 =	vld [tilespmem:$0x8520]  }
0x6b: {  	s0 =	simm.s32 $0x0;
	v8 =	vld [tilespmem:$0x8530]  }
.LBB2_4:
0x6c: {  	s21 =	sshll.u32 s0, $0x6  }
0x6d: {  	s21 =	sadd.s32 s10, s21  }
0x6e: {  	s22 =	sshrl.u32 s21, $0x3  }
0x6f: {  	s23 =	sadd.s32 s15, s22  }
0x70: {  	[tilespmem:s14], [sflag:$0x3] =	stream.linear.gather [hbm4b:s23+s14], $0x40, $0x38;
	[tilespmem:$0x1D940] =	vst v63  }
0x71: {  	_ =	swait.ge [sflag:s2], $0x40  }
0x72: {  	[sflag:s2] =	ssyncset.done $0x0  }
0x73: {  	s25 =	sadd.s32 s16, s22;
	[sflag:s2] =	ssyncadd.s32 $0xFFFFFFC0  }
0x74: {  	[tilespmem:s3], [sflag:$0x3] =	stream.linear.gather [hbm4b:s25+s14], $0x40, $0x38;
	[tilespmem:$0x1D940] =	vst v63  }
0x75: {  	_ =	swait.ge [sflag:s2], $0x40  }
0x76: {  	[sflag:s2] =	ssyncset.done $0x0  }
0x77: {  	s22 =	sadd.s32 s17, s22;
	[sflag:s2] =	ssyncadd.s32 $0xFFFFFFC0  }
0x78: {  	[tilespmem:s4], [sflag:$0x3] =	stream.linear.gather [hbm4b:s22+s14], $0x40, $0x38;
	[tilespmem:$0x1D940] =	vst v63  }
0x79: {  	_ =	swait.ge [sflag:s2], $0x40  }
0x7a: {  	s21 =	sshll.u32 s21, $0x4;
	[sflag:s2] =	ssyncset.done $0x0  }
0x7b: {  	s21 =	sadd.s32 s18, s21;
	[sflag:s2] =	ssyncadd.s32 $0xFFFFFFC0  }
0x7c: {  	[tilespmem:s5], [sflag:$0x3] =	stream.linear.gather [hbm4b:s21+s14], $0x2000, $0x38;
	[tilespmem:$0x1D940] =	vst v63  }
0x7d: {  	_ =	swait.ge [sflag:s2], $0x2000  }
0x7e: {  	[sflag:s2] =	ssyncset.done $0x0  }
0x7f: {  	[sflag:s2] =	ssyncadd.s32 $0xFFFFE000  }
0x80: {  	[tilespmem:s6], [sflag:$0x1] =	stream.indirect.gather [hbm4b:s19+s3], $0x80, s14, s3, $0xb8;
	[tilespmem:$0x1D940] =	vst v63  }
0x81: {  	_ = 	snop  }
0x82: {  	[tilespmem:s7], [sflag:$0x2] =	stream.indirect.gather [hbm4b:s20+s3], $0x88, s3, s3, $0xb8;
	[tilespmem:$0x1D940] =	vst v63  }
0x83: {  	_ =	swait.ge [sflag:s8], $0x2000  }
0x84: {  	[sflag:s8] =	ssyncset.done $0x0  }
0x85: {  	[sflag:s8] =	ssyncadd.s32 $0xFFFFE000  }
0x86: {  	_ =	swait.ge [sflag:s9], $0x2200  }
0x87: {  	[sflag:s9] =	ssyncset.done $0x0  }
0x88: {  	s21 =	simm.s32 $0x4100;
	[sflag:s9] =	ssyncadd.s32 $0xFFFFDE00  }
0x89: {  	v15 =	vld [tilespmem:s21+$0xFFFFFFE0]  }
0x8a: {  	v14 =	vld [tilespmem:s21+$0x0]  }
0x8b: {  	v16 =	vld [tilespmem:s21+$0xFFFFFFC0]  }
0x8c: {  	v17 =	vld [tilespmem:s21+$0x10]  }
0x8d: {  	s26 =	simm.s32 $0x0;
	v18 =	vld [tilespmem:s21+$0xFFFFFFD0]  }
0x8e: {  	v19 =	vld [tilespmem:s26+$0x110]  }
0x8f: {  	v20 =	vld [tilespmem:s26+$0xC0]  }
0x90: {  	v21 =	vld [tilespmem:s26+$0xD0]  }
0x91: {  	v12 =	vld [tilespmem:s26+$0x2110]  }
0x92: {  	v9 =	vld [tilespmem:s26+$0x20D0]  }
0x93: {  	v10 =	vld [tilespmem:s26+$0x20C0]  }
0x94: {  	v13 =	vld [tilespmem:s26+$0x2100]  }
0x95: {  	v11 =	vld [tilespmem:s26+$0x20E0]  }
0x96: {  	v22 =	vld [tilespmem:s26+$0x100]  }
0x97: {  	v23 =	vld [tilespmem:s26+$0xE0]  }
0x98: {  	v24 =	vld [tilespmem:s21+$0x20];
	v17 =	vadd.f32 v17, v12;
	v16 =	vadd.f32 v16, v10  }
0x99: {  	v52 =	vld [tilespmem:s21+$0x30];
	v18 =	vadd.f32 v18, v9;
	v25 =	vadd.f32 v14, v13  }
0x9a: {  	v14 =	vld [tilespmem:s26+$0x2120];
	v17 =	vadd.f32 v19, v17;
	v19 =	vadd.f32 v20, v16  }
0x9b: {  	v26 =	vld [tilespmem:s26+$0x120];
	v16 =	vadd.f32 v15, v11;
	v18 =	vadd.f32 v21, v18  }
0x9c: {  	v53 =	vadd.f32 v22, v25;
	v15 =	vld [tilespmem:s26+$0x2130];
	v54 =	vmul.f32 $2.000000030e-01, v17;
	v55 =	vmul.f32 $2.000000030e-01, v19  }
0x9d: {  	v23 =	vadd.f32 v23, v16;
	vm2 =	vgt.f32 v17, $0.0e+00;
	vm3 =	vgt.f32 v18, $0.0e+00  }
0x9e: {  	v28 =	vld [tilespmem:s26+$0x130];
	v27 =	vmul.f32 $2.000000030e-01, v53;
	vm4 =	vgt.f32 v19, $0.0e+00;
	v59 =	vmul.f32 $2.000000030e-01, v18  }
0x9f: {  	v29 =	vld [tilespmem:s21+$0xFFFFFFF0];
	v24 =	vadd.f32 v24, v14;
	v17 =	vsel vm2, v17, v54;
	v56 =	vmul.f32 $2.000000030e-01, v23  }
0xa0: {  	v16 =	vld [tilespmem:s26+$0x20F0];
	vm2 =	vgt.f32 v53, $0.0e+00;
	vm5 =	vgt.f32 v23, $0.0e+00;
	v19 =	vsel vm4, v19, v55  }
0xa1: {  	v20 =	vadd.f32 v52, v15;
	v21 =	vsel vm2, v53, v27;
	v57 =	vadd.f32 v26, v24  }
0xa2: {  	v58 =	vld [tilespmem:s26+$0xF0];
	v18 =	vsel vm3, v18, v59;
	v17 =	vmul.f32 v17, v6;
	v21 =	vmul.f32 v21, v5  }
0xa3: {  	v19 =	vmul.f32 v19, v1;
	v20 =	vadd.f32 v28, v20;
	v26 =	vmul.f32 $2.000000030e-01, v57  }
0xa4: {  	v22 =	vsel vm5, v23, v56;
	vm2 =	vgt.f32 v57, $0.0e+00;
	v21 =	vadd.f32 $0.0e+00, v21  }
0xa5: {  	v60 =	vadd.f32 v29, v16;
	v28 =	vmul.f32 $2.000000030e-01, v20;
	v23 =	vsel vm2, v57, v26  }
0xa6: {  	vm2 =	vgt.f32 v20, $0.0e+00;
	v17 =	vadd.f32 v17, v21;
	v61 =	vmul.f32 v23, v7  }
0xa7: {  	v18 =	vmul.f32 v18, v2;
	v62 =	vadd.f32 v58, v60;
	v20 =	vsel vm2, v20, v28  }
0xa8: {  	v19 =	vadd.f32 $0.0e+00, v19;
	v17 =	vadd.f32 v61, v17;
	v20 =	vmul.f32 v20, v8  }
0xa9: {  	v22 =	vmul.f32 v22, v3;
	v63 =	vmul.f32 $2.000000030e-01, v62  }
0xaa: {  	v18 =	vadd.f32 v18, v19;
	vm2 =	vgt.f32 v62, $0.0e+00;
	v17 =	vadd.f32 v20, v17  }
0xab: {  	v19 =	vsel vm2, v62, v63  }
0xac: {  	v18 =	vadd.f32 v22, v18;
	v19 =	vmul.f32 v19, v4;
	(xrf2) =	vadd.scan.msk.f32 $0xffff, v17;
	_ =	sdelay $0x1  }
0xad: {  	v17 =	vadd.f32 v19, v18;
	_ =	sdelay $0x1  }
0xae: {  	(xrf2) =	vadd.scan.msk.f32 $0xffff, v17;
	_ =	sdelay $0x2  }
0xaf: {  	v17 =	vld [tilespmem:s21+$0x38];
	_ =	sdelay $0x2  }
0xb0: {  	v18, _, _ =	vpop (xrf2)  }
0xb1: {  	(v2sf) =	vpush v18, $0xF  }
0xb2: {  	(v2sf) =	vpush v17, $0x9;
	_ =	sdelay $0x1  }
0xb3: {  	v18, _, _ =	vpop (xrf2);
	(v2sf) =	vpush v17, $0x8  }
0xb4: {  	(v2sf) =	vpush v18, $0xF;
	_ =	sdelay $0xa  }
0xb5: {  	s23 =	spop (v2sf)  }
0xb6: {  	s25 =	spop (v2sf)  }
0xb7: {  	s22 =	ssub.f32 s23, s25  }
0xb8: {  	s24 =	spop (v2sf)  }
0xb9: {  	s26 =	spop (v2sf);
	v17 =	vmov s22  }
0xba: {  	s23 =	ssub.f32 s26, s24;
	v17 =	vmul.f32 $1.442695020e+00, v17;
	_ =	sdelay $0x1  }
0xbb: {  	v18 =	vmov s23;
	v17 =	vbroadcast v17, $0x0  }
0xbc: {  	v18 =	vmul.f32 $1.442695020e+00, v18  }
0xbd: {  	(erf) = vpow2.f32 v17  }
0xbe: {  	v18 =	vbroadcast v18, $0x0;
	_ =	sdelay $0x1  }
0xbf: {  	s24 =	simm.s32 $0x200;
	s22 =	simm.s32 $0x6300;
	s23 =	simm.s32 $0x6300;
	(erf) = vpow2.f32 v18  }
.LBB2_5:
0xc0: {  	p0 =	sne.s32 s24, $0x7E00;
	s21 =	sadd.s32 $0x88, s21;
	s23 =	sadd.s32 $0x88, s23  }
0xc1: {  	s25 =	smov.u32 s24;
	s24 =	sadd.s32 $0x200, s24;
	_ =	sdelay $0x3  }
0xc2: {  	v17 =	vpop (erf)  }
0xc3: {  	v18 =	vmul.f32 v17, v13;
	v12 =	vmul.f32 v17, v12  }
0xc4: {  	v14 =	vmul.f32 v17, v14;
	v15 =	vmul.f32 v17, v15  }
0xc5: {  	v17 =	vsel vm0, $0x0, v17;
	[tilespmem:s22+$0x0] =	vst v18;
	v13 =	vpop (erf)  }
0xc6: {  	v17 =	vsel vm1, v17, v13;
	v10 =	vmul.f32 v13, v10;
	v9 =	vmul.f32 v13, v9;
	[tilespmem:s22+$0x10] =	vst v12  }
0xc7: {  	v11 =	vmul.f32 v13, v11;
	v12 =	vmul.f32 v13, v16;
	[tilespmem:s22+$0x38] =	vst v17  }
0xc8: {  	[tilespmem:s22+$0x20] =	vst v14  }
0xc9: {  	[tilespmem:s22+$0xFFFFFFE0] =	vst v11  }
0xca: {  	[tilespmem:s22+$0xFFFFFFF0] =	vst v12  }
0xcb: {  	[tilespmem:s22+$0xFFFFFFC0] =	vst v10  }
0xcc: {  	[tilespmem:s22+$0x30] =	vst v15  }
0xcd: {  	[tilespmem:s22+$0xFFFFFFD0] =	vst v9;
	s22 =	smov.u32 s23;
	_ =	sdelay $0x2  }
0xce: {  	v15 =	vld [tilespmem:s21+$0xFFFFFFE0]  }
0xcf: {  	v14 =	vld [tilespmem:s21+$0x0]  }
0xd0: {  	v16 =	vld [tilespmem:s21+$0xFFFFFFC0]  }
0xd1: {  	v17 =	vld [tilespmem:s21+$0x10]  }
0xd2: {  	s25 =	sshra.s32 s25, $0x2;
	v18 =	vld [tilespmem:s21+$0xFFFFFFD0]  }
0xd3: {  	v19 =	vld [tilespmem:s25+$0x110]  }
0xd4: {  	v20 =	vld [tilespmem:s25+$0xC0]  }
0xd5: {  	v21 =	vld [tilespmem:s25+$0xD0]  }
0xd6: {  	v12 =	vld [tilespmem:s25+$0x2110]  }
0xd7: {  	v9 =	vld [tilespmem:s25+$0x20D0]  }
0xd8: {  	v10 =	vld [tilespmem:s25+$0x20C0]  }
0xd9: {  	v13 =	vld [tilespmem:s25+$0x2100]  }
0xda: {  	v11 =	vld [tilespmem:s25+$0x20E0]  }
0xdb: {  	v22 =	vld [tilespmem:s25+$0x100]  }
0xdc: {  	v17 =	vadd.f32 v17, v12;
	v18 =	vadd.f32 v18, v9;
	v23 =	vld [tilespmem:s25+$0xE0]  }
0xdd: {  	v16 =	vadd.f32 v16, v10;
	v24 =	vld [tilespmem:s21+$0x20]  }
0xde: {  	v17 =	vadd.f32 v19, v17;
	v25 =	vadd.f32 v14, v13;
	v14 =	vld [tilespmem:s25+$0x2120]  }
0xdf: {  	v19 =	vadd.f32 v20, v16;
	v16 =	vadd.f32 v15, v11;
	v20 =	vld [tilespmem:s21+$0x30]  }
0xe0: {  	v18 =	vadd.f32 v21, v18;
	v21 =	vadd.f32 v22, v25;
	v22 =	vmul.f32 $2.000000030e-01, v17;
	v15 =	vld [tilespmem:s25+$0x2130]  }
0xe1: {  	vm3 =	vgt.f32 v17, $0.0e+00;
	v25 =	vmul.f32 $2.000000030e-01, v19;
	v23 =	vadd.f32 v23, v16;
	v26 =	vld [tilespmem:s25+$0x120]  }
0xe2: {  	vm2 =	vgt.f32 v18, $0.0e+00;
	v27 =	vmul.f32 $2.000000030e-01, v21;
	v17 =	vsel vm3, v17, v22;
	v22 =	vld [tilespmem:s25+$0x130]  }
0xe3: {  	vm3 =	vgt.f32 v21, $0.0e+00;
	v28 =	vmul.f32 $2.000000030e-01, v23;
	v29 =	vld [tilespmem:s21+$0xFFFFFFF0];
	v24 =	vadd.f32 v24, v14  }
0xe4: {  	vm4 =	vgt.f32 v19, $0.0e+00;
	vm5 =	vgt.f32 v23, $0.0e+00;
	v17 =	vmul.f32 v17, v6;
	v16 =	vld [tilespmem:s25+$0x20F0]  }
0xe5: {  	v21 =	vsel vm3, v21, v27;
	v23 =	vsel vm5, v23, v28;
	v20 =	vadd.f32 v20, v15  }
0xe6: {  	v19 =	vsel vm4, v19, v25;
	v23 =	vmul.f32 v23, v3;
	v24 =	vadd.f32 v26, v24  }
0xe7: {  	v25 =	vmul.f32 $2.000000030e-01, v18;
	v21 =	vmul.f32 v21, v5;
	v26 =	vld [tilespmem:s25+$0xF0];
	v20 =	vadd.f32 v22, v20  }
0xe8: {  	v19 =	vmul.f32 v19, v1;
	vm3 =	vgt.f32 v24, $0.0e+00;
	v22 =	vmul.f32 $2.000000030e-01, v24  }
0xe9: {  	v21 =	vadd.f32 $0.0e+00, v21;
	v27 =	vadd.f32 v29, v16;
	v28 =	vmul.f32 $2.000000030e-01, v20  }
0xea: {  	v19 =	vadd.f32 $0.0e+00, v19;
	v22 =	vsel vm3, v24, v22;
	vm3 =	vgt.f32 v20, $0.0e+00  }
0xeb: {  	v18 =	vsel vm2, v18, v25;
	v17 =	vadd.f32 v17, v21;
	v21 =	vmul.f32 v22, v7  }
0xec: {  	v18 =	vmul.f32 v18, v2;
	v20 =	vsel vm3, v20, v28;
	v22 =	vadd.f32 v26, v27  }
0xed: {  	v20 =	vmul.f32 v20, v8;
	v17 =	vadd.f32 v21, v17  }
0xee: {  	v18 =	vadd.f32 v18, v19;
	v19 =	vmul.f32 $2.000000030e-01, v22  }
0xef: {  	vm2 =	vgt.f32 v22, $0.0e+00;
	v17 =	vadd.f32 v20, v17  }
0xf0: {  	v18 =	vadd.f32 v23, v18;
	v19 =	vsel vm2, v22, v19  }
0xf1: {  	v19 =	vmul.f32 v19, v4;
	(xrf2) =	vadd.scan.msk.f32 $0xffff, v17;
	_ =	sdelay $0x1  }
0xf2: {  	v17 =	vadd.f32 v19, v18;
	_ =	sdelay $0x1  }
0xf3: {  	(xrf2) =	vadd.scan.msk.f32 $0xffff, v17;
	_ =	sdelay $0x1  }
0xf4: {  	v17 =	vld [tilespmem:s21+$0x38];
	_ =	sdelay $0x3  }
0xf5: {  	v18, _, _ =	vpop (xrf2)  }
0xf6: {  	(v2sf) =	vpush v18, $0xF  }
0xf7: {  	(v2sf) =	vpush v17, $0x9;
	_ =	sdelay $0x1  }
0xf8: {  	v18, _, _ =	vpop (xrf2);
	(v2sf) =	vpush v17, $0x8  }
0xf9: {  	(v2sf) =	vpush v18, $0xF;
	_ =	sdelay $0xa  }
0xfa: {  	s25 =	spop (v2sf)  }
0xfb: {  	s26 =	spop (v2sf)  }
0xfc: {  	s25 =	ssub.f32 s25, s26  }
0xfd: {  	s26 =	spop (v2sf)  }
0xfe: {  	v17 =	vmov s25;
	s25 =	spop (v2sf)  }
0xff: {  	s25 =	ssub.f32 s25, s26;
	v17 =	vmul.f32 $1.442695020e+00, v17;
	_ =	sdelay $0x1  }
0x100: {  	v18 =	vmov s25;
	v17 =	vbroadcast v17, $0x0  }
.Ltmp1:
0x101: {  	v18 =	vmul.f32 $1.442695020e+00, v18;
	(pc) =	sbr.rel @p0 .LBB2_5-.Ltmp1, $3  }
0x102: {  	(erf) = vpow2.f32 v17  }
0x103: {  	v17 =	vbroadcast v18, $0x0;
	_ =	sdelay $0x1  }
0x104: {  	(erf) = vpow2.f32 v17  }
0x105: {  	_ =	sdelay $0x4  }
0x106: {  	v17 =	vpop (erf)  }
0x107: {  	v13 =	vmul.f32 v17, v13  }
0x108: {  	v12 =	vmul.f32 v17, v12  }
0x109: {  	v61 =	vmul.f32 v17, v14;
	[tilespmem:s22+$0x0] =	vst v13  }
0x10a: {  	v18 =	vsel vm0, $0x0, v17;
	v60 =	vpop (erf);
	[tilespmem:s22+$0x10] =	vst v12  }
0x10b: {  	[tilespmem:s22+$0x20] =	vst v61;
	v62 =	vsel vm1, v18, v60;
	v11 =	vmul.f32 v60, v11  }
0x10c: {  	v63 =	vmul.f32 v60, v16;
	[tilespmem:s22+$0x38] =	vst v62  }
0x10d: {  	v10 =	vmul.f32 v60, v10;
	[tilespmem:s22+$0xFFFFFFE0] =	vst v11  }
0x10e: {  	v9 =	vmul.f32 v60, v9;
	[tilespmem:s22+$0xFFFFFFF0] =	vst v63  }
0x10f: {  	s0 =	sadd.s32 $0x1, s0;
	v11 =	vmul.f32 v17, v15;
	[tilespmem:s22+$0xFFFFFFC0] =	vst v10  }
0x110: {  	p0 =	sne.s32 s0, $0x9E;
	[tilespmem:s22+$0xFFFFFFD0] =	vst v9  }
.Ltmp2:
0x111: {  	[tilespmem:s22+$0x30] =	vst v11;
	(pc) =	sbr.rel @p0 .LBB2_4-.Ltmp2, $4  }
0x112: {  	[spmem:s12] =	stream.indirect.scatter.add.f32 [tilespmem:s11], [sflag:$0x3], $0x88, s4, s3, $0xb8;
	[tilespmem:$0x1D940] =	vst v63  }
0x113: {  	_ =	swait.ge [sflag:s2], $0x2200  }
0x114: {  	[sflag:s2] =	ssyncset.done $0x0  }
0x115: {  	[sflag:s2] =	ssyncadd.s32 $0xFFFFDE00  }
0x116: {  	[bflag:$0x0] =	sbarrier.arrive $0xFFFF  }
0x117: {  	[tilespmem:s11], [sflag:$0x3] =	stream.linear.gather [spmem:s28], $0x2200, $0x38;
	[tilespmem:$0x1D940] =	vst v63  }
0x118: {  	_ =	swait.ge [sflag:s2], $0x2200  }
0x119: {  	[sflag:s2] =	ssyncset.done $0x0  }
0x11a: {  	s0 =	rddreg [dreg:$0x4];
	[sflag:s2] =	ssyncadd.s32 $0xFFFFDE00  }
0x11b: {  	[hbm4b:s0+s1] =	stream.linear.scatter [tilespmem:s11], [sflag:$0x3], $0x2200, $0x38;
	[tilespmem:$0x1D940] =	vst v63  }
0x11c: {  	_ =	swait.ge [sflag:s2], $0x2200  }
0x11d: {  	[sflag:s2] =	ssyncset.done $0x0  }
0x11e: {  	[sflag:s2] =	ssyncadd.s32 $0xFFFFDE00  }
0x11f: {  	[tilespmem:s11], [sflag:$0x3] =	stream.linear.gather [spmem:s29], $0x2200, $0x38;
	[tilespmem:$0x1D940] =	vst v63  }
0x120: {  	_ =	swait.ge [sflag:s2], $0x2200  }
0x121: {  	[sflag:s2] =	ssyncset.done $0x0  }
0x122: {  	s14 =	rddreg [dreg:$0x5];
	[sflag:s2] =	ssyncadd.s32 $0xFFFFDE00  }
0x123: {  	[hbm4b:s14+s1] =	stream.linear.scatter [tilespmem:s11], [sflag:$0x3], $0x2200, $0x38;
	[tilespmem:$0x1D940] =	vst v63  }
0x124: {  	_ =	swait.ge [sflag:s2], $0x2200  }
0x125: {  	[sflag:s2] =	ssyncset.done $0x0  }
0x126: {  	[sflag:s2] =	ssyncadd.s32 $0xFFFFDE00  }
0x127: {  	[tilespmem:s11], [sflag:$0x3] =	stream.linear.gather [spmem:s30], $0x2200, $0x38;
	[tilespmem:$0x1D940] =	vst v63  }
0x128: {  	_ =	swait.ge [sflag:s2], $0x2200  }
0x129: {  	[sflag:s2] =	ssyncset.done $0x0  }
0x12a: {  	s21 =	rddreg [dreg:$0x6];
	[sflag:s2] =	ssyncadd.s32 $0xFFFFDE00  }
0x12b: {  	[hbm4b:s21+s1] =	stream.linear.scatter [tilespmem:s11], [sflag:$0x3], $0x2200, $0x38;
	[tilespmem:$0x1D940] =	vst v63  }
0x12c: {  	_ =	swait.ge [sflag:s2], $0x2200  }
0x12d: {  	[sflag:s2] =	ssyncset.done $0x0  }
0x12e: {  	[sflag:s2] =	ssyncadd.s32 $0xFFFFDE00  }
0x12f: {  	[tilespmem:s11], [sflag:$0x3] =	stream.linear.gather [spmem:s31], $0x2200, $0x38;
	[tilespmem:$0x1D940] =	vst v63  }
0x130: {  	_ =	swait.ge [sflag:s2], $0x2200  }
0x131: {  	[sflag:s2] =	ssyncset.done $0x0  }
0x132: {  	s22 =	rddreg [dreg:$0x7];
	[sflag:s2] =	ssyncadd.s32 $0xFFFFDE00  }
0x133: {  	[hbm4b:s22+s1] =	stream.linear.scatter [tilespmem:s11], [sflag:$0x3], $0x2200, $0x38;
	[tilespmem:$0x1D940] =	vst v63  }
0x134: {  	_ =	swait.ge [sflag:s2], $0x2200  }
0x135: {  	[sflag:s2] =	ssyncset.done $0x0  }
0x136: {  	s23 =	smov.u32 s28;
	s28 =	rddreg [dreg:$0xe];
	[sflag:s2] =	ssyncadd.s32 $0xFFFFDE00  }
0x137: {  	[tilespmem:s11], [sflag:$0x3] =	stream.linear.gather [spmem:s28], $0x2200, $0x38;
	[tilespmem:$0x1D940] =	vst v63  }
0x138: {  	_ =	swait.ge [sflag:s2], $0x2200  }
0x139: {  	[sflag:s2] =	ssyncset.done $0x0  }
0x13a: {  	s24 =	smov.u32 s29;
	s29 =	rddreg [dreg:$0x8];
	[sflag:s2] =	ssyncadd.s32 $0xFFFFDE00  }
0x13b: {  	[hbm4b:s29+s1] =	stream.linear.scatter [tilespmem:s11], [sflag:$0x3], $0x2200, $0x38;
	[tilespmem:$0x1D940] =	vst v63  }
0x13c: {  	_ =	swait.ge [sflag:s2], $0x2200  }
0x13d: {  	[sflag:s2] =	ssyncset.done $0x0  }
0x13e: {  	s25 =	smov.u32 s30;
	s30 =	rddreg [dreg:$0xf];
	[sflag:s2] =	ssyncadd.s32 $0xFFFFDE00  }
0x13f: {  	[tilespmem:s11], [sflag:$0x3] =	stream.linear.gather [spmem:s30], $0x2200, $0x38;
	[tilespmem:$0x1D940] =	vst v63  }
0x140: {  	_ =	swait.ge [sflag:s2], $0x2200  }
0x141: {  	[sflag:s2] =	ssyncset.done $0x0  }
0x142: {  	s26 =	smov.u32 s31;
	s31 =	rddreg [dreg:$0x9];
	[sflag:s2] =	ssyncadd.s32 $0xFFFFDE00  }
0x143: {  	[hbm4b:s31+s1] =	stream.linear.scatter [tilespmem:s11], [sflag:$0x3], $0x2200, $0x38;
	[tilespmem:$0x1D940] =	vst v63  }
0x144: {  	_ =	swait.ge [sflag:s2], $0x2200  }
0x145: {  	[sflag:s2] =	ssyncset.done $0x0  }
0x146: {  	s14 =	rddreg [dreg:$0x10];
	[sflag:s2] =	ssyncadd.s32 $0xFFFFDE00  }
0x147: {  	[tilespmem:s11], [sflag:$0x3] =	stream.linear.gather [spmem:s14], $0x2200, $0x38;
	[tilespmem:$0x1D940] =	vst v63  }
0x148: {  	_ =	swait.ge [sflag:s2], $0x2200  }
0x149: {  	[sflag:s2] =	ssyncset.done $0x0  }
0x14a: {  	s21 =	rddreg [dreg:$0xa];
	[sflag:s2] =	ssyncadd.s32 $0xFFFFDE00  }
0x14b: {  	[hbm4b:s21+s1] =	stream.linear.scatter [tilespmem:s11], [sflag:$0x3], $0x2200, $0x38;
	[tilespmem:$0x1D940] =	vst v63  }
0x14c: {  	_ =	swait.ge [sflag:s2], $0x2200  }
0x14d: {  	[sflag:s2] =	ssyncset.done $0x0  }
0x14e: {  	s22 =	rddreg [dreg:$0x11];
	[sflag:s2] =	ssyncadd.s32 $0xFFFFDE00  }
0x14f: {  	[tilespmem:s11], [sflag:$0x3] =	stream.linear.gather [spmem:s22], $0x2200, $0x38;
	[tilespmem:$0x1D940] =	vst v63  }
0x150: {  	_ =	swait.ge [sflag:s2], $0x2200  }
0x151: {  	[sflag:s2] =	ssyncset.done $0x0  }
0x152: {  	s28 =	rddreg [dreg:$0xb];
	[sflag:s2] =	ssyncadd.s32 $0xFFFFDE00  }
0x153: {  	[hbm4b:s28+s1] =	stream.linear.scatter [tilespmem:s11], [sflag:$0x3], $0x2200, $0x38;
	[tilespmem:$0x1D940] =	vst v63  }
0x154: {  	_ =	swait.ge [sflag:s2], $0x2200  }
0x155: {  	[sflag:s2] =	ssyncset.done $0x0  }
0x156: {  	s21 =	rddreg [dreg:$0x12];
	[sflag:s2] =	ssyncadd.s32 $0xFFFFDE00  }
0x157: {  	[tilespmem:s11], [sflag:$0x3] =	stream.linear.gather [spmem:s21], $0x2200, $0x38;
	[tilespmem:$0x1D940] =	vst v63  }
0x158: {  	_ =	swait.ge [sflag:s2], $0x2200  }
0x159: {  	[sflag:s2] =	ssyncset.done $0x0  }
0x15a: {  	s29 =	rddreg [dreg:$0xc];
	[sflag:s2] =	ssyncadd.s32 $0xFFFFDE00  }
0x15b: {  	[hbm4b:s29+s1] =	stream.linear.scatter [tilespmem:s11], [sflag:$0x3], $0x2200, $0x38;
	[tilespmem:$0x1D940] =	vst v63  }
0x15c: {  	_ =	swait.ge [sflag:s2], $0x2200  }
0x15d: {  	[sflag:s2] =	ssyncset.done $0x0  }
0x15e: {  	s22 =	rddreg [dreg:$0x13];
	[sflag:s2] =	ssyncadd.s32 $0xFFFFDE00  }
0x15f: {  	[tilespmem:s11], [sflag:$0x3] =	stream.linear.gather [spmem:s22], $0x2200, $0x38;
	[tilespmem:$0x1D940] =	vst v63  }
0x160: {  	_ =	swait.ge [sflag:s2], $0x2200  }
0x161: {  	[sflag:s2] =	ssyncset.done $0x0  }
0x162: {  	s30 =	rddreg [dreg:$0xd];
	[sflag:s2] =	ssyncadd.s32 $0xFFFFDE00  }
0x163: {  	[hbm4b:s30+s1] =	stream.linear.scatter [tilespmem:s11], [sflag:$0x3], $0x2200, $0x38;
	[tilespmem:$0x1D940] =	vst v63  }
0x164: {  	_ =	swait.ge [sflag:s2], $0x2200  }
0x165: {  	s13 =	sadd.s32 $0x1, s13;
	s31 =	rddreg [dreg:$0x14]  }
0x166: {  	p0 =	sne.s32 s13, s31  }
.Ltmp3:
0x167: {  	_ = 	snop;
	(pc) =	sbr.rel @p0 .LBB2_1-.Ltmp3, $3  }
0x168: {  	_ =	sdelay $0x1  }
0x169: {  	[sflag:s2] =	ssyncset.done $0x0  }
0x16a: {  	[sflag:s2] =	ssyncadd.s32 $0xFFFFDE00  }
0x16b: {  	_ =	sfence.sel $0x180000  }
0x16c: {  	[bflag:$0x0] =	sbarrier.arrive $0xFFFF  }
0x16d: {  	_ =	strace $0x90000047  }
0x16e: {  	s0 =	stileid.u32;
	[bflag:$0x2] =	sbarrier.arrive $0xFFFF  }
0x16f: {  	p0 =	sne.s32 s0, $0x0;
	s0 =	rddreg [dreg:$0x3]  }
0x170: {  	s0 =	sadd.s32 @!p0 $0x100000, s0  }
0x171: {  	[sflag:s0] =	ssyncadd.tile.s32 @!p0 $0x1;
	_ =	shalt  }
.Lfunc_end2:
_tile_overlayer_lowered:
.L_overlay_start_2:
0x172: {  	(tag) =	ssettag $0x2  }
0x173: {  	s0 =	rddreg [dreg:$0x0];
	s2 =	stileid.u32  }
0x174: {  	s1 =	rddreg [dreg:$0x1];
	p0 =	sne.s32 s2, $0x0  }
0x175: {  	s3 =	rddreg [dreg:$0x2];
	[bflag:$0x3] =	sbarrier.arrive $0xFFFF;
	s2 =	simm.s32 @!p0 $0x1C03  }
0x176: {  	[timem:s3], [sflag:s2] =	dma.local @!p0 [hbm:s0], s1  }
0x177: {  	s0 =	simm.s32 @!p0 $0x3  }
0x178: {  	_ =	swait.ge @!p0 [sflag:s0], s1  }
0x179: {  	s1 =	ssub.s32 @!p0 $0x0, s1;
	[sflag:s0] =	ssyncset.done @!p0 $0x0  }
0x17a: {  	[sflag:s0] =	ssyncadd.s32 @!p0 s1  }
0x17b: {  	[bflag:$0x3] =	sbarrier.arrive $0xFFFF  }
0x17c: {  	_ =	shalt  }

// kernel: kernel.14.cloned.1.call-start
scs
__scs_entry_jumppad:
0x0: {  	(pc) =	sbr.rel $0x88, $3  }
0x1: {  	(tag) =	ssettag $0x0;
	lr =	simm.s32 $0x1  }
0x2: {  	[smem:$0x3F7A] =	sst lr;
	_ =	strace $0xD0000000  }
0x3: {  	_ = 	snop  }
0x4: {  	_ = 	snop  }
0x5: {  	_ = 	snop  }
0x6: {  	_ = 	snop  }
0x7: {  	_ = 	snop  }
__scs_overlays_trampoline_lowered:
0x8: {  	[smem:$0x3F89] =	sst s0  }
0x9: {  	[smem:$0x3F8A] =	sst s1  }
0xa: {  	[smem:$0x3F8B] =	sst s2  }
0xb: {  	[smem:$0x3F8C] =	sst s3  }
0xc: {  	[smem:$0x3F8D] =	sst s4  }
0xd: {  	[smem:$0x3F8E] =	sst s5  }
0xe: {  	[smem:$0x3F8F] =	sst s6  }
0xf: {  	[smem:$0x3F90] =	sst s7  }
0x10: {  	[smem:$0x3F91] =	sst s8  }
0x11: {  	[smem:$0x3F92] =	sst s9;
	s0 =	simm.s32 @!p0 $0x0  }
0x12: {  	s1 =	sld [smem:$0x3F78];
	s0 =	simm.s32 @p0 $0x1  }
0x13: {  	[smem:$0x3F93] =	sst s0;
	s0 =	simm.s32 @!p1 $0x0  }
0x14: {  	s2 =	sld [smem:$0x3F77];
	s0 =	simm.s32 @p1 $0x1  }
0x15: {  	[smem:$0x3F94] =	sst s0;
	s0 =	simm.s32 @!p2 $0x0  }
0x16: {  	s3 =	sld [smem:$0x3FDB];
	s0 =	simm.s32 @p2 $0x1  }
0x17: {  	s4 =	simm.s32 $0x1BF5;
	[smem:$0x3F96] =	sst s0  }
0x18: {  	s0 =	sld [smem:$0x3F79];
	_ =	swait.ge [sflag:s4], $0x0  }
0x19: {  	s7 =	sld [smem:$0x3F7A]  }
0x1a: {  	s8 =	sadd.s32 $0xFFFFE003, lr  }
0x1b: {  	s9 =	sadd.s32 $0xFFFFFEF7, lr;
	s5 =	simm.s32 $0xFFFFFFFF;
	p2 =	slt.u32 s8, $0xFFFFF086  }
0x1c: {  	p1 =	slt.u32 s9, $0xF7A;
	s5 =	simm.s32 @!p2 $0x0  }
0x1d: {  	s5 =	simm.s32 @p1 $0x1;
	p0 =	seq.s32 s7, s2  }
0x1e: {  	s7 =	smul.u32 @!p0 $0xF7A, s2;
	p2 =	seq.s32 @!p0 s5, $0x0  }
0x1f: {  	s9 =	smul.u32 $0xF7A, s1;
	s8 =	simm.s32 @!p0 $0x1BF5;
	p2 =	por !p2, p0  }
0x20: {  	[sflag:s8] =	ssyncset.s32 @!p0 $0xFFFFF086;
	s6 =	sadd.s32 @!p0 s3, s7;
	s7 =	simm.s32 @!p0 $0x108  }
0x21: {  	s3 =	sadd.s32 s3, s9;
	s6 =	sadd.s32 @!p0 $0x88, s6;
	s7 =	simm.s32 @p2 $0x1082  }
0x22: {  	[simem:s7], [sflag:s8] =	dma.local @!p0 [hbm:s6], $0xF7A  }
0x23: {  	s9 =	sor.u32 $0xD0000000, s2;
	s6 =	simm.s32 $0x108;
	_ =	swait.ge @!p0 [sflag:s8], $0x0  }
0x24: {  	s3 =	sadd.s32 $0x88, s3;
	s6 =	simm.s32 @!p1 $0x1082;
	[sflag:s4] =	ssyncset.s32 $0xFFFFF086  }
0x25: {  	[simem:s6], [sflag:s4] =	dma.local [hbm:s3], $0xF7A  }
0x26: {  	[smem:$0x3F7A] =	sst s1;
	(tag) =	ssettag s2;
	_ =	strace s9  }
0x27: {  	s1 =	sld [smem:$0x3F8A]  }
0x28: {  	s2 =	sld [smem:$0x3F8B]  }
0x29: {  	s4 =	sld [smem:$0x3F8D]  }
0x2a: {  	p0 =	seq.s32 s5, $0x0;
	s5 =	sld [smem:$0x3F8E]  }
0x2b: {  	s6 =	sld [smem:$0x3F8F]  }
0x2c: {  	s7 =	sld [smem:$0x3F90]  }
0x2d: {  	s3 =	simm.s32 $0x108;
	s8 =	sld [smem:$0x3F91]  }
0x2e: {  	s3 =	simm.s32 @!p0 $0x1082;
	s9 =	sld [smem:$0x3F92]  }
0x2f: {  	lr =	sadd.s32 s0, s3;
	s0 =	sld [smem:$0x3F89]  }
0x30: {  	s3 =	sld [smem:$0x3F8C]  }
0x31: {  	[smem:$0x3F95] =	sst s10  }
0x32: {  	s10 =	sld [smem:$0x3F93];
	_ =	sdelay $0x3  }
0x33: {  	p0 =	seq.s32 s10, $0x1;
	s10 =	sld [smem:$0x3F95];
	_ =	sdelay $0x3  }
0x34: {  	[smem:$0x3F95] =	sst s10  }
0x35: {  	s10 =	sld [smem:$0x3F94];
	_ =	sdelay $0x3  }
0x36: {  	p1 =	seq.s32 s10, $0x1;
	s10 =	sld [smem:$0x3F95];
	_ =	sdelay $0x3  }
0x37: {  	[smem:$0x3F95] =	sst s10  }
0x38: {  	s10 =	sld [smem:$0x3F96]  }
0x39: {  	_ = 	snop;
	(pc) =	sbr.ind lr, $3  }
0x3a: {  	_ = 	snop  }
0x3b: {  	_ = 	snop  }
0x3c: {  	p2 =	seq.s32 s10, $0x1;
	s10 =	sld [smem:$0x3F95]  }
0x3d: {  	_ =	shalt  }
0x3e: {  	_ =	shalt  }
0x3f: {  	_ =	shalt  }
0x40: {  	_ =	shalt  }
0x41: {  	_ =	shalt  }
0x42: {  	_ =	shalt  }
0x43: {  	_ =	shalt  }
0x44: {  	_ =	shalt  }
0x45: {  	_ =	shalt  }
0x46: {  	_ =	shalt  }
0x47: {  	_ =	shalt  }
0x48: {  	_ =	shalt  }
0x49: {  	_ =	shalt  }
0x4a: {  	_ =	shalt  }
0x4b: {  	_ =	shalt  }
0x4c: {  	_ =	shalt  }
0x4d: {  	_ =	shalt  }
0x4e: {  	_ =	shalt  }
0x4f: {  	_ =	shalt  }
0x50: {  	_ =	shalt  }
0x51: {  	_ =	shalt  }
0x52: {  	_ =	shalt  }
0x53: {  	_ =	shalt  }
0x54: {  	_ =	shalt  }
0x55: {  	_ =	shalt  }
0x56: {  	_ =	shalt  }
0x57: {  	_ =	shalt  }
0x58: {  	_ =	shalt  }
0x59: {  	_ =	shalt  }
0x5a: {  	_ =	shalt  }
0x5b: {  	_ =	shalt  }
0x5c: {  	_ =	shalt  }
0x5d: {  	_ =	shalt  }
0x5e: {  	_ =	shalt  }
0x5f: {  	_ =	shalt  }
0x60: {  	_ =	shalt  }
0x61: {  	_ =	shalt  }
0x62: {  	_ =	shalt  }
0x63: {  	_ =	shalt  }
0x64: {  	_ =	shalt  }
0x65: {  	_ =	shalt  }
0x66: {  	_ =	shalt  }
0x67: {  	_ =	shalt  }
0x68: {  	_ =	shalt  }
0x69: {  	_ =	shalt  }
0x6a: {  	_ =	shalt  }
0x6b: {  	_ =	shalt  }
0x6c: {  	_ =	shalt  }
0x6d: {  	_ =	shalt  }
0x6e: {  	_ =	shalt  }
0x6f: {  	_ =	shalt  }
0x70: {  	_ =	shalt  }
0x71: {  	_ =	shalt  }
0x72: {  	_ =	shalt  }
0x73: {  	_ =	shalt  }
0x74: {  	_ =	shalt  }
0x75: {  	_ =	shalt  }
0x76: {  	_ =	shalt  }
0x77: {  	_ =	shalt  }
0x78: {  	_ =	shalt  }
0x79: {  	_ =	shalt  }
0x7a: {  	_ =	shalt  }
0x7b: {  	_ =	shalt  }
0x7c: {  	_ =	shalt  }
0x7d: {  	_ =	shalt  }
0x7e: {  	_ =	shalt  }
0x7f: {  	_ =	shalt  }
0x80: {  	_ =	shalt  }
0x81: {  	_ =	shalt  }
0x82: {  	_ =	shalt  }
0x83: {  	_ =	shalt  }
0x84: {  	_ =	shalt  }
0x85: {  	_ =	shalt  }
0x86: {  	_ =	shalt  }
0x87: {  	_ =	shalt  }
.Lfunc_end0:
.L_simem_size_0:
called_computation.1_lowered:
.L_overlay_start_0:
0x88: {  	s2 =	sld [smem:$0x3FD9]  }
0x89: {  	s3 =	sld [smem:$0x3FFE];
	_ =	sdelay $0x1  }
0x8a: {  	s1 =	srdreg.scid  }
0x8b: {  	s0 =	sand.u32 $0x1, s1  }
0x8c: {  	s14 =	sshll.u32 s0, $0xA;
	s2 =	sadd.s32 s3, s2  }
0x8d: {  	s2 =	sadd.s32 s2, s14  }
0x8e: {  	[smem:$0x3FA1] =	sst s2  }
0x8f: {  	_ = 	snop  }
0x90: {  	s2 =	sld [smem:$0x3FD0];
	_ =	sdelay $0x2  }
0x91: {  	s15 =	simm.s32 $0xA;
	s4 =	simm.s32 $0x10  }
0x92: {  	[smem:s4], [sflag:s15] =	dma.local [hbm:s2], $0x1  }
0x93: {  	_ =	swait.eq [sflag:s15], $0x1  }
0x94: {  	[sflag:s15] =	ssyncset.done $0x0  }
0x95: {  	[sflag:s15] =	ssyncadd.s32 $0xFFFFFFFF  }
0x96: {  	s16 =	sld [smem:$0x13];
	(tm) =	ssettm $0x1  }
0x97: {  	s17 =	sld [smem:$0x3FFB];
	_ =	sdelay $0x3  }
0x98: {  	_ =	strace s17  }
0x99: {  	s3 =	sld [smem:$0x3FFC];
	_ =	sdelay $0x3  }
0x9a: {  	_ =	strace s3  }
0x9b: {  	s3 =	sld [smem:$0x3FFD];
	_ =	sdelay $0x3  }
0x9c: {  	_ =	strace s3  }
0x9d: {  	_ =	strace $0x8FFFFFFF  }
0x9e: {  	s18 =	sld [smem:$0x3FDB];
	_ =	sdelay $0x1  }
0x9f: {  	s19 =	simm.s32 $_scs_section_size  }
0xa0: {  	s5 =	simm.s32 $_size__tile_overlayer_lowered;
	s6 =	simm.s32 $_tile_overlayer_lowered  }
0xa1: {  	s22 =	simm.s32 $0x1BFF;
	s21 =	sshll.u32 s6, $0x1;
	s3 =	sadd.s32 s19, s18  }
0xa2: {  	s7 =	simm.s32 $0x0;
	s20 =	sshll.u32 s5, $0x1;
	s5 =	sadd.s32 s21, s3  }
0xa3: {  	[timem:s7], [sflag:s22] =	dma.local [hbm:s5], s20  }
0xa4: {  	_ =	swait.ge [sflag:s22], s20  }
0xa5: {  	s4 =	ssub.s32 $0x0, s20;
	[sflag:s22] =	ssyncset.done $0x0  }
0xa6: {  	[sflag:s22] =	ssyncadd.s32 s4;
	_ =	sdelay $0x1  }
0xa7: {  	s23 =	simm.s32 $0x1B8B  }
0xa8: {  	_ =	swait.ge [sflag:s23], $0x1  }
0xa9: {  	[sflag:s23] =	ssyncset.done $0x0  }
0xaa: {  	s25 =	simm.s32 $0x1B8E;
	s24 =	sld [smem:$0x3FFE];
	[sflag:s23] =	ssyncadd.s32 $0xFFFFFFFF  }
0xab: {  	s26 =	simm.s32 $execute0_lowered;
	[smem:$0x3FD2] =	sst s25  }
0xac: {  	s5 =	sshll.u32 s26, $0x1;
	_ =	strace $0x80000049;
	[dreg:$0x1] =	wrdreg $0xFFFFFFFF  }
0xad: {  	s28 =	simm.s32 $_size_execute0_lowered;
	s3 =	sadd.s32 s3, s5;
	[dreg:$0x0] =	wrdreg $0x0  }
0xae: {  	s5 =	sshll.u32 s28, $0x1;
	[dreg:$0x2] =	wrdreg s3  }
0xaf: {  	[dreg:$0x3] =	wrdreg s5  }
0xb0: {  	[dreg:$0x4] =	wrdreg $0xC0  }
0xb1: {  	_ =	task [dreg:s7], $0x5FFFF  }
0xb2: {  	[dreg:$0x1] =	wrdreg $0xFFFFFFFF  }
0xb3: {  	[dreg:$0x0] =	wrdreg $0x60  }
0xb4: {  	[dreg:$0x2] =	wrdreg s24  }
0xb5: {  	[dreg:$0x3] =	wrdreg s16  }
0xb6: {  	[dreg:$0x4] =	wrdreg $0x85400  }
0xb7: {  	[dreg:$0x5] =	wrdreg $0x9  }
0xb8: {  	_ =	task.clear_ibuf [dreg:s7], $0x6FFFF;
	_ =	strace $0x90000049  }
0xb9: {  	s29 =	simm.s32 $0x9;
	_ =	strace $0x8000004B  }
0xba: {  	_ =	swait.ge [sflag:s29], $0x1  }
0xbb: {  	[sflag:s29] =	ssyncadd.s32 $0xFFFFFFFF  }
0xbc: {  	_ =	strace $0x9000004B  }
0xbd: {  	_ =	sfence  }
0xbe: {  	s30 =	sld [smem:$0x0];
	_ =	sdelay $0x2  }
0xbf: {  	s31 =	sshll.u32 s1, $0xD;
	s1 =	sshrl.u32 s1, $0x2  }
0xc0: {  	s3 =	sand.u32 $0x4000, s31;
	s1 =	sadd.s32 s1, s30  }
0xc1: {  	s0 =	sor.u32 s3, s0;
	s1 =	sshll.u32 s1, $0x11  }
0xc2: {  	s0 =	sor.u32 s1, s0  }
0xc3: {  	s0 =	sadd.s32 $0x8F2B, s0  }
0xc4: {  	[sflag:s0] =	ssyncadd.remote.s32 $0x1  }
0xc5: {  	_ =	sfence.sel $0xFFFF  }
0xc6: {  	[dreg:$0x0] =	wrdreg $0xFFFFFFFF;
	(pc) =	sbr.abs _section_cstart, $3  }
0xc7: {  	[dreg:$0x1] =	wrdreg $0xFFFFFFFF  }
0xc8: {  	_ =	task.clear_ibuf [dreg:s7], $0x2FFFF;
	_ =	strace $0x9FFFFFFF  }
0xc9: {  	(tm) =	ssettm $0x7FFFFFFF  }
tec
execute0_lowered:
.L_overlay_start_1:
0x0: {  	(tag) =	ssettag $0x1  }
0x1: {  	s2 =	rddreg [dreg:$0x0]  }
0x2: {  	s0 =	srdreg.scid;
	s1 =	simm.s32 $0x0;
	s7 =	stileid.u32  }
0x3: {  	s3 =	sand.u32 $0x1, s0;
	[smem:$0x7FF] =	sst s1;
	s4 =	smul.u32 $0x15400, s7  }
0x4: {  	s5 =	sadd.s32 $0x75400, s2;
	s7 =	sshll.u32 s7, $0x1;
	s0 =	ssub.s32 $0x2, s3  }
0x5: {  	s6 =	sshrl.u32 s0, $0x1;
	s28 =	sadd.s32 $0x2200, s4;
	s8 =	sadd.s32 $0x4400, s4  }
0x6: {  	s9 =	sadd.s32 $0x6600, s4;
	s10 =	sadd.s32 $0x8800, s4;
	s11 =	sadd.s32 $0xAA00, s4  }
0x7: {  	s13 =	sadd.s32 $0xCC00, s4;
	s14 =	sadd.s32 $0xEE00, s4;
	s21 =	sadd.s32 $0x11000, s4  }
0x8: {  	s0 =	ssub.s32 s0, s6;
	s6 =	sor.u32 s3, s7;
	s3 =	smul.u32 $0x154000, s3  }
0x9: {  	s22 =	sadd.s32 $0x13200, s4;
	s7 =	simm.s32 $0x40C0;
	s0 =	smax.u32 s0, $0x1  }
0xa: {  	s12 =	sadd.s32 s4, s3;
	s15 =	sadd.s32 s3, s28;
	s30 =	sadd.s32 s3, s8  }
0xb: {  	s31 =	sadd.s32 s3, s9;
	s16 =	sadd.s32 s3, s10;
	s18 =	sadd.s32 s3, s11  }
0xc: {  	s19 =	sadd.s32 s3, s13;
	s20 =	sadd.s32 s3, s14;
	s25 =	sadd.s32 s3, s21  }
0xd: {  	s3 =	sadd.s32 s3, s22;
	s12 =	sshrl.u32 s12, $0x3;
	s15 =	sshrl.u32 s15, $0x3  }
0xe: {  	s16 =	sshrl.u32 s16, $0x3;
	s26 =	sshrl.u32 s25, $0x3;
	s3 =	sshrl.u32 s3, $0x3  }
0xf: {  	s12 =	sadd.s32 s5, s12;
	s29 =	sadd.s32 s5, s15;
	s15 =	sshrl.u32 s31, $0x3  }
0x10: {  	s17 =	sadd.s32 s5, s16;
	s16 =	sshrl.u32 s20, $0x3;
	[dreg:$0x4] =	wrdreg s12  }
0x11: {  	s3 =	sadd.s32 s5, s3;
	s20 =	sadd.s32 $0x4BA00, s2;
	[dreg:$0x5] =	wrdreg s29  }
0x12: {  	s12 =	sshrl.u32 s30, $0x3;
	s15 =	sadd.s32 s5, s15;
	[dreg:$0x8] =	wrdreg s17  }
0x13: {  	s24 =	sadd.s32 s5, s16;
	[dreg:$0xd] =	wrdreg s3;
	s16 =	sadd.s32 $0x10C00, s2  }
0x14: {  	s17 =	sadd.s32 $0x6E00, s2;
	s3 =	simm.s32 $0x40;
	[dreg:$0x7] =	wrdreg s15  }
0x15: {  	s12 =	sadd.s32 s5, s12;
	s15 =	sshrl.u32 s19, $0x3;
	[dreg:$0xb] =	wrdreg s24  }
0x16: {  	s19 =	sadd.s32 $0x24800, s2;
	[dreg:$0x6] =	wrdreg s12;
	s23 =	sadd.s32 s5, s15  }
0x17: {  	s12 =	sshrl.u32 s18, $0x3;
	s15 =	sadd.s32 s5, s26;
	[dreg:$0xa] =	wrdreg s23  }
0x18: {  	s18 =	sadd.s32 $0xEC8E00, s2;
	s12 =	sadd.s32 s5, s12;
	[dreg:$0xc] =	wrdreg s15  }
0x19: {  	s15 =	sadd.s32 $0x1AA00, s2;
	s2 =	simm.s32 $0x3;
	[dreg:$0x9] =	wrdreg s12  }
0x1a: {  	s5 =	simm.s32 $0xC0;
	s12 =	rddreg [dreg:$0x2];
	_ =	strace $0x8000004A  }
0x1b: {  	s23 =	sadd.s32 s4, s12;
	s24 =	sadd.s32 s28, s12;
	s25 =	sadd.s32 s8, s12  }
0x1c: {  	s26 =	sadd.s32 s9, s12;
	s28 =	sadd.s32 s10, s12;
	[dreg:$0x14] =	wrdreg s0  }
0x1d: {  	s29 =	sadd.s32 s11, s12;
	s30 =	sadd.s32 s13, s12;
	[dreg:$0xe] =	wrdreg s28  }
0x1e: {  	s31 =	sadd.s32 s14, s12;
	s21 =	sadd.s32 s21, s12;
	[dreg:$0xf] =	wrdreg s29  }
0x1f: {  	s22 =	sadd.s32 s22, s12;
	s10 =	smul.u32 $0x2780, s6;
	[dreg:$0x10] =	wrdreg s30  }
0x20: {  	s11 =	simm.s32 $0x62C0;
	s4 =	simm.s32 $0x80;
	[dreg:$0x11] =	wrdreg s31  }
0x21: {  	s6 =	simm.s32 $0x20C0;
	s8 =	simm.s32 $0x1;
	[dreg:$0x12] =	wrdreg s21  }
0x22: {  	v0 =	vimm.f32 $0.0e+00;
	vm0 =	vcmask $0x1F28;
	vm1 =	vcmask $0x1F24;
	s9 =	simm.s32 $0x2;
	s13 =	simm.s32 $0x0;
	[dreg:$0x13] =	wrdreg s22  }
.LBB2_1:
0x23: {  	s0 =	simm.s32 $0x0  }
0x24: {  	s14 =	simm.s32 $0x220;
	[tilespmem:s0+$0x6330] =	vst v0  }
.LBB2_2:
0x25: {  	p0 =	sne.s32 s14, $0x85E0;
	[tilespmem:s0+$0x6338] =	vst v0  }
0x26: {  	[tilespmem:s0+$0x62C0] =	vst v0  }
0x27: {  	[tilespmem:s0+$0x62D0] =	vst v0  }
0x28: {  	[tilespmem:s0+$0x62E0] =	vst v0  }
.Ltmp0:
0x29: {  	[tilespmem:s0+$0x62F0] =	vst v0;
	(pc) =	sbr.rel @p0 .LBB2_2-.Ltmp0, $4  }
0x2a: {  	[tilespmem:s0+$0x6300] =	vst v0  }
0x2b: {  	[tilespmem:s0+$0x6310] =	vst v0  }
0x2c: {  	[tilespmem:s0+$0x6320] =	vst v0;
	s0 =	sshra.s32 s14, $0x2  }
0x2d: {  	s14 =	sadd.s32 $0x220, s14;
	[tilespmem:s0+$0x6330] =	vst v0  }
0x2e: {  	[tilespmem:s0+$0x6338] =	vst v0  }
0x2f: {  	[tilespmem:s0+$0x62C0] =	vst v0  }
0x30: {  	[tilespmem:s0+$0x62D0] =	vst v0  }
0x31: {  	[tilespmem:s0+$0x62E0] =	vst v0  }
0x32: {  	[tilespmem:s0+$0x62F0] =	vst v0  }
0x33: {  	[tilespmem:s0+$0x6300] =	vst v0  }
0x34: {  	[tilespmem:s0+$0x6310] =	vst v0  }
0x35: {  	[tilespmem:s0+$0x6320] =	vst v0  }
0x36: {  	[spmem:s23] =	stream.linear.scatter [tilespmem:s11], [sflag:$0x3], $0x2200, $0x38;
	[tilespmem:$0x1D940] =	vst v63  }
0x37: {  	_ =	swait.ge [sflag:s2], $0x2200  }
0x38: {  	[sflag:s2] =	ssyncset.done $0x0  }
0x39: {  	[sflag:s2] =	ssyncadd.s32 $0xFFFFDE00  }
0x3a: {  	[spmem:s24] =	stream.linear.scatter [tilespmem:s11], [sflag:$0x3], $0x2200, $0x38;
	[tilespmem:$0x1D940] =	vst v63  }
0x3b: {  	_ =	swait.ge [sflag:s2], $0x2200  }
0x3c: {  	[sflag:s2] =	ssyncset.done $0x0  }
0x3d: {  	[sflag:s2] =	ssyncadd.s32 $0xFFFFDE00  }
0x3e: {  	[spmem:s25] =	stream.linear.scatter [tilespmem:s11], [sflag:$0x3], $0x2200, $0x38;
	[tilespmem:$0x1D940] =	vst v63  }
0x3f: {  	_ =	swait.ge [sflag:s2], $0x2200  }
0x40: {  	[sflag:s2] =	ssyncset.done $0x0  }
0x41: {  	[sflag:s2] =	ssyncadd.s32 $0xFFFFDE00  }
0x42: {  	[spmem:s26] =	stream.linear.scatter [tilespmem:s11], [sflag:$0x3], $0x2200, $0x38;
	[tilespmem:$0x1D940] =	vst v63  }
0x43: {  	_ =	swait.ge [sflag:s2], $0x2200  }
0x44: {  	[sflag:s2] =	ssyncset.done $0x0  }
0x45: {  	s31 =	smov.u32 s26;
	s26 =	rddreg [dreg:$0xe];
	[sflag:s2] =	ssyncadd.s32 $0xFFFFDE00  }
0x46: {  	[spmem:s26] =	stream.linear.scatter [tilespmem:s11], [sflag:$0x3], $0x2200, $0x38;
	[tilespmem:$0x1D940] =	vst v63  }
0x47: {  	_ =	swait.ge [sflag:s2], $0x2200  }
0x48: {  	[sflag:s2] =	ssyncset.done $0x0  }
0x49: {  	s14 =	rddreg [dreg:$0xf];
	[sflag:s2] =	ssyncadd.s32 $0xFFFFDE00  }
0x4a: {  	[spmem:s14] =	stream.linear.scatter [tilespmem:s11], [sflag:$0x3], $0x2200, $0x38;
	[tilespmem:$0x1D940] =	vst v63  }
0x4b: {  	_ =	swait.ge [sflag:s2], $0x2200  }
0x4c: {  	[sflag:s2] =	ssyncset.done $0x0  }
0x4d: {  	s28 =	smov.u32 s23;
	s23 =	rddreg [dreg:$0x10];
	[sflag:s2] =	ssyncadd.s32 $0xFFFFDE00  }
0x4e: {  	[spmem:s23] =	stream.linear.scatter [tilespmem:s11], [sflag:$0x3], $0x2200, $0x38;
	[tilespmem:$0x1D940] =	vst v63  }
0x4f: {  	_ =	swait.ge [sflag:s2], $0x2200  }
0x50: {  	[sflag:s2] =	ssyncset.done $0x0  }
0x51: {  	s29 =	smov.u32 s24;
	s24 =	rddreg [dreg:$0x11];
	[sflag:s2] =	ssyncadd.s32 $0xFFFFDE00  }
0x52: {  	[spmem:s24] =	stream.linear.scatter [tilespmem:s11], [sflag:$0x3], $0x2200, $0x38;
	[tilespmem:$0x1D940] =	vst v63  }
0x53: {  	_ =	swait.ge [sflag:s2], $0x2200  }
0x54: {  	[sflag:s2] =	ssyncset.done $0x0  }
0x55: {  	[sflag:s2] =	ssyncadd.s32 $0xFFFFDE00  }
0x56: {  	[spmem:s21] =	stream.linear.scatter [tilespmem:s11], [sflag:$0x3], $0x2200, $0x38;
	[tilespmem:$0x1D940] =	vst v63  }
0x57: {  	_ =	swait.ge [sflag:s2], $0x2200  }
0x58: {  	[sflag:s2] =	ssyncset.done $0x0  }
0x59: {  	[sflag:s2] =	ssyncadd.s32 $0xFFFFDE00  }
0x5a: {  	[spmem:s22] =	stream.linear.scatter [tilespmem:s11], [sflag:$0x3], $0x2200, $0x38;
	[tilespmem:$0x1D940] =	vst v63  }
0x5b: {  	_ =	swait.ge [sflag:s2], $0x2200  }
0x5c: {  	[sflag:s2] =	ssyncset.done $0x0  }
0x5d: {  	[sflag:s2] =	ssyncadd.s32 $0xFFFFDE00  }
0x5e: {  	s30 =	smov.u32 s25;
	[bflag:$0x0] =	sbarrier.arrive $0xFFFF  }
0x5f: {  	s26 =	simm.s32 $0x84C0;
	s14 =	simm.s32 $0x0;
	s25 =	rddreg [dreg:$0x1]  }
0x60: {  	[tilespmem:s26], [sflag:$0x3] =	stream.linear.gather [hbm4b:s25+s14], $0x80, $0x38;
	[tilespmem:$0x1D940] =	vst v63  }
0x61: {  	_ =	swait.ge [sflag:s2], $0x80  }
0x62: {  	[sflag:s2] =	ssyncset.done $0x0  }
0x63: {  	[sflag:s2] =	ssyncadd.s32 $0xFFFFFF80  }
0x64: {  	v1 =	vld [tilespmem:$0x84C0]  }
0x65: {  	v2 =	vld [tilespmem:$0x84D0]  }
0x66: {  	v3 =	vld [tilespmem:$0x84E0]  }
0x67: {  	v4 =	vld [tilespmem:$0x84F0]  }
0x68: {  	v5 =	vld [tilespmem:$0x8500]  }
0x69: {  	v6 =	vld [tilespmem:$0x8510]  }
0x6a: {  	v7 =	vld [tilespmem:$0x8520]  }
0x6b: {  	s0 =	simm.s32 $0x0;
	v8 =	vld [tilespmem:$0x8530]  }
.LBB2_4:
0x6c: {  	s21 =	sshll.u32 s0, $0x6  }
0x6d: {  	s21 =	sadd.s32 s10, s21  }
0x6e: {  	s22 =	sshrl.u32 s21, $0x3  }
0x6f: {  	s23 =	sadd.s32 s15, s22  }
0x70: {  	[tilespmem:s14], [sflag:$0x3] =	stream.linear.gather [hbm4b:s23+s14], $0x40, $0x38;
	[tilespmem:$0x1D940] =	vst v63  }
0x71: {  	_ =	swait.ge [sflag:s2], $0x40  }
0x72: {  	[sflag:s2] =	ssyncset.done $0x0  }
0x73: {  	s25 =	sadd.s32 s16, s22;
	[sflag:s2] =	ssyncadd.s32 $0xFFFFFFC0  }
0x74: {  	[tilespmem:s3], [sflag:$0x3] =	stream.linear.gather [hbm4b:s25+s14], $0x40, $0x38;
	[tilespmem:$0x1D940] =	vst v63  }
0x75: {  	_ =	swait.ge [sflag:s2], $0x40  }
0x76: {  	[sflag:s2] =	ssyncset.done $0x0  }
0x77: {  	s22 =	sadd.s32 s17, s22;
	[sflag:s2] =	ssyncadd.s32 $0xFFFFFFC0  }
0x78: {  	[tilespmem:s4], [sflag:$0x3] =	stream.linear.gather [hbm4b:s22+s14], $0x40, $0x38;
	[tilespmem:$0x1D940] =	vst v63  }
0x79: {  	_ =	swait.ge [sflag:s2], $0x40  }
0x7a: {  	s21 =	sshll.u32 s21, $0x4;
	[sflag:s2] =	ssyncset.done $0x0  }
0x7b: {  	s21 =	sadd.s32 s18, s21;
	[sflag:s2] =	ssyncadd.s32 $0xFFFFFFC0  }
0x7c: {  	[tilespmem:s5], [sflag:$0x3] =	stream.linear.gather [hbm4b:s21+s14], $0x2000, $0x38;
	[tilespmem:$0x1D940] =	vst v63  }
0x7d: {  	_ =	swait.ge [sflag:s2], $0x2000  }
0x7e: {  	[sflag:s2] =	ssyncset.done $0x0  }
0x7f: {  	[sflag:s2] =	ssyncadd.s32 $0xFFFFE000  }
0x80: {  	[tilespmem:s6], [sflag:$0x1] =	stream.indirect.gather [hbm4b:s19+s3], $0x80, s14, s3, $0xb8;
	[tilespmem:$0x1D940] =	vst v63  }
0x81: {  	_ = 	snop  }
0x82: {  	[tilespmem:s7], [sflag:$0x2] =	stream.indirect.gather [hbm4b:s20+s3], $0x88, s3, s3, $0xb8;
	[tilespmem:$0x1D940] =	vst v63  }
0x83: {  	_ =	swait.ge [sflag:s8], $0x2000  }
0x84: {  	[sflag:s8] =	ssyncset.done $0x0  }
0x85: {  	[sflag:s8] =	ssyncadd.s32 $0xFFFFE000  }
0x86: {  	_ =	swait.ge [sflag:s9], $0x2200  }
0x87: {  	[sflag:s9] =	ssyncset.done $0x0  }
0x88: {  	s21 =	simm.s32 $0x4100;
	[sflag:s9] =	ssyncadd.s32 $0xFFFFDE00  }
0x89: {  	v15 =	vld [tilespmem:s21+$0xFFFFFFE0]  }
0x8a: {  	v14 =	vld [tilespmem:s21+$0x0]  }
0x8b: {  	v16 =	vld [tilespmem:s21+$0xFFFFFFC0]  }
0x8c: {  	v17 =	vld [tilespmem:s21+$0x10]  }
0x8d: {  	s26 =	simm.s32 $0x0;
	v18 =	vld [tilespmem:s21+$0xFFFFFFD0]  }
0x8e: {  	v19 =	vld [tilespmem:s26+$0x110]  }
0x8f: {  	v20 =	vld [tilespmem:s26+$0xC0]  }
0x90: {  	v21 =	vld [tilespmem:s26+$0xD0]  }
0x91: {  	v12 =	vld [tilespmem:s26+$0x2110]  }
0x92: {  	v9 =	vld [tilespmem:s26+$0x20D0]  }
0x93: {  	v10 =	vld [tilespmem:s26+$0x20C0]  }
0x94: {  	v13 =	vld [tilespmem:s26+$0x2100]  }
0x95: {  	v11 =	vld [tilespmem:s26+$0x20E0]  }
0x96: {  	v22 =	vld [tilespmem:s26+$0x100]  }
0x97: {  	v23 =	vld [tilespmem:s26+$0xE0]  }
0x98: {  	v24 =	vld [tilespmem:s21+$0x20];
	v17 =	vadd.f32 v17, v12;
	v16 =	vadd.f32 v16, v10  }
0x99: {  	v52 =	vld [tilespmem:s21+$0x30];
	v18 =	vadd.f32 v18, v9;
	v25 =	vadd.f32 v14, v13  }
0x9a: {  	v14 =	vld [tilespmem:s26+$0x2120];
	v17 =	vadd.f32 v19, v17;
	v19 =	vadd.f32 v20, v16  }
0x9b: {  	v26 =	vld [tilespmem:s26+$0x120];
	v16 =	vadd.f32 v15, v11;
	v18 =	vadd.f32 v21, v18  }
0x9c: {  	v53 =	vadd.f32 v22, v25;
	v15 =	vld [tilespmem:s26+$0x2130];
	v54 =	vmul.f32 $2.000000030e-01, v17;
	v55 =	vmul.f32 $2.000000030e-01, v19  }
0x9d: {  	v23 =	vadd.f32 v23, v16;
	vm2 =	vgt.f32 v17, $0.0e+00;
	vm3 =	vgt.f32 v18, $0.0e+00  }
0x9e: {  	v28 =	vld [tilespmem:s26+$0x130];
	v27 =	vmul.f32 $2.000000030e-01, v53;
	vm4 =	vgt.f32 v19, $0.0e+00;
	v59 =	vmul.f32 $2.000000030e-01, v18  }
0x9f: {  	v29 =	vld [tilespmem:s21+$0xFFFFFFF0];
	v24 =	vadd.f32 v24, v14;
	v17 =	vsel vm2, v17, v54;
	v56 =	vmul.f32 $2.000000030e-01, v23  }
0xa0: {  	v16 =	vld [tilespmem:s26+$0x20F0];
	vm2 =	vgt.f32 v53, $0.0e+00;
	vm5 =	vgt.f32 v23, $0.0e+00;
	v19 =	vsel vm4, v19, v55  }
0xa1: {  	v20 =	vadd.f32 v52, v15;
	v21 =	vsel vm2, v53, v27;
	v57 =	vadd.f32 v26, v24  }
0xa2: {  	v58 =	vld [tilespmem:s26+$0xF0];
	v18 =	vsel vm3, v18, v59;
	v17 =	vmul.f32 v17, v6;
	v21 =	vmul.f32 v21, v5  }
0xa3: {  	v19 =	vmul.f32 v19, v1;
	v20 =	vadd.f32 v28, v20;
	v26 =	vmul.f32 $2.000000030e-01, v57  }
0xa4: {  	v22 =	vsel vm5, v23, v56;
	vm2 =	vgt.f32 v57, $0.0e+00;
	v21 =	vadd.f32 $0.0e+00, v21  }
0xa5: {  	v60 =	vadd.f32 v29, v16;
	v28 =	vmul.f32 $2.000000030e-01, v20;
	v23 =	vsel vm2, v57, v26  }
0xa6: {  	vm2 =	vgt.f32 v20, $0.0e+00;
	v17 =	vadd.f32 v17, v21;
	v61 =	vmul.f32 v23, v7  }
0xa7: {  	v18 =	vmul.f32 v18, v2;
	v62 =	vadd.f32 v58, v60;
	v20 =	vsel vm2, v20, v28  }
0xa8: {  	v19 =	vadd.f32 $0.0e+00, v19;
	v17 =	vadd.f32 v61, v17;
	v20 =	vmul.f32 v20, v8  }
0xa9: {  	v22 =	vmul.f32 v22, v3;
	v63 =	vmul.f32 $2.000000030e-01, v62  }
0xaa: {  	v18 =	vadd.f32 v18, v19;
	vm2 =	vgt.f32 v62, $0.0e+00;
	v17 =	vadd.f32 v20, v17  }
0xab: {  	v19 =	vsel vm2, v62, v63  }
0xac: {  	v18 =	vadd.f32 v22, v18;
	v19 =	vmul.f32 v19, v4;
	(xrf2) =	vadd.scan.msk.f32 $0xffff, v17;
	_ =	sdelay $0x1  }
0xad: {  	v17 =	vadd.f32 v19, v18;
	_ =	sdelay $0x1  }
0xae: {  	(xrf2) =	vadd.scan.msk.f32 $0xffff, v17;
	_ =	sdelay $0x2  }
0xaf: {  	v17 =	vld [tilespmem:s21+$0x38];
	_ =	sdelay $0x2  }
0xb0: {  	v18, _, _ =	vpop (xrf2)  }
0xb1: {  	(v2sf) =	vpush v18, $0xF  }
0xb2: {  	(v2sf) =	vpush v17, $0x9;
	_ =	sdelay $0x1  }
0xb3: {  	v18, _, _ =	vpop (xrf2);
	(v2sf) =	vpush v17, $0x8  }
0xb4: {  	(v2sf) =	vpush v18, $0xF;
	_ =	sdelay $0xa  }
0xb5: {  	s23 =	spop (v2sf)  }
0xb6: {  	s25 =	spop (v2sf)  }
0xb7: {  	s22 =	ssub.f32 s23, s25  }
0xb8: {  	s24 =	spop (v2sf)  }
0xb9: {  	s26 =	spop (v2sf);
	v17 =	vmov s22  }
0xba: {  	s23 =	ssub.f32 s26, s24;
	v17 =	vmul.f32 $1.442695020e+00, v17;
	_ =	sdelay $0x1  }
0xbb: {  	v18 =	vmov s23;
	v17 =	vbroadcast v17, $0x0  }
0xbc: {  	v18 =	vmul.f32 $1.442695020e+00, v18  }
0xbd: {  	(erf) = vpow2.f32 v17  }
0xbe: {  	v18 =	vbroadcast v18, $0x0;
	_ =	sdelay $0x1  }
0xbf: {  	s24 =	simm.s32 $0x200;
	s22 =	simm.s32 $0x6300;
	s23 =	simm.s32 $0x6300;
	(erf) = vpow2.f32 v18  }
.LBB2_5:
0xc0: {  	p0 =	sne.s32 s24, $0x7E00;
	s21 =	sadd.s32 $0x88, s21;
	s23 =	sadd.s32 $0x88, s23  }
0xc1: {  	s25 =	smov.u32 s24;
	s24 =	sadd.s32 $0x200, s24;
	_ =	sdelay $0x3  }
0xc2: {  	v17 =	vpop (erf)  }
0xc3: {  	v18 =	vmul.f32 v17, v13;
	v12 =	vmul.f32 v17, v12  }
0xc4: {  	v14 =	vmul.f32 v17, v14;
	v15 =	vmul.f32 v17, v15  }
0xc5: {  	v17 =	vsel vm0, $0x0, v17;
	[tilespmem:s22+$0x0] =	vst v18;
	v13 =	vpop (erf)  }
0xc6: {  	v17 =	vsel vm1, v17, v13;
	v10 =	vmul.f32 v13, v10;
	v9 =	vmul.f32 v13, v9;
	[tilespmem:s22+$0x10] =	vst v12  }
0xc7: {  	v11 =	vmul.f32 v13, v11;
	v12 =	vmul.f32 v13, v16;
	[tilespmem:s22+$0x38] =	vst v17  }
0xc8: {  	[tilespmem:s22+$0x20] =	vst v14  }
0xc9: {  	[tilespmem:s22+$0xFFFFFFE0] =	vst v11  }
0xca: {  	[tilespmem:s22+$0xFFFFFFF0] =	vst v12  }
0xcb: {  	[tilespmem:s22+$0xFFFFFFC0] =	vst v10  }
0xcc: {  	[tilespmem:s22+$0x30] =	vst v15  }
0xcd: {  	[tilespmem:s22+$0xFFFFFFD0] =	vst v9;
	s22 =	smov.u32 s23;
	_ =	sdelay $0x2  }
0xce: {  	v15 =	vld [tilespmem:s21+$0xFFFFFFE0]  }
0xcf: {  	v14 =	vld [tilespmem:s21+$0x0]  }
0xd0: {  	v16 =	vld [tilespmem:s21+$0xFFFFFFC0]  }
0xd1: {  	v17 =	vld [tilespmem:s21+$0x10]  }
0xd2: {  	s25 =	sshra.s32 s25, $0x2;
	v18 =	vld [tilespmem:s21+$0xFFFFFFD0]  }
0xd3: {  	v19 =	vld [tilespmem:s25+$0x110]  }
0xd4: {  	v20 =	vld [tilespmem:s25+$0xC0]  }
0xd5: {  	v21 =	vld [tilespmem:s25+$0xD0]  }
0xd6: {  	v12 =	vld [tilespmem:s25+$0x2110]  }
0xd7: {  	v9 =	vld [tilespmem:s25+$0x20D0]  }
0xd8: {  	v10 =	vld [tilespmem:s25+$0x20C0]  }
0xd9: {  	v13 =	vld [tilespmem:s25+$0x2100]  }
0xda: {  	v11 =	vld [tilespmem:s25+$0x20E0]  }
0xdb: {  	v22 =	vld [tilespmem:s25+$0x100]  }
0xdc: {  	v17 =	vadd.f32 v17, v12;
	v18 =	vadd.f32 v18, v9;
	v23 =	vld [tilespmem:s25+$0xE0]  }
0xdd: {  	v16 =	vadd.f32 v16, v10;
	v24 =	vld [tilespmem:s21+$0x20]  }
0xde: {  	v17 =	vadd.f32 v19, v17;
	v25 =	vadd.f32 v14, v13;
	v14 =	vld [tilespmem:s25+$0x2120]  }
0xdf: {  	v19 =	vadd.f32 v20, v16;
	v16 =	vadd.f32 v15, v11;
	v20 =	vld [tilespmem:s21+$0x30]  }
0xe0: {  	v18 =	vadd.f32 v21, v18;
	v21 =	vadd.f32 v22, v25;
	v22 =	vmul.f32 $2.000000030e-01, v17;
	v15 =	vld [tilespmem:s25+$0x2130]  }
0xe1: {  	vm3 =	vgt.f32 v17, $0.0e+00;
	v25 =	vmul.f32 $2.000000030e-01, v19;
	v23 =	vadd.f32 v23, v16;
	v26 =	vld [tilespmem:s25+$0x120]  }
0xe2: {  	vm2 =	vgt.f32 v18, $0.0e+00;
	v27 =	vmul.f32 $2.000000030e-01, v21;
	v17 =	vsel vm3, v17, v22;
	v22 =	vld [tilespmem:s25+$0x130]  }
0xe3: {  	vm3 =	vgt.f32 v21, $0.0e+00;
	v28 =	vmul.f32 $2.000000030e-01, v23;
	v29 =	vld [tilespmem:s21+$0xFFFFFFF0];
	v24 =	vadd.f32 v24, v14  }
0xe4: {  	vm4 =	vgt.f32 v19, $0.0e+00;
	vm5 =	vgt.f32 v23, $0.0e+00;
	v17 =	vmul.f32 v17, v6;
	v16 =	vld [tilespmem:s25+$0x20F0]  }
0xe5: {  	v21 =	vsel vm3, v21, v27;
	v23 =	vsel vm5, v23, v28;
	v20 =	vadd.f32 v20, v15  }
0xe6: {  	v19 =	vsel vm4, v19, v25;
	v23 =	vmul.f32 v23, v3;
	v24 =	vadd.f32 v26, v24  }
0xe7: {  	v25 =	vmul.f32 $2.000000030e-01, v18;
	v21 =	vmul.f32 v21, v5;
	v26 =	vld [tilespmem:s25+$0xF0];
	v20 =	vadd.f32 v22, v20  }
0xe8: {  	v19 =	vmul.f32 v19, v1;
	vm3 =	vgt.f32 v24, $0.0e+00;
	v22 =	vmul.f32 $2.000000030e-01, v24  }
0xe9: {  	v21 =	vadd.f32 $0.0e+00, v21;
	v27 =	vadd.f32 v29, v16;
	v28 =	vmul.f32 $2.000000030e-01, v20  }
0xea: {  	v19 =	vadd.f32 $0.0e+00, v19;
	v22 =	vsel vm3, v24, v22;
	vm3 =	vgt.f32 v20, $0.0e+00  }
0xeb: {  	v18 =	vsel vm2, v18, v25;
	v17 =	vadd.f32 v17, v21;
	v21 =	vmul.f32 v22, v7  }
0xec: {  	v18 =	vmul.f32 v18, v2;
	v20 =	vsel vm3, v20, v28;
	v22 =	vadd.f32 v26, v27  }
0xed: {  	v20 =	vmul.f32 v20, v8;
	v17 =	vadd.f32 v21, v17  }
0xee: {  	v18 =	vadd.f32 v18, v19;
	v19 =	vmul.f32 $2.000000030e-01, v22  }
0xef: {  	vm2 =	vgt.f32 v22, $0.0e+00;
	v17 =	vadd.f32 v20, v17  }
0xf0: {  	v18 =	vadd.f32 v23, v18;
	v19 =	vsel vm2, v22, v19  }
0xf1: {  	v19 =	vmul.f32 v19, v4;
	(xrf2) =	vadd.scan.msk.f32 $0xffff, v17;
	_ =	sdelay $0x1  }
0xf2: {  	v17 =	vadd.f32 v19, v18;
	_ =	sdelay $0x1  }
0xf3: {  	(xrf2) =	vadd.scan.msk.f32 $0xffff, v17;
	_ =	sdelay $0x1  }
0xf4: {  	v17 =	vld [tilespmem:s21+$0x38];
	_ =	sdelay $0x3  }
0xf5: {  	v18, _, _ =	vpop (xrf2)  }
0xf6: {  	(v2sf) =	vpush v18, $0xF  }
0xf7: {  	(v2sf) =	vpush v17, $0x9;
	_ =	sdelay $0x1  }
0xf8: {  	v18, _, _ =	vpop (xrf2);
	(v2sf) =	vpush v17, $0x8  }
0xf9: {  	(v2sf) =	vpush v18, $0xF;
	_ =	sdelay $0xa  }
0xfa: {  	s25 =	spop (v2sf)  }
0xfb: {  	s26 =	spop (v2sf)  }
0xfc: {  	s25 =	ssub.f32 s25, s26  }
0xfd: {  	s26 =	spop (v2sf)  }
0xfe: {  	v17 =	vmov s25;
	s25 =	spop (v2sf)  }
0xff: {  	s25 =	ssub.f32 s25, s26;
	v17 =	vmul.f32 $1.442695020e+00, v17;
	_ =	sdelay $0x1  }
0x100: {  	v18 =	vmov s25;
	v17 =	vbroadcast v17, $0x0  }
.Ltmp1:
0x101: {  	v18 =	vmul.f32 $1.442695020e+00, v18;
	(pc) =	sbr.rel @p0 .LBB2_5-.Ltmp1, $3  }
0x102: {  	(erf) = vpow2.f32 v17  }
0x103: {  	v17 =	vbroadcast v18, $0x0;
	_ =	sdelay $0x1  }
0x104: {  	(erf) = vpow2.f32 v17  }
0x105: {  	_ =	sdelay $0x4  }
0x106: {  	v17 =	vpop (erf)  }
0x107: {  	v13 =	vmul.f32 v17, v13  }
0x108: {  	v12 =	vmul.f32 v17, v12  }
0x109: {  	v61 =	vmul.f32 v17, v14;
	[tilespmem:s22+$0x0] =	vst v13  }
0x10a: {  	v18 =	vsel vm0, $0x0, v17;
	v60 =	vpop (erf);
	[tilespmem:s22+$0x10] =	vst v12  }
0x10b: {  	[tilespmem:s22+$0x20] =	vst v61;
	v62 =	vsel vm1, v18, v60;
	v11 =	vmul.f32 v60, v11  }
0x10c: {  	v63 =	vmul.f32 v60, v16;
	[tilespmem:s22+$0x38] =	vst v62  }
0x10d: {  	v10 =	vmul.f32 v60, v10;
	[tilespmem:s22+$0xFFFFFFE0] =	vst v11  }
0x10e: {  	v9 =	vmul.f32 v60, v9;
	[tilespmem:s22+$0xFFFFFFF0] =	vst v63  }
0x10f: {  	s0 =	sadd.s32 $0x1, s0;
	v11 =	vmul.f32 v17, v15;
	[tilespmem:s22+$0xFFFFFFC0] =	vst v10  }
0x110: {  	p0 =	sne.s32 s0, $0x9E;
	[tilespmem:s22+$0xFFFFFFD0] =	vst v9  }
.Ltmp2:
0x111: {  	[tilespmem:s22+$0x30] =	vst v11;
	(pc) =	sbr.rel @p0 .LBB2_4-.Ltmp2, $4  }
0x112: {  	[spmem:s12] =	stream.indirect.scatter.add.f32 [tilespmem:s11], [sflag:$0x3], $0x88, s4, s3, $0xb8;
	[tilespmem:$0x1D940] =	vst v63  }
0x113: {  	_ =	swait.ge [sflag:s2], $0x2200  }
0x114: {  	[sflag:s2] =	ssyncset.done $0x0  }
0x115: {  	[sflag:s2] =	ssyncadd.s32 $0xFFFFDE00  }
0x116: {  	[bflag:$0x0] =	sbarrier.arrive $0xFFFF  }
0x117: {  	[tilespmem:s11], [sflag:$0x3] =	stream.linear.gather [spmem:s28], $0x2200, $0x38;
	[tilespmem:$0x1D940] =	vst v63  }
0x118: {  	_ =	swait.ge [sflag:s2], $0x2200  }
0x119: {  	[sflag:s2] =	ssyncset.done $0x0  }
0x11a: {  	s0 =	rddreg [dreg:$0x4];
	[sflag:s2] =	ssyncadd.s32 $0xFFFFDE00  }
0x11b: {  	[hbm4b:s0+s1] =	stream.linear.scatter [tilespmem:s11], [sflag:$0x3], $0x2200, $0x38;
	[tilespmem:$0x1D940] =	vst v63  }
0x11c: {  	_ =	swait.ge [sflag:s2], $0x2200  }
0x11d: {  	[sflag:s2] =	ssyncset.done $0x0  }
0x11e: {  	[sflag:s2] =	ssyncadd.s32 $0xFFFFDE00  }
0x11f: {  	[tilespmem:s11], [sflag:$0x3] =	stream.linear.gather [spmem:s29], $0x2200, $0x38;
	[tilespmem:$0x1D940] =	vst v63  }
0x120: {  	_ =	swait.ge [sflag:s2], $0x2200  }
0x121: {  	[sflag:s2] =	ssyncset.done $0x0  }
0x122: {  	s14 =	rddreg [dreg:$0x5];
	[sflag:s2] =	ssyncadd.s32 $0xFFFFDE00  }
0x123: {  	[hbm4b:s14+s1] =	stream.linear.scatter [tilespmem:s11], [sflag:$0x3], $0x2200, $0x38;
	[tilespmem:$0x1D940] =	vst v63  }
0x124: {  	_ =	swait.ge [sflag:s2], $0x2200  }
0x125: {  	[sflag:s2] =	ssyncset.done $0x0  }
0x126: {  	[sflag:s2] =	ssyncadd.s32 $0xFFFFDE00  }
0x127: {  	[tilespmem:s11], [sflag:$0x3] =	stream.linear.gather [spmem:s30], $0x2200, $0x38;
	[tilespmem:$0x1D940] =	vst v63  }
0x128: {  	_ =	swait.ge [sflag:s2], $0x2200  }
0x129: {  	[sflag:s2] =	ssyncset.done $0x0  }
0x12a: {  	s21 =	rddreg [dreg:$0x6];
	[sflag:s2] =	ssyncadd.s32 $0xFFFFDE00  }
0x12b: {  	[hbm4b:s21+s1] =	stream.linear.scatter [tilespmem:s11], [sflag:$0x3], $0x2200, $0x38;
	[tilespmem:$0x1D940] =	vst v63  }
0x12c: {  	_ =	swait.ge [sflag:s2], $0x2200  }
0x12d: {  	[sflag:s2] =	ssyncset.done $0x0  }
0x12e: {  	[sflag:s2] =	ssyncadd.s32 $0xFFFFDE00  }
0x12f: {  	[tilespmem:s11], [sflag:$0x3] =	stream.linear.gather [spmem:s31], $0x2200, $0x38;
	[tilespmem:$0x1D940] =	vst v63  }
0x130: {  	_ =	swait.ge [sflag:s2], $0x2200  }
0x131: {  	[sflag:s2] =	ssyncset.done $0x0  }
0x132: {  	s22 =	rddreg [dreg:$0x7];
	[sflag:s2] =	ssyncadd.s32 $0xFFFFDE00  }
0x133: {  	[hbm4b:s22+s1] =	stream.linear.scatter [tilespmem:s11], [sflag:$0x3], $0x2200, $0x38;
	[tilespmem:$0x1D940] =	vst v63  }
0x134: {  	_ =	swait.ge [sflag:s2], $0x2200  }
0x135: {  	[sflag:s2] =	ssyncset.done $0x0  }
0x136: {  	s23 =	smov.u32 s28;
	s28 =	rddreg [dreg:$0xe];
	[sflag:s2] =	ssyncadd.s32 $0xFFFFDE00  }
0x137: {  	[tilespmem:s11], [sflag:$0x3] =	stream.linear.gather [spmem:s28], $0x2200, $0x38;
	[tilespmem:$0x1D940] =	vst v63  }
0x138: {  	_ =	swait.ge [sflag:s2], $0x2200  }
0x139: {  	[sflag:s2] =	ssyncset.done $0x0  }
0x13a: {  	s24 =	smov.u32 s29;
	s29 =	rddreg [dreg:$0x8];
	[sflag:s2] =	ssyncadd.s32 $0xFFFFDE00  }
0x13b: {  	[hbm4b:s29+s1] =	stream.linear.scatter [tilespmem:s11], [sflag:$0x3], $0x2200, $0x38;
	[tilespmem:$0x1D940] =	vst v63  }
0x13c: {  	_ =	swait.ge [sflag:s2], $0x2200  }
0x13d: {  	[sflag:s2] =	ssyncset.done $0x0  }
0x13e: {  	s25 =	smov.u32 s30;
	s30 =	rddreg [dreg:$0xf];
	[sflag:s2] =	ssyncadd.s32 $0xFFFFDE00  }
0x13f: {  	[tilespmem:s11], [sflag:$0x3] =	stream.linear.gather [spmem:s30], $0x2200, $0x38;
	[tilespmem:$0x1D940] =	vst v63  }
0x140: {  	_ =	swait.ge [sflag:s2], $0x2200  }
0x141: {  	[sflag:s2] =	ssyncset.done $0x0  }
0x142: {  	s26 =	smov.u32 s31;
	s31 =	rddreg [dreg:$0x9];
	[sflag:s2] =	ssyncadd.s32 $0xFFFFDE00  }
0x143: {  	[hbm4b:s31+s1] =	stream.linear.scatter [tilespmem:s11], [sflag:$0x3], $0x2200, $0x38;
	[tilespmem:$0x1D940] =	vst v63  }
0x144: {  	_ =	swait.ge [sflag:s2], $0x2200  }
0x145: {  	[sflag:s2] =	ssyncset.done $0x0  }
0x146: {  	s14 =	rddreg [dreg:$0x10];
	[sflag:s2] =	ssyncadd.s32 $0xFFFFDE00  }
0x147: {  	[tilespmem:s11], [sflag:$0x3] =	stream.linear.gather [spmem:s14], $0x2200, $0x38;
	[tilespmem:$0x1D940] =	vst v63  }
0x148: {  	_ =	swait.ge [sflag:s2], $0x2200  }
0x149: {  	[sflag:s2] =	ssyncset.done $0x0  }
0x14a: {  	s21 =	rddreg [dreg:$0xa];
	[sflag:s2] =	ssyncadd.s32 $0xFFFFDE00  }
0x14b: {  	[hbm4b:s21+s1] =	stream.linear.scatter [tilespmem:s11], [sflag:$0x3], $0x2200, $0x38;
	[tilespmem:$0x1D940] =	vst v63  }
0x14c: {  	_ =	swait.ge [sflag:s2], $0x2200  }
0x14d: {  	[sflag:s2] =	ssyncset.done $0x0  }
0x14e: {  	s22 =	rddreg [dreg:$0x11];
	[sflag:s2] =	ssyncadd.s32 $0xFFFFDE00  }
0x14f: {  	[tilespmem:s11], [sflag:$0x3] =	stream.linear.gather [spmem:s22], $0x2200, $0x38;
	[tilespmem:$0x1D940] =	vst v63  }
0x150: {  	_ =	swait.ge [sflag:s2], $0x2200  }
0x151: {  	[sflag:s2] =	ssyncset.done $0x0  }
0x152: {  	s28 =	rddreg [dreg:$0xb];
	[sflag:s2] =	ssyncadd.s32 $0xFFFFDE00  }
0x153: {  	[hbm4b:s28+s1] =	stream.linear.scatter [tilespmem:s11], [sflag:$0x3], $0x2200, $0x38;
	[tilespmem:$0x1D940] =	vst v63  }
0x154: {  	_ =	swait.ge [sflag:s2], $0x2200  }
0x155: {  	[sflag:s2] =	ssyncset.done $0x0  }
0x156: {  	s21 =	rddreg [dreg:$0x12];
	[sflag:s2] =	ssyncadd.s32 $0xFFFFDE00  }
0x157: {  	[tilespmem:s11], [sflag:$0x3] =	stream.linear.gather [spmem:s21], $0x2200, $0x38;
	[tilespmem:$0x1D940] =	vst v63  }
0x158: {  	_ =	swait.ge [sflag:s2], $0x2200  }
0x159: {  	[sflag:s2] =	ssyncset.done $0x0  }
0x15a: {  	s29 =	rddreg [dreg:$0xc];
	[sflag:s2] =	ssyncadd.s32 $0xFFFFDE00  }
0x15b: {  	[hbm4b:s29+s1] =	stream.linear.scatter [tilespmem:s11], [sflag:$0x3], $0x2200, $0x38;
	[tilespmem:$0x1D940] =	vst v63  }
0x15c: {  	_ =	swait.ge [sflag:s2], $0x2200  }
0x15d: {  	[sflag:s2] =	ssyncset.done $0x0  }
0x15e: {  	s22 =	rddreg [dreg:$0x13];
	[sflag:s2] =	ssyncadd.s32 $0xFFFFDE00  }
0x15f: {  	[tilespmem:s11], [sflag:$0x3] =	stream.linear.gather [spmem:s22], $0x2200, $0x38;
	[tilespmem:$0x1D940] =	vst v63  }
0x160: {  	_ =	swait.ge [sflag:s2], $0x2200  }
0x161: {  	[sflag:s2] =	ssyncset.done $0x0  }
0x162: {  	s30 =	rddreg [dreg:$0xd];
	[sflag:s2] =	ssyncadd.s32 $0xFFFFDE00  }
0x163: {  	[hbm4b:s30+s1] =	stream.linear.scatter [tilespmem:s11], [sflag:$0x3], $0x2200, $0x38;
	[tilespmem:$0x1D940] =	vst v63  }
0x164: {  	_ =	swait.ge [sflag:s2], $0x2200  }
0x165: {  	s13 =	sadd.s32 $0x1, s13;
	s31 =	rddreg [dreg:$0x14]  }
0x166: {  	p0 =	sne.s32 s13, s31  }
.Ltmp3:
0x167: {  	_ = 	snop;
	(pc) =	sbr.rel @p0 .LBB2_1-.Ltmp3, $3  }
0x168: {  	_ =	sdelay $0x1  }
0x169: {  	[sflag:s2] =	ssyncset.done $0x0  }
0x16a: {  	[sflag:s2] =	ssyncadd.s32 $0xFFFFDE00  }
0x16b: {  	_ =	sfence.sel $0x180000  }
0x16c: {  	[bflag:$0x0] =	sbarrier.arrive $0xFFFF  }
0x16d: {  	_ =	strace $0x9000004A  }
0x16e: {  	s0 =	stileid.u32;
	[bflag:$0x2] =	sbarrier.arrive $0xFFFF  }
0x16f: {  	p0 =	sne.s32 s0, $0x0;
	s0 =	rddreg [dreg:$0x3]  }
0x170: {  	s0 =	sadd.s32 @!p0 $0x100000, s0  }
0x171: {  	[sflag:s0] =	ssyncadd.tile.s32 @!p0 $0x1;
	_ =	shalt  }
.Lfunc_end2:
_tile_overlayer_lowered:
.L_overlay_start_2:
0x172: {  	(tag) =	ssettag $0x2  }
0x173: {  	s0 =	rddreg [dreg:$0x0];
	s2 =	stileid.u32  }
0x174: {  	s1 =	rddreg [dreg:$0x1];
	p0 =	sne.s32 s2, $0x0  }
0x175: {  	s3 =	rddreg [dreg:$0x2];
	[bflag:$0x3] =	sbarrier.arrive $0xFFFF;
	s2 =	simm.s32 @!p0 $0x1C03  }
0x176: {  	[timem:s3], [sflag:s2] =	dma.local @!p0 [hbm:s0], s1  }
0x177: {  	s0 =	simm.s32 @!p0 $0x3  }
0x178: {  	_ =	swait.ge @!p0 [sflag:s0], s1  }
0x179: {  	s1 =	ssub.s32 @!p0 $0x0, s1;
	[sflag:s0] =	ssyncset.done @!p0 $0x0  }
0x17a: {  	[sflag:s0] =	ssyncadd.s32 @!p0 s1  }
0x17b: {  	[bflag:$0x3] =	sbarrier.arrive $0xFFFF  }
0x17c: {  	_ =	shalt  }

// kernel: kernel.17.cloned.1.call-start
scs
__scs_entry_jumppad:
0x0: {  	(pc) =	sbr.rel $0x88, $3  }
0x1: {  	(tag) =	ssettag $0x0;
	lr =	simm.s32 $0x1  }
0x2: {  	[smem:$0x3F7A] =	sst lr;
	_ =	strace $0xD0000000  }
0x3: {  	_ = 	snop  }
0x4: {  	_ = 	snop  }
0x5: {  	_ = 	snop  }
0x6: {  	_ = 	snop  }
0x7: {  	_ = 	snop  }
__scs_overlays_trampoline_lowered:
0x8: {  	[smem:$0x3F89] =	sst s0  }
0x9: {  	[smem:$0x3F8A] =	sst s1  }
0xa: {  	[smem:$0x3F8B] =	sst s2  }
0xb: {  	[smem:$0x3F8C] =	sst s3  }
0xc: {  	[smem:$0x3F8D] =	sst s4  }
0xd: {  	[smem:$0x3F8E] =	sst s5  }
0xe: {  	[smem:$0x3F8F] =	sst s6  }
0xf: {  	[smem:$0x3F90] =	sst s7  }
0x10: {  	[smem:$0x3F91] =	sst s8  }
0x11: {  	[smem:$0x3F92] =	sst s9;
	s0 =	simm.s32 @!p0 $0x0  }
0x12: {  	s1 =	sld [smem:$0x3F78];
	s0 =	simm.s32 @p0 $0x1  }
0x13: {  	[smem:$0x3F93] =	sst s0;
	s0 =	simm.s32 @!p1 $0x0  }
0x14: {  	s2 =	sld [smem:$0x3F77];
	s0 =	simm.s32 @p1 $0x1  }
0x15: {  	[smem:$0x3F94] =	sst s0;
	s0 =	simm.s32 @!p2 $0x0  }
0x16: {  	s3 =	sld [smem:$0x3FDB];
	s0 =	simm.s32 @p2 $0x1  }
0x17: {  	s4 =	simm.s32 $0x1BF5;
	[smem:$0x3F96] =	sst s0  }
0x18: {  	s0 =	sld [smem:$0x3F79];
	_ =	swait.ge [sflag:s4], $0x0  }
0x19: {  	s7 =	sld [smem:$0x3F7A]  }
0x1a: {  	s8 =	sadd.s32 $0xFFFFE003, lr  }
0x1b: {  	s9 =	sadd.s32 $0xFFFFFEF7, lr;
	s5 =	simm.s32 $0xFFFFFFFF;
	p2 =	slt.u32 s8, $0xFFFFF086  }
0x1c: {  	p1 =	slt.u32 s9, $0xF7A;
	s5 =	simm.s32 @!p2 $0x0  }
0x1d: {  	s5 =	simm.s32 @p1 $0x1;
	p0 =	seq.s32 s7, s2  }
0x1e: {  	s7 =	smul.u32 @!p0 $0xF7A, s2;
	p2 =	seq.s32 @!p0 s5, $0x0  }
0x1f: {  	s9 =	smul.u32 $0xF7A, s1;
	s8 =	simm.s32 @!p0 $0x1BF5;
	p2 =	por !p2, p0  }
0x20: {  	[sflag:s8] =	ssyncset.s32 @!p0 $0xFFFFF086;
	s6 =	sadd.s32 @!p0 s3, s7;
	s7 =	simm.s32 @!p0 $0x108  }
0x21: {  	s3 =	sadd.s32 s3, s9;
	s6 =	sadd.s32 @!p0 $0x88, s6;
	s7 =	simm.s32 @p2 $0x1082  }
0x22: {  	[simem:s7], [sflag:s8] =	dma.local @!p0 [hbm:s6], $0xF7A  }
0x23: {  	s9 =	sor.u32 $0xD0000000, s2;
	s6 =	simm.s32 $0x108;
	_ =	swait.ge @!p0 [sflag:s8], $0x0  }
0x24: {  	s3 =	sadd.s32 $0x88, s3;
	s6 =	simm.s32 @!p1 $0x1082;
	[sflag:s4] =	ssyncset.s32 $0xFFFFF086  }
0x25: {  	[simem:s6], [sflag:s4] =	dma.local [hbm:s3], $0xF7A  }
0x26: {  	[smem:$0x3F7A] =	sst s1;
	(tag) =	ssettag s2;
	_ =	strace s9  }
0x27: {  	s1 =	sld [smem:$0x3F8A]  }
0x28: {  	s2 =	sld [smem:$0x3F8B]  }
0x29: {  	s4 =	sld [smem:$0x3F8D]  }
0x2a: {  	p0 =	seq.s32 s5, $0x0;
	s5 =	sld [smem:$0x3F8E]  }
0x2b: {  	s6 =	sld [smem:$0x3F8F]  }
0x2c: {  	s7 =	sld [smem:$0x3F90]  }
0x2d: {  	s3 =	simm.s32 $0x108;
	s8 =	sld [smem:$0x3F91]  }
0x2e: {  	s3 =	simm.s32 @!p0 $0x1082;
	s9 =	sld [smem:$0x3F92]  }
0x2f: {  	lr =	sadd.s32 s0, s3;
	s0 =	sld [smem:$0x3F89]  }
0x30: {  	s3 =	sld [smem:$0x3F8C]  }
0x31: {  	[smem:$0x3F95] =	sst s10  }
0x32: {  	s10 =	sld [smem:$0x3F93];
	_ =	sdelay $0x3  }
0x33: {  	p0 =	seq.s32 s10, $0x1;
	s10 =	sld [smem:$0x3F95];
	_ =	sdelay $0x3  }
0x34: {  	[smem:$0x3F95] =	sst s10  }
0x35: {  	s10 =	sld [smem:$0x3F94];
	_ =	sdelay $0x3  }
0x36: {  	p1 =	seq.s32 s10, $0x1;
	s10 =	sld [smem:$0x3F95];
	_ =	sdelay $0x3  }
0x37: {  	[smem:$0x3F95] =	sst s10  }
0x38: {  	s10 =	sld [smem:$0x3F96]  }
0x39: {  	_ = 	snop;
	(pc) =	sbr.ind lr, $3  }
0x3a: {  	_ = 	snop  }
0x3b: {  	_ = 	snop  }
0x3c: {  	p2 =	seq.s32 s10, $0x1;
	s10 =	sld [smem:$0x3F95]  }
0x3d: {  	_ =	shalt  }
0x3e: {  	_ =	shalt  }
0x3f: {  	_ =	shalt  }
0x40: {  	_ =	shalt  }
0x41: {  	_ =	shalt  }
0x42: {  	_ =	shalt  }
0x43: {  	_ =	shalt  }
0x44: {  	_ =	shalt  }
0x45: {  	_ =	shalt  }
0x46: {  	_ =	shalt  }
0x47: {  	_ =	shalt  }
0x48: {  	_ =	shalt  }
0x49: {  	_ =	shalt  }
0x4a: {  	_ =	shalt  }
0x4b: {  	_ =	shalt  }
0x4c: {  	_ =	shalt  }
0x4d: {  	_ =	shalt  }
0x4e: {  	_ =	shalt  }
0x4f: {  	_ =	shalt  }
0x50: {  	_ =	shalt  }
0x51: {  	_ =	shalt  }
0x52: {  	_ =	shalt  }
0x53: {  	_ =	shalt  }
0x54: {  	_ =	shalt  }
0x55: {  	_ =	shalt  }
0x56: {  	_ =	shalt  }
0x57: {  	_ =	shalt  }
0x58: {  	_ =	shalt  }
0x59: {  	_ =	shalt  }
0x5a: {  	_ =	shalt  }
0x5b: {  	_ =	shalt  }
0x5c: {  	_ =	shalt  }
0x5d: {  	_ =	shalt  }
0x5e: {  	_ =	shalt  }
0x5f: {  	_ =	shalt  }
0x60: {  	_ =	shalt  }
0x61: {  	_ =	shalt  }
0x62: {  	_ =	shalt  }
0x63: {  	_ =	shalt  }
0x64: {  	_ =	shalt  }
0x65: {  	_ =	shalt  }
0x66: {  	_ =	shalt  }
0x67: {  	_ =	shalt  }
0x68: {  	_ =	shalt  }
0x69: {  	_ =	shalt  }
0x6a: {  	_ =	shalt  }
0x6b: {  	_ =	shalt  }
0x6c: {  	_ =	shalt  }
0x6d: {  	_ =	shalt  }
0x6e: {  	_ =	shalt  }
0x6f: {  	_ =	shalt  }
0x70: {  	_ =	shalt  }
0x71: {  	_ =	shalt  }
0x72: {  	_ =	shalt  }
0x73: {  	_ =	shalt  }
0x74: {  	_ =	shalt  }
0x75: {  	_ =	shalt  }
0x76: {  	_ =	shalt  }
0x77: {  	_ =	shalt  }
0x78: {  	_ =	shalt  }
0x79: {  	_ =	shalt  }
0x7a: {  	_ =	shalt  }
0x7b: {  	_ =	shalt  }
0x7c: {  	_ =	shalt  }
0x7d: {  	_ =	shalt  }
0x7e: {  	_ =	shalt  }
0x7f: {  	_ =	shalt  }
0x80: {  	_ =	shalt  }
0x81: {  	_ =	shalt  }
0x82: {  	_ =	shalt  }
0x83: {  	_ =	shalt  }
0x84: {  	_ =	shalt  }
0x85: {  	_ =	shalt  }
0x86: {  	_ =	shalt  }
0x87: {  	_ =	shalt  }
.Lfunc_end0:
.L_simem_size_0:
called_computation.2_lowered:
.L_overlay_start_0:
0x88: {  	s2 =	sld [smem:$0x3FD9]  }
0x89: {  	s3 =	sld [smem:$0x3FFE];
	_ =	sdelay $0x1  }
0x8a: {  	s1 =	srdreg.scid  }
0x8b: {  	s0 =	sand.u32 $0x1, s1  }
0x8c: {  	s14 =	sshll.u32 s0, $0xA;
	s2 =	sadd.s32 s3, s2  }
0x8d: {  	s2 =	sadd.s32 s2, s14  }
0x8e: {  	[smem:$0x3FA1] =	sst s2  }
0x8f: {  	_ = 	snop  }
0x90: {  	s2 =	sld [smem:$0x3FD0];
	_ =	sdelay $0x2  }
0x91: {  	s15 =	simm.s32 $0xA;
	s4 =	simm.s32 $0x10  }
0x92: {  	[smem:s4], [sflag:s15] =	dma.local [hbm:s2], $0x1  }
0x93: {  	_ =	swait.eq [sflag:s15], $0x1  }
0x94: {  	[sflag:s15] =	ssyncset.done $0x0  }
0x95: {  	[sflag:s15] =	ssyncadd.s32 $0xFFFFFFFF  }
0x96: {  	s16 =	sld [smem:$0x11];
	(tm) =	ssettm $0x1  }
0x97: {  	s17 =	sld [smem:$0x3FFB];
	_ =	sdelay $0x3  }
0x98: {  	_ =	strace s17  }
0x99: {  	s3 =	sld [smem:$0x3FFC];
	_ =	sdelay $0x3  }
0x9a: {  	_ =	strace s3  }
0x9b: {  	s3 =	sld [smem:$0x3FFD];
	_ =	sdelay $0x3  }
0x9c: {  	_ =	strace s3  }
0x9d: {  	_ =	strace $0x8FFFFFFF  }
0x9e: {  	s18 =	sld [smem:$0x3FDB];
	_ =	sdelay $0x1  }
0x9f: {  	s19 =	simm.s32 $_scs_section_size  }
0xa0: {  	s5 =	simm.s32 $_size__tile_overlayer_lowered;
	s6 =	simm.s32 $_tile_overlayer_lowered  }
0xa1: {  	s22 =	simm.s32 $0x1BFF;
	s21 =	sshll.u32 s6, $0x1;
	s3 =	sadd.s32 s19, s18  }
0xa2: {  	s7 =	simm.s32 $0x0;
	s20 =	sshll.u32 s5, $0x1;
	s5 =	sadd.s32 s21, s3  }
0xa3: {  	[timem:s7], [sflag:s22] =	dma.local [hbm:s5], s20  }
0xa4: {  	_ =	swait.ge [sflag:s22], s20  }
0xa5: {  	s4 =	ssub.s32 $0x0, s20;
	[sflag:s22] =	ssyncset.done $0x0  }
0xa6: {  	[sflag:s22] =	ssyncadd.s32 s4;
	_ =	sdelay $0x1  }
0xa7: {  	s23 =	simm.s32 $0x1B8B  }
0xa8: {  	_ =	swait.ge [sflag:s23], $0x1  }
0xa9: {  	[sflag:s23] =	ssyncset.done $0x0  }
0xaa: {  	s25 =	simm.s32 $0x1B8E;
	s24 =	sld [smem:$0x3FFE];
	[sflag:s23] =	ssyncadd.s32 $0xFFFFFFFF  }
0xab: {  	s26 =	simm.s32 $execute0_lowered;
	[smem:$0x3FD2] =	sst s25  }
0xac: {  	s5 =	sshll.u32 s26, $0x1;
	_ =	strace $0x8000004C;
	[dreg:$0x1] =	wrdreg $0xFFFFFFFF  }
0xad: {  	s28 =	simm.s32 $_size_execute0_lowered;
	s3 =	sadd.s32 s3, s5;
	[dreg:$0x0] =	wrdreg $0x0  }
0xae: {  	s5 =	sshll.u32 s28, $0x1;
	[dreg:$0x2] =	wrdreg s3  }
0xaf: {  	[dreg:$0x3] =	wrdreg s5  }
0xb0: {  	[dreg:$0x4] =	wrdreg $0xC0  }
0xb1: {  	_ =	task [dreg:s7], $0x5FFFF  }
0xb2: {  	[dreg:$0x1] =	wrdreg $0xFFFFFFFF  }
0xb3: {  	[dreg:$0x0] =	wrdreg $0x60  }
0xb4: {  	[dreg:$0x2] =	wrdreg s24  }
0xb5: {  	[dreg:$0x3] =	wrdreg s16  }
0xb6: {  	[dreg:$0x4] =	wrdreg $0x9  }
0xb7: {  	_ =	task.clear_ibuf [dreg:s7], $0x5FFFF;
	_ =	strace $0x9000004C  }
0xb8: {  	s29 =	simm.s32 $0x9;
	_ =	strace $0x8000004E  }
0xb9: {  	_ =	swait.ge [sflag:s29], $0x1  }
0xba: {  	[sflag:s29] =	ssyncadd.s32 $0xFFFFFFFF  }
0xbb: {  	_ =	strace $0x9000004E  }
0xbc: {  	_ =	sfence  }
0xbd: {  	s30 =	sld [smem:$0x0];
	_ =	sdelay $0x2  }
0xbe: {  	s31 =	sshll.u32 s1, $0xD;
	s1 =	sshrl.u32 s1, $0x2  }
0xbf: {  	s3 =	sand.u32 $0x4000, s31;
	s1 =	sadd.s32 s1, s30  }
0xc0: {  	s0 =	sor.u32 s3, s0;
	s1 =	sshll.u32 s1, $0x11  }
0xc1: {  	s0 =	sor.u32 s1, s0  }
0xc2: {  	s0 =	sadd.s32 $0x8F2B, s0  }
0xc3: {  	[sflag:s0] =	ssyncadd.remote.s32 $0x1  }
0xc4: {  	_ =	sfence.sel $0xFFFF  }
0xc5: {  	[dreg:$0x0] =	wrdreg $0xFFFFFFFF;
	(pc) =	sbr.abs _section_cstart, $3  }
0xc6: {  	[dreg:$0x1] =	wrdreg $0xFFFFFFFF  }
0xc7: {  	_ =	task.clear_ibuf [dreg:s7], $0x2FFFF;
	_ =	strace $0x9FFFFFFF  }
0xc8: {  	(tm) =	ssettm $0x7FFFFFFF  }
0xc9: {  	_ =	shalt  }
tec
execute0_lowered:
.L_overlay_start_1:
0x0: {  	(tag) =	ssettag $0x1  }
0x1: {  	s1 =	srdreg.scid  }
0x2: {  	s8 =	rddreg [dreg:$0x0];
	s0 =	stileid.u32  }
0x3: {  	s3 =	rddreg [dreg:$0x1];
	s2 =	simm.s32 $0x0;
	s6 =	sand.u32 $0x1, s1  }
0x4: {  	s4 =	sshll.u32 s0, $0x6;
	s1 =	rddreg [dreg:$0x2];
	s5 =	sshll.u32 s6, $0x5  }
0x5: {  	s7 =	simm.s32 $0x1;
	[smem:$0x7FF] =	sst s2;
	s9 =	sor.u32 s5, s4  }
0x6: {  	_ =	strace $0x8000004D;
	s10 =	ssub.s32 $0x2, s6;
	s4 =	sshrl.u32 s9, $0x3  }
0x7: {  	s6 =	simm.s32 $0x20;
	s4 =	sadd.s32 s3, s4;
	s3 =	simm.s32 $0x2  }
0x8: {  	[tilespmem:s2], [sflag:$0x2] =	stream.linear.gather [hbm4b:s4+s2], $0x20, $0x38;
	[tilespmem:$0x820] =	vst v63  }
0x9: {  	s5 =	sadd.s32 $0x6E00, s8;
	s11 =	sshrl.u32 s10, $0x1;
	_ =	swait.ge [sflag:s3], $0x20  }
0xa: {  	s9 =	sshll.u32 s9, $0x3;
	s31 =	ssub.s32 s10, s11;
	[sflag:s3] =	ssyncset.done $0x0  }
0xb: {  	s8 =	sadd.s32 s9, s8;
	s9 =	smax.u32 s31, $0x1;
	[sflag:s3] =	ssyncadd.s32 $0xFFFFFFE0  }
0xc: {  	[tilespmem:s6], [sflag:$0x1] =	stream.indirect.gather [hbm4b:s5+s6], $0x40, s2, s6, $0xb8;
	[tilespmem:$0x820] =	vst v63  }
0xd: {  	p0 =	sne.s32 s9, $0x1;
	_ =	swait.ge [sflag:s7], $0x800  }
.Ltmp0:
0xe: {  	[sflag:s7] =	ssyncset.done $0x0;
	(pc) =	sbr.rel @!p0 .LBB2_2-.Ltmp0, $4  }
0xf: {  	s8 =	sadd.s32 $0x1A800, s8;
	[sflag:s7] =	ssyncadd.s32 $0xFFFFF800  }
0x10: {  	[hbm4b:s8+s2] =	stream.linear.scatter [tilespmem:s6], [sflag:$0x2], $0x800, $0x38;
	[tilespmem:$0x820] =	vst v63  }
0x11: {  	_ =	swait.ge [sflag:s3], $0x800  }
0x12: {  	s9 =	sadd.s32 $0xFFFFFFFF, s9;
	[sflag:s3] =	ssyncset.done $0x0  }
.LBB2_1:
0x13: {  	p0 =	sne.s32 s9, $0x1;
	s9 =	sadd.s32 $0xFFFFFFFF, s9;
	[sflag:s3] =	ssyncadd.s32 $0xFFFFF800  }
0x14: {  	[tilespmem:s2], [sflag:$0x2] =	stream.linear.gather [hbm4b:s4+s2], $0x20, $0x38;
	[tilespmem:$0x820] =	vst v63  }
0x15: {  	_ =	swait.ge [sflag:s3], $0x20  }
0x16: {  	[sflag:s3] =	ssyncset.done $0x0  }
0x17: {  	[sflag:s3] =	ssyncadd.s32 $0xFFFFFFE0  }
0x18: {  	[tilespmem:s6], [sflag:$0x1] =	stream.indirect.gather [hbm4b:s5+s6], $0x40, s2, s6, $0xb8;
	[tilespmem:$0x820] =	vst v63  }
0x19: {  	_ =	swait.ge [sflag:s7], $0x800  }
.Ltmp1:
0x1a: {  	[sflag:s7] =	ssyncset.done $0x0;
	(pc) =	sbr.rel @p0 .LBB2_1-.Ltmp1, $4  }
0x1b: {  	[sflag:s7] =	ssyncadd.s32 $0xFFFFF800  }
0x1c: {  	[hbm4b:s8+s2] =	stream.linear.scatter [tilespmem:s6], [sflag:$0x2], $0x800, $0x38;
	[tilespmem:$0x820] =	vst v63  }
0x1d: {  	_ =	swait.ge [sflag:s3], $0x800  }
0x1e: {  	[sflag:s3] =	ssyncset.done $0x0  }
.LBB2_2:
0x1f: {  	[sflag:s3] =	ssyncadd.s32 $0xFFFFF800  }
0x20: {  	_ =	sfence.sel $0x180000  }
0x21: {  	[bflag:$0x0] =	sbarrier.arrive $0xFFFF  }
0x22: {  	p0 =	sne.s32 s0, $0x0;
	_ =	strace $0x9000004D  }
0x23: {  	s0 =	sadd.s32 @!p0 $0x100000, s1;
	[bflag:$0x2] =	sbarrier.arrive $0xFFFF  }
0x24: {  	[sflag:s0] =	ssyncadd.tile.s32 @!p0 $0x1;
	_ =	shalt  }
.Lfunc_end2:
_tile_overlayer_lowered:
.L_overlay_start_2:
0x25: {  	(tag) =	ssettag $0x2  }
0x26: {  	s0 =	rddreg [dreg:$0x0];
	s2 =	stileid.u32  }
0x27: {  	s1 =	rddreg [dreg:$0x1];
	p0 =	sne.s32 s2, $0x0  }
0x28: {  	s3 =	rddreg [dreg:$0x2];
	[bflag:$0x3] =	sbarrier.arrive $0xFFFF;
	s2 =	simm.s32 @!p0 $0x1C02  }
0x29: {  	[timem:s3], [sflag:s2] =	dma.local @!p0 [hbm:s0], s1  }
0x2a: {  	s0 =	simm.s32 @!p0 $0x2  }
0x2b: {  	_ =	swait.ge @!p0 [sflag:s0], s1  }
0x2c: {  	s1 =	ssub.s32 @!p0 $0x0, s1;
	[sflag:s0] =	ssyncset.done @!p0 $0x0  }
0x2d: {  	[sflag:s0] =	ssyncadd.s32 @!p0 s1  }
0x2e: {  	[bflag:$0x3] =	sbarrier.arrive $0xFFFF  }
0x2f: {  	_ =	shalt  }

</sc_bundles>
